<compile_context>
chip_gen: v7x
topology: tpu7x:2x2x1
jax: 0.10.2.dev20260603
libtpu: 0.0.44.dev20260713+nightly
codegen_flags: <defaults>
</compile_context>

<pallas_src>
import functools

import jax
import jax.numpy as jnp
from jax import lax
from jax.experimental import pallas as pl
from jax.experimental.pallas import tpu as pltpu
from jax.experimental.pallas import tpu_sc as plsc

B, L, G = 1024, 200, 3
D = 64
N = B * L * G
LANES = 16
NW = 32
ROWS_PER_W = N // NW
C = 128
N_CHUNKS = ROWS_PER_W // C
NBUF = 6
K = 3


_mesh = plsc.VectorSubcoreMesh(core_axis_name="c", subcore_axis_name="s")

_scratch = (
    [pltpu.VMEM((C,), jnp.int32) for _ in range(NBUF)]
    + [pltpu.VMEM((C,), jnp.int32) for _ in range(NBUF)]
    + [pltpu.VMEM((C, D), jnp.float32) for _ in range(NBUF)]
    + [pltpu.SemaphoreType.DMA for _ in range(3 * NBUF)]
)


@functools.partial(
    pl.kernel,
    out_type=jax.ShapeDtypeStruct((N, D), jnp.float32),
    mesh=_mesh,
    scratch_types=_scratch,
    compiler_params=pltpu.CompilerParams(use_tc_tiling_on_sc=False),
)
def _gather_scatter(idx_hbm, table_hbm, out_hbm, *scratch):
    ibuf = scratch[0:NBUF]
    sidx = scratch[NBUF : 2 * NBUF]
    rows = scratch[2 * NBUF : 3 * NBUF]
    gsem = scratch[3 * NBUF : 4 * NBUF]
    ssem = scratch[4 * NBUF : 5 * NBUF]
    isem = scratch[5 * NBUF : 6 * NBUF]

    cid = lax.axis_index("c")
    sid = lax.axis_index("s")
    wid = sid * 2 + cid
    wbase = wid * ROWS_PER_W

    def compute_sidx(b, cg):
        c8 = lax.shift_right_logical(cg, 3)
        g = lax.shift_right_logical(c8 * 328, 16)
        l = c8 - L * g
        b0 = lax.shift_left(cg & 7, 7)
        base_s = (
            l * (B * G)
            + g * B
            + lax.shift_left(b0 & 511, 1)
            + lax.shift_right_logical(b0, 9)
        )
        for v in range(C // LANES):
            cv = (lax.iota(jnp.int32, LANES) + (v * LANES)) * 2
            sidx[b][pl.ds(v * LANES, LANES)] = base_s + cv

    def idx_start(c, b):
        base = pl.multiple_of(wbase + c * C, C)
        pltpu.async_copy(idx_hbm.at[pl.ds(base, C)], ibuf[b], isem[b])

    def idx_wait(b):
        pltpu.make_async_copy(idx_hbm.at[pl.ds(0, C)], ibuf[b], isem[b]).wait()

    def gather_start(b):
        pltpu.async_copy(table_hbm.at[ibuf[b]], rows[b], gsem[b])

    def gather_wait(b):
        pltpu.make_async_copy(table_hbm.at[ibuf[b]], rows[b], gsem[b]).wait()

    def scatter_start(b):
        pltpu.async_copy(rows[b], out_hbm.at[sidx[b]], ssem[b])

    def scatter_wait(b):
        pltpu.make_async_copy(rows[b], out_hbm.at[sidx[b]], ssem[b]).wait()

    wchunk = wid * N_CHUNKS

    for c in range(NBUF):
        idx_start(c, c)
    for c in range(NBUF):
        b = c
        if c >= K:
            b2 = c - K
            gather_wait(b2)
            scatter_start(b2)
            idx_start(c + K, b2)
        compute_sidx(b, wchunk + c)
        idx_wait(b)
        gather_start(b)

    @pl.loop(0, (N_CHUNKS - 2 * NBUF) // NBUF)
    def _block(j):
        for b in range(NBUF):
            c = NBUF + j * NBUF + b
            b2 = (b + NBUF - K) % NBUF
            gather_wait(b2)
            scatter_start(b2)
            idx_start(c + K, b2)
            scatter_wait(b)
            compute_sidx(b, wchunk + c)
            idx_wait(b)
            gather_start(b)

    for c in range(N_CHUNKS - NBUF, N_CHUNKS):
        b = c % NBUF
        b2 = (b + NBUF - K) % NBUF
        gather_wait(b2)
        scatter_start(b2)
        if c + K < N_CHUNKS:
            idx_start(c + K, b2)
        scatter_wait(b)
        compute_sidx(b, wchunk + c)
        idx_wait(b)
        gather_start(b)

    for c in range(N_CHUNKS - K, N_CHUNKS):
        b = c % NBUF
        gather_wait(b)
        scatter_start(b)
    for b in range(NBUF):
        scatter_wait(b)


_LBLK = 8


def _finish_body(x_ref, o_ref):
    for l in range(_LBLK):
        for g in range(G):
            xg = x_ref[l, g * 512 : (g + 1) * 512, :]
            xt = xg.T
            o_ref[l, g * D : (g + 1) * D, :] = jnp.maximum(
                jnp.concatenate([xt[:D, :], xt[D:, :]], axis=1), 0.0
            )


def _finisher(out_lin):
    x = out_lin.reshape(L, (B * G * D) // 128, 128)
    z = pl.pallas_call(
        _finish_body,
        grid=(L // _LBLK,),
        in_specs=[
            pl.BlockSpec((_LBLK, (B * G * D) // 128, 128), lambda i: (i, 0, 0))
        ],
        out_specs=pl.BlockSpec((_LBLK, G * D, B), lambda i: (i, 0, 0)),
        out_shape=jax.ShapeDtypeStruct((L, G * D, B), jnp.float32),
    )(x)
    return jnp.transpose(z, (0, 2, 1))


def kernel(indices, table):
    idx_flat = jnp.transpose(indices.astype(jnp.int32), (2, 1, 0)).reshape(-1)
    out = _gather_scatter(idx_flat, table.astype(jnp.float32))
    return _finisher(out)

# --- scband reference (transcript-rebuilt; emitter-appended) ---
"""Pipeline reference for scband-prot2-vec-29850022708013 (READ-ONLY COPY).

The authoritative reference and input builder live on the scoring server;
editing this copy changes nothing except your own understanding.
"""

import jax, jax.numpy as jnp
import numpy as np

B, L, G = 1024, 200, 3
VOCAB, D = 100000, 64


def setup_inputs(seed: int = 0) -> dict:
    key = jax.random.key(seed)
    k1, k2 = jax.random.split(key)
    indices = jax.random.randint(k1, (B, L, G), 0, VOCAB)
    # Embedding table with vocab_size + 1 rows; last row is the padding row (all zeros)
    table = jax.random.normal(k2, (VOCAB + 1, D), dtype=jnp.float32) * 0.02
    table = table.at[VOCAB].set(0.0)
    return {"indices": indices, "table": table}


def reference(indices, table):
    # Embedding lookup: [B, L, G] -> [B, L, G, D]
    emb = jnp.take(table, indices, axis=0)
    # Reshape to [B, L, G*D] (merge subsequence-group embeddings per position)
    emb = emb.reshape(emb.shape[0], emb.shape[1], -1)
    # Activation
    emb = jax.nn.relu(emb)
    # batch_first=False: permute to [L, B, G*D]
    emb = jnp.transpose(emb, (1, 0, 2))
    return emb

if __name__ == "__main__":
    import jax
    _d = setup_inputs()
    print(jax.jit(kernel)(*tuple(_d.values())))

</pallas_src>

<mosaic_0001>
#map = affine_map<(d0, d1) -> (0)>
#map1 = affine_map<(d0, d1) -> (0, 0)>
module attributes {stable_mosaic.version = 14 : i64} {
  func.func @_gather_scatter(%arg0: i32, %arg1: i32, %arg2: memref<614400xi32, #tpu.memory_space<hbm>>, %arg3: memref<100001x64xf32, #tpu.memory_space<hbm>>, %arg4: memref<614400x64xf32, #tpu.memory_space<hbm>>, %arg5: memref<128xi32, #tpu.memory_space<vmem>>, %arg6: memref<128xi32, #tpu.memory_space<vmem>>, %arg7: memref<128xi32, #tpu.memory_space<vmem>>, %arg8: memref<128xi32, #tpu.memory_space<vmem>>, %arg9: memref<128xi32, #tpu.memory_space<vmem>>, %arg10: memref<128xi32, #tpu.memory_space<vmem>>, %arg11: memref<128xi32, #tpu.memory_space<vmem>>, %arg12: memref<128xi32, #tpu.memory_space<vmem>>, %arg13: memref<128xi32, #tpu.memory_space<vmem>>, %arg14: memref<128xi32, #tpu.memory_space<vmem>>, %arg15: memref<128xi32, #tpu.memory_space<vmem>>, %arg16: memref<128xi32, #tpu.memory_space<vmem>>, %arg17: memref<128x64xf32, #tpu.memory_space<vmem>>, %arg18: memref<128x64xf32, #tpu.memory_space<vmem>>, %arg19: memref<128x64xf32, #tpu.memory_space<vmem>>, %arg20: memref<128x64xf32, #tpu.memory_space<vmem>>, %arg21: memref<128x64xf32, #tpu.memory_space<vmem>>, %arg22: memref<128x64xf32, #tpu.memory_space<vmem>>, %arg23: memref<!tpu.dma_semaphore, #tpu.memory_space<semaphore_mem>>, %arg24: memref<!tpu.dma_semaphore, #tpu.memory_space<semaphore_mem>>, %arg25: memref<!tpu.dma_semaphore, #tpu.memory_space<semaphore_mem>>, %arg26: memref<!tpu.dma_semaphore, #tpu.memory_space<semaphore_mem>>, %arg27: memref<!tpu.dma_semaphore, #tpu.memory_space<semaphore_mem>>, %arg28: memref<!tpu.dma_semaphore, #tpu.memory_space<semaphore_mem>>, %arg29: memref<!tpu.dma_semaphore, #tpu.memory_space<semaphore_mem>>, %arg30: memref<!tpu.dma_semaphore, #tpu.memory_space<semaphore_mem>>, %arg31: memref<!tpu.dma_semaphore, #tpu.memory_space<semaphore_mem>>, %arg32: memref<!tpu.dma_semaphore, #tpu.memory_space<semaphore_mem>>, %arg33: memref<!tpu.dma_semaphore, #tpu.memory_space<semaphore_mem>>, %arg34: memref<!tpu.dma_semaphore, #tpu.memory_space<semaphore_mem>>, %arg35: memref<!tpu.dma_semaphore, #tpu.memory_space<semaphore_mem>>, %arg36: memref<!tpu.dma_semaphore, #tpu.memory_space<semaphore_mem>>, %arg37: memref<!tpu.dma_semaphore, #tpu.memory_space<semaphore_mem>>, %arg38: memref<!tpu.dma_semaphore, #tpu.memory_space<semaphore_mem>>, %arg39: memref<!tpu.dma_semaphore, #tpu.memory_space<semaphore_mem>>, %arg40: memref<!tpu.dma_semaphore, #tpu.memory_space<semaphore_mem>>) attributes {dimension_semantics = [#tpu.dimension_semantics<core_parallel>, #tpu.dimension_semantics<subcore_parallel>], iteration_bounds = array<i64: 2, 16>, scalar_prefetch = 0 : i64, scratch_operands = 36 : i64, tpu.core_type = #tpu.core_type<sc_vector_subcore>, window_params = [{transform_indices = #map}, {transform_indices = #map1}, {transform_indices = #map1}]} {
    %mul3A = arith.constant 2 : i32
    %mul3A_0 = arith.muli %arg1, %mul3A : i32
    %add3A = arith.addi %mul3A_0, %arg0 : i32
    %mul3A_1 = arith.constant 19200 : i32
    %mul3A_2 = arith.muli %add3A, %mul3A_1 : i32
    %mul3A_3 = arith.constant 150 : i32
    %mul3A_4 = arith.muli %add3A, %mul3A_3 : i32
    %add3A_5 = arith.constant 0 : i32
    %add3A_6 = arith.addi %mul3A_2, %add3A_5 : i32
    %multiple_of3A = tpu.assume_multiple %add3A_6, 128 : i32
    %dma_start3A = tpu.memref_slice %arg2[%multiple_of3A] : memref<614400xi32, #tpu.memory_space<hbm>> -> memref<128xi32, #tpu.memory_space<hbm>>
    %dma_start3A_7 = tpu.memref_slice %arg2[%multiple_of3A] : memref<614400xi32, #tpu.memory_space<hbm>> -> memref<128xi32, #tpu.memory_space<hbm>>
    tpu.enqueue_dma source(%dma_start3A_7 : memref<128xi32, #tpu.memory_space<hbm>>) target(%arg5 : memref<128xi32, #tpu.memory_space<vmem>>) target_semaphore(%arg35 : memref<!tpu.dma_semaphore, #tpu.memory_space<semaphore_mem>>)
    %add3A_8 = arith.constant 128 : i32
    %add3A_9 = arith.addi %mul3A_2, %add3A_8 : i32
    %multiple_of3A_10 = tpu.assume_multiple %add3A_9, 128 : i32
    %dma_start3A_11 = tpu.memref_slice %arg2[%multiple_of3A_10] : memref<614400xi32, #tpu.memory_space<hbm>> -> memref<128xi32, #tpu.memory_space<hbm>>
    %dma_start3A_12 = tpu.memref_slice %arg2[%multiple_of3A_10] : memref<614400xi32, #tpu.memory_space<hbm>> -> memref<128xi32, #tpu.memory_space<hbm>>
    tpu.enqueue_dma source(%dma_start3A_12 : memref<128xi32, #tpu.memory_space<hbm>>) target(%arg6 : memref<128xi32, #tpu.memory_space<vmem>>) target_semaphore(%arg36 : memref<!tpu.dma_semaphore, #tpu.memory_space<semaphore_mem>>)
    %add3A_13 = arith.constant 256 : i32
    %add3A_14 = arith.addi %mul3A_2, %add3A_13 : i32
    %multiple_of3A_15 = tpu.assume_multiple %add3A_14, 128 : i32
    %dma_start3A_16 = tpu.memref_slice %arg2[%multiple_of3A_15] : memref<614400xi32, #tpu.memory_space<hbm>> -> memref<128xi32, #tpu.memory_space<hbm>>
    %dma_start3A_17 = tpu.memref_slice %arg2[%multiple_of3A_15] : memref<614400xi32, #tpu.memory_space<hbm>> -> memref<128xi32, #tpu.memory_space<hbm>>
    tpu.enqueue_dma source(%dma_start3A_17 : memref<128xi32, #tpu.memory_space<hbm>>) target(%arg7 : memref<128xi32, #tpu.memory_space<vmem>>) target_semaphore(%arg37 : memref<!tpu.dma_semaphore, #tpu.memory_space<semaphore_mem>>)
    %add3A_18 = arith.constant 384 : i32
    %add3A_19 = arith.addi %mul3A_2, %add3A_18 : i32
    %multiple_of3A_20 = tpu.assume_multiple %add3A_19, 128 : i32
    %dma_start3A_21 = tpu.memref_slice %arg2[%multiple_of3A_20] : memref<614400xi32, #tpu.memory_space<hbm>> -> memref<128xi32, #tpu.memory_space<hbm>>
    %dma_start3A_22 = tpu.memref_slice %arg2[%multiple_of3A_20] : memref<614400xi32, #tpu.memory_space<hbm>> -> memref<128xi32, #tpu.memory_space<hbm>>
    tpu.enqueue_dma source(%dma_start3A_22 : memref<128xi32, #tpu.memory_space<hbm>>) target(%arg8 : memref<128xi32, #tpu.memory_space<vmem>>) target_semaphore(%arg38 : memref<!tpu.dma_semaphore, #tpu.memory_space<semaphore_mem>>)
    %add3A_23 = arith.constant 512 : i32
    %add3A_24 = arith.addi %mul3A_2, %add3A_23 : i32
    %multiple_of3A_25 = tpu.assume_multiple %add3A_24, 128 : i32
    %dma_start3A_26 = tpu.memref_slice %arg2[%multiple_of3A_25] : memref<614400xi32, #tpu.memory_space<hbm>> -> memref<128xi32, #tpu.memory_space<hbm>>
    %dma_start3A_27 = tpu.memref_slice %arg2[%multiple_of3A_25] : memref<614400xi32, #tpu.memory_space<hbm>> -> memref<128xi32, #tpu.memory_space<hbm>>
    tpu.enqueue_dma source(%dma_start3A_27 : memref<128xi32, #tpu.memory_space<hbm>>) target(%arg9 : memref<128xi32, #tpu.memory_space<vmem>>) target_semaphore(%arg39 : memref<!tpu.dma_semaphore, #tpu.memory_space<semaphore_mem>>)
    %add3A_28 = arith.constant 640 : i32
    %add3A_29 = arith.addi %mul3A_2, %add3A_28 : i32
    %multiple_of3A_30 = tpu.assume_multiple %add3A_29, 128 : i32
    %dma_start3A_31 = tpu.memref_slice %arg2[%multiple_of3A_30] : memref<614400xi32, #tpu.memory_space<hbm>> -> memref<128xi32, #tpu.memory_space<hbm>>
    %dma_start3A_32 = tpu.memref_slice %arg2[%multiple_of3A_30] : memref<614400xi32, #tpu.memory_space<hbm>> -> memref<128xi32, #tpu.memory_space<hbm>>
    tpu.enqueue_dma source(%dma_start3A_32 : memref<128xi32, #tpu.memory_space<hbm>>) target(%arg10 : memref<128xi32, #tpu.memory_space<vmem>>) target_semaphore(%arg40 : memref<!tpu.dma_semaphore, #tpu.memory_space<semaphore_mem>>)
    %add3A_33 = arith.constant 0 : i32
    %add3A_34 = arith.addi %mul3A_4, %add3A_33 : i32
    %shift_right_logical3A = arith.constant 3 : i32
    %shift_right_logical3A_35 = arith.shrui %add3A_34, %shift_right_logical3A : i32
    %mul3A_36 = arith.constant 328 : i32
    %mul3A_37 = arith.muli %shift_right_logical3A_35, %mul3A_36 : i32
    %shift_right_logical3A_38 = arith.constant 16 : i32
    %shift_right_logical3A_39 = arith.shrui %mul3A_37, %shift_right_logical3A_38 : i32
    %mul3A_40 = arith.constant 200 : i32
    %mul3A_41 = arith.muli %mul3A_40, %shift_right_logical3A_39 : i32
    %sub3A = arith.subi %shift_right_logical3A_35, %mul3A_41 : i32
    %and3A = arith.constant 7 : i32
    %and3A_42 = arith.andi %add3A_34, %and3A : i32
    %shift_left3A = arith.constant 7 : i32
    %shift_left3A_43 = arith.shli %and3A_42, %shift_left3A : i32
    %mul3A_44 = arith.constant 3072 : i32
    %mul3A_45 = arith.muli %sub3A, %mul3A_44 : i32
    %mul3A_46 = arith.constant 1024 : i32
    %mul3A_47 = arith.muli %shift_right_logical3A_39, %mul3A_46 : i32
    %add3A_48 = arith.addi %mul3A_45, %mul3A_47 : i32
    %and3A_49 = arith.constant 511 : i32
    %and3A_50 = arith.andi %shift_left3A_43, %and3A_49 : i32
    %shift_left3A_51 = arith.constant 1 : i32
    %shift_left3A_52 = arith.shli %and3A_50, %shift_left3A_51 : i32
    %add3A_53 = arith.addi %add3A_48, %shift_left3A_52 : i32
    %shift_right_logical3A_54 = arith.constant 9 : i32
    %shift_right_logical3A_55 = arith.shrui %shift_left3A_43, %shift_right_logical3A_54 : i32
    %add3A_56 = arith.addi %add3A_53, %shift_right_logical3A_55 : i32
    %iota3A = tpu.iota {dimensions = array<i32: 0>} : vector<16xi32>
    %add3A_57 = arith.constant 0 : i32
    %add3A_58 = vector.broadcast %add3A_57 : i32 to vector<16xi32>
    %add3A_59 = arith.addi %iota3A, %add3A_58 : vector<16xi32>
    %mul3A_60 = arith.constant 2 : i32
    %mul3A_61 = vector.broadcast %mul3A_60 : i32 to vector<16xi32>
    %mul3A_62 = arith.muli %add3A_59, %mul3A_61 : vector<16xi32>
    %add3A_63 = vector.broadcast %add3A_56 : i32 to vector<16xi32>
    %add3A_64 = arith.addi %add3A_63, %mul3A_62 : vector<16xi32>
    %swap3A = arith.constant 0 : index
    %swap3A_65 = tpu.vector_load %arg11[%swap3A] {strides = array<i32>} : memref<128xi32, #tpu.memory_space<vmem>>, vector<16xi32>,
    %swap3A_66 = vector.shape_cast %swap3A_65 : vector<16xi32> to vector<16xi32>
    %swap3A_67 = vector.shape_cast %add3A_64 : vector<16xi32> to vector<16xi32>
    tpu.vector_store %arg11[%swap3A], %swap3A_67 {strides = array<i32>} : memref<128xi32, #tpu.memory_space<vmem>>, vector<16xi32>,
    %iota3A_68 = tpu.iota {dimensions = array<i32: 0>} : vector<16xi32>
    %add3A_69 = arith.constant 16 : i32
    %add3A_70 = vector.broadcast %add3A_69 : i32 to vector<16xi32>
    %add3A_71 = arith.addi %iota3A_68, %add3A_70 : vector<16xi32>
    %mul3A_72 = arith.constant 2 : i32
    %mul3A_73 = vector.broadcast %mul3A_72 : i32 to vector<16xi32>
    %mul3A_74 = arith.muli %add3A_71, %mul3A_73 : vector<16xi32>
    %add3A_75 = vector.broadcast %add3A_56 : i32 to vector<16xi32>
    %add3A_76 = arith.addi %add3A_75, %mul3A_74 : vector<16xi32>
    %swap3A_77 = arith.constant 16 : index
    %swap3A_78 = tpu.vector_load %arg11[%swap3A_77] {strides = array<i32>} : memref<128xi32, #tpu.memory_space<vmem>>, vector<16xi32>,
    %swap3A_79 = vector.shape_cast %swap3A_78 : vector<16xi32> to vector<16xi32>
    %swap3A_80 = vector.shape_cast %add3A_76 : vector<16xi32> to vector<16xi32>
    tpu.vector_store %arg11[%swap3A_77], %swap3A_80 {strides = array<i32>} : memref<128xi32, #tpu.memory_space<vmem>>, vector<16xi32>,
    %iota3A_81 = tpu.iota {dimensions = array<i32: 0>} : vector<16xi32>
    %add3A_82 = arith.constant 32 : i32
    %add3A_83 = vector.broadcast %add3A_82 : i32 to vector<16xi32>
    %add3A_84 = arith.addi %iota3A_81, %add3A_83 : vector<16xi32>
    %mul3A_85 = arith.constant 2 : i32
    %mul3A_86 = vector.broadcast %mul3A_85 : i32 to vector<16xi32>
    %mul3A_87 = arith.muli %add3A_84, %mul3A_86 : vector<16xi32>
    %add3A_88 = vector.broadcast %add3A_56 : i32 to vector<16xi32>
    %add3A_89 = arith.addi %add3A_88, %mul3A_87 : vector<16xi32>
    %swap3A_90 = arith.constant 32 : index
    %swap3A_91 = tpu.vector_load %arg11[%swap3A_90] {strides = array<i32>} : memref<128xi32, #tpu.memory_space<vmem>>, vector<16xi32>,
    %swap3A_92 = vector.shape_cast %swap3A_91 : vector<16xi32> to vector<16xi32>
    %swap3A_93 = vector.shape_cast %add3A_89 : vector<16xi32> to vector<16xi32>
    tpu.vector_store %arg11[%swap3A_90], %swap3A_93 {strides = array<i32>} : memref<128xi32, #tpu.memory_space<vmem>>, vector<16xi32>,
    %iota3A_94 = tpu.iota {dimensions = array<i32: 0>} : vector<16xi32>
    %add3A_95 = arith.constant 48 : i32
    %add3A_96 = vector.broadcast %add3A_95 : i32 to vector<16xi32>
    %add3A_97 = arith.addi %iota3A_94, %add3A_96 : vector<16xi32>
    %mul3A_98 = arith.constant 2 : i32
    %mul3A_99 = vector.broadcast %mul3A_98 : i32 to vector<16xi32>
    %mul3A_100 = arith.muli %add3A_97, %mul3A_99 : vector<16xi32>
    %add3A_101 = vector.broadcast %add3A_56 : i32 to vector<16xi32>
    %add3A_102 = arith.addi %add3A_101, %mul3A_100 : vector<16xi32>
    %swap3A_103 = arith.constant 48 : index
    %swap3A_104 = tpu.vector_load %arg11[%swap3A_103] {strides = array<i32>} : memref<128xi32, #tpu.memory_space<vmem>>, vector<16xi32>,
    %swap3A_105 = vector.shape_cast %swap3A_104 : vector<16xi32> to vector<16xi32>
    %swap3A_106 = vector.shape_cast %add3A_102 : vector<16xi32> to vector<16xi32>
    tpu.vector_store %arg11[%swap3A_103], %swap3A_106 {strides = array<i32>} : memref<128xi32, #tpu.memory_space<vmem>>, vector<16xi32>,
    %iota3A_107 = tpu.iota {dimensions = array<i32: 0>} : vector<16xi32>
    %add3A_108 = arith.constant 64 : i32
    %add3A_109 = vector.broadcast %add3A_108 : i32 to vector<16xi32>
    %add3A_110 = arith.addi %iota3A_107, %add3A_109 : vector<16xi32>
    %mul3A_111 = arith.constant 2 : i32
    %mul3A_112 = vector.broadcast %mul3A_111 : i32 to vector<16xi32>
    %mul3A_113 = arith.muli %add3A_110, %mul3A_112 : vector<16xi32>
    %add3A_114 = vector.broadcast %add3A_56 : i32 to vector<16xi32>
    %add3A_115 = arith.addi %add3A_114, %mul3A_113 : vector<16xi32>
    %swap3A_116 = arith.constant 64 : index
    %swap3A_117 = tpu.vector_load %arg11[%swap3A_116] {strides = array<i32>} : memref<128xi32, #tpu.memory_space<vmem>>, vector<16xi32>,
    %swap3A_118 = vector.shape_cast %swap3A_117 : vector<16xi32> to vector<16xi32>
    %swap3A_119 = vector.shape_cast %add3A_115 : vector<16xi32> to vector<16xi32>
    tpu.vector_store %arg11[%swap3A_116], %swap3A_119 {strides = array<i32>} : memref<128xi32, #tpu.memory_space<vmem>>, vector<16xi32>,
    %iota3A_120 = tpu.iota {dimensions = array<i32: 0>} : vector<16xi32>
    %add3A_121 = arith.constant 80 : i32
    %add3A_122 = vector.broadcast %add3A_121 : i32 to vector<16xi32>
    %add3A_123 = arith.addi %iota3A_120, %add3A_122 : vector<16xi32>
    %mul3A_124 = arith.constant 2 : i32
    %mul3A_125 = vector.broadcast %mul3A_124 : i32 to vector<16xi32>
    %mul3A_126 = arith.muli %add3A_123, %mul3A_125 : vector<16xi32>
    %add3A_127 = vector.broadcast %add3A_56 : i32 to vector<16xi32>
    %add3A_128 = arith.addi %add3A_127, %mul3A_126 : vector<16xi32>
    %swap3A_129 = arith.constant 80 : index
    %swap3A_130 = tpu.vector_load %arg11[%swap3A_129] {strides = array<i32>} : memref<128xi32, #tpu.memory_space<vmem>>, vector<16xi32>,
    %swap3A_131 = vector.shape_cast %swap3A_130 : vector<16xi32> to vector<16xi32>
    %swap3A_132 = vector.shape_cast %add3A_128 : vector<16xi32> to vector<16xi32>
    tpu.vector_store %arg11[%swap3A_129], %swap3A_132 {strides = array<i32>} : memref<128xi32, #tpu.memory_space<vmem>>, vector<16xi32>,
    %iota3A_133 = tpu.iota {dimensions = array<i32: 0>} : vector<16xi32>
    %add3A_134 = arith.constant 96 : i32
    %add3A_135 = vector.broadcast %add3A_134 : i32 to vector<16xi32>
    %add3A_136 = arith.addi %iota3A_133, %add3A_135 : vector<16xi32>
    %mul3A_137 = arith.constant 2 : i32
    %mul3A_138 = vector.broadcast %mul3A_137 : i32 to vector<16xi32>
    %mul3A_139 = arith.muli %add3A_136, %mul3A_138 : vector<16xi32>
    %add3A_140 = vector.broadcast %add3A_56 : i32 to vector<16xi32>
    %add3A_141 = arith.addi %add3A_140, %mul3A_139 : vector<16xi32>
    %swap3A_142 = arith.constant 96 : index
    %swap3A_143 = tpu.vector_load %arg11[%swap3A_142] {strides = array<i32>} : memref<128xi32, #tpu.memory_space<vmem>>, vector<16xi32>,
    %swap3A_144 = vector.shape_cast %swap3A_143 : vector<16xi32> to vector<16xi32>
    %swap3A_145 = vector.shape_cast %add3A_141 : vector<16xi32> to vector<16xi32>
    tpu.vector_store %arg11[%swap3A_142], %swap3A_145 {strides = array<i32>} : memref<128xi32, #tpu.memory_space<vmem>>, vector<16xi32>,
    %iota3A_146 = tpu.iota {dimensions = array<i32: 0>} : vector<16xi32>
    %add3A_147 = arith.constant 112 : i32
    %add3A_148 = vector.broadcast %add3A_147 : i32 to vector<16xi32>
    %add3A_149 = arith.addi %iota3A_146, %add3A_148 : vector<16xi32>
    %mul3A_150 = arith.constant 2 : i32
    %mul3A_151 = vector.broadcast %mul3A_150 : i32 to vector<16xi32>
    %mul3A_152 = arith.muli %add3A_149, %mul3A_151 : vector<16xi32>
    %add3A_153 = vector.broadcast %add3A_56 : i32 to vector<16xi32>
    %add3A_154 = arith.addi %add3A_153, %mul3A_152 : vector<16xi32>
    %swap3A_155 = arith.constant 112 : index
    %swap3A_156 = tpu.vector_load %arg11[%swap3A_155] {strides = array<i32>} : memref<128xi32, #tpu.memory_space<vmem>>, vector<16xi32>,
    %swap3A_157 = vector.shape_cast %swap3A_156 : vector<16xi32> to vector<16xi32>
    %swap3A_158 = vector.shape_cast %add3A_154 : vector<16xi32> to vector<16xi32>
    tpu.vector_store %arg11[%swap3A_155], %swap3A_158 {strides = array<i32>} : memref<128xi32, #tpu.memory_space<vmem>>, vector<16xi32>,
    %dma_wait3A = arith.constant 0 : i32
    %dma_wait3A_159 = tpu.memref_slice %arg2[%dma_wait3A] : memref<614400xi32, #tpu.memory_space<hbm>> -> memref<128xi32, #tpu.memory_space<hbm>>
    %dma_wait3A_160 = arith.constant 0 : i32
    %dma_wait3A_161 = tpu.memref_slice %arg2[%dma_wait3A_160] : memref<614400xi32, #tpu.memory_space<hbm>> -> memref<128xi32, #tpu.memory_space<hbm>>
    tpu.wait_dma2 semaphore(%arg35 : memref<!tpu.dma_semaphore, #tpu.memory_space<semaphore_mem>>) src(%dma_wait3A_161 : memref<128xi32, #tpu.memory_space<hbm>>) dst(%arg5 : memref<128xi32, #tpu.memory_space<vmem>>)
    %dma_start3A_162 = arith.constant 0 : i32
    %dma_start3A_163 = arith.constant 0 : i32
    %dma_start3A_164 = tpu.memref_slice %arg3[%dma_start3A_162, %dma_start3A_163] : memref<100001x64xf32, #tpu.memory_space<hbm>> -> memref<100001x64xf32, #tpu.memory_space<hbm>>
    tpu.enqueue_indirect_dma source(%dma_start3A_164 : memref<100001x64xf32, #tpu.memory_space<hbm>>) target(%arg17 : memref<128x64xf32, #tpu.memory_space<vmem>>) offsets(%arg5 : memref<128xi32, #tpu.memory_space<vmem>>) semaphore(%arg23 : memref<!tpu.dma_semaphore, #tpu.memory_space<semaphore_mem>>)
    %add3A_165 = arith.constant 1 : i32
    %add3A_166 = arith.addi %mul3A_4, %add3A_165 : i32
    %shift_right_logical3A_167 = arith.constant 3 : i32
    %shift_right_logical3A_168 = arith.shrui %add3A_166, %shift_right_logical3A_167 : i32
    %mul3A_169 = arith.constant 328 : i32
    %mul3A_170 = arith.muli %shift_right_logical3A_168, %mul3A_169 : i32
    %shift_right_logical3A_171 = arith.constant 16 : i32
    %shift_right_logical3A_172 = arith.shrui %mul3A_170, %shift_right_logical3A_171 : i32
    %mul3A_173 = arith.constant 200 : i32
    %mul3A_174 = arith.muli %mul3A_173, %shift_right_logical3A_172 : i32
    %sub3A_175 = arith.subi %shift_right_logical3A_168, %mul3A_174 : i32
    %and3A_176 = arith.constant 7 : i32
    %and3A_177 = arith.andi %add3A_166, %and3A_176 : i32
    %shift_left3A_178 = arith.constant 7 : i32
    %shift_left3A_179 = arith.shli %and3A_177, %shift_left3A_178 : i32
    %mul3A_180 = arith.constant 3072 : i32
    %mul3A_181 = arith.muli %sub3A_175, %mul3A_180 : i32
    %mul3A_182 = arith.constant 1024 : i32
    %mul3A_183 = arith.muli %shift_right_logical3A_172, %mul3A_182 : i32
    %add3A_184 = arith.addi %mul3A_181, %mul3A_183 : i32
    %and3A_185 = arith.constant 511 : i32
    %and3A_186 = arith.andi %shift_left3A_179, %and3A_185 : i32
    %shift_left3A_187 = arith.constant 1 : i32
    %shift_left3A_188 = arith.shli %and3A_186, %shift_left3A_187 : i32
    %add3A_189 = arith.addi %add3A_184, %shift_left3A_188 : i32
    %shift_right_logical3A_190 = arith.constant 9 : i32
    %shift_right_logical3A_191 = arith.shrui %shift_left3A_179, %shift_right_logical3A_190 : i32
    %add3A_192 = arith.addi %add3A_189, %shift_right_logical3A_191 : i32
    %iota3A_193 = tpu.iota {dimensions = array<i32: 0>} : vector<16xi32>
    %add3A_194 = arith.constant 0 : i32
    %add3A_195 = vector.broadcast %add3A_194 : i32 to vector<16xi32>
    %add3A_196 = arith.addi %iota3A_193, %add3A_195 : vector<16xi32>
    %mul3A_197 = arith.constant 2 : i32
    %mul3A_198 = vector.broadcast %mul3A_197 : i32 to vector<16xi32>
    %mul3A_199 = arith.muli %add3A_196, %mul3A_198 : vector<16xi32>
    %add3A_200 = vector.broadcast %add3A_192 : i32 to vector<16xi32>
    %add3A_201 = arith.addi %add3A_200, %mul3A_199 : vector<16xi32>
    %swap3A_202 = arith.constant 0 : index
    %swap3A_203 = tpu.vector_load %arg12[%swap3A_202] {strides = array<i32>} : memref<128xi32, #tpu.memory_space<vmem>>, vector<16xi32>,
    %swap3A_204 = vector.shape_cast %swap3A_203 : vector<16xi32> to vector<16xi32>
    %swap3A_205 = vector.shape_cast %add3A_201 : vector<16xi32> to vector<16xi32>
    tpu.vector_store %arg12[%swap3A_202], %swap3A_205 {strides = array<i32>} : memref<128xi32, #tpu.memory_space<vmem>>, vector<16xi32>,
    %iota3A_206 = tpu.iota {dimensions = array<i32: 0>} : vector<16xi32>
    %add3A_207 = arith.constant 16 : i32
    %add3A_208 = vector.broadcast %add3A_207 : i32 to vector<16xi32>
    %add3A_209 = arith.addi %iota3A_206, %add3A_208 : vector<16xi32>
    %mul3A_210 = arith.constant 2 : i32
    %mul3A_211 = vector.broadcast %mul3A_210 : i32 to vector<16xi32>
    %mul3A_212 = arith.muli %add3A_209, %mul3A_211 : vector<16xi32>
    %add3A_213 = vector.broadcast %add3A_192 : i32 to vector<16xi32>
    %add3A_214 = arith.addi %add3A_213, %mul3A_212 : vector<16xi32>
    %swap3A_215 = arith.constant 16 : index
    %swap3A_216 = tpu.vector_load %arg12[%swap3A_215] {strides = array<i32>} : memref<128xi32, #tpu.memory_space<vmem>>, vector<16xi32>,
    %swap3A_217 = vector.shape_cast %swap3A_216 : vector<16xi32> to vector<16xi32>
    %swap3A_218 = vector.shape_cast %add3A_214 : vector<16xi32> to vector<16xi32>
    tpu.vector_store %arg12[%swap3A_215], %swap3A_218 {strides = array<i32>} : memref<128xi32, #tpu.memory_space<vmem>>, vector<16xi32>,
    %iota3A_219 = tpu.iota {dimensions = array<i32: 0>} : vector<16xi32>
    %add3A_220 = arith.constant 32 : i32
    %add3A_221 = vector.broadcast %add3A_220 : i32 to vector<16xi32>
    %add3A_222 = arith.addi %iota3A_219, %add3A_221 : vector<16xi32>
    %mul3A_223 = arith.constant 2 : i32
    %mul3A_224 = vector.broadcast %mul3A_223 : i32 to vector<16xi32>
    %mul3A_225 = arith.muli %add3A_222, %mul3A_224 : vector<16xi32>
    %add3A_226 = vector.broadcast %add3A_192 : i32 to vector<16xi32>
    %add3A_227 = arith.addi %add3A_226, %mul3A_225 : vector<16xi32>
    %swap3A_228 = arith.constant 32 : index
    %swap3A_229 = tpu.vector_load %arg12[%swap3A_228] {strides = array<i32>} : memref<128xi32, #tpu.memory_space<vmem>>, vector<16xi32>,
    %swap3A_230 = vector.shape_cast %swap3A_229 : vector<16xi32> to vector<16xi32>
    %swap3A_231 = vector.shape_cast %add3A_227 : vector<16xi32> to vector<16xi32>
    tpu.vector_store %arg12[%swap3A_228], %swap3A_231 {strides = array<i32>} : memref<128xi32, #tpu.memory_space<vmem>>, vector<16xi32>,
    %iota3A_232 = tpu.iota {dimensions = array<i32: 0>} : vector<16xi32>
    %add3A_233 = arith.constant 48 : i32
    %add3A_234 = vector.broadcast %add3A_233 : i32 to vector<16xi32>
    %add3A_235 = arith.addi %iota3A_232, %add3A_234 : vector<16xi32>
    %mul3A_236 = arith.constant 2 : i32
    %mul3A_237 = vector.broadcast %mul3A_236 : i32 to vector<16xi32>
    %mul3A_238 = arith.muli %add3A_235, %mul3A_237 : vector<16xi32>
    %add3A_239 = vector.broadcast %add3A_192 : i32 to vector<16xi32>
    %add3A_240 = arith.addi %add3A_239, %mul3A_238 : vector<16xi32>
    %swap3A_241 = arith.constant 48 : index
    %swap3A_242 = tpu.vector_load %arg12[%swap3A_241] {strides = array<i32>} : memref<128xi32, #tpu.memory_space<vmem>>, vector<16xi32>,
    %swap3A_243 = vector.shape_cast %swap3A_242 : vector<16xi32> to vector<16xi32>
    %swap3A_244 = vector.shape_cast %add3A_240 : vector<16xi32> to vector<16xi32>
    tpu.vector_store %arg12[%swap3A_241], %swap3A_244 {strides = array<i32>} : memref<128xi32, #tpu.memory_space<vmem>>, vector<16xi32>,
    %iota3A_245 = tpu.iota {dimensions = array<i32: 0>} : vector<16xi32>
    %add3A_246 = arith.constant 64 : i32
    %add3A_247 = vector.broadcast %add3A_246 : i32 to vector<16xi32>
    %add3A_248 = arith.addi %iota3A_245, %add3A_247 : vector<16xi32>
    %mul3A_249 = arith.constant 2 : i32
    %mul3A_250 = vector.broadcast %mul3A_249 : i32 to vector<16xi32>
    %mul3A_251 = arith.muli %add3A_248, %mul3A_250 : vector<16xi32>
    %add3A_252 = vector.broadcast %add3A_192 : i32 to vector<16xi32>
    %add3A_253 = arith.addi %add3A_252, %mul3A_251 : vector<16xi32>
    %swap3A_254 = arith.constant 64 : index
    %swap3A_255 = tpu.vector_load %arg12[%swap3A_254] {strides = array<i32>} : memref<128xi32, #tpu.memory_space<vmem>>, vector<16xi32>,
    %swap3A_256 = vector.shape_cast %swap3A_255 : vector<16xi32> to vector<16xi32>
    %swap3A_257 = vector.shape_cast %add3A_253 : vector<16xi32> to vector<16xi32>
    tpu.vector_store %arg12[%swap3A_254], %swap3A_257 {strides = array<i32>} : memref<128xi32, #tpu.memory_space<vmem>>, vector<16xi32>,
    %iota3A_258 = tpu.iota {dimensions = array<i32: 0>} : vector<16xi32>
    %add3A_259 = arith.constant 80 : i32
    %add3A_260 = vector.broadcast %add3A_259 : i32 to vector<16xi32>
    %add3A_261 = arith.addi %iota3A_258, %add3A_260 : vector<16xi32>
    %mul3A_262 = arith.constant 2 : i32
    %mul3A_263 = vector.broadcast %mul3A_262 : i32 to vector<16xi32>
    %mul3A_264 = arith.muli %add3A_261, %mul3A_263 : vector<16xi32>
    %add3A_265 = vector.broadcast %add3A_192 : i32 to vector<16xi32>
    %add3A_266 = arith.addi %add3A_265, %mul3A_264 : vector<16xi32>
    %swap3A_267 = arith.constant 80 : index
    %swap3A_268 = tpu.vector_load %arg12[%swap3A_267] {strides = array<i32>} : memref<128xi32, #tpu.memory_space<vmem>>, vector<16xi32>,
    %swap3A_269 = vector.shape_cast %swap3A_268 : vector<16xi32> to vector<16xi32>
    %swap3A_270 = vector.shape_cast %add3A_266 : vector<16xi32> to vector<16xi32>
    tpu.vector_store %arg12[%swap3A_267], %swap3A_270 {strides = array<i32>} : memref<128xi32, #tpu.memory_space<vmem>>, vector<16xi32>,
    %iota3A_271 = tpu.iota {dimensions = array<i32: 0>} : vector<16xi32>
    %add3A_272 = arith.constant 96 : i32
    %add3A_273 = vector.broadcast %add3A_272 : i32 to vector<16xi32>
    %add3A_274 = arith.addi %iota3A_271, %add3A_273 : vector<16xi32>
    %mul3A_275 = arith.constant 2 : i32
    %mul3A_276 = vector.broadcast %mul3A_275 : i32 to vector<16xi32>
    %mul3A_277 = arith.muli %add3A_274, %mul3A_276 : vector<16xi32>
    %add3A_278 = vector.broadcast %add3A_192 : i32 to vector<16xi32>
    %add3A_279 = arith.addi %add3A_278, %mul3A_277 : vector<16xi32>
    %swap3A_280 = arith.constant 96 : index
    %swap3A_281 = tpu.vector_load %arg12[%swap3A_280] {strides = array<i32>} : memref<128xi32, #tpu.memory_space<vmem>>, vector<16xi32>,
    %swap3A_282 = vector.shape_cast %swap3A_281 : vector<16xi32> to vector<16xi32>
    %swap3A_283 = vector.shape_cast %add3A_279 : vector<16xi32> to vector<16xi32>
    tpu.vector_store %arg12[%swap3A_280], %swap3A_283 {strides = array<i32>} : memref<128xi32, #tpu.memory_space<vmem>>, vector<16xi32>,
    %iota3A_284 = tpu.iota {dimensions = array<i32: 0>} : vector<16xi32>
    %add3A_285 = arith.constant 112 : i32
    %add3A_286 = vector.broadcast %add3A_285 : i32 to vector<16xi32>
    %add3A_287 = arith.addi %iota3A_284, %add3A_286 : vector<16xi32>
    %mul3A_288 = arith.constant 2 : i32
    %mul3A_289 = vector.broadcast %mul3A_288 : i32 to vector<16xi32>
    %mul3A_290 = arith.muli %add3A_287, %mul3A_289 : vector<16xi32>
    %add3A_291 = vector.broadcast %add3A_192 : i32 to vector<16xi32>
    %add3A_292 = arith.addi %add3A_291, %mul3A_290 : vector<16xi32>
    %swap3A_293 = arith.constant 112 : index
    %swap3A_294 = tpu.vector_load %arg12[%swap3A_293] {strides = array<i32>} : memref<128xi32, #tpu.memory_space<vmem>>, vector<16xi32>,
    %swap3A_295 = vector.shape_cast %swap3A_294 : vector<16xi32> to vector<16xi32>
    %swap3A_296 = vector.shape_cast %add3A_292 : vector<16xi32> to vector<16xi32>
    tpu.vector_store %arg12[%swap3A_293], %swap3A_296 {strides = array<i32>} : memref<128xi32, #tpu.memory_space<vmem>>, vector<16xi32>,
    %dma_wait3A_297 = arith.constant 0 : i32
    %dma_wait3A_298 = tpu.memref_slice %arg2[%dma_wait3A_297] : memref<614400xi32, #tpu.memory_space<hbm>> -> memref<128xi32, #tpu.memory_space<hbm>>
    %dma_wait3A_299 = arith.constant 0 : i32
    %dma_wait3A_300 = tpu.memref_slice %arg2[%dma_wait3A_299] : memref<614400xi32, #tpu.memory_space<hbm>> -> memref<128xi32, #tpu.memory_space<hbm>>
    tpu.wait_dma2 semaphore(%arg36 : memref<!tpu.dma_semaphore, #tpu.memory_space<semaphore_mem>>) src(%dma_wait3A_300 : memref<128xi32, #tpu.memory_space<hbm>>) dst(%arg6 : memref<128xi32, #tpu.memory_space<vmem>>)
    %dma_start3A_301 = arith.constant 0 : i32
    %dma_start3A_302 = arith.constant 0 : i32
    %dma_start3A_303 = tpu.memref_slice %arg3[%dma_start3A_301, %dma_start3A_302] : memref<100001x64xf32, #tpu.memory_space<hbm>> -> memref<100001x64xf32, #tpu.memory_space<hbm>>
    tpu.enqueue_indirect_dma source(%dma_start3A_303 : memref<100001x64xf32, #tpu.memory_space<hbm>>) target(%arg18 : memref<128x64xf32, #tpu.memory_space<vmem>>) offsets(%arg6 : memref<128xi32, #tpu.memory_space<vmem>>) semaphore(%arg24 : memref<!tpu.dma_semaphore, #tpu.memory_space<semaphore_mem>>)
    %add3A_304 = arith.constant 2 : i32
    %add3A_305 = arith.addi %mul3A_4, %add3A_304 : i32
    %shift_right_logical3A_306 = arith.constant 3 : i32
    %shift_right_logical3A_307 = arith.shrui %add3A_305, %shift_right_logical3A_306 : i32
    %mul3A_308 = arith.constant 328 : i32
    %mul3A_309 = arith.muli %shift_right_logical3A_307, %mul3A_308 : i32
    %shift_right_logical3A_310 = arith.constant 16 : i32
    %shift_right_logical3A_311 = arith.shrui %mul3A_309, %shift_right_logical3A_310 : i32
    %mul3A_312 = arith.constant 200 : i32
    %mul3A_313 = arith.muli %mul3A_312, %shift_right_logical3A_311 : i32
    %sub3A_314 = arith.subi %shift_right_logical3A_307, %mul3A_313 : i32
    %and3A_315 = arith.constant 7 : i32
    %and3A_316 = arith.andi %add3A_305, %and3A_315 : i32
    %shift_left3A_317 = arith.constant 7 : i32
    %shift_left3A_318 = arith.shli %and3A_316, %shift_left3A_317 : i32
    %mul3A_319 = arith.constant 3072 : i32
    %mul3A_320 = arith.muli %sub3A_314, %mul3A_319 : i32
    %mul3A_321 = arith.constant 1024 : i32
    %mul3A_322 = arith.muli %shift_right_logical3A_311, %mul3A_321 : i32
    %add3A_323 = arith.addi %mul3A_320, %mul3A_322 : i32
    %and3A_324 = arith.constant 511 : i32
    %and3A_325 = arith.andi %shift_left3A_318, %and3A_324 : i32
    %shift_left3A_326 = arith.constant 1 : i32
    %shift_left3A_327 = arith.shli %and3A_325, %shift_left3A_326 : i32
    %add3A_328 = arith.addi %add3A_323, %shift_left3A_327 : i32
    %shift_right_logical3A_329 = arith.constant 9 : i32
    %shift_right_logical3A_330 = arith.shrui %shift_left3A_318, %shift_right_logical3A_329 : i32
    %add3A_331 = arith.addi %add3A_328, %shift_right_logical3A_330 : i32
    %iota3A_332 = tpu.iota {dimensions = array<i32: 0>} : vector<16xi32>
    %add3A_333 = arith.constant 0 : i32
    %add3A_334 = vector.broadcast %add3A_333 : i32 to vector<16xi32>
    %add3A_335 = arith.addi %iota3A_332, %add3A_334 : vector<16xi32>
    %mul3A_336 = arith.constant 2 : i32
    %mul3A_337 = vector.broadcast %mul3A_336 : i32 to vector<16xi32>
    %mul3A_338 = arith.muli %add3A_335, %mul3A_337 : vector<16xi32>
    %add3A_339 = vector.broadcast %add3A_331 : i32 to vector<16xi32>
    %add3A_340 = arith.addi %add3A_339, %mul3A_338 : vector<16xi32>
    %swap3A_341 = arith.constant 0 : index
    %swap3A_342 = tpu.vector_load %arg13[%swap3A_341] {strides = array<i32>} : memref<128xi32, #tpu.memory_space<vmem>>, vector<16xi32>,
    %swap3A_343 = vector.shape_cast %swap3A_342 : vector<16xi32> to vector<16xi32>
    %swap3A_344 = vector.shape_cast %add3A_340 : vector<16xi32> to vector<16xi32>
    tpu.vector_store %arg13[%swap3A_341], %swap3A_344 {strides = array<i32>} : memref<128xi32, #tpu.memory_space<vmem>>, vector<16xi32>,
    %iota3A_345 = tpu.iota {dimensions = array<i32: 0>} : vector<16xi32>
    %add3A_346 = arith.constant 16 : i32
    %add3A_347 = vector.broadcast %add3A_346 : i32 to vector<16xi32>
    %add3A_348 = arith.addi %iota3A_345, %add3A_347 : vector<16xi32>
    %mul3A_349 = arith.constant 2 : i32
    %mul3A_350 = vector.broadcast %mul3A_349 : i32 to vector<16xi32>
    %mul3A_351 = arith.muli %add3A_348, %mul3A_350 : vector<16xi32>
    %add3A_352 = vector.broadcast %add3A_331 : i32 to vector<16xi32>
    %add3A_353 = arith.addi %add3A_352, %mul3A_351 : vector<16xi32>
    %swap3A_354 = arith.constant 16 : index
    %swap3A_355 = tpu.vector_load %arg13[%swap3A_354] {strides = array<i32>} : memref<128xi32, #tpu.memory_space<vmem>>, vector<16xi32>,
    %swap3A_356 = vector.shape_cast %swap3A_355 : vector<16xi32> to vector<16xi32>
    %swap3A_357 = vector.shape_cast %add3A_353 : vector<16xi32> to vector<16xi32>
    tpu.vector_store %arg13[%swap3A_354], %swap3A_357 {strides = array<i32>} : memref<128xi32, #tpu.memory_space<vmem>>, vector<16xi32>,
    %iota3A_358 = tpu.iota {dimensions = array<i32: 0>} : vector<16xi32>
    %add3A_359 = arith.constant 32 : i32
    %add3A_360 = vector.broadcast %add3A_359 : i32 to vector<16xi32>
    %add3A_361 = arith.addi %iota3A_358, %add3A_360 : vector<16xi32>
    %mul3A_362 = arith.constant 2 : i32
    %mul3A_363 = vector.broadcast %mul3A_362 : i32 to vector<16xi32>
    %mul3A_364 = arith.muli %add3A_361, %mul3A_363 : vector<16xi32>
    %add3A_365 = vector.broadcast %add3A_331 : i32 to vector<16xi32>
    %add3A_366 = arith.addi %add3A_365, %mul3A_364 : vector<16xi32>
    %swap3A_367 = arith.constant 32 : index
    %swap3A_368 = tpu.vector_load %arg13[%swap3A_367] {strides = array<i32>} : memref<128xi32, #tpu.memory_space<vmem>>, vector<16xi32>,
    %swap3A_369 = vector.shape_cast %swap3A_368 : vector<16xi32> to vector<16xi32>
    %swap3A_370 = vector.shape_cast %add3A_366 : vector<16xi32> to vector<16xi32>
    tpu.vector_store %arg13[%swap3A_367], %swap3A_370 {strides = array<i32>} : memref<128xi32, #tpu.memory_space<vmem>>, vector<16xi32>,
    %iota3A_371 = tpu.iota {dimensions = array<i32: 0>} : vector<16xi32>
    %add3A_372 = arith.constant 48 : i32
    %add3A_373 = vector.broadcast %add3A_372 : i32 to vector<16xi32>
    %add3A_374 = arith.addi %iota3A_371, %add3A_373 : vector<16xi32>
    %mul3A_375 = arith.constant 2 : i32
    %mul3A_376 = vector.broadcast %mul3A_375 : i32 to vector<16xi32>
    %mul3A_377 = arith.muli %add3A_374, %mul3A_376 : vector<16xi32>
    %add3A_378 = vector.broadcast %add3A_331 : i32 to vector<16xi32>
    %add3A_379 = arith.addi %add3A_378, %mul3A_377 : vector<16xi32>
    %swap3A_380 = arith.constant 48 : index
    %swap3A_381 = tpu.vector_load %arg13[%swap3A_380] {strides = array<i32>} : memref<128xi32, #tpu.memory_space<vmem>>, vector<16xi32>,
    %swap3A_382 = vector.shape_cast %swap3A_381 : vector<16xi32> to vector<16xi32>
    %swap3A_383 = vector.shape_cast %add3A_379 : vector<16xi32> to vector<16xi32>
    tpu.vector_store %arg13[%swap3A_380], %swap3A_383 {strides = array<i32>} : memref<128xi32, #tpu.memory_space<vmem>>, vector<16xi32>,
    %iota3A_384 = tpu.iota {dimensions = array<i32: 0>} : vector<16xi32>
    %add3A_385 = arith.constant 64 : i32
    %add3A_386 = vector.broadcast %add3A_385 : i32 to vector<16xi32>
    %add3A_387 = arith.addi %iota3A_384, %add3A_386 : vector<16xi32>
    %mul3A_388 = arith.constant 2 : i32
    %mul3A_389 = vector.broadcast %mul3A_388 : i32 to vector<16xi32>
    %mul3A_390 = arith.muli %add3A_387, %mul3A_389 : vector<16xi32>
    %add3A_391 = vector.broadcast %add3A_331 : i32 to vector<16xi32>
    %add3A_392 = arith.addi %add3A_391, %mul3A_390 : vector<16xi32>
    %swap3A_393 = arith.constant 64 : index
    %swap3A_394 = tpu.vector_load %arg13[%swap3A_393] {strides = array<i32>} : memref<128xi32, #tpu.memory_space<vmem>>, vector<16xi32>,
    %swap3A_395 = vector.shape_cast %swap3A_394 : vector<16xi32> to vector<16xi32>
    %swap3A_396 = vector.shape_cast %add3A_392 : vector<16xi32> to vector<16xi32>
    tpu.vector_store %arg13[%swap3A_393], %swap3A_396 {strides = array<i32>} : memref<128xi32, #tpu.memory_space<vmem>>, vector<16xi32>,
    %iota3A_397 = tpu.iota {dimensions = array<i32: 0>} : vector<16xi32>
    %add3A_398 = arith.constant 80 : i32
    %add3A_399 = vector.broadcast %add3A_398 : i32 to vector<16xi32>
    %add3A_400 = arith.addi %iota3A_397, %add3A_399 : vector<16xi32>
    %mul3A_401 = arith.constant 2 : i32
    %mul3A_402 = vector.broadcast %mul3A_401 : i32 to vector<16xi32>
    %mul3A_403 = arith.muli %add3A_400, %mul3A_402 : vector<16xi32>
    %add3A_404 = vector.broadcast %add3A_331 : i32 to vector<16xi32>
    %add3A_405 = arith.addi %add3A_404, %mul3A_403 : vector<16xi32>
    %swap3A_406 = arith.constant 80 : index
    %swap3A_407 = tpu.vector_load %arg13[%swap3A_406] {strides = array<i32>} : memref<128xi32, #tpu.memory_space<vmem>>, vector<16xi32>,
    %swap3A_408 = vector.shape_cast %swap3A_407 : vector<16xi32> to vector<16xi32>
    %swap3A_409 = vector.shape_cast %add3A_405 : vector<16xi32> to vector<16xi32>
    tpu.vector_store %arg13[%swap3A_406], %swap3A_409 {strides = array<i32>} : memref<128xi32, #tpu.memory_space<vmem>>, vector<16xi32>,
    %iota3A_410 = tpu.iota {dimensions = array<i32: 0>} : vector<16xi32>
    %add3A_411 = arith.constant 96 : i32
    %add3A_412 = vector.broadcast %add3A_411 : i32 to vector<16xi32>
    %add3A_413 = arith.addi %iota3A_410, %add3A_412 : vector<16xi32>
    %mul3A_414 = arith.constant 2 : i32
    %mul3A_415 = vector.broadcast %mul3A_414 : i32 to vector<16xi32>
    %mul3A_416 = arith.muli %add3A_413, %mul3A_415 : vector<16xi32>
    %add3A_417 = vector.broadcast %add3A_331 : i32 to vector<16xi32>
    %add3A_418 = arith.addi %add3A_417, %mul3A_416 : vector<16xi32>
    %swap3A_419 = arith.constant 96 : index
    %swap3A_420 = tpu.vector_load %arg13[%swap3A_419] {strides = array<i32>} : memref<128xi32, #tpu.memory_space<vmem>>, vector<16xi32>,
    %swap3A_421 = vector.shape_cast %swap3A_420 : vector<16xi32> to vector<16xi32>
    %swap3A_422 = vector.shape_cast %add3A_418 : vector<16xi32> to vector<16xi32>
    tpu.vector_store %arg13[%swap3A_419], %swap3A_422 {strides = array<i32>} : memref<128xi32, #tpu.memory_space<vmem>>, vector<16xi32>,
    %iota3A_423 = tpu.iota {dimensions = array<i32: 0>} : vector<16xi32>
    %add3A_424 = arith.constant 112 : i32
    %add3A_425 = vector.broadcast %add3A_424 : i32 to vector<16xi32>
    %add3A_426 = arith.addi %iota3A_423, %add3A_425 : vector<16xi32>
    %mul3A_427 = arith.constant 2 : i32
    %mul3A_428 = vector.broadcast %mul3A_427 : i32 to vector<16xi32>
    %mul3A_429 = arith.muli %add3A_426, %mul3A_428 : vector<16xi32>
    %add3A_430 = vector.broadcast %add3A_331 : i32 to vector<16xi32>
    %add3A_431 = arith.addi %add3A_430, %mul3A_429 : vector<16xi32>
    %swap3A_432 = arith.constant 112 : index
    %swap3A_433 = tpu.vector_load %arg13[%swap3A_432] {strides = array<i32>} : memref<128xi32, #tpu.memory_space<vmem>>, vector<16xi32>,
    %swap3A_434 = vector.shape_cast %swap3A_433 : vector<16xi32> to vector<16xi32>
    %swap3A_435 = vector.shape_cast %add3A_431 : vector<16xi32> to vector<16xi32>
    tpu.vector_store %arg13[%swap3A_432], %swap3A_435 {strides = array<i32>} : memref<128xi32, #tpu.memory_space<vmem>>, vector<16xi32>,
    %dma_wait3A_436 = arith.constant 0 : i32
    %dma_wait3A_437 = tpu.memref_slice %arg2[%dma_wait3A_436] : memref<614400xi32, #tpu.memory_space<hbm>> -> memref<128xi32, #tpu.memory_space<hbm>>
    %dma_wait3A_438 = arith.constant 0 : i32
    %dma_wait3A_439 = tpu.memref_slice %arg2[%dma_wait3A_438] : memref<614400xi32, #tpu.memory_space<hbm>> -> memref<128xi32, #tpu.memory_space<hbm>>
    tpu.wait_dma2 semaphore(%arg37 : memref<!tpu.dma_semaphore, #tpu.memory_space<semaphore_mem>>) src(%dma_wait3A_439 : memref<128xi32, #tpu.memory_space<hbm>>) dst(%arg7 : memref<128xi32, #tpu.memory_space<vmem>>)
    %dma_start3A_440 = arith.constant 0 : i32
    %dma_start3A_441 = arith.constant 0 : i32
    %dma_start3A_442 = tpu.memref_slice %arg3[%dma_start3A_440, %dma_start3A_441] : memref<100001x64xf32, #tpu.memory_space<hbm>> -> memref<100001x64xf32, #tpu.memory_space<hbm>>
    tpu.enqueue_indirect_dma source(%dma_start3A_442 : memref<100001x64xf32, #tpu.memory_space<hbm>>) target(%arg19 : memref<128x64xf32, #tpu.memory_space<vmem>>) offsets(%arg7 : memref<128xi32, #tpu.memory_space<vmem>>) semaphore(%arg25 : memref<!tpu.dma_semaphore, #tpu.memory_space<semaphore_mem>>)
    %dma_wait3A_443 = arith.constant 0 : i32
    %dma_wait3A_444 = arith.constant 0 : i32
    %dma_wait3A_445 = tpu.memref_slice %arg3[%dma_wait3A_443, %dma_wait3A_444] : memref<100001x64xf32, #tpu.memory_space<hbm>> -> memref<100001x64xf32, #tpu.memory_space<hbm>>
    tpu.wait_indirect_dma semaphore(%arg23 : memref<!tpu.dma_semaphore, #tpu.memory_space<semaphore_mem>>) src(%dma_wait3A_445 : memref<100001x64xf32, #tpu.memory_space<hbm>>) dst(%arg17 : memref<128x64xf32, #tpu.memory_space<vmem>>)
    %dma_start3A_446 = arith.constant 0 : i32
    %dma_start3A_447 = arith.constant 0 : i32
    %dma_start3A_448 = tpu.memref_slice %arg4[%dma_start3A_446, %dma_start3A_447] : memref<614400x64xf32, #tpu.memory_space<hbm>> -> memref<614400x64xf32, #tpu.memory_space<hbm>>
    tpu.enqueue_indirect_dma source(%arg17 : memref<128x64xf32, #tpu.memory_space<vmem>>) target(%dma_start3A_448 : memref<614400x64xf32, #tpu.memory_space<hbm>>) offsets(%arg11 : memref<128xi32, #tpu.memory_space<vmem>>) semaphore(%arg29 : memref<!tpu.dma_semaphore, #tpu.memory_space<semaphore_mem>>)
    %add3A_449 = arith.constant 768 : i32
    %add3A_450 = arith.addi %mul3A_2, %add3A_449 : i32
    %multiple_of3A_451 = tpu.assume_multiple %add3A_450, 128 : i32
    %dma_start3A_452 = tpu.memref_slice %arg2[%multiple_of3A_451] : memref<614400xi32, #tpu.memory_space<hbm>> -> memref<128xi32, #tpu.memory_space<hbm>>
    %dma_start3A_453 = tpu.memref_slice %arg2[%multiple_of3A_451] : memref<614400xi32, #tpu.memory_space<hbm>> -> memref<128xi32, #tpu.memory_space<hbm>>
    tpu.enqueue_dma source(%dma_start3A_453 : memref<128xi32, #tpu.memory_space<hbm>>) target(%arg5 : memref<128xi32, #tpu.memory_space<vmem>>) target_semaphore(%arg35 : memref<!tpu.dma_semaphore, #tpu.memory_space<semaphore_mem>>)
    %add3A_454 = arith.constant 3 : i32
    %add3A_455 = arith.addi %mul3A_4, %add3A_454 : i32
    %shift_right_logical3A_456 = arith.constant 3 : i32
    %shift_right_logical3A_457 = arith.shrui %add3A_455, %shift_right_logical3A_456 : i32
    %mul3A_458 = arith.constant 328 : i32
    %mul3A_459 = arith.muli %shift_right_logical3A_457, %mul3A_458 : i32
    %shift_right_logical3A_460 = arith.constant 16 : i32
    %shift_right_logical3A_461 = arith.shrui %mul3A_459, %shift_right_logical3A_460 : i32
    %mul3A_462 = arith.constant 200 : i32
    %mul3A_463 = arith.muli %mul3A_462, %shift_right_logical3A_461 : i32
    %sub3A_464 = arith.subi %shift_right_logical3A_457, %mul3A_463 : i32
    %and3A_465 = arith.constant 7 : i32
    %and3A_466 = arith.andi %add3A_455, %and3A_465 : i32
    %shift_left3A_467 = arith.constant 7 : i32
    %shift_left3A_468 = arith.shli %and3A_466, %shift_left3A_467 : i32
    %mul3A_469 = arith.constant 3072 : i32
    %mul3A_470 = arith.muli %sub3A_464, %mul3A_469 : i32
    %mul3A_471 = arith.constant 1024 : i32
    %mul3A_472 = arith.muli %shift_right_logical3A_461, %mul3A_471 : i32
    %add3A_473 = arith.addi %mul3A_470, %mul3A_472 : i32
    %and3A_474 = arith.constant 511 : i32
    %and3A_475 = arith.andi %shift_left3A_468, %and3A_474 : i32
    %shift_left3A_476 = arith.constant 1 : i32
    %shift_left3A_477 = arith.shli %and3A_475, %shift_left3A_476 : i32
    %add3A_478 = arith.addi %add3A_473, %shift_left3A_477 : i32
    %shift_right_logical3A_479 = arith.constant 9 : i32
    %shift_right_logical3A_480 = arith.shrui %shift_left3A_468, %shift_right_logical3A_479 : i32
    %add3A_481 = arith.addi %add3A_478, %shift_right_logical3A_480 : i32
    %iota3A_482 = tpu.iota {dimensions = array<i32: 0>} : vector<16xi32>
    %add3A_483 = arith.constant 0 : i32
    %add3A_484 = vector.broadcast %add3A_483 : i32 to vector<16xi32>
    %add3A_485 = arith.addi %iota3A_482, %add3A_484 : vector<16xi32>
    %mul3A_486 = arith.constant 2 : i32
    %mul3A_487 = vector.broadcast %mul3A_486 : i32 to vector<16xi32>
    %mul3A_488 = arith.muli %add3A_485, %mul3A_487 : vector<16xi32>
    %add3A_489 = vector.broadcast %add3A_481 : i32 to vector<16xi32>
    %add3A_490 = arith.addi %add3A_489, %mul3A_488 : vector<16xi32>
    %swap3A_491 = arith.constant 0 : index
    %swap3A_492 = tpu.vector_load %arg14[%swap3A_491] {strides = array<i32>} : memref<128xi32, #tpu.memory_space<vmem>>, vector<16xi32>,
    %swap3A_493 = vector.shape_cast %swap3A_492 : vector<16xi32> to vector<16xi32>
    %swap3A_494 = vector.shape_cast %add3A_490 : vector<16xi32> to vector<16xi32>
    tpu.vector_store %arg14[%swap3A_491], %swap3A_494 {strides = array<i32>} : memref<128xi32, #tpu.memory_space<vmem>>, vector<16xi32>,
    %iota3A_495 = tpu.iota {dimensions = array<i32: 0>} : vector<16xi32>
    %add3A_496 = arith.constant 16 : i32
    %add3A_497 = vector.broadcast %add3A_496 : i32 to vector<16xi32>
    %add3A_498 = arith.addi %iota3A_495, %add3A_497 : vector<16xi32>
    %mul3A_499 = arith.constant 2 : i32
    %mul3A_500 = vector.broadcast %mul3A_499 : i32 to vector<16xi32>
    %mul3A_501 = arith.muli %add3A_498, %mul3A_500 : vector<16xi32>
    %add3A_502 = vector.broadcast %add3A_481 : i32 to vector<16xi32>
    %add3A_503 = arith.addi %add3A_502, %mul3A_501 : vector<16xi32>
    %swap3A_504 = arith.constant 16 : index
    %swap3A_505 = tpu.vector_load %arg14[%swap3A_504] {strides = array<i32>} : memref<128xi32, #tpu.memory_space<vmem>>, vector<16xi32>,
    %swap3A_506 = vector.shape_cast %swap3A_505 : vector<16xi32> to vector<16xi32>
    %swap3A_507 = vector.shape_cast %add3A_503 : vector<16xi32> to vector<16xi32>
    tpu.vector_store %arg14[%swap3A_504], %swap3A_507 {strides = array<i32>} : memref<128xi32, #tpu.memory_space<vmem>>, vector<16xi32>,
    %iota3A_508 = tpu.iota {dimensions = array<i32: 0>} : vector<16xi32>
    %add3A_509 = arith.constant 32 : i32
    %add3A_510 = vector.broadcast %add3A_509 : i32 to vector<16xi32>
    %add3A_511 = arith.addi %iota3A_508, %add3A_510 : vector<16xi32>
    %mul3A_512 = arith.constant 2 : i32
    %mul3A_513 = vector.broadcast %mul3A_512 : i32 to vector<16xi32>
    %mul3A_514 = arith.muli %add3A_511, %mul3A_513 : vector<16xi32>
    %add3A_515 = vector.broadcast %add3A_481 : i32 to vector<16xi32>
    %add3A_516 = arith.addi %add3A_515, %mul3A_514 : vector<16xi32>
    %swap3A_517 = arith.constant 32 : index
    %swap3A_518 = tpu.vector_load %arg14[%swap3A_517] {strides = array<i32>} : memref<128xi32, #tpu.memory_space<vmem>>, vector<16xi32>,
    %swap3A_519 = vector.shape_cast %swap3A_518 : vector<16xi32> to vector<16xi32>
    %swap3A_520 = vector.shape_cast %add3A_516 : vector<16xi32> to vector<16xi32>
    tpu.vector_store %arg14[%swap3A_517], %swap3A_520 {strides = array<i32>} : memref<128xi32, #tpu.memory_space<vmem>>, vector<16xi32>,
    %iota3A_521 = tpu.iota {dimensions = array<i32: 0>} : vector<16xi32>
    %add3A_522 = arith.constant 48 : i32
    %add3A_523 = vector.broadcast %add3A_522 : i32 to vector<16xi32>
    %add3A_524 = arith.addi %iota3A_521, %add3A_523 : vector<16xi32>
    %mul3A_525 = arith.constant 2 : i32
    %mul3A_526 = vector.broadcast %mul3A_525 : i32 to vector<16xi32>
    %mul3A_527 = arith.muli %add3A_524, %mul3A_526 : vector<16xi32>
    %add3A_528 = vector.broadcast %add3A_481 : i32 to vector<16xi32>
    %add3A_529 = arith.addi %add3A_528, %mul3A_527 : vector<16xi32>
    %swap3A_530 = arith.constant 48 : index
    %swap3A_531 = tpu.vector_load %arg14[%swap3A_530] {strides = array<i32>} : memref<128xi32, #tpu.memory_space<vmem>>, vector<16xi32>,
    %swap3A_532 = vector.shape_cast %swap3A_531 : vector<16xi32> to vector<16xi32>
    %swap3A_533 = vector.shape_cast %add3A_529 : vector<16xi32> to vector<16xi32>
    tpu.vector_store %arg14[%swap3A_530], %swap3A_533 {strides = array<i32>} : memref<128xi32, #tpu.memory_space<vmem>>, vector<16xi32>,
    %iota3A_534 = tpu.iota {dimensions = array<i32: 0>} : vector<16xi32>
    %add3A_535 = arith.constant 64 : i32
    %add3A_536 = vector.broadcast %add3A_535 : i32 to vector<16xi32>
    %add3A_537 = arith.addi %iota3A_534, %add3A_536 : vector<16xi32>
    %mul3A_538 = arith.constant 2 : i32
    %mul3A_539 = vector.broadcast %mul3A_538 : i32 to vector<16xi32>
    %mul3A_540 = arith.muli %add3A_537, %mul3A_539 : vector<16xi32>
    %add3A_541 = vector.broadcast %add3A_481 : i32 to vector<16xi32>
    %add3A_542 = arith.addi %add3A_541, %mul3A_540 : vector<16xi32>
    %swap3A_543 = arith.constant 64 : index
    %swap3A_544 = tpu.vector_load %arg14[%swap3A_543] {strides = array<i32>} : memref<128xi32, #tpu.memory_space<vmem>>, vector<16xi32>,
    %swap3A_545 = vector.shape_cast %swap3A_544 : vector<16xi32> to vector<16xi32>
    %swap3A_546 = vector.shape_cast %add3A_542 : vector<16xi32> to vector<16xi32>
    tpu.vector_store %arg14[%swap3A_543], %swap3A_546 {strides = array<i32>} : memref<128xi32, #tpu.memory_space<vmem>>, vector<16xi32>,
    %iota3A_547 = tpu.iota {dimensions = array<i32: 0>} : vector<16xi32>
    %add3A_548 = arith.constant 80 : i32
    %add3A_549 = vector.broadcast %add3A_548 : i32 to vector<16xi32>
    %add3A_550 = arith.addi %iota3A_547, %add3A_549 : vector<16xi32>
    %mul3A_551 = arith.constant 2 : i32
    %mul3A_552 = vector.broadcast %mul3A_551 : i32 to vector<16xi32>
    %mul3A_553 = arith.muli %add3A_550, %mul3A_552 : vector<16xi32>
    %add3A_554 = vector.broadcast %add3A_481 : i32 to vector<16xi32>
    %add3A_555 = arith.addi %add3A_554, %mul3A_553 : vector<16xi32>
    %swap3A_556 = arith.constant 80 : index
    %swap3A_557 = tpu.vector_load %arg14[%swap3A_556] {strides = array<i32>} : memref<128xi32, #tpu.memory_space<vmem>>, vector<16xi32>,
    %swap3A_558 = vector.shape_cast %swap3A_557 : vector<16xi32> to vector<16xi32>
    %swap3A_559 = vector.shape_cast %add3A_555 : vector<16xi32> to vector<16xi32>
    tpu.vector_store %arg14[%swap3A_556], %swap3A_559 {strides = array<i32>} : memref<128xi32, #tpu.memory_space<vmem>>, vector<16xi32>,
    %iota3A_560 = tpu.iota {dimensions = array<i32: 0>} : vector<16xi32>
    %add3A_561 = arith.constant 96 : i32
    %add3A_562 = vector.broadcast %add3A_561 : i32 to vector<16xi32>
    %add3A_563 = arith.addi %iota3A_560, %add3A_562 : vector<16xi32>
    %mul3A_564 = arith.constant 2 : i32
    %mul3A_565 = vector.broadcast %mul3A_564 : i32 to vector<16xi32>
    %mul3A_566 = arith.muli %add3A_563, %mul3A_565 : vector<16xi32>
    %add3A_567 = vector.broadcast %add3A_481 : i32 to vector<16xi32>
    %add3A_568 = arith.addi %add3A_567, %mul3A_566 : vector<16xi32>
    %swap3A_569 = arith.constant 96 : index
    %swap3A_570 = tpu.vector_load %arg14[%swap3A_569] {strides = array<i32>} : memref<128xi32, #tpu.memory_space<vmem>>, vector<16xi32>,
    %swap3A_571 = vector.shape_cast %swap3A_570 : vector<16xi32> to vector<16xi32>
    %swap3A_572 = vector.shape_cast %add3A_568 : vector<16xi32> to vector<16xi32>
    tpu.vector_store %arg14[%swap3A_569], %swap3A_572 {strides = array<i32>} : memref<128xi32, #tpu.memory_space<vmem>>, vector<16xi32>,
    %iota3A_573 = tpu.iota {dimensions = array<i32: 0>} : vector<16xi32>
    %add3A_574 = arith.constant 112 : i32
    %add3A_575 = vector.broadcast %add3A_574 : i32 to vector<16xi32>
    %add3A_576 = arith.addi %iota3A_573, %add3A_575 : vector<16xi32>
    %mul3A_577 = arith.constant 2 : i32
    %mul3A_578 = vector.broadcast %mul3A_577 : i32 to vector<16xi32>
    %mul3A_579 = arith.muli %add3A_576, %mul3A_578 : vector<16xi32>
    %add3A_580 = vector.broadcast %add3A_481 : i32 to vector<16xi32>
    %add3A_581 = arith.addi %add3A_580, %mul3A_579 : vector<16xi32>
    %swap3A_582 = arith.constant 112 : index
    %swap3A_583 = tpu.vector_load %arg14[%swap3A_582] {strides = array<i32>} : memref<128xi32, #tpu.memory_space<vmem>>, vector<16xi32>,
    %swap3A_584 = vector.shape_cast %swap3A_583 : vector<16xi32> to vector<16xi32>
    %swap3A_585 = vector.shape_cast %add3A_581 : vector<16xi32> to vector<16xi32>
    tpu.vector_store %arg14[%swap3A_582], %swap3A_585 {strides = array<i32>} : memref<128xi32, #tpu.memory_space<vmem>>, vector<16xi32>,
    %dma_wait3A_586 = arith.constant 0 : i32
    %dma_wait3A_587 = tpu.memref_slice %arg2[%dma_wait3A_586] : memref<614400xi32, #tpu.memory_space<hbm>> -> memref<128xi32, #tpu.memory_space<hbm>>
    %dma_wait3A_588 = arith.constant 0 : i32
    %dma_wait3A_589 = tpu.memref_slice %arg2[%dma_wait3A_588] : memref<614400xi32, #tpu.memory_space<hbm>> -> memref<128xi32, #tpu.memory_space<hbm>>
    tpu.wait_dma2 semaphore(%arg38 : memref<!tpu.dma_semaphore, #tpu.memory_space<semaphore_mem>>) src(%dma_wait3A_589 : memref<128xi32, #tpu.memory_space<hbm>>) dst(%arg8 : memref<128xi32, #tpu.memory_space<vmem>>)
    %dma_start3A_590 = arith.constant 0 : i32
    %dma_start3A_591 = arith.constant 0 : i32
    %dma_start3A_592 = tpu.memref_slice %arg3[%dma_start3A_590, %dma_start3A_591] : memref<100001x64xf32, #tpu.memory_space<hbm>> -> memref<100001x64xf32, #tpu.memory_space<hbm>>
    tpu.enqueue_indirect_dma source(%dma_start3A_592 : memref<100001x64xf32, #tpu.memory_space<hbm>>) target(%arg20 : memref<128x64xf32, #tpu.memory_space<vmem>>) offsets(%arg8 : memref<128xi32, #tpu.memory_space<vmem>>) semaphore(%arg26 : memref<!tpu.dma_semaphore, #tpu.memory_space<semaphore_mem>>)
    %dma_wait3A_593 = arith.constant 0 : i32
    %dma_wait3A_594 = arith.constant 0 : i32
    %dma_wait3A_595 = tpu.memref_slice %arg3[%dma_wait3A_593, %dma_wait3A_594] : memref<100001x64xf32, #tpu.memory_space<hbm>> -> memref<100001x64xf32, #tpu.memory_space<hbm>>
    tpu.wait_indirect_dma semaphore(%arg24 : memref<!tpu.dma_semaphore, #tpu.memory_space<semaphore_mem>>) src(%dma_wait3A_595 : memref<100001x64xf32, #tpu.memory_space<hbm>>) dst(%arg18 : memref<128x64xf32, #tpu.memory_space<vmem>>)
    %dma_start3A_596 = arith.constant 0 : i32
    %dma_start3A_597 = arith.constant 0 : i32
    %dma_start3A_598 = tpu.memref_slice %arg4[%dma_start3A_596, %dma_start3A_597] : memref<614400x64xf32, #tpu.memory_space<hbm>> -> memref<614400x64xf32, #tpu.memory_space<hbm>>
    tpu.enqueue_indirect_dma source(%arg18 : memref<128x64xf32, #tpu.memory_space<vmem>>) target(%dma_start3A_598 : memref<614400x64xf32, #tpu.memory_space<hbm>>) offsets(%arg12 : memref<128xi32, #tpu.memory_space<vmem>>) semaphore(%arg30 : memref<!tpu.dma_semaphore, #tpu.memory_space<semaphore_mem>>)
    %add3A_599 = arith.constant 896 : i32
    %add3A_600 = arith.addi %mul3A_2, %add3A_599 : i32
    %multiple_of3A_601 = tpu.assume_multiple %add3A_600, 128 : i32
    %dma_start3A_602 = tpu.memref_slice %arg2[%multiple_of3A_601] : memref<614400xi32, #tpu.memory_space<hbm>> -> memref<128xi32, #tpu.memory_space<hbm>>
    %dma_start3A_603 = tpu.memref_slice %arg2[%multiple_of3A_601] : memref<614400xi32, #tpu.memory_space<hbm>> -> memref<128xi32, #tpu.memory_space<hbm>>
    tpu.enqueue_dma source(%dma_start3A_603 : memref<128xi32, #tpu.memory_space<hbm>>) target(%arg6 : memref<128xi32, #tpu.memory_space<vmem>>) target_semaphore(%arg36 : memref<!tpu.dma_semaphore, #tpu.memory_space<semaphore_mem>>)
    %add3A_604 = arith.constant 4 : i32
    %add3A_605 = arith.addi %mul3A_4, %add3A_604 : i32
    %shift_right_logical3A_606 = arith.constant 3 : i32
    %shift_right_logical3A_607 = arith.shrui %add3A_605, %shift_right_logical3A_606 : i32
    %mul3A_608 = arith.constant 328 : i32
    %mul3A_609 = arith.muli %shift_right_logical3A_607, %mul3A_608 : i32
    %shift_right_logical3A_610 = arith.constant 16 : i32
    %shift_right_logical3A_611 = arith.shrui %mul3A_609, %shift_right_logical3A_610 : i32
    %mul3A_612 = arith.constant 200 : i32
    %mul3A_613 = arith.muli %mul3A_612, %shift_right_logical3A_611 : i32
    %sub3A_614 = arith.subi %shift_right_logical3A_607, %mul3A_613 : i32
    %and3A_615 = arith.constant 7 : i32
    %and3A_616 = arith.andi %add3A_605, %and3A_615 : i32
    %shift_left3A_617 = arith.constant 7 : i32
    %shift_left3A_618 = arith.shli %and3A_616, %shift_left3A_617 : i32
    %mul3A_619 = arith.constant 3072 : i32
    %mul3A_620 = arith.muli %sub3A_614, %mul3A_619 : i32
    %mul3A_621 = arith.constant 1024 : i32
    %mul3A_622 = arith.muli %shift_right_logical3A_611, %mul3A_621 : i32
    %add3A_623 = arith.addi %mul3A_620, %mul3A_622 : i32
    %and3A_624 = arith.constant 511 : i32
    %and3A_625 = arith.andi %shift_left3A_618, %and3A_624 : i32
    %shift_left3A_626 = arith.constant 1 : i32
    %shift_left3A_627 = arith.shli %and3A_625, %shift_left3A_626 : i32
    %add3A_628 = arith.addi %add3A_623, %shift_left3A_627 : i32
    %shift_right_logical3A_629 = arith.constant 9 : i32
    %shift_right_logical3A_630 = arith.shrui %shift_left3A_618, %shift_right_logical3A_629 : i32
    %add3A_631 = arith.addi %add3A_628, %shift_right_logical3A_630 : i32
    %iota3A_632 = tpu.iota {dimensions = array<i32: 0>} : vector<16xi32>
    %add3A_633 = arith.constant 0 : i32
    %add3A_634 = vector.broadcast %add3A_633 : i32 to vector<16xi32>
    %add3A_635 = arith.addi %iota3A_632, %add3A_634 : vector<16xi32>
    %mul3A_636 = arith.constant 2 : i32
    %mul3A_637 = vector.broadcast %mul3A_636 : i32 to vector<16xi32>
    %mul3A_638 = arith.muli %add3A_635, %mul3A_637 : vector<16xi32>
    %add3A_639 = vector.broadcast %add3A_631 : i32 to vector<16xi32>
    %add3A_640 = arith.addi %add3A_639, %mul3A_638 : vector<16xi32>
    %swap3A_641 = arith.constant 0 : index
    %swap3A_642 = tpu.vector_load %arg15[%swap3A_641] {strides = array<i32>} : memref<128xi32, #tpu.memory_space<vmem>>, vector<16xi32>,
    %swap3A_643 = vector.shape_cast %swap3A_642 : vector<16xi32> to vector<16xi32>
    %swap3A_644 = vector.shape_cast %add3A_640 : vector<16xi32> to vector<16xi32>
    tpu.vector_store %arg15[%swap3A_641], %swap3A_644 {strides = array<i32>} : memref<128xi32, #tpu.memory_space<vmem>>, vector<16xi32>,
    %iota3A_645 = tpu.iota {dimensions = array<i32: 0>} : vector<16xi32>
    %add3A_646 = arith.constant 16 : i32
    %add3A_647 = vector.broadcast %add3A_646 : i32 to vector<16xi32>
    %add3A_648 = arith.addi %iota3A_645, %add3A_647 : vector<16xi32>
    %mul3A_649 = arith.constant 2 : i32
    %mul3A_650 = vector.broadcast %mul3A_649 : i32 to vector<16xi32>
    %mul3A_651 = arith.muli %add3A_648, %mul3A_650 : vector<16xi32>
    %add3A_652 = vector.broadcast %add3A_631 : i32 to vector<16xi32>
    %add3A_653 = arith.addi %add3A_652, %mul3A_651 : vector<16xi32>
    %swap3A_654 = arith.constant 16 : index
    %swap3A_655 = tpu.vector_load %arg15[%swap3A_654] {strides = array<i32>} : memref<128xi32, #tpu.memory_space<vmem>>, vector<16xi32>,
    %swap3A_656 = vector.shape_cast %swap3A_655 : vector<16xi32> to vector<16xi32>
    %swap3A_657 = vector.shape_cast %add3A_653 : vector<16xi32> to vector<16xi32>
    tpu.vector_store %arg15[%swap3A_654], %swap3A_657 {strides = array<i32>} : memref<128xi32, #tpu.memory_space<vmem>>, vector<16xi32>,
    %iota3A_658 = tpu.iota {dimensions = array<i32: 0>} : vector<16xi32>
    %add3A_659 = arith.constant 32 : i32
    %add3A_660 = vector.broadcast %add3A_659 : i32 to vector<16xi32>
    %add3A_661 = arith.addi %iota3A_658, %add3A_660 : vector<16xi32>
    %mul3A_662 = arith.constant 2 : i32
    %mul3A_663 = vector.broadcast %mul3A_662 : i32 to vector<16xi32>
    %mul3A_664 = arith.muli %add3A_661, %mul3A_663 : vector<16xi32>
    %add3A_665 = vector.broadcast %add3A_631 : i32 to vector<16xi32>
    %add3A_666 = arith.addi %add3A_665, %mul3A_664 : vector<16xi32>
    %swap3A_667 = arith.constant 32 : index
    %swap3A_668 = tpu.vector_load %arg15[%swap3A_667] {strides = array<i32>} : memref<128xi32, #tpu.memory_space<vmem>>, vector<16xi32>,
    %swap3A_669 = vector.shape_cast %swap3A_668 : vector<16xi32> to vector<16xi32>
    %swap3A_670 = vector.shape_cast %add3A_666 : vector<16xi32> to vector<16xi32>
    tpu.vector_store %arg15[%swap3A_667], %swap3A_670 {strides = array<i32>} : memref<128xi32, #tpu.memory_space<vmem>>, vector<16xi32>,
    %iota3A_671 = tpu.iota {dimensions = array<i32: 0>} : vector<16xi32>
    %add3A_672 = arith.constant 48 : i32
    %add3A_673 = vector.broadcast %add3A_672 : i32 to vector<16xi32>
    %add3A_674 = arith.addi %iota3A_671, %add3A_673 : vector<16xi32>
    %mul3A_675 = arith.constant 2 : i32
    %mul3A_676 = vector.broadcast %mul3A_675 : i32 to vector<16xi32>
    %mul3A_677 = arith.muli %add3A_674, %mul3A_676 : vector<16xi32>
    %add3A_678 = vector.broadcast %add3A_631 : i32 to vector<16xi32>
    %add3A_679 = arith.addi %add3A_678, %mul3A_677 : vector<16xi32>
    %swap3A_680 = arith.constant 48 : index
    %swap3A_681 = tpu.vector_load %arg15[%swap3A_680] {strides = array<i32>} : memref<128xi32, #tpu.memory_space<vmem>>, vector<16xi32>,
    %swap3A_682 = vector.shape_cast %swap3A_681 : vector<16xi32> to vector<16xi32>
    %swap3A_683 = vector.shape_cast %add3A_679 : vector<16xi32> to vector<16xi32>
    tpu.vector_store %arg15[%swap3A_680], %swap3A_683 {strides = array<i32>} : memref<128xi32, #tpu.memory_space<vmem>>, vector<16xi32>,
    %iota3A_684 = tpu.iota {dimensions = array<i32: 0>} : vector<16xi32>
    %add3A_685 = arith.constant 64 : i32
    %add3A_686 = vector.broadcast %add3A_685 : i32 to vector<16xi32>
    %add3A_687 = arith.addi %iota3A_684, %add3A_686 : vector<16xi32>
    %mul3A_688 = arith.constant 2 : i32
    %mul3A_689 = vector.broadcast %mul3A_688 : i32 to vector<16xi32>
    %mul3A_690 = arith.muli %add3A_687, %mul3A_689 : vector<16xi32>
    %add3A_691 = vector.broadcast %add3A_631 : i32 to vector<16xi32>
    %add3A_692 = arith.addi %add3A_691, %mul3A_690 : vector<16xi32>
    %swap3A_693 = arith.constant 64 : index
    %swap3A_694 = tpu.vector_load %arg15[%swap3A_693] {strides = array<i32>} : memref<128xi32, #tpu.memory_space<vmem>>, vector<16xi32>,
    %swap3A_695 = vector.shape_cast %swap3A_694 : vector<16xi32> to vector<16xi32>
    %swap3A_696 = vector.shape_cast %add3A_692 : vector<16xi32> to vector<16xi32>
    tpu.vector_store %arg15[%swap3A_693], %swap3A_696 {strides = array<i32>} : memref<128xi32, #tpu.memory_space<vmem>>, vector<16xi32>,
    %iota3A_697 = tpu.iota {dimensions = array<i32: 0>} : vector<16xi32>
    %add3A_698 = arith.constant 80 : i32
    %add3A_699 = vector.broadcast %add3A_698 : i32 to vector<16xi32>
    %add3A_700 = arith.addi %iota3A_697, %add3A_699 : vector<16xi32>
    %mul3A_701 = arith.constant 2 : i32
    %mul3A_702 = vector.broadcast %mul3A_701 : i32 to vector<16xi32>
    %mul3A_703 = arith.muli %add3A_700, %mul3A_702 : vector<16xi32>
    %add3A_704 = vector.broadcast %add3A_631 : i32 to vector<16xi32>
    %add3A_705 = arith.addi %add3A_704, %mul3A_703 : vector<16xi32>
    %swap3A_706 = arith.constant 80 : index
    %swap3A_707 = tpu.vector_load %arg15[%swap3A_706] {strides = array<i32>} : memref<128xi32, #tpu.memory_space<vmem>>, vector<16xi32>,
    %swap3A_708 = vector.shape_cast %swap3A_707 : vector<16xi32> to vector<16xi32>
    %swap3A_709 = vector.shape_cast %add3A_705 : vector<16xi32> to vector<16xi32>
    tpu.vector_store %arg15[%swap3A_706], %swap3A_709 {strides = array<i32>} : memref<128xi32, #tpu.memory_space<vmem>>, vector<16xi32>,
    %iota3A_710 = tpu.iota {dimensions = array<i32: 0>} : vector<16xi32>
    %add3A_711 = arith.constant 96 : i32
    %add3A_712 = vector.broadcast %add3A_711 : i32 to vector<16xi32>
    %add3A_713 = arith.addi %iota3A_710, %add3A_712 : vector<16xi32>
    %mul3A_714 = arith.constant 2 : i32
    %mul3A_715 = vector.broadcast %mul3A_714 : i32 to vector<16xi32>
    %mul3A_716 = arith.muli %add3A_713, %mul3A_715 : vector<16xi32>
    %add3A_717 = vector.broadcast %add3A_631 : i32 to vector<16xi32>
    %add3A_718 = arith.addi %add3A_717, %mul3A_716 : vector<16xi32>
    %swap3A_719 = arith.constant 96 : index
    %swap3A_720 = tpu.vector_load %arg15[%swap3A_719] {strides = array<i32>} : memref<128xi32, #tpu.memory_space<vmem>>, vector<16xi32>,
    %swap3A_721 = vector.shape_cast %swap3A_720 : vector<16xi32> to vector<16xi32>
    %swap3A_722 = vector.shape_cast %add3A_718 : vector<16xi32> to vector<16xi32>
    tpu.vector_store %arg15[%swap3A_719], %swap3A_722 {strides = array<i32>} : memref<128xi32, #tpu.memory_space<vmem>>, vector<16xi32>,
    %iota3A_723 = tpu.iota {dimensions = array<i32: 0>} : vector<16xi32>
    %add3A_724 = arith.constant 112 : i32
    %add3A_725 = vector.broadcast %add3A_724 : i32 to vector<16xi32>
    %add3A_726 = arith.addi %iota3A_723, %add3A_725 : vector<16xi32>
    %mul3A_727 = arith.constant 2 : i32
    %mul3A_728 = vector.broadcast %mul3A_727 : i32 to vector<16xi32>
    %mul3A_729 = arith.muli %add3A_726, %mul3A_728 : vector<16xi32>
    %add3A_730 = vector.broadcast %add3A_631 : i32 to vector<16xi32>
    %add3A_731 = arith.addi %add3A_730, %mul3A_729 : vector<16xi32>
    %swap3A_732 = arith.constant 112 : index
    %swap3A_733 = tpu.vector_load %arg15[%swap3A_732] {strides = array<i32>} : memref<128xi32, #tpu.memory_space<vmem>>, vector<16xi32>,
    %swap3A_734 = vector.shape_cast %swap3A_733 : vector<16xi32> to vector<16xi32>
    %swap3A_735 = vector.shape_cast %add3A_731 : vector<16xi32> to vector<16xi32>
    tpu.vector_store %arg15[%swap3A_732], %swap3A_735 {strides = array<i32>} : memref<128xi32, #tpu.memory_space<vmem>>, vector<16xi32>,
    %dma_wait3A_736 = arith.constant 0 : i32
    %dma_wait3A_737 = tpu.memref_slice %arg2[%dma_wait3A_736] : memref<614400xi32, #tpu.memory_space<hbm>> -> memref<128xi32, #tpu.memory_space<hbm>>
    %dma_wait3A_738 = arith.constant 0 : i32
    %dma_wait3A_739 = tpu.memref_slice %arg2[%dma_wait3A_738] : memref<614400xi32, #tpu.memory_space<hbm>> -> memref<128xi32, #tpu.memory_space<hbm>>
    tpu.wait_dma2 semaphore(%arg39 : memref<!tpu.dma_semaphore, #tpu.memory_space<semaphore_mem>>) src(%dma_wait3A_739 : memref<128xi32, #tpu.memory_space<hbm>>) dst(%arg9 : memref<128xi32, #tpu.memory_space<vmem>>)
    %dma_start3A_740 = arith.constant 0 : i32
    %dma_start3A_741 = arith.constant 0 : i32
    %dma_start3A_742 = tpu.memref_slice %arg3[%dma_start3A_740, %dma_start3A_741] : memref<100001x64xf32, #tpu.memory_space<hbm>> -> memref<100001x64xf32, #tpu.memory_space<hbm>>
    tpu.enqueue_indirect_dma source(%dma_start3A_742 : memref<100001x64xf32, #tpu.memory_space<hbm>>) target(%arg21 : memref<128x64xf32, #tpu.memory_space<vmem>>) offsets(%arg9 : memref<128xi32, #tpu.memory_space<vmem>>) semaphore(%arg27 : memref<!tpu.dma_semaphore, #tpu.memory_space<semaphore_mem>>)
    %dma_wait3A_743 = arith.constant 0 : i32
    %dma_wait3A_744 = arith.constant 0 : i32
    %dma_wait3A_745 = tpu.memref_slice %arg3[%dma_wait3A_743, %dma_wait3A_744] : memref<100001x64xf32, #tpu.memory_space<hbm>> -> memref<100001x64xf32, #tpu.memory_space<hbm>>
    tpu.wait_indirect_dma semaphore(%arg25 : memref<!tpu.dma_semaphore, #tpu.memory_space<semaphore_mem>>) src(%dma_wait3A_745 : memref<100001x64xf32, #tpu.memory_space<hbm>>) dst(%arg19 : memref<128x64xf32, #tpu.memory_space<vmem>>)
    %dma_start3A_746 = arith.constant 0 : i32
    %dma_start3A_747 = arith.constant 0 : i32
    %dma_start3A_748 = tpu.memref_slice %arg4[%dma_start3A_746, %dma_start3A_747] : memref<614400x64xf32, #tpu.memory_space<hbm>> -> memref<614400x64xf32, #tpu.memory_space<hbm>>
    tpu.enqueue_indirect_dma source(%arg19 : memref<128x64xf32, #tpu.memory_space<vmem>>) target(%dma_start3A_748 : memref<614400x64xf32, #tpu.memory_space<hbm>>) offsets(%arg13 : memref<128xi32, #tpu.memory_space<vmem>>) semaphore(%arg31 : memref<!tpu.dma_semaphore, #tpu.memory_space<semaphore_mem>>)
    %add3A_749 = arith.constant 1024 : i32
    %add3A_750 = arith.addi %mul3A_2, %add3A_749 : i32
    %multiple_of3A_751 = tpu.assume_multiple %add3A_750, 128 : i32
    %dma_start3A_752 = tpu.memref_slice %arg2[%multiple_of3A_751] : memref<614400xi32, #tpu.memory_space<hbm>> -> memref<128xi32, #tpu.memory_space<hbm>>
    %dma_start3A_753 = tpu.memref_slice %arg2[%multiple_of3A_751] : memref<614400xi32, #tpu.memory_space<hbm>> -> memref<128xi32, #tpu.memory_space<hbm>>
    tpu.enqueue_dma source(%dma_start3A_753 : memref<128xi32, #tpu.memory_space<hbm>>) target(%arg7 : memref<128xi32, #tpu.memory_space<vmem>>) target_semaphore(%arg37 : memref<!tpu.dma_semaphore, #tpu.memory_space<semaphore_mem>>)
    %add3A_754 = arith.constant 5 : i32
    %add3A_755 = arith.addi %mul3A_4, %add3A_754 : i32
    %shift_right_logical3A_756 = arith.constant 3 : i32
    %shift_right_logical3A_757 = arith.shrui %add3A_755, %shift_right_logical3A_756 : i32
    %mul3A_758 = arith.constant 328 : i32
    %mul3A_759 = arith.muli %shift_right_logical3A_757, %mul3A_758 : i32
    %shift_right_logical3A_760 = arith.constant 16 : i32
    %shift_right_logical3A_761 = arith.shrui %mul3A_759, %shift_right_logical3A_760 : i32
    %mul3A_762 = arith.constant 200 : i32
    %mul3A_763 = arith.muli %mul3A_762, %shift_right_logical3A_761 : i32
    %sub3A_764 = arith.subi %shift_right_logical3A_757, %mul3A_763 : i32
    %and3A_765 = arith.constant 7 : i32
    %and3A_766 = arith.andi %add3A_755, %and3A_765 : i32
    %shift_left3A_767 = arith.constant 7 : i32
    %shift_left3A_768 = arith.shli %and3A_766, %shift_left3A_767 : i32
    %mul3A_769 = arith.constant 3072 : i32
    %mul3A_770 = arith.muli %sub3A_764, %mul3A_769 : i32
    %mul3A_771 = arith.constant 1024 : i32
    %mul3A_772 = arith.muli %shift_right_logical3A_761, %mul3A_771 : i32
    %add3A_773 = arith.addi %mul3A_770, %mul3A_772 : i32
    %and3A_774 = arith.constant 511 : i32
    %and3A_775 = arith.andi %shift_left3A_768, %and3A_774 : i32
    %shift_left3A_776 = arith.constant 1 : i32
    %shift_left3A_777 = arith.shli %and3A_775, %shift_left3A_776 : i32
    %add3A_778 = arith.addi %add3A_773, %shift_left3A_777 : i32
    %shift_right_logical3A_779 = arith.constant 9 : i32
    %shift_right_logical3A_780 = arith.shrui %shift_left3A_768, %shift_right_logical3A_779 : i32
    %add3A_781 = arith.addi %add3A_778, %shift_right_logical3A_780 : i32
    %iota3A_782 = tpu.iota {dimensions = array<i32: 0>} : vector<16xi32>
    %add3A_783 = arith.constant 0 : i32
    %add3A_784 = vector.broadcast %add3A_783 : i32 to vector<16xi32>
    %add3A_785 = arith.addi %iota3A_782, %add3A_784 : vector<16xi32>
    %mul3A_786 = arith.constant 2 : i32
    %mul3A_787 = vector.broadcast %mul3A_786 : i32 to vector<16xi32>
    %mul3A_788 = arith.muli %add3A_785, %mul3A_787 : vector<16xi32>
    %add3A_789 = vector.broadcast %add3A_781 : i32 to vector<16xi32>
    %add3A_790 = arith.addi %add3A_789, %mul3A_788 : vector<16xi32>
    %swap3A_791 = arith.constant 0 : index
    %swap3A_792 = tpu.vector_load %arg16[%swap3A_791] {strides = array<i32>} : memref<128xi32, #tpu.memory_space<vmem>>, vector<16xi32>,
    %swap3A_793 = vector.shape_cast %swap3A_792 : vector<16xi32> to vector<16xi32>
    %swap3A_794 = vector.shape_cast %add3A_790 : vector<16xi32> to vector<16xi32>
    tpu.vector_store %arg16[%swap3A_791], %swap3A_794 {strides = array<i32>} : memref<128xi32, #tpu.memory_space<vmem>>, vector<16xi32>,
    %iota3A_795 = tpu.iota {dimensions = array<i32: 0>} : vector<16xi32>
    %add3A_796 = arith.constant 16 : i32
    %add3A_797 = vector.broadcast %add3A_796 : i32 to vector<16xi32>
    %add3A_798 = arith.addi %iota3A_795, %add3A_797 : vector<16xi32>
    %mul3A_799 = arith.constant 2 : i32
    %mul3A_800 = vector.broadcast %mul3A_799 : i32 to vector<16xi32>
    %mul3A_801 = arith.muli %add3A_798, %mul3A_800 : vector<16xi32>
    %add3A_802 = vector.broadcast %add3A_781 : i32 to vector<16xi32>
    %add3A_803 = arith.addi %add3A_802, %mul3A_801 : vector<16xi32>
    %swap3A_804 = arith.constant 16 : index
    %swap3A_805 = tpu.vector_load %arg16[%swap3A_804] {strides = array<i32>} : memref<128xi32, #tpu.memory_space<vmem>>, vector<16xi32>,
    %swap3A_806 = vector.shape_cast %swap3A_805 : vector<16xi32> to vector<16xi32>
    %swap3A_807 = vector.shape_cast %add3A_803 : vector<16xi32> to vector<16xi32>
    tpu.vector_store %arg16[%swap3A_804], %swap3A_807 {strides = array<i32>} : memref<128xi32, #tpu.memory_space<vmem>>, vector<16xi32>,
    %iota3A_808 = tpu.iota {dimensions = array<i32: 0>} : vector<16xi32>
    %add3A_809 = arith.constant 32 : i32
    %add3A_810 = vector.broadcast %add3A_809 : i32 to vector<16xi32>
    %add3A_811 = arith.addi %iota3A_808, %add3A_810 : vector<16xi32>
    %mul3A_812 = arith.constant 2 : i32
    %mul3A_813 = vector.broadcast %mul3A_812 : i32 to vector<16xi32>
    %mul3A_814 = arith.muli %add3A_811, %mul3A_813 : vector<16xi32>
    %add3A_815 = vector.broadcast %add3A_781 : i32 to vector<16xi32>
    %add3A_816 = arith.addi %add3A_815, %mul3A_814 : vector<16xi32>
    %swap3A_817 = arith.constant 32 : index
    %swap3A_818 = tpu.vector_load %arg16[%swap3A_817] {strides = array<i32>} : memref<128xi32, #tpu.memory_space<vmem>>, vector<16xi32>,
    %swap3A_819 = vector.shape_cast %swap3A_818 : vector<16xi32> to vector<16xi32>
    %swap3A_820 = vector.shape_cast %add3A_816 : vector<16xi32> to vector<16xi32>
    tpu.vector_store %arg16[%swap3A_817], %swap3A_820 {strides = array<i32>} : memref<128xi32, #tpu.memory_space<vmem>>, vector<16xi32>,
    %iota3A_821 = tpu.iota {dimensions = array<i32: 0>} : vector<16xi32>
    %add3A_822 = arith.constant 48 : i32
    %add3A_823 = vector.broadcast %add3A_822 : i32 to vector<16xi32>
    %add3A_824 = arith.addi %iota3A_821, %add3A_823 : vector<16xi32>
    %mul3A_825 = arith.constant 2 : i32
    %mul3A_826 = vector.broadcast %mul3A_825 : i32 to vector<16xi32>
    %mul3A_827 = arith.muli %add3A_824, %mul3A_826 : vector<16xi32>
    %add3A_828 = vector.broadcast %add3A_781 : i32 to vector<16xi32>
    %add3A_829 = arith.addi %add3A_828, %mul3A_827 : vector<16xi32>
    %swap3A_830 = arith.constant 48 : index
    %swap3A_831 = tpu.vector_load %arg16[%swap3A_830] {strides = array<i32>} : memref<128xi32, #tpu.memory_space<vmem>>, vector<16xi32>,
    %swap3A_832 = vector.shape_cast %swap3A_831 : vector<16xi32> to vector<16xi32>
    %swap3A_833 = vector.shape_cast %add3A_829 : vector<16xi32> to vector<16xi32>
    tpu.vector_store %arg16[%swap3A_830], %swap3A_833 {strides = array<i32>} : memref<128xi32, #tpu.memory_space<vmem>>, vector<16xi32>,
    %iota3A_834 = tpu.iota {dimensions = array<i32: 0>} : vector<16xi32>
    %add3A_835 = arith.constant 64 : i32
    %add3A_836 = vector.broadcast %add3A_835 : i32 to vector<16xi32>
    %add3A_837 = arith.addi %iota3A_834, %add3A_836 : vector<16xi32>
    %mul3A_838 = arith.constant 2 : i32
    %mul3A_839 = vector.broadcast %mul3A_838 : i32 to vector<16xi32>
    %mul3A_840 = arith.muli %add3A_837, %mul3A_839 : vector<16xi32>
    %add3A_841 = vector.broadcast %add3A_781 : i32 to vector<16xi32>
    %add3A_842 = arith.addi %add3A_841, %mul3A_840 : vector<16xi32>
    %swap3A_843 = arith.constant 64 : index
    %swap3A_844 = tpu.vector_load %arg16[%swap3A_843] {strides = array<i32>} : memref<128xi32, #tpu.memory_space<vmem>>, vector<16xi32>,
    %swap3A_845 = vector.shape_cast %swap3A_844 : vector<16xi32> to vector<16xi32>
    %swap3A_846 = vector.shape_cast %add3A_842 : vector<16xi32> to vector<16xi32>
    tpu.vector_store %arg16[%swap3A_843], %swap3A_846 {strides = array<i32>} : memref<128xi32, #tpu.memory_space<vmem>>, vector<16xi32>,
    %iota3A_847 = tpu.iota {dimensions = array<i32: 0>} : vector<16xi32>
    %add3A_848 = arith.constant 80 : i32
    %add3A_849 = vector.broadcast %add3A_848 : i32 to vector<16xi32>
    %add3A_850 = arith.addi %iota3A_847, %add3A_849 : vector<16xi32>
    %mul3A_851 = arith.constant 2 : i32
    %mul3A_852 = vector.broadcast %mul3A_851 : i32 to vector<16xi32>
    %mul3A_853 = arith.muli %add3A_850, %mul3A_852 : vector<16xi32>
    %add3A_854 = vector.broadcast %add3A_781 : i32 to vector<16xi32>
    %add3A_855 = arith.addi %add3A_854, %mul3A_853 : vector<16xi32>
    %swap3A_856 = arith.constant 80 : index
    %swap3A_857 = tpu.vector_load %arg16[%swap3A_856] {strides = array<i32>} : memref<128xi32, #tpu.memory_space<vmem>>, vector<16xi32>,
    %swap3A_858 = vector.shape_cast %swap3A_857 : vector<16xi32> to vector<16xi32>
    %swap3A_859 = vector.shape_cast %add3A_855 : vector<16xi32> to vector<16xi32>
    tpu.vector_store %arg16[%swap3A_856], %swap3A_859 {strides = array<i32>} : memref<128xi32, #tpu.memory_space<vmem>>, vector<16xi32>,
    %iota3A_860 = tpu.iota {dimensions = array<i32: 0>} : vector<16xi32>
    %add3A_861 = arith.constant 96 : i32
    %add3A_862 = vector.broadcast %add3A_861 : i32 to vector<16xi32>
    %add3A_863 = arith.addi %iota3A_860, %add3A_862 : vector<16xi32>
    %mul3A_864 = arith.constant 2 : i32
    %mul3A_865 = vector.broadcast %mul3A_864 : i32 to vector<16xi32>
    %mul3A_866 = arith.muli %add3A_863, %mul3A_865 : vector<16xi32>
    %add3A_867 = vector.broadcast %add3A_781 : i32 to vector<16xi32>
    %add3A_868 = arith.addi %add3A_867, %mul3A_866 : vector<16xi32>
    %swap3A_869 = arith.constant 96 : index
    %swap3A_870 = tpu.vector_load %arg16[%swap3A_869] {strides = array<i32>} : memref<128xi32, #tpu.memory_space<vmem>>, vector<16xi32>,
    %swap3A_871 = vector.shape_cast %swap3A_870 : vector<16xi32> to vector<16xi32>
    %swap3A_872 = vector.shape_cast %add3A_868 : vector<16xi32> to vector<16xi32>
    tpu.vector_store %arg16[%swap3A_869], %swap3A_872 {strides = array<i32>} : memref<128xi32, #tpu.memory_space<vmem>>, vector<16xi32>,
    %iota3A_873 = tpu.iota {dimensions = array<i32: 0>} : vector<16xi32>
    %add3A_874 = arith.constant 112 : i32
    %add3A_875 = vector.broadcast %add3A_874 : i32 to vector<16xi32>
    %add3A_876 = arith.addi %iota3A_873, %add3A_875 : vector<16xi32>
    %mul3A_877 = arith.constant 2 : i32
    %mul3A_878 = vector.broadcast %mul3A_877 : i32 to vector<16xi32>
    %mul3A_879 = arith.muli %add3A_876, %mul3A_878 : vector<16xi32>
    %add3A_880 = vector.broadcast %add3A_781 : i32 to vector<16xi32>
    %add3A_881 = arith.addi %add3A_880, %mul3A_879 : vector<16xi32>
    %swap3A_882 = arith.constant 112 : index
    %swap3A_883 = tpu.vector_load %arg16[%swap3A_882] {strides = array<i32>} : memref<128xi32, #tpu.memory_space<vmem>>, vector<16xi32>,
    %swap3A_884 = vector.shape_cast %swap3A_883 : vector<16xi32> to vector<16xi32>
    %swap3A_885 = vector.shape_cast %add3A_881 : vector<16xi32> to vector<16xi32>
    tpu.vector_store %arg16[%swap3A_882], %swap3A_885 {strides = array<i32>} : memref<128xi32, #tpu.memory_space<vmem>>, vector<16xi32>,
    %dma_wait3A_886 = arith.constant 0 : i32
    %dma_wait3A_887 = tpu.memref_slice %arg2[%dma_wait3A_886] : memref<614400xi32, #tpu.memory_space<hbm>> -> memref<128xi32, #tpu.memory_space<hbm>>
    %dma_wait3A_888 = arith.constant 0 : i32
    %dma_wait3A_889 = tpu.memref_slice %arg2[%dma_wait3A_888] : memref<614400xi32, #tpu.memory_space<hbm>> -> memref<128xi32, #tpu.memory_space<hbm>>
    tpu.wait_dma2 semaphore(%arg40 : memref<!tpu.dma_semaphore, #tpu.memory_space<semaphore_mem>>) src(%dma_wait3A_889 : memref<128xi32, #tpu.memory_space<hbm>>) dst(%arg10 : memref<128xi32, #tpu.memory_space<vmem>>)
    %dma_start3A_890 = arith.constant 0 : i32
    %dma_start3A_891 = arith.constant 0 : i32
    %dma_start3A_892 = tpu.memref_slice %arg3[%dma_start3A_890, %dma_start3A_891] : memref<100001x64xf32, #tpu.memory_space<hbm>> -> memref<100001x64xf32, #tpu.memory_space<hbm>>
    tpu.enqueue_indirect_dma source(%dma_start3A_892 : memref<100001x64xf32, #tpu.memory_space<hbm>>) target(%arg22 : memref<128x64xf32, #tpu.memory_space<vmem>>) offsets(%arg10 : memref<128xi32, #tpu.memory_space<vmem>>) semaphore(%arg28 : memref<!tpu.dma_semaphore, #tpu.memory_space<semaphore_mem>>)
    %scan3A = arith.constant 0 : i32
    %scan3A_893 = arith.constant 23 : i32
    %scan3A_894 = arith.addi %scan3A, %scan3A_893 : i32
    %scan3A_895 = arith.constant 1 : i32
    scf.for %scan3A_1836 = %scan3A to %scan3A_894 step %scan3A_895  : i32 {
      %mul3A_1837 = arith.constant 1 : i32
      %mul3A_1838 = arith.muli %scan3A_1836, %mul3A_1837 : i32
      %add3A_1839 = arith.constant 0 : i32
      %add3A_1840 = arith.addi %add3A_1839, %mul3A_1838 : i32
      %mul3A_1841 = arith.constant 6 : i32
      %mul3A_1842 = arith.muli %add3A_1840, %mul3A_1841 : i32
      %add3A_1843 = arith.constant 6 : i32
      %add3A_1844 = arith.addi %add3A_1843, %mul3A_1842 : i32
      %add3A_1845 = arith.constant 0 : i32
      %add3A_1846 = arith.addi %add3A_1844, %add3A_1845 : i32
      %dma_wait3A_1847 = arith.constant 0 : i32
      %dma_wait3A_1848 = arith.constant 0 : i32
      %dma_wait3A_1849 = tpu.memref_slice %arg3[%dma_wait3A_1847, %dma_wait3A_1848] : memref<100001x64xf32, #tpu.memory_space<hbm>> -> memref<100001x64xf32, #tpu.memory_space<hbm>>
      tpu.wait_indirect_dma semaphore(%arg26 : memref<!tpu.dma_semaphore, #tpu.memory_space<semaphore_mem>>) src(%dma_wait3A_1849 : memref<100001x64xf32, #tpu.memory_space<hbm>>) dst(%arg20 : memref<128x64xf32, #tpu.memory_space<vmem>>)
      %dma_start3A_1850 = arith.constant 0 : i32
      %dma_start3A_1851 = arith.constant 0 : i32
      %dma_start3A_1852 = tpu.memref_slice %arg4[%dma_start3A_1850, %dma_start3A_1851] : memref<614400x64xf32, #tpu.memory_space<hbm>> -> memref<614400x64xf32, #tpu.memory_space<hbm>>
      tpu.enqueue_indirect_dma source(%arg20 : memref<128x64xf32, #tpu.memory_space<vmem>>) target(%dma_start3A_1852 : memref<614400x64xf32, #tpu.memory_space<hbm>>) offsets(%arg14 : memref<128xi32, #tpu.memory_space<vmem>>) semaphore(%arg32 : memref<!tpu.dma_semaphore, #tpu.memory_space<semaphore_mem>>)
      %add3A_1853 = arith.constant 3 : i32
      %add3A_1854 = arith.addi %add3A_1846, %add3A_1853 : i32
      %mul3A_1855 = arith.constant 128 : i32
      %mul3A_1856 = arith.muli %add3A_1854, %mul3A_1855 : i32
      %add3A_1857 = arith.addi %mul3A_2, %mul3A_1856 : i32
      %multiple_of3A_1858 = tpu.assume_multiple %add3A_1857, 128 : i32
      %dma_start3A_1859 = tpu.memref_slice %arg2[%multiple_of3A_1858] : memref<614400xi32, #tpu.memory_space<hbm>> -> memref<128xi32, #tpu.memory_space<hbm>>
      %dma_start3A_1860 = tpu.memref_slice %arg2[%multiple_of3A_1858] : memref<614400xi32, #tpu.memory_space<hbm>> -> memref<128xi32, #tpu.memory_space<hbm>>
      tpu.enqueue_dma source(%dma_start3A_1860 : memref<128xi32, #tpu.memory_space<hbm>>) target(%arg8 : memref<128xi32, #tpu.memory_space<vmem>>) target_semaphore(%arg38 : memref<!tpu.dma_semaphore, #tpu.memory_space<semaphore_mem>>)
      %dma_wait3A_1861 = arith.constant 0 : i32
      %dma_wait3A_1862 = arith.constant 0 : i32
      %dma_wait3A_1863 = tpu.memref_slice %arg4[%dma_wait3A_1861, %dma_wait3A_1862] : memref<614400x64xf32, #tpu.memory_space<hbm>> -> memref<614400x64xf32, #tpu.memory_space<hbm>>
      tpu.wait_indirect_dma semaphore(%arg29 : memref<!tpu.dma_semaphore, #tpu.memory_space<semaphore_mem>>) src(%arg17 : memref<128x64xf32, #tpu.memory_space<vmem>>) dst(%dma_wait3A_1863 : memref<614400x64xf32, #tpu.memory_space<hbm>>)
      %add3A_1864 = arith.addi %mul3A_4, %add3A_1846 : i32
      %shift_right_logical3A_1865 = arith.constant 3 : i32
      %shift_right_logical3A_1866 = arith.shrui %add3A_1864, %shift_right_logical3A_1865 : i32
      %mul3A_1867 = arith.constant 328 : i32
      %mul3A_1868 = arith.muli %shift_right_logical3A_1866, %mul3A_1867 : i32
      %shift_right_logical3A_1869 = arith.constant 16 : i32
      %shift_right_logical3A_1870 = arith.shrui %mul3A_1868, %shift_right_logical3A_1869 : i32
      %mul3A_1871 = arith.constant 200 : i32
      %mul3A_1872 = arith.muli %mul3A_1871, %shift_right_logical3A_1870 : i32
      %sub3A_1873 = arith.subi %shift_right_logical3A_1866, %mul3A_1872 : i32
      %and3A_1874 = arith.constant 7 : i32
      %and3A_1875 = arith.andi %add3A_1864, %and3A_1874 : i32
      %shift_left3A_1876 = arith.constant 7 : i32
      %shift_left3A_1877 = arith.shli %and3A_1875, %shift_left3A_1876 : i32
      %mul3A_1878 = arith.constant 3072 : i32
      %mul3A_1879 = arith.muli %sub3A_1873, %mul3A_1878 : i32
      %mul3A_1880 = arith.constant 1024 : i32
      %mul3A_1881 = arith.muli %shift_right_logical3A_1870, %mul3A_1880 : i32
      %add3A_1882 = arith.addi %mul3A_1879, %mul3A_1881 : i32
      %and3A_1883 = arith.constant 511 : i32
      %and3A_1884 = arith.andi %shift_left3A_1877, %and3A_1883 : i32
      %shift_left3A_1885 = arith.constant 1 : i32
      %shift_left3A_1886 = arith.shli %and3A_1884, %shift_left3A_1885 : i32
      %add3A_1887 = arith.addi %add3A_1882, %shift_left3A_1886 : i32
      %shift_right_logical3A_1888 = arith.constant 9 : i32
      %shift_right_logical3A_1889 = arith.shrui %shift_left3A_1877, %shift_right_logical3A_1888 : i32
      %add3A_1890 = arith.addi %add3A_1887, %shift_right_logical3A_1889 : i32
      %iota3A_1891 = tpu.iota {dimensions = array<i32: 0>} : vector<16xi32>
      %add3A_1892 = arith.constant 0 : i32
      %add3A_1893 = vector.broadcast %add3A_1892 : i32 to vector<16xi32>
      %add3A_1894 = arith.addi %iota3A_1891, %add3A_1893 : vector<16xi32>
      %mul3A_1895 = arith.constant 2 : i32
      %mul3A_1896 = vector.broadcast %mul3A_1895 : i32 to vector<16xi32>
      %mul3A_1897 = arith.muli %add3A_1894, %mul3A_1896 : vector<16xi32>
      %add3A_1898 = vector.broadcast %add3A_1890 : i32 to vector<16xi32>
      %add3A_1899 = arith.addi %add3A_1898, %mul3A_1897 : vector<16xi32>
      %swap3A_1900 = arith.constant 0 : index
      %swap3A_1901 = tpu.vector_load %arg11[%swap3A_1900] {strides = array<i32>} : memref<128xi32, #tpu.memory_space<vmem>>, vector<16xi32>,
      %swap3A_1902 = vector.shape_cast %swap3A_1901 : vector<16xi32> to vector<16xi32>
      %swap3A_1903 = vector.shape_cast %add3A_1899 : vector<16xi32> to vector<16xi32>
      tpu.vector_store %arg11[%swap3A_1900], %swap3A_1903 {strides = array<i32>} : memref<128xi32, #tpu.memory_space<vmem>>, vector<16xi32>,
      %iota3A_1904 = tpu.iota {dimensions = array<i32: 0>} : vector<16xi32>
      %add3A_1905 = arith.constant 16 : i32
      %add3A_1906 = vector.broadcast %add3A_1905 : i32 to vector<16xi32>
      %add3A_1907 = arith.addi %iota3A_1904, %add3A_1906 : vector<16xi32>
      %mul3A_1908 = arith.constant 2 : i32
      %mul3A_1909 = vector.broadcast %mul3A_1908 : i32 to vector<16xi32>
      %mul3A_1910 = arith.muli %add3A_1907, %mul3A_1909 : vector<16xi32>
      %add3A_1911 = vector.broadcast %add3A_1890 : i32 to vector<16xi32>
      %add3A_1912 = arith.addi %add3A_1911, %mul3A_1910 : vector<16xi32>
      %swap3A_1913 = arith.constant 16 : index
      %swap3A_1914 = tpu.vector_load %arg11[%swap3A_1913] {strides = array<i32>} : memref<128xi32, #tpu.memory_space<vmem>>, vector<16xi32>,
      %swap3A_1915 = vector.shape_cast %swap3A_1914 : vector<16xi32> to vector<16xi32>
      %swap3A_1916 = vector.shape_cast %add3A_1912 : vector<16xi32> to vector<16xi32>
      tpu.vector_store %arg11[%swap3A_1913], %swap3A_1916 {strides = array<i32>} : memref<128xi32, #tpu.memory_space<vmem>>, vector<16xi32>,
      %iota3A_1917 = tpu.iota {dimensions = array<i32: 0>} : vector<16xi32>
      %add3A_1918 = arith.constant 32 : i32
      %add3A_1919 = vector.broadcast %add3A_1918 : i32 to vector<16xi32>
      %add3A_1920 = arith.addi %iota3A_1917, %add3A_1919 : vector<16xi32>
      %mul3A_1921 = arith.constant 2 : i32
      %mul3A_1922 = vector.broadcast %mul3A_1921 : i32 to vector<16xi32>
      %mul3A_1923 = arith.muli %add3A_1920, %mul3A_1922 : vector<16xi32>
      %add3A_1924 = vector.broadcast %add3A_1890 : i32 to vector<16xi32>
      %add3A_1925 = arith.addi %add3A_1924, %mul3A_1923 : vector<16xi32>
      %swap3A_1926 = arith.constant 32 : index
      %swap3A_1927 = tpu.vector_load %arg11[%swap3A_1926] {strides = array<i32>} : memref<128xi32, #tpu.memory_space<vmem>>, vector<16xi32>,
      %swap3A_1928 = vector.shape_cast %swap3A_1927 : vector<16xi32> to vector<16xi32>
      %swap3A_1929 = vector.shape_cast %add3A_1925 : vector<16xi32> to vector<16xi32>
      tpu.vector_store %arg11[%swap3A_1926], %swap3A_1929 {strides = array<i32>} : memref<128xi32, #tpu.memory_space<vmem>>, vector<16xi32>,
      %iota3A_1930 = tpu.iota {dimensions = array<i32: 0>} : vector<16xi32>
      %add3A_1931 = arith.constant 48 : i32
      %add3A_1932 = vector.broadcast %add3A_1931 : i32 to vector<16xi32>
      %add3A_1933 = arith.addi %iota3A_1930, %add3A_1932 : vector<16xi32>
      %mul3A_1934 = arith.constant 2 : i32
      %mul3A_1935 = vector.broadcast %mul3A_1934 : i32 to vector<16xi32>
      %mul3A_1936 = arith.muli %add3A_1933, %mul3A_1935 : vector<16xi32>
      %add3A_1937 = vector.broadcast %add3A_1890 : i32 to vector<16xi32>
      %add3A_1938 = arith.addi %add3A_1937, %mul3A_1936 : vector<16xi32>
      %swap3A_1939 = arith.constant 48 : index
      %swap3A_1940 = tpu.vector_load %arg11[%swap3A_1939] {strides = array<i32>} : memref<128xi32, #tpu.memory_space<vmem>>, vector<16xi32>,
      %swap3A_1941 = vector.shape_cast %swap3A_1940 : vector<16xi32> to vector<16xi32>
      %swap3A_1942 = vector.shape_cast %add3A_1938 : vector<16xi32> to vector<16xi32>
      tpu.vector_store %arg11[%swap3A_1939], %swap3A_1942 {strides = array<i32>} : memref<128xi32, #tpu.memory_space<vmem>>, vector<16xi32>,
      %iota3A_1943 = tpu.iota {dimensions = array<i32: 0>} : vector<16xi32>
      %add3A_1944 = arith.constant 64 : i32
      %add3A_1945 = vector.broadcast %add3A_1944 : i32 to vector<16xi32>
      %add3A_1946 = arith.addi %iota3A_1943, %add3A_1945 : vector<16xi32>
      %mul3A_1947 = arith.constant 2 : i32
      %mul3A_1948 = vector.broadcast %mul3A_1947 : i32 to vector<16xi32>
      %mul3A_1949 = arith.muli %add3A_1946, %mul3A_1948 : vector<16xi32>
      %add3A_1950 = vector.broadcast %add3A_1890 : i32 to vector<16xi32>
      %add3A_1951 = arith.addi %add3A_1950, %mul3A_1949 : vector<16xi32>
      %swap3A_1952 = arith.constant 64 : index
      %swap3A_1953 = tpu.vector_load %arg11[%swap3A_1952] {strides = array<i32>} : memref<128xi32, #tpu.memory_space<vmem>>, vector<16xi32>,
      %swap3A_1954 = vector.shape_cast %swap3A_1953 : vector<16xi32> to vector<16xi32>
      %swap3A_1955 = vector.shape_cast %add3A_1951 : vector<16xi32> to vector<16xi32>
      tpu.vector_store %arg11[%swap3A_1952], %swap3A_1955 {strides = array<i32>} : memref<128xi32, #tpu.memory_space<vmem>>, vector<16xi32>,
      %iota3A_1956 = tpu.iota {dimensions = array<i32: 0>} : vector<16xi32>
      %add3A_1957 = arith.constant 80 : i32
      %add3A_1958 = vector.broadcast %add3A_1957 : i32 to vector<16xi32>
      %add3A_1959 = arith.addi %iota3A_1956, %add3A_1958 : vector<16xi32>
      %mul3A_1960 = arith.constant 2 : i32
      %mul3A_1961 = vector.broadcast %mul3A_1960 : i32 to vector<16xi32>
      %mul3A_1962 = arith.muli %add3A_1959, %mul3A_1961 : vector<16xi32>
      %add3A_1963 = vector.broadcast %add3A_1890 : i32 to vector<16xi32>
      %add3A_1964 = arith.addi %add3A_1963, %mul3A_1962 : vector<16xi32>
      %swap3A_1965 = arith.constant 80 : index
      %swap3A_1966 = tpu.vector_load %arg11[%swap3A_1965] {strides = array<i32>} : memref<128xi32, #tpu.memory_space<vmem>>, vector<16xi32>,
      %swap3A_1967 = vector.shape_cast %swap3A_1966 : vector<16xi32> to vector<16xi32>
      %swap3A_1968 = vector.shape_cast %add3A_1964 : vector<16xi32> to vector<16xi32>
      tpu.vector_store %arg11[%swap3A_1965], %swap3A_1968 {strides = array<i32>} : memref<128xi32, #tpu.memory_space<vmem>>, vector<16xi32>,
      %iota3A_1969 = tpu.iota {dimensions = array<i32: 0>} : vector<16xi32>
      %add3A_1970 = arith.constant 96 : i32
      %add3A_1971 = vector.broadcast %add3A_1970 : i32 to vector<16xi32>
      %add3A_1972 = arith.addi %iota3A_1969, %add3A_1971 : vector<16xi32>
      %mul3A_1973 = arith.constant 2 : i32
      %mul3A_1974 = vector.broadcast %mul3A_1973 : i32 to vector<16xi32>
      %mul3A_1975 = arith.muli %add3A_1972, %mul3A_1974 : vector<16xi32>
      %add3A_1976 = vector.broadcast %add3A_1890 : i32 to vector<16xi32>
      %add3A_1977 = arith.addi %add3A_1976, %mul3A_1975 : vector<16xi32>
      %swap3A_1978 = arith.constant 96 : index
      %swap3A_1979 = tpu.vector_load %arg11[%swap3A_1978] {strides = array<i32>} : memref<128xi32, #tpu.memory_space<vmem>>, vector<16xi32>,
      %swap3A_1980 = vector.shape_cast %swap3A_1979 : vector<16xi32> to vector<16xi32>
      %swap3A_1981 = vector.shape_cast %add3A_1977 : vector<16xi32> to vector<16xi32>
      tpu.vector_store %arg11[%swap3A_1978], %swap3A_1981 {strides = array<i32>} : memref<128xi32, #tpu.memory_space<vmem>>, vector<16xi32>,
      %iota3A_1982 = tpu.iota {dimensions = array<i32: 0>} : vector<16xi32>
      %add3A_1983 = arith.constant 112 : i32
      %add3A_1984 = vector.broadcast %add3A_1983 : i32 to vector<16xi32>
      %add3A_1985 = arith.addi %iota3A_1982, %add3A_1984 : vector<16xi32>
      %mul3A_1986 = arith.constant 2 : i32
      %mul3A_1987 = vector.broadcast %mul3A_1986 : i32 to vector<16xi32>
      %mul3A_1988 = arith.muli %add3A_1985, %mul3A_1987 : vector<16xi32>
      %add3A_1989 = vector.broadcast %add3A_1890 : i32 to vector<16xi32>
      %add3A_1990 = arith.addi %add3A_1989, %mul3A_1988 : vector<16xi32>
      %swap3A_1991 = arith.constant 112 : index
      %swap3A_1992 = tpu.vector_load %arg11[%swap3A_1991] {strides = array<i32>} : memref<128xi32, #tpu.memory_space<vmem>>, vector<16xi32>,
      %swap3A_1993 = vector.shape_cast %swap3A_1992 : vector<16xi32> to vector<16xi32>
      %swap3A_1994 = vector.shape_cast %add3A_1990 : vector<16xi32> to vector<16xi32>
      tpu.vector_store %arg11[%swap3A_1991], %swap3A_1994 {strides = array<i32>} : memref<128xi32, #tpu.memory_space<vmem>>, vector<16xi32>,
      %dma_wait3A_1995 = arith.constant 0 : i32
      %dma_wait3A_1996 = tpu.memref_slice %arg2[%dma_wait3A_1995] : memref<614400xi32, #tpu.memory_space<hbm>> -> memref<128xi32, #tpu.memory_space<hbm>>
      %dma_wait3A_1997 = arith.constant 0 : i32
      %dma_wait3A_1998 = tpu.memref_slice %arg2[%dma_wait3A_1997] : memref<614400xi32, #tpu.memory_space<hbm>> -> memref<128xi32, #tpu.memory_space<hbm>>
      tpu.wait_dma2 semaphore(%arg35 : memref<!tpu.dma_semaphore, #tpu.memory_space<semaphore_mem>>) src(%dma_wait3A_1998 : memref<128xi32, #tpu.memory_space<hbm>>) dst(%arg5 : memref<128xi32, #tpu.memory_space<vmem>>)
      %dma_start3A_1999 = arith.constant 0 : i32
      %dma_start3A_2000 = arith.constant 0 : i32
      %dma_start3A_2001 = tpu.memref_slice %arg3[%dma_start3A_1999, %dma_start3A_2000] : memref<100001x64xf32, #tpu.memory_space<hbm>> -> memref<100001x64xf32, #tpu.memory_space<hbm>>
      tpu.enqueue_indirect_dma source(%dma_start3A_2001 : memref<100001x64xf32, #tpu.memory_space<hbm>>) target(%arg17 : memref<128x64xf32, #tpu.memory_space<vmem>>) offsets(%arg5 : memref<128xi32, #tpu.memory_space<vmem>>) semaphore(%arg23 : memref<!tpu.dma_semaphore, #tpu.memory_space<semaphore_mem>>)
      %mul3A_2002 = arith.constant 6 : i32
      %mul3A_2003 = arith.muli %add3A_1840, %mul3A_2002 : i32
      %add3A_2004 = arith.constant 6 : i32
      %add3A_2005 = arith.addi %add3A_2004, %mul3A_2003 : i32
      %add3A_2006 = arith.constant 1 : i32
      %add3A_2007 = arith.addi %add3A_2005, %add3A_2006 : i32
      %dma_wait3A_2008 = arith.constant 0 : i32
      %dma_wait3A_2009 = arith.constant 0 : i32
      %dma_wait3A_2010 = tpu.memref_slice %arg3[%dma_wait3A_2008, %dma_wait3A_2009] : memref<100001x64xf32, #tpu.memory_space<hbm>> -> memref<100001x64xf32, #tpu.memory_space<hbm>>
      tpu.wait_indirect_dma semaphore(%arg27 : memref<!tpu.dma_semaphore, #tpu.memory_space<semaphore_mem>>) src(%dma_wait3A_2010 : memref<100001x64xf32, #tpu.memory_space<hbm>>) dst(%arg21 : memref<128x64xf32, #tpu.memory_space<vmem>>)
      %dma_start3A_2011 = arith.constant 0 : i32
      %dma_start3A_2012 = arith.constant 0 : i32
      %dma_start3A_2013 = tpu.memref_slice %arg4[%dma_start3A_2011, %dma_start3A_2012] : memref<614400x64xf32, #tpu.memory_space<hbm>> -> memref<614400x64xf32, #tpu.memory_space<hbm>>
      tpu.enqueue_indirect_dma source(%arg21 : memref<128x64xf32, #tpu.memory_space<vmem>>) target(%dma_start3A_2013 : memref<614400x64xf32, #tpu.memory_space<hbm>>) offsets(%arg15 : memref<128xi32, #tpu.memory_space<vmem>>) semaphore(%arg33 : memref<!tpu.dma_semaphore, #tpu.memory_space<semaphore_mem>>)
      %add3A_2014 = arith.constant 3 : i32
      %add3A_2015 = arith.addi %add3A_2007, %add3A_2014 : i32
      %mul3A_2016 = arith.constant 128 : i32
      %mul3A_2017 = arith.muli %add3A_2015, %mul3A_2016 : i32
      %add3A_2018 = arith.addi %mul3A_2, %mul3A_2017 : i32
      %multiple_of3A_2019 = tpu.assume_multiple %add3A_2018, 128 : i32
      %dma_start3A_2020 = tpu.memref_slice %arg2[%multiple_of3A_2019] : memref<614400xi32, #tpu.memory_space<hbm>> -> memref<128xi32, #tpu.memory_space<hbm>>
      %dma_start3A_2021 = tpu.memref_slice %arg2[%multiple_of3A_2019] : memref<614400xi32, #tpu.memory_space<hbm>> -> memref<128xi32, #tpu.memory_space<hbm>>
      tpu.enqueue_dma source(%dma_start3A_2021 : memref<128xi32, #tpu.memory_space<hbm>>) target(%arg9 : memref<128xi32, #tpu.memory_space<vmem>>) target_semaphore(%arg39 : memref<!tpu.dma_semaphore, #tpu.memory_space<semaphore_mem>>)
      %dma_wait3A_2022 = arith.constant 0 : i32
      %dma_wait3A_2023 = arith.constant 0 : i32
      %dma_wait3A_2024 = tpu.memref_slice %arg4[%dma_wait3A_2022, %dma_wait3A_2023] : memref<614400x64xf32, #tpu.memory_space<hbm>> -> memref<614400x64xf32, #tpu.memory_space<hbm>>
      tpu.wait_indirect_dma semaphore(%arg30 : memref<!tpu.dma_semaphore, #tpu.memory_space<semaphore_mem>>) src(%arg18 : memref<128x64xf32, #tpu.memory_space<vmem>>) dst(%dma_wait3A_2024 : memref<614400x64xf32, #tpu.memory_space<hbm>>)
      %add3A_2025 = arith.addi %mul3A_4, %add3A_2007 : i32
      %shift_right_logical3A_2026 = arith.constant 3 : i32
      %shift_right_logical3A_2027 = arith.shrui %add3A_2025, %shift_right_logical3A_2026 : i32
      %mul3A_2028 = arith.constant 328 : i32
      %mul3A_2029 = arith.muli %shift_right_logical3A_2027, %mul3A_2028 : i32
      %shift_right_logical3A_2030 = arith.constant 16 : i32
      %shift_right_logical3A_2031 = arith.shrui %mul3A_2029, %shift_right_logical3A_2030 : i32
      %mul3A_2032 = arith.constant 200 : i32
      %mul3A_2033 = arith.muli %mul3A_2032, %shift_right_logical3A_2031 : i32
      %sub3A_2034 = arith.subi %shift_right_logical3A_2027, %mul3A_2033 : i32
      %and3A_2035 = arith.constant 7 : i32
      %and3A_2036 = arith.andi %add3A_2025, %and3A_2035 : i32
      %shift_left3A_2037 = arith.constant 7 : i32
      %shift_left3A_2038 = arith.shli %and3A_2036, %shift_left3A_2037 : i32
      %mul3A_2039 = arith.constant 3072 : i32
      %mul3A_2040 = arith.muli %sub3A_2034, %mul3A_2039 : i32
      %mul3A_2041 = arith.constant 1024 : i32
      %mul3A_2042 = arith.muli %shift_right_logical3A_2031, %mul3A_2041 : i32
      %add3A_2043 = arith.addi %mul3A_2040, %mul3A_2042 : i32
      %and3A_2044 = arith.constant 511 : i32
      %and3A_2045 = arith.andi %shift_left3A_2038, %and3A_2044 : i32
      %shift_left3A_2046 = arith.constant 1 : i32
      %shift_left3A_2047 = arith.shli %and3A_2045, %shift_left3A_2046 : i32
      %add3A_2048 = arith.addi %add3A_2043, %shift_left3A_2047 : i32
      %shift_right_logical3A_2049 = arith.constant 9 : i32
      %shift_right_logical3A_2050 = arith.shrui %shift_left3A_2038, %shift_right_logical3A_2049 : i32
      %add3A_2051 = arith.addi %add3A_2048, %shift_right_logical3A_2050 : i32
      %iota3A_2052 = tpu.iota {dimensions = array<i32: 0>} : vector<16xi32>
      %add3A_2053 = arith.constant 0 : i32
      %add3A_2054 = vector.broadcast %add3A_2053 : i32 to vector<16xi32>
      %add3A_2055 = arith.addi %iota3A_2052, %add3A_2054 : vector<16xi32>
      %mul3A_2056 = arith.constant 2 : i32
      %mul3A_2057 = vector.broadcast %mul3A_2056 : i32 to vector<16xi32>
      %mul3A_2058 = arith.muli %add3A_2055, %mul3A_2057 : vector<16xi32>
      %add3A_2059 = vector.broadcast %add3A_2051 : i32 to vector<16xi32>
      %add3A_2060 = arith.addi %add3A_2059, %mul3A_2058 : vector<16xi32>
      %swap3A_2061 = arith.constant 0 : index
      %swap3A_2062 = tpu.vector_load %arg12[%swap3A_2061] {strides = array<i32>} : memref<128xi32, #tpu.memory_space<vmem>>, vector<16xi32>,
      %swap3A_2063 = vector.shape_cast %swap3A_2062 : vector<16xi32> to vector<16xi32>
      %swap3A_2064 = vector.shape_cast %add3A_2060 : vector<16xi32> to vector<16xi32>
      tpu.vector_store %arg12[%swap3A_2061], %swap3A_2064 {strides = array<i32>} : memref<128xi32, #tpu.memory_space<vmem>>, vector<16xi32>,
      %iota3A_2065 = tpu.iota {dimensions = array<i32: 0>} : vector<16xi32>
      %add3A_2066 = arith.constant 16 : i32
      %add3A_2067 = vector.broadcast %add3A_2066 : i32 to vector<16xi32>
      %add3A_2068 = arith.addi %iota3A_2065, %add3A_2067 : vector<16xi32>
      %mul3A_2069 = arith.constant 2 : i32
      %mul3A_2070 = vector.broadcast %mul3A_2069 : i32 to vector<16xi32>
      %mul3A_2071 = arith.muli %add3A_2068, %mul3A_2070 : vector<16xi32>
      %add3A_2072 = vector.broadcast %add3A_2051 : i32 to vector<16xi32>
      %add3A_2073 = arith.addi %add3A_2072, %mul3A_2071 : vector<16xi32>
      %swap3A_2074 = arith.constant 16 : index
      %swap3A_2075 = tpu.vector_load %arg12[%swap3A_2074] {strides = array<i32>} : memref<128xi32, #tpu.memory_space<vmem>>, vector<16xi32>,
      %swap3A_2076 = vector.shape_cast %swap3A_2075 : vector<16xi32> to vector<16xi32>
      %swap3A_2077 = vector.shape_cast %add3A_2073 : vector<16xi32> to vector<16xi32>
      tpu.vector_store %arg12[%swap3A_2074], %swap3A_2077 {strides = array<i32>} : memref<128xi32, #tpu.memory_space<vmem>>, vector<16xi32>,
      %iota3A_2078 = tpu.iota {dimensions = array<i32: 0>} : vector<16xi32>
      %add3A_2079 = arith.constant 32 : i32
      %add3A_2080 = vector.broadcast %add3A_2079 : i32 to vector<16xi32>
      %add3A_2081 = arith.addi %iota3A_2078, %add3A_2080 : vector<16xi32>
      %mul3A_2082 = arith.constant 2 : i32
      %mul3A_2083 = vector.broadcast %mul3A_2082 : i32 to vector<16xi32>
      %mul3A_2084 = arith.muli %add3A_2081, %mul3A_2083 : vector<16xi32>
      %add3A_2085 = vector.broadcast %add3A_2051 : i32 to vector<16xi32>
      %add3A_2086 = arith.addi %add3A_2085, %mul3A_2084 : vector<16xi32>
      %swap3A_2087 = arith.constant 32 : index
      %swap3A_2088 = tpu.vector_load %arg12[%swap3A_2087] {strides = array<i32>} : memref<128xi32, #tpu.memory_space<vmem>>, vector<16xi32>,
      %swap3A_2089 = vector.shape_cast %swap3A_2088 : vector<16xi32> to vector<16xi32>
      %swap3A_2090 = vector.shape_cast %add3A_2086 : vector<16xi32> to vector<16xi32>
      tpu.vector_store %arg12[%swap3A_2087], %swap3A_2090 {strides = array<i32>} : memref<128xi32, #tpu.memory_space<vmem>>, vector<16xi32>,
      %iota3A_2091 = tpu.iota {dimensions = array<i32: 0>} : vector<16xi32>
      %add3A_2092 = arith.constant 48 : i32
      %add3A_2093 = vector.broadcast %add3A_2092 : i32 to vector<16xi32>
      %add3A_2094 = arith.addi %iota3A_2091, %add3A_2093 : vector<16xi32>
      %mul3A_2095 = arith.constant 2 : i32
      %mul3A_2096 = vector.broadcast %mul3A_2095 : i32 to vector<16xi32>
      %mul3A_2097 = arith.muli %add3A_2094, %mul3A_2096 : vector<16xi32>
      %add3A_2098 = vector.broadcast %add3A_2051 : i32 to vector<16xi32>
      %add3A_2099 = arith.addi %add3A_2098, %mul3A_2097 : vector<16xi32>
      %swap3A_2100 = arith.constant 48 : index
      %swap3A_2101 = tpu.vector_load %arg12[%swap3A_2100] {strides = array<i32>} : memref<128xi32, #tpu.memory_space<vmem>>, vector<16xi32>,
      %swap3A_2102 = vector.shape_cast %swap3A_2101 : vector<16xi32> to vector<16xi32>
      %swap3A_2103 = vector.shape_cast %add3A_2099 : vector<16xi32> to vector<16xi32>
      tpu.vector_store %arg12[%swap3A_2100], %swap3A_2103 {strides = array<i32>} : memref<128xi32, #tpu.memory_space<vmem>>, vector<16xi32>,
      %iota3A_2104 = tpu.iota {dimensions = array<i32: 0>} : vector<16xi32>
      %add3A_2105 = arith.constant 64 : i32
      %add3A_2106 = vector.broadcast %add3A_2105 : i32 to vector<16xi32>
      %add3A_2107 = arith.addi %iota3A_2104, %add3A_2106 : vector<16xi32>
      %mul3A_2108 = arith.constant 2 : i32
      %mul3A_2109 = vector.broadcast %mul3A_2108 : i32 to vector<16xi32>
      %mul3A_2110 = arith.muli %add3A_2107, %mul3A_2109 : vector<16xi32>
      %add3A_2111 = vector.broadcast %add3A_2051 : i32 to vector<16xi32>
      %add3A_2112 = arith.addi %add3A_2111, %mul3A_2110 : vector<16xi32>
      %swap3A_2113 = arith.constant 64 : index
      %swap3A_2114 = tpu.vector_load %arg12[%swap3A_2113] {strides = array<i32>} : memref<128xi32, #tpu.memory_space<vmem>>, vector<16xi32>,
      %swap3A_2115 = vector.shape_cast %swap3A_2114 : vector<16xi32> to vector<16xi32>
      %swap3A_2116 = vector.shape_cast %add3A_2112 : vector<16xi32> to vector<16xi32>
      tpu.vector_store %arg12[%swap3A_2113], %swap3A_2116 {strides = array<i32>} : memref<128xi32, #tpu.memory_space<vmem>>, vector<16xi32>,
      %iota3A_2117 = tpu.iota {dimensions = array<i32: 0>} : vector<16xi32>
      %add3A_2118 = arith.constant 80 : i32
      %add3A_2119 = vector.broadcast %add3A_2118 : i32 to vector<16xi32>
      %add3A_2120 = arith.addi %iota3A_2117, %add3A_2119 : vector<16xi32>
      %mul3A_2121 = arith.constant 2 : i32
      %mul3A_2122 = vector.broadcast %mul3A_2121 : i32 to vector<16xi32>
      %mul3A_2123 = arith.muli %add3A_2120, %mul3A_2122 : vector<16xi32>
      %add3A_2124 = vector.broadcast %add3A_2051 : i32 to vector<16xi32>
      %add3A_2125 = arith.addi %add3A_2124, %mul3A_2123 : vector<16xi32>
      %swap3A_2126 = arith.constant 80 : index
      %swap3A_2127 = tpu.vector_load %arg12[%swap3A_2126] {strides = array<i32>} : memref<128xi32, #tpu.memory_space<vmem>>, vector<16xi32>,
      %swap3A_2128 = vector.shape_cast %swap3A_2127 : vector<16xi32> to vector<16xi32>
      %swap3A_2129 = vector.shape_cast %add3A_2125 : vector<16xi32> to vector<16xi32>
      tpu.vector_store %arg12[%swap3A_2126], %swap3A_2129 {strides = array<i32>} : memref<128xi32, #tpu.memory_space<vmem>>, vector<16xi32>,
      %iota3A_2130 = tpu.iota {dimensions = array<i32: 0>} : vector<16xi32>
      %add3A_2131 = arith.constant 96 : i32
      %add3A_2132 = vector.broadcast %add3A_2131 : i32 to vector<16xi32>
      %add3A_2133 = arith.addi %iota3A_2130, %add3A_2132 : vector<16xi32>
      %mul3A_2134 = arith.constant 2 : i32
      %mul3A_2135 = vector.broadcast %mul3A_2134 : i32 to vector<16xi32>
      %mul3A_2136 = arith.muli %add3A_2133, %mul3A_2135 : vector<16xi32>
      %add3A_2137 = vector.broadcast %add3A_2051 : i32 to vector<16xi32>
      %add3A_2138 = arith.addi %add3A_2137, %mul3A_2136 : vector<16xi32>
      %swap3A_2139 = arith.constant 96 : index
      %swap3A_2140 = tpu.vector_load %arg12[%swap3A_2139] {strides = array<i32>} : memref<128xi32, #tpu.memory_space<vmem>>, vector<16xi32>,
      %swap3A_2141 = vector.shape_cast %swap3A_2140 : vector<16xi32> to vector<16xi32>
      %swap3A_2142 = vector.shape_cast %add3A_2138 : vector<16xi32> to vector<16xi32>
      tpu.vector_store %arg12[%swap3A_2139], %swap3A_2142 {strides = array<i32>} : memref<128xi32, #tpu.memory_space<vmem>>, vector<16xi32>,
      %iota3A_2143 = tpu.iota {dimensions = array<i32: 0>} : vector<16xi32>
      %add3A_2144 = arith.constant 112 : i32
      %add3A_2145 = vector.broadcast %add3A_2144 : i32 to vector<16xi32>
      %add3A_2146 = arith.addi %iota3A_2143, %add3A_2145 : vector<16xi32>
      %mul3A_2147 = arith.constant 2 : i32
      %mul3A_2148 = vector.broadcast %mul3A_2147 : i32 to vector<16xi32>
      %mul3A_2149 = arith.muli %add3A_2146, %mul3A_2148 : vector<16xi32>
      %add3A_2150 = vector.broadcast %add3A_2051 : i32 to vector<16xi32>
      %add3A_2151 = arith.addi %add3A_2150, %mul3A_2149 : vector<16xi32>
      %swap3A_2152 = arith.constant 112 : index
      %swap3A_2153 = tpu.vector_load %arg12[%swap3A_2152] {strides = array<i32>} : memref<128xi32, #tpu.memory_space<vmem>>, vector<16xi32>,
      %swap3A_2154 = vector.shape_cast %swap3A_2153 : vector<16xi32> to vector<16xi32>
      %swap3A_2155 = vector.shape_cast %add3A_2151 : vector<16xi32> to vector<16xi32>
      tpu.vector_store %arg12[%swap3A_2152], %swap3A_2155 {strides = array<i32>} : memref<128xi32, #tpu.memory_space<vmem>>, vector<16xi32>,
      %dma_wait3A_2156 = arith.constant 0 : i32
      %dma_wait3A_2157 = tpu.memref_slice %arg2[%dma_wait3A_2156] : memref<614400xi32, #tpu.memory_space<hbm>> -> memref<128xi32, #tpu.memory_space<hbm>>
      %dma_wait3A_2158 = arith.constant 0 : i32
      %dma_wait3A_2159 = tpu.memref_slice %arg2[%dma_wait3A_2158] : memref<614400xi32, #tpu.memory_space<hbm>> -> memref<128xi32, #tpu.memory_space<hbm>>
      tpu.wait_dma2 semaphore(%arg36 : memref<!tpu.dma_semaphore, #tpu.memory_space<semaphore_mem>>) src(%dma_wait3A_2159 : memref<128xi32, #tpu.memory_space<hbm>>) dst(%arg6 : memref<128xi32, #tpu.memory_space<vmem>>)
      %dma_start3A_2160 = arith.constant 0 : i32
      %dma_start3A_2161 = arith.constant 0 : i32
      %dma_start3A_2162 = tpu.memref_slice %arg3[%dma_start3A_2160, %dma_start3A_2161] : memref<100001x64xf32, #tpu.memory_space<hbm>> -> memref<100001x64xf32, #tpu.memory_space<hbm>>
      tpu.enqueue_indirect_dma source(%dma_start3A_2162 : memref<100001x64xf32, #tpu.memory_space<hbm>>) target(%arg18 : memref<128x64xf32, #tpu.memory_space<vmem>>) offsets(%arg6 : memref<128xi32, #tpu.memory_space<vmem>>) semaphore(%arg24 : memref<!tpu.dma_semaphore, #tpu.memory_space<semaphore_mem>>)
      %mul3A_2163 = arith.constant 6 : i32
      %mul3A_2164 = arith.muli %add3A_1840, %mul3A_2163 : i32
      %add3A_2165 = arith.constant 6 : i32
      %add3A_2166 = arith.addi %add3A_2165, %mul3A_2164 : i32
      %add3A_2167 = arith.constant 2 : i32
      %add3A_2168 = arith.addi %add3A_2166, %add3A_2167 : i32
      %dma_wait3A_2169 = arith.constant 0 : i32
      %dma_wait3A_2170 = arith.constant 0 : i32
      %dma_wait3A_2171 = tpu.memref_slice %arg3[%dma_wait3A_2169, %dma_wait3A_2170] : memref<100001x64xf32, #tpu.memory_space<hbm>> -> memref<100001x64xf32, #tpu.memory_space<hbm>>
      tpu.wait_indirect_dma semaphore(%arg28 : memref<!tpu.dma_semaphore, #tpu.memory_space<semaphore_mem>>) src(%dma_wait3A_2171 : memref<100001x64xf32, #tpu.memory_space<hbm>>) dst(%arg22 : memref<128x64xf32, #tpu.memory_space<vmem>>)
      %dma_start3A_2172 = arith.constant 0 : i32
      %dma_start3A_2173 = arith.constant 0 : i32
      %dma_start3A_2174 = tpu.memref_slice %arg4[%dma_start3A_2172, %dma_start3A_2173] : memref<614400x64xf32, #tpu.memory_space<hbm>> -> memref<614400x64xf32, #tpu.memory_space<hbm>>
      tpu.enqueue_indirect_dma source(%arg22 : memref<128x64xf32, #tpu.memory_space<vmem>>) target(%dma_start3A_2174 : memref<614400x64xf32, #tpu.memory_space<hbm>>) offsets(%arg16 : memref<128xi32, #tpu.memory_space<vmem>>) semaphore(%arg34 : memref<!tpu.dma_semaphore, #tpu.memory_space<semaphore_mem>>)
      %add3A_2175 = arith.constant 3 : i32
      %add3A_2176 = arith.addi %add3A_2168, %add3A_2175 : i32
      %mul3A_2177 = arith.constant 128 : i32
      %mul3A_2178 = arith.muli %add3A_2176, %mul3A_2177 : i32
      %add3A_2179 = arith.addi %mul3A_2, %mul3A_2178 : i32
      %multiple_of3A_2180 = tpu.assume_multiple %add3A_2179, 128 : i32
      %dma_start3A_2181 = tpu.memref_slice %arg2[%multiple_of3A_2180] : memref<614400xi32, #tpu.memory_space<hbm>> -> memref<128xi32, #tpu.memory_space<hbm>>
      %dma_start3A_2182 = tpu.memref_slice %arg2[%multiple_of3A_2180] : memref<614400xi32, #tpu.memory_space<hbm>> -> memref<128xi32, #tpu.memory_space<hbm>>
      tpu.enqueue_dma source(%dma_start3A_2182 : memref<128xi32, #tpu.memory_space<hbm>>) target(%arg10 : memref<128xi32, #tpu.memory_space<vmem>>) target_semaphore(%arg40 : memref<!tpu.dma_semaphore, #tpu.memory_space<semaphore_mem>>)
      %dma_wait3A_2183 = arith.constant 0 : i32
      %dma_wait3A_2184 = arith.constant 0 : i32
      %dma_wait3A_2185 = tpu.memref_slice %arg4[%dma_wait3A_2183, %dma_wait3A_2184] : memref<614400x64xf32, #tpu.memory_space<hbm>> -> memref<614400x64xf32, #tpu.memory_space<hbm>>
      tpu.wait_indirect_dma semaphore(%arg31 : memref<!tpu.dma_semaphore, #tpu.memory_space<semaphore_mem>>) src(%arg19 : memref<128x64xf32, #tpu.memory_space<vmem>>) dst(%dma_wait3A_2185 : memref<614400x64xf32, #tpu.memory_space<hbm>>)
      %add3A_2186 = arith.addi %mul3A_4, %add3A_2168 : i32
      %shift_right_logical3A_2187 = arith.constant 3 : i32
      %shift_right_logical3A_2188 = arith.shrui %add3A_2186, %shift_right_logical3A_2187 : i32
      %mul3A_2189 = arith.constant 328 : i32
      %mul3A_2190 = arith.muli %shift_right_logical3A_2188, %mul3A_2189 : i32
      %shift_right_logical3A_2191 = arith.constant 16 : i32
      %shift_right_logical3A_2192 = arith.shrui %mul3A_2190, %shift_right_logical3A_2191 : i32
      %mul3A_2193 = arith.constant 200 : i32
      %mul3A_2194 = arith.muli %mul3A_2193, %shift_right_logical3A_2192 : i32
      %sub3A_2195 = arith.subi %shift_right_logical3A_2188, %mul3A_2194 : i32
      %and3A_2196 = arith.constant 7 : i32
      %and3A_2197 = arith.andi %add3A_2186, %and3A_2196 : i32
      %shift_left3A_2198 = arith.constant 7 : i32
      %shift_left3A_2199 = arith.shli %and3A_2197, %shift_left3A_2198 : i32
      %mul3A_2200 = arith.constant 3072 : i32
      %mul3A_2201 = arith.muli %sub3A_2195, %mul3A_2200 : i32
      %mul3A_2202 = arith.constant 1024 : i32
      %mul3A_2203 = arith.muli %shift_right_logical3A_2192, %mul3A_2202 : i32
      %add3A_2204 = arith.addi %mul3A_2201, %mul3A_2203 : i32
      %and3A_2205 = arith.constant 511 : i32
      %and3A_2206 = arith.andi %shift_left3A_2199, %and3A_2205 : i32
      %shift_left3A_2207 = arith.constant 1 : i32
      %shift_left3A_2208 = arith.shli %and3A_2206, %shift_left3A_2207 : i32
      %add3A_2209 = arith.addi %add3A_2204, %shift_left3A_2208 : i32
      %shift_right_logical3A_2210 = arith.constant 9 : i32
      %shift_right_logical3A_2211 = arith.shrui %shift_left3A_2199, %shift_right_logical3A_2210 : i32
      %add3A_2212 = arith.addi %add3A_2209, %shift_right_logical3A_2211 : i32
      %iota3A_2213 = tpu.iota {dimensions = array<i32: 0>} : vector<16xi32>
      %add3A_2214 = arith.constant 0 : i32
      %add3A_2215 = vector.broadcast %add3A_2214 : i32 to vector<16xi32>
      %add3A_2216 = arith.addi %iota3A_2213, %add3A_2215 : vector<16xi32>
      %mul3A_2217 = arith.constant 2 : i32
      %mul3A_2218 = vector.broadcast %mul3A_2217 : i32 to vector<16xi32>
      %mul3A_2219 = arith.muli %add3A_2216, %mul3A_2218 : vector<16xi32>
      %add3A_2220 = vector.broadcast %add3A_2212 : i32 to vector<16xi32>
      %add3A_2221 = arith.addi %add3A_2220, %mul3A_2219 : vector<16xi32>
      %swap3A_2222 = arith.constant 0 : index
      %swap3A_2223 = tpu.vector_load %arg13[%swap3A_2222] {strides = array<i32>} : memref<128xi32, #tpu.memory_space<vmem>>, vector<16xi32>,
      %swap3A_2224 = vector.shape_cast %swap3A_2223 : vector<16xi32> to vector<16xi32>
      %swap3A_2225 = vector.shape_cast %add3A_2221 : vector<16xi32> to vector<16xi32>
      tpu.vector_store %arg13[%swap3A_2222], %swap3A_2225 {strides = array<i32>} : memref<128xi32, #tpu.memory_space<vmem>>, vector<16xi32>,
      %iota3A_2226 = tpu.iota {dimensions = array<i32: 0>} : vector<16xi32>
      %add3A_2227 = arith.constant 16 : i32
      %add3A_2228 = vector.broadcast %add3A_2227 : i32 to vector<16xi32>
      %add3A_2229 = arith.addi %iota3A_2226, %add3A_2228 : vector<16xi32>
      %mul3A_2230 = arith.constant 2 : i32
      %mul3A_2231 = vector.broadcast %mul3A_2230 : i32 to vector<16xi32>
      %mul3A_2232 = arith.muli %add3A_2229, %mul3A_2231 : vector<16xi32>
      %add3A_2233 = vector.broadcast %add3A_2212 : i32 to vector<16xi32>
      %add3A_2234 = arith.addi %add3A_2233, %mul3A_2232 : vector<16xi32>
      %swap3A_2235 = arith.constant 16 : index
      %swap3A_2236 = tpu.vector_load %arg13[%swap3A_2235] {strides = array<i32>} : memref<128xi32, #tpu.memory_space<vmem>>, vector<16xi32>,
      %swap3A_2237 = vector.shape_cast %swap3A_2236 : vector<16xi32> to vector<16xi32>
      %swap3A_2238 = vector.shape_cast %add3A_2234 : vector<16xi32> to vector<16xi32>
      tpu.vector_store %arg13[%swap3A_2235], %swap3A_2238 {strides = array<i32>} : memref<128xi32, #tpu.memory_space<vmem>>, vector<16xi32>,
      %iota3A_2239 = tpu.iota {dimensions = array<i32: 0>} : vector<16xi32>
      %add3A_2240 = arith.constant 32 : i32
      %add3A_2241 = vector.broadcast %add3A_2240 : i32 to vector<16xi32>
      %add3A_2242 = arith.addi %iota3A_2239, %add3A_2241 : vector<16xi32>
      %mul3A_2243 = arith.constant 2 : i32
      %mul3A_2244 = vector.broadcast %mul3A_2243 : i32 to vector<16xi32>
      %mul3A_2245 = arith.muli %add3A_2242, %mul3A_2244 : vector<16xi32>
      %add3A_2246 = vector.broadcast %add3A_2212 : i32 to vector<16xi32>
      %add3A_2247 = arith.addi %add3A_2246, %mul3A_2245 : vector<16xi32>
      %swap3A_2248 = arith.constant 32 : index
      %swap3A_2249 = tpu.vector_load %arg13[%swap3A_2248] {strides = array<i32>} : memref<128xi32, #tpu.memory_space<vmem>>, vector<16xi32>,
      %swap3A_2250 = vector.shape_cast %swap3A_2249 : vector<16xi32> to vector<16xi32>
      %swap3A_2251 = vector.shape_cast %add3A_2247 : vector<16xi32> to vector<16xi32>
      tpu.vector_store %arg13[%swap3A_2248], %swap3A_2251 {strides = array<i32>} : memref<128xi32, #tpu.memory_space<vmem>>, vector<16xi32>,
      %iota3A_2252 = tpu.iota {dimensions = array<i32: 0>} : vector<16xi32>
      %add3A_2253 = arith.constant 48 : i32
      %add3A_2254 = vector.broadcast %add3A_2253 : i32 to vector<16xi32>
      %add3A_2255 = arith.addi %iota3A_2252, %add3A_2254 : vector<16xi32>
      %mul3A_2256 = arith.constant 2 : i32
      %mul3A_2257 = vector.broadcast %mul3A_2256 : i32 to vector<16xi32>
      %mul3A_2258 = arith.muli %add3A_2255, %mul3A_2257 : vector<16xi32>
      %add3A_2259 = vector.broadcast %add3A_2212 : i32 to vector<16xi32>
      %add3A_2260 = arith.addi %add3A_2259, %mul3A_2258 : vector<16xi32>
      %swap3A_2261 = arith.constant 48 : index
      %swap3A_2262 = tpu.vector_load %arg13[%swap3A_2261] {strides = array<i32>} : memref<128xi32, #tpu.memory_space<vmem>>, vector<16xi32>,
      %swap3A_2263 = vector.shape_cast %swap3A_2262 : vector<16xi32> to vector<16xi32>
      %swap3A_2264 = vector.shape_cast %add3A_2260 : vector<16xi32> to vector<16xi32>
      tpu.vector_store %arg13[%swap3A_2261], %swap3A_2264 {strides = array<i32>} : memref<128xi32, #tpu.memory_space<vmem>>, vector<16xi32>,
      %iota3A_2265 = tpu.iota {dimensions = array<i32: 0>} : vector<16xi32>
      %add3A_2266 = arith.constant 64 : i32
      %add3A_2267 = vector.broadcast %add3A_2266 : i32 to vector<16xi32>
      %add3A_2268 = arith.addi %iota3A_2265, %add3A_2267 : vector<16xi32>
      %mul3A_2269 = arith.constant 2 : i32
      %mul3A_2270 = vector.broadcast %mul3A_2269 : i32 to vector<16xi32>
      %mul3A_2271 = arith.muli %add3A_2268, %mul3A_2270 : vector<16xi32>
      %add3A_2272 = vector.broadcast %add3A_2212 : i32 to vector<16xi32>
      %add3A_2273 = arith.addi %add3A_2272, %mul3A_2271 : vector<16xi32>
      %swap3A_2274 = arith.constant 64 : index
      %swap3A_2275 = tpu.vector_load %arg13[%swap3A_2274] {strides = array<i32>} : memref<128xi32, #tpu.memory_space<vmem>>, vector<16xi32>,
      %swap3A_2276 = vector.shape_cast %swap3A_2275 : vector<16xi32> to vector<16xi32>
      %swap3A_2277 = vector.shape_cast %add3A_2273 : vector<16xi32> to vector<16xi32>
      tpu.vector_store %arg13[%swap3A_2274], %swap3A_2277 {strides = array<i32>} : memref<128xi32, #tpu.memory_space<vmem>>, vector<16xi32>,
      %iota3A_2278 = tpu.iota {dimensions = array<i32: 0>} : vector<16xi32>
      %add3A_2279 = arith.constant 80 : i32
      %add3A_2280 = vector.broadcast %add3A_2279 : i32 to vector<16xi32>
      %add3A_2281 = arith.addi %iota3A_2278, %add3A_2280 : vector<16xi32>
      %mul3A_2282 = arith.constant 2 : i32
      %mul3A_2283 = vector.broadcast %mul3A_2282 : i32 to vector<16xi32>
      %mul3A_2284 = arith.muli %add3A_2281, %mul3A_2283 : vector<16xi32>
      %add3A_2285 = vector.broadcast %add3A_2212 : i32 to vector<16xi32>
      %add3A_2286 = arith.addi %add3A_2285, %mul3A_2284 : vector<16xi32>
      %swap3A_2287 = arith.constant 80 : index
      %swap3A_2288 = tpu.vector_load %arg13[%swap3A_2287] {strides = array<i32>} : memref<128xi32, #tpu.memory_space<vmem>>, vector<16xi32>,
      %swap3A_2289 = vector.shape_cast %swap3A_2288 : vector<16xi32> to vector<16xi32>
      %swap3A_2290 = vector.shape_cast %add3A_2286 : vector<16xi32> to vector<16xi32>
      tpu.vector_store %arg13[%swap3A_2287], %swap3A_2290 {strides = array<i32>} : memref<128xi32, #tpu.memory_space<vmem>>, vector<16xi32>,
      %iota3A_2291 = tpu.iota {dimensions = array<i32: 0>} : vector<16xi32>
      %add3A_2292 = arith.constant 96 : i32
      %add3A_2293 = vector.broadcast %add3A_2292 : i32 to vector<16xi32>
      %add3A_2294 = arith.addi %iota3A_2291, %add3A_2293 : vector<16xi32>
      %mul3A_2295 = arith.constant 2 : i32
      %mul3A_2296 = vector.broadcast %mul3A_2295 : i32 to vector<16xi32>
      %mul3A_2297 = arith.muli %add3A_2294, %mul3A_2296 : vector<16xi32>
      %add3A_2298 = vector.broadcast %add3A_2212 : i32 to vector<16xi32>
      %add3A_2299 = arith.addi %add3A_2298, %mul3A_2297 : vector<16xi32>
      %swap3A_2300 = arith.constant 96 : index
      %swap3A_2301 = tpu.vector_load %arg13[%swap3A_2300] {strides = array<i32>} : memref<128xi32, #tpu.memory_space<vmem>>, vector<16xi32>,
      %swap3A_2302 = vector.shape_cast %swap3A_2301 : vector<16xi32> to vector<16xi32>
      %swap3A_2303 = vector.shape_cast %add3A_2299 : vector<16xi32> to vector<16xi32>
      tpu.vector_store %arg13[%swap3A_2300], %swap3A_2303 {strides = array<i32>} : memref<128xi32, #tpu.memory_space<vmem>>, vector<16xi32>,
      %iota3A_2304 = tpu.iota {dimensions = array<i32: 0>} : vector<16xi32>
      %add3A_2305 = arith.constant 112 : i32
      %add3A_2306 = vector.broadcast %add3A_2305 : i32 to vector<16xi32>
      %add3A_2307 = arith.addi %iota3A_2304, %add3A_2306 : vector<16xi32>
      %mul3A_2308 = arith.constant 2 : i32
      %mul3A_2309 = vector.broadcast %mul3A_2308 : i32 to vector<16xi32>
      %mul3A_2310 = arith.muli %add3A_2307, %mul3A_2309 : vector<16xi32>
      %add3A_2311 = vector.broadcast %add3A_2212 : i32 to vector<16xi32>
      %add3A_2312 = arith.addi %add3A_2311, %mul3A_2310 : vector<16xi32>
      %swap3A_2313 = arith.constant 112 : index
      %swap3A_2314 = tpu.vector_load %arg13[%swap3A_2313] {strides = array<i32>} : memref<128xi32, #tpu.memory_space<vmem>>, vector<16xi32>,
      %swap3A_2315 = vector.shape_cast %swap3A_2314 : vector<16xi32> to vector<16xi32>
      %swap3A_2316 = vector.shape_cast %add3A_2312 : vector<16xi32> to vector<16xi32>
      tpu.vector_store %arg13[%swap3A_2313], %swap3A_2316 {strides = array<i32>} : memref<128xi32, #tpu.memory_space<vmem>>, vector<16xi32>,
      %dma_wait3A_2317 = arith.constant 0 : i32
      %dma_wait3A_2318 = tpu.memref_slice %arg2[%dma_wait3A_2317] : memref<614400xi32, #tpu.memory_space<hbm>> -> memref<128xi32, #tpu.memory_space<hbm>>
      %dma_wait3A_2319 = arith.constant 0 : i32
      %dma_wait3A_2320 = tpu.memref_slice %arg2[%dma_wait3A_2319] : memref<614400xi32, #tpu.memory_space<hbm>> -> memref<128xi32, #tpu.memory_space<hbm>>
      tpu.wait_dma2 semaphore(%arg37 : memref<!tpu.dma_semaphore, #tpu.memory_space<semaphore_mem>>) src(%dma_wait3A_2320 : memref<128xi32, #tpu.memory_space<hbm>>) dst(%arg7 : memref<128xi32, #tpu.memory_space<vmem>>)
      %dma_start3A_2321 = arith.constant 0 : i32
      %dma_start3A_2322 = arith.constant 0 : i32
      %dma_start3A_2323 = tpu.memref_slice %arg3[%dma_start3A_2321, %dma_start3A_2322] : memref<100001x64xf32, #tpu.memory_space<hbm>> -> memref<100001x64xf32, #tpu.memory_space<hbm>>
      tpu.enqueue_indirect_dma source(%dma_start3A_2323 : memref<100001x64xf32, #tpu.memory_space<hbm>>) target(%arg19 : memref<128x64xf32, #tpu.memory_space<vmem>>) offsets(%arg7 : memref<128xi32, #tpu.memory_space<vmem>>) semaphore(%arg25 : memref<!tpu.dma_semaphore, #tpu.memory_space<semaphore_mem>>)
      %mul3A_2324 = arith.constant 6 : i32
      %mul3A_2325 = arith.muli %add3A_1840, %mul3A_2324 : i32
      %add3A_2326 = arith.constant 6 : i32
      %add3A_2327 = arith.addi %add3A_2326, %mul3A_2325 : i32
      %add3A_2328 = arith.constant 3 : i32
      %add3A_2329 = arith.addi %add3A_2327, %add3A_2328 : i32
      %dma_wait3A_2330 = arith.constant 0 : i32
      %dma_wait3A_2331 = arith.constant 0 : i32
      %dma_wait3A_2332 = tpu.memref_slice %arg3[%dma_wait3A_2330, %dma_wait3A_2331] : memref<100001x64xf32, #tpu.memory_space<hbm>> -> memref<100001x64xf32, #tpu.memory_space<hbm>>
      tpu.wait_indirect_dma semaphore(%arg23 : memref<!tpu.dma_semaphore, #tpu.memory_space<semaphore_mem>>) src(%dma_wait3A_2332 : memref<100001x64xf32, #tpu.memory_space<hbm>>) dst(%arg17 : memref<128x64xf32, #tpu.memory_space<vmem>>)
      %dma_start3A_2333 = arith.constant 0 : i32
      %dma_start3A_2334 = arith.constant 0 : i32
      %dma_start3A_2335 = tpu.memref_slice %arg4[%dma_start3A_2333, %dma_start3A_2334] : memref<614400x64xf32, #tpu.memory_space<hbm>> -> memref<614400x64xf32, #tpu.memory_space<hbm>>
      tpu.enqueue_indirect_dma source(%arg17 : memref<128x64xf32, #tpu.memory_space<vmem>>) target(%dma_start3A_2335 : memref<614400x64xf32, #tpu.memory_space<hbm>>) offsets(%arg11 : memref<128xi32, #tpu.memory_space<vmem>>) semaphore(%arg29 : memref<!tpu.dma_semaphore, #tpu.memory_space<semaphore_mem>>)
      %add3A_2336 = arith.constant 3 : i32
      %add3A_2337 = arith.addi %add3A_2329, %add3A_2336 : i32
      %mul3A_2338 = arith.constant 128 : i32
      %mul3A_2339 = arith.muli %add3A_2337, %mul3A_2338 : i32
      %add3A_2340 = arith.addi %mul3A_2, %mul3A_2339 : i32
      %multiple_of3A_2341 = tpu.assume_multiple %add3A_2340, 128 : i32
      %dma_start3A_2342 = tpu.memref_slice %arg2[%multiple_of3A_2341] : memref<614400xi32, #tpu.memory_space<hbm>> -> memref<128xi32, #tpu.memory_space<hbm>>
      %dma_start3A_2343 = tpu.memref_slice %arg2[%multiple_of3A_2341] : memref<614400xi32, #tpu.memory_space<hbm>> -> memref<128xi32, #tpu.memory_space<hbm>>
      tpu.enqueue_dma source(%dma_start3A_2343 : memref<128xi32, #tpu.memory_space<hbm>>) target(%arg5 : memref<128xi32, #tpu.memory_space<vmem>>) target_semaphore(%arg35 : memref<!tpu.dma_semaphore, #tpu.memory_space<semaphore_mem>>)
      %dma_wait3A_2344 = arith.constant 0 : i32
      %dma_wait3A_2345 = arith.constant 0 : i32
      %dma_wait3A_2346 = tpu.memref_slice %arg4[%dma_wait3A_2344, %dma_wait3A_2345] : memref<614400x64xf32, #tpu.memory_space<hbm>> -> memref<614400x64xf32, #tpu.memory_space<hbm>>
      tpu.wait_indirect_dma semaphore(%arg32 : memref<!tpu.dma_semaphore, #tpu.memory_space<semaphore_mem>>) src(%arg20 : memref<128x64xf32, #tpu.memory_space<vmem>>) dst(%dma_wait3A_2346 : memref<614400x64xf32, #tpu.memory_space<hbm>>)
      %add3A_2347 = arith.addi %mul3A_4, %add3A_2329 : i32
      %shift_right_logical3A_2348 = arith.constant 3 : i32
      %shift_right_logical3A_2349 = arith.shrui %add3A_2347, %shift_right_logical3A_2348 : i32
      %mul3A_2350 = arith.constant 328 : i32
      %mul3A_2351 = arith.muli %shift_right_logical3A_2349, %mul3A_2350 : i32
      %shift_right_logical3A_2352 = arith.constant 16 : i32
      %shift_right_logical3A_2353 = arith.shrui %mul3A_2351, %shift_right_logical3A_2352 : i32
      %mul3A_2354 = arith.constant 200 : i32
      %mul3A_2355 = arith.muli %mul3A_2354, %shift_right_logical3A_2353 : i32
      %sub3A_2356 = arith.subi %shift_right_logical3A_2349, %mul3A_2355 : i32
      %and3A_2357 = arith.constant 7 : i32
      %and3A_2358 = arith.andi %add3A_2347, %and3A_2357 : i32
      %shift_left3A_2359 = arith.constant 7 : i32
      %shift_left3A_2360 = arith.shli %and3A_2358, %shift_left3A_2359 : i32
      %mul3A_2361 = arith.constant 3072 : i32
      %mul3A_2362 = arith.muli %sub3A_2356, %mul3A_2361 : i32
      %mul3A_2363 = arith.constant 1024 : i32
      %mul3A_2364 = arith.muli %shift_right_logical3A_2353, %mul3A_2363 : i32
      %add3A_2365 = arith.addi %mul3A_2362, %mul3A_2364 : i32
      %and3A_2366 = arith.constant 511 : i32
      %and3A_2367 = arith.andi %shift_left3A_2360, %and3A_2366 : i32
      %shift_left3A_2368 = arith.constant 1 : i32
      %shift_left3A_2369 = arith.shli %and3A_2367, %shift_left3A_2368 : i32
      %add3A_2370 = arith.addi %add3A_2365, %shift_left3A_2369 : i32
      %shift_right_logical3A_2371 = arith.constant 9 : i32
      %shift_right_logical3A_2372 = arith.shrui %shift_left3A_2360, %shift_right_logical3A_2371 : i32
      %add3A_2373 = arith.addi %add3A_2370, %shift_right_logical3A_2372 : i32
      %iota3A_2374 = tpu.iota {dimensions = array<i32: 0>} : vector<16xi32>
      %add3A_2375 = arith.constant 0 : i32
      %add3A_2376 = vector.broadcast %add3A_2375 : i32 to vector<16xi32>
      %add3A_2377 = arith.addi %iota3A_2374, %add3A_2376 : vector<16xi32>
      %mul3A_2378 = arith.constant 2 : i32
      %mul3A_2379 = vector.broadcast %mul3A_2378 : i32 to vector<16xi32>
      %mul3A_2380 = arith.muli %add3A_2377, %mul3A_2379 : vector<16xi32>
      %add3A_2381 = vector.broadcast %add3A_2373 : i32 to vector<16xi32>
      %add3A_2382 = arith.addi %add3A_2381, %mul3A_2380 : vector<16xi32>
      %swap3A_2383 = arith.constant 0 : index
      %swap3A_2384 = tpu.vector_load %arg14[%swap3A_2383] {strides = array<i32>} : memref<128xi32, #tpu.memory_space<vmem>>, vector<16xi32>,
      %swap3A_2385 = vector.shape_cast %swap3A_2384 : vector<16xi32> to vector<16xi32>
      %swap3A_2386 = vector.shape_cast %add3A_2382 : vector<16xi32> to vector<16xi32>
      tpu.vector_store %arg14[%swap3A_2383], %swap3A_2386 {strides = array<i32>} : memref<128xi32, #tpu.memory_space<vmem>>, vector<16xi32>,
      %iota3A_2387 = tpu.iota {dimensions = array<i32: 0>} : vector<16xi32>
      %add3A_2388 = arith.constant 16 : i32
      %add3A_2389 = vector.broadcast %add3A_2388 : i32 to vector<16xi32>
      %add3A_2390 = arith.addi %iota3A_2387, %add3A_2389 : vector<16xi32>
      %mul3A_2391 = arith.constant 2 : i32
      %mul3A_2392 = vector.broadcast %mul3A_2391 : i32 to vector<16xi32>
      %mul3A_2393 = arith.muli %add3A_2390, %mul3A_2392 : vector<16xi32>
      %add3A_2394 = vector.broadcast %add3A_2373 : i32 to vector<16xi32>
      %add3A_2395 = arith.addi %add3A_2394, %mul3A_2393 : vector<16xi32>
      %swap3A_2396 = arith.constant 16 : index
      %swap3A_2397 = tpu.vector_load %arg14[%swap3A_2396] {strides = array<i32>} : memref<128xi32, #tpu.memory_space<vmem>>, vector<16xi32>,
      %swap3A_2398 = vector.shape_cast %swap3A_2397 : vector<16xi32> to vector<16xi32>
      %swap3A_2399 = vector.shape_cast %add3A_2395 : vector<16xi32> to vector<16xi32>
      tpu.vector_store %arg14[%swap3A_2396], %swap3A_2399 {strides = array<i32>} : memref<128xi32, #tpu.memory_space<vmem>>, vector<16xi32>,
      %iota3A_2400 = tpu.iota {dimensions = array<i32: 0>} : vector<16xi32>
      %add3A_2401 = arith.constant 32 : i32
      %add3A_2402 = vector.broadcast %add3A_2401 : i32 to vector<16xi32>
      %add3A_2403 = arith.addi %iota3A_2400, %add3A_2402 : vector<16xi32>
      %mul3A_2404 = arith.constant 2 : i32
      %mul3A_2405 = vector.broadcast %mul3A_2404 : i32 to vector<16xi32>
      %mul3A_2406 = arith.muli %add3A_2403, %mul3A_2405 : vector<16xi32>
      %add3A_2407 = vector.broadcast %add3A_2373 : i32 to vector<16xi32>
      %add3A_2408 = arith.addi %add3A_2407, %mul3A_2406 : vector<16xi32>
      %swap3A_2409 = arith.constant 32 : index
      %swap3A_2410 = tpu.vector_load %arg14[%swap3A_2409] {strides = array<i32>} : memref<128xi32, #tpu.memory_space<vmem>>, vector<16xi32>,
      %swap3A_2411 = vector.shape_cast %swap3A_2410 : vector<16xi32> to vector<16xi32>
      %swap3A_2412 = vector.shape_cast %add3A_2408 : vector<16xi32> to vector<16xi32>
      tpu.vector_store %arg14[%swap3A_2409], %swap3A_2412 {strides = array<i32>} : memref<128xi32, #tpu.memory_space<vmem>>, vector<16xi32>,
      %iota3A_2413 = tpu.iota {dimensions = array<i32: 0>} : vector<16xi32>
      %add3A_2414 = arith.constant 48 : i32
      %add3A_2415 = vector.broadcast %add3A_2414 : i32 to vector<16xi32>
      %add3A_2416 = arith.addi %iota3A_2413, %add3A_2415 : vector<16xi32>
      %mul3A_2417 = arith.constant 2 : i32
      %mul3A_2418 = vector.broadcast %mul3A_2417 : i32 to vector<16xi32>
      %mul3A_2419 = arith.muli %add3A_2416, %mul3A_2418 : vector<16xi32>
      %add3A_2420 = vector.broadcast %add3A_2373 : i32 to vector<16xi32>
      %add3A_2421 = arith.addi %add3A_2420, %mul3A_2419 : vector<16xi32>
      %swap3A_2422 = arith.constant 48 : index
      %swap3A_2423 = tpu.vector_load %arg14[%swap3A_2422] {strides = array<i32>} : memref<128xi32, #tpu.memory_space<vmem>>, vector<16xi32>,
      %swap3A_2424 = vector.shape_cast %swap3A_2423 : vector<16xi32> to vector<16xi32>
      %swap3A_2425 = vector.shape_cast %add3A_2421 : vector<16xi32> to vector<16xi32>
      tpu.vector_store %arg14[%swap3A_2422], %swap3A_2425 {strides = array<i32>} : memref<128xi32, #tpu.memory_space<vmem>>, vector<16xi32>,
      %iota3A_2426 = tpu.iota {dimensions = array<i32: 0>} : vector<16xi32>
      %add3A_2427 = arith.constant 64 : i32
      %add3A_2428 = vector.broadcast %add3A_2427 : i32 to vector<16xi32>
      %add3A_2429 = arith.addi %iota3A_2426, %add3A_2428 : vector<16xi32>
      %mul3A_2430 = arith.constant 2 : i32
      %mul3A_2431 = vector.broadcast %mul3A_2430 : i32 to vector<16xi32>
      %mul3A_2432 = arith.muli %add3A_2429, %mul3A_2431 : vector<16xi32>
      %add3A_2433 = vector.broadcast %add3A_2373 : i32 to vector<16xi32>
      %add3A_2434 = arith.addi %add3A_2433, %mul3A_2432 : vector<16xi32>
      %swap3A_2435 = arith.constant 64 : index
      %swap3A_2436 = tpu.vector_load %arg14[%swap3A_2435] {strides = array<i32>} : memref<128xi32, #tpu.memory_space<vmem>>, vector<16xi32>,
      %swap3A_2437 = vector.shape_cast %swap3A_2436 : vector<16xi32> to vector<16xi32>
      %swap3A_2438 = vector.shape_cast %add3A_2434 : vector<16xi32> to vector<16xi32>
      tpu.vector_store %arg14[%swap3A_2435], %swap3A_2438 {strides = array<i32>} : memref<128xi32, #tpu.memory_space<vmem>>, vector<16xi32>,
      %iota3A_2439 = tpu.iota {dimensions = array<i32: 0>} : vector<16xi32>
      %add3A_2440 = arith.constant 80 : i32
      %add3A_2441 = vector.broadcast %add3A_2440 : i32 to vector<16xi32>
      %add3A_2442 = arith.addi %iota3A_2439, %add3A_2441 : vector<16xi32>
      %mul3A_2443 = arith.constant 2 : i32
      %mul3A_2444 = vector.broadcast %mul3A_2443 : i32 to vector<16xi32>
      %mul3A_2445 = arith.muli %add3A_2442, %mul3A_2444 : vector<16xi32>
      %add3A_2446 = vector.broadcast %add3A_2373 : i32 to vector<16xi32>
      %add3A_2447 = arith.addi %add3A_2446, %mul3A_2445 : vector<16xi32>
      %swap3A_2448 = arith.constant 80 : index
      %swap3A_2449 = tpu.vector_load %arg14[%swap3A_2448] {strides = array<i32>} : memref<128xi32, #tpu.memory_space<vmem>>, vector<16xi32>,
      %swap3A_2450 = vector.shape_cast %swap3A_2449 : vector<16xi32> to vector<16xi32>
      %swap3A_2451 = vector.shape_cast %add3A_2447 : vector<16xi32> to vector<16xi32>
      tpu.vector_store %arg14[%swap3A_2448], %swap3A_2451 {strides = array<i32>} : memref<128xi32, #tpu.memory_space<vmem>>, vector<16xi32>,
      %iota3A_2452 = tpu.iota {dimensions = array<i32: 0>} : vector<16xi32>
      %add3A_2453 = arith.constant 96 : i32
      %add3A_2454 = vector.broadcast %add3A_2453 : i32 to vector<16xi32>
      %add3A_2455 = arith.addi %iota3A_2452, %add3A_2454 : vector<16xi32>
      %mul3A_2456 = arith.constant 2 : i32
      %mul3A_2457 = vector.broadcast %mul3A_2456 : i32 to vector<16xi32>
      %mul3A_2458 = arith.muli %add3A_2455, %mul3A_2457 : vector<16xi32>
      %add3A_2459 = vector.broadcast %add3A_2373 : i32 to vector<16xi32>
      %add3A_2460 = arith.addi %add3A_2459, %mul3A_2458 : vector<16xi32>
      %swap3A_2461 = arith.constant 96 : index
      %swap3A_2462 = tpu.vector_load %arg14[%swap3A_2461] {strides = array<i32>} : memref<128xi32, #tpu.memory_space<vmem>>, vector<16xi32>,
      %swap3A_2463 = vector.shape_cast %swap3A_2462 : vector<16xi32> to vector<16xi32>
      %swap3A_2464 = vector.shape_cast %add3A_2460 : vector<16xi32> to vector<16xi32>
      tpu.vector_store %arg14[%swap3A_2461], %swap3A_2464 {strides = array<i32>} : memref<128xi32, #tpu.memory_space<vmem>>, vector<16xi32>,
      %iota3A_2465 = tpu.iota {dimensions = array<i32: 0>} : vector<16xi32>
      %add3A_2466 = arith.constant 112 : i32
      %add3A_2467 = vector.broadcast %add3A_2466 : i32 to vector<16xi32>
      %add3A_2468 = arith.addi %iota3A_2465, %add3A_2467 : vector<16xi32>
      %mul3A_2469 = arith.constant 2 : i32
      %mul3A_2470 = vector.broadcast %mul3A_2469 : i32 to vector<16xi32>
      %mul3A_2471 = arith.muli %add3A_2468, %mul3A_2470 : vector<16xi32>
      %add3A_2472 = vector.broadcast %add3A_2373 : i32 to vector<16xi32>
      %add3A_2473 = arith.addi %add3A_2472, %mul3A_2471 : vector<16xi32>
      %swap3A_2474 = arith.constant 112 : index
      %swap3A_2475 = tpu.vector_load %arg14[%swap3A_2474] {strides = array<i32>} : memref<128xi32, #tpu.memory_space<vmem>>, vector<16xi32>,
      %swap3A_2476 = vector.shape_cast %swap3A_2475 : vector<16xi32> to vector<16xi32>
      %swap3A_2477 = vector.shape_cast %add3A_2473 : vector<16xi32> to vector<16xi32>
      tpu.vector_store %arg14[%swap3A_2474], %swap3A_2477 {strides = array<i32>} : memref<128xi32, #tpu.memory_space<vmem>>, vector<16xi32>,
      %dma_wait3A_2478 = arith.constant 0 : i32
      %dma_wait3A_2479 = tpu.memref_slice %arg2[%dma_wait3A_2478] : memref<614400xi32, #tpu.memory_space<hbm>> -> memref<128xi32, #tpu.memory_space<hbm>>
      %dma_wait3A_2480 = arith.constant 0 : i32
      %dma_wait3A_2481 = tpu.memref_slice %arg2[%dma_wait3A_2480] : memref<614400xi32, #tpu.memory_space<hbm>> -> memref<128xi32, #tpu.memory_space<hbm>>
      tpu.wait_dma2 semaphore(%arg38 : memref<!tpu.dma_semaphore, #tpu.memory_space<semaphore_mem>>) src(%dma_wait3A_2481 : memref<128xi32, #tpu.memory_space<hbm>>) dst(%arg8 : memref<128xi32, #tpu.memory_space<vmem>>)
      %dma_start3A_2482 = arith.constant 0 : i32
      %dma_start3A_2483 = arith.constant 0 : i32
      %dma_start3A_2484 = tpu.memref_slice %arg3[%dma_start3A_2482, %dma_start3A_2483] : memref<100001x64xf32, #tpu.memory_space<hbm>> -> memref<100001x64xf32, #tpu.memory_space<hbm>>
      tpu.enqueue_indirect_dma source(%dma_start3A_2484 : memref<100001x64xf32, #tpu.memory_space<hbm>>) target(%arg20 : memref<128x64xf32, #tpu.memory_space<vmem>>) offsets(%arg8 : memref<128xi32, #tpu.memory_space<vmem>>) semaphore(%arg26 : memref<!tpu.dma_semaphore, #tpu.memory_space<semaphore_mem>>)
      %mul3A_2485 = arith.constant 6 : i32
      %mul3A_2486 = arith.muli %add3A_1840, %mul3A_2485 : i32
      %add3A_2487 = arith.constant 6 : i32
      %add3A_2488 = arith.addi %add3A_2487, %mul3A_2486 : i32
      %add3A_2489 = arith.constant 4 : i32
      %add3A_2490 = arith.addi %add3A_2488, %add3A_2489 : i32
      %dma_wait3A_2491 = arith.constant 0 : i32
      %dma_wait3A_2492 = arith.constant 0 : i32
      %dma_wait3A_2493 = tpu.memref_slice %arg3[%dma_wait3A_2491, %dma_wait3A_2492] : memref<100001x64xf32, #tpu.memory_space<hbm>> -> memref<100001x64xf32, #tpu.memory_space<hbm>>
      tpu.wait_indirect_dma semaphore(%arg24 : memref<!tpu.dma_semaphore, #tpu.memory_space<semaphore_mem>>) src(%dma_wait3A_2493 : memref<100001x64xf32, #tpu.memory_space<hbm>>) dst(%arg18 : memref<128x64xf32, #tpu.memory_space<vmem>>)
      %dma_start3A_2494 = arith.constant 0 : i32
      %dma_start3A_2495 = arith.constant 0 : i32
      %dma_start3A_2496 = tpu.memref_slice %arg4[%dma_start3A_2494, %dma_start3A_2495] : memref<614400x64xf32, #tpu.memory_space<hbm>> -> memref<614400x64xf32, #tpu.memory_space<hbm>>
      tpu.enqueue_indirect_dma source(%arg18 : memref<128x64xf32, #tpu.memory_space<vmem>>) target(%dma_start3A_2496 : memref<614400x64xf32, #tpu.memory_space<hbm>>) offsets(%arg12 : memref<128xi32, #tpu.memory_space<vmem>>) semaphore(%arg30 : memref<!tpu.dma_semaphore, #tpu.memory_space<semaphore_mem>>)
      %add3A_2497 = arith.constant 3 : i32
      %add3A_2498 = arith.addi %add3A_2490, %add3A_2497 : i32
      %mul3A_2499 = arith.constant 128 : i32
      %mul3A_2500 = arith.muli %add3A_2498, %mul3A_2499 : i32
      %add3A_2501 = arith.addi %mul3A_2, %mul3A_2500 : i32
      %multiple_of3A_2502 = tpu.assume_multiple %add3A_2501, 128 : i32
      %dma_start3A_2503 = tpu.memref_slice %arg2[%multiple_of3A_2502] : memref<614400xi32, #tpu.memory_space<hbm>> -> memref<128xi32, #tpu.memory_space<hbm>>
      %dma_start3A_2504 = tpu.memref_slice %arg2[%multiple_of3A_2502] : memref<614400xi32, #tpu.memory_space<hbm>> -> memref<128xi32, #tpu.memory_space<hbm>>
      tpu.enqueue_dma source(%dma_start3A_2504 : memref<128xi32, #tpu.memory_space<hbm>>) target(%arg6 : memref<128xi32, #tpu.memory_space<vmem>>) target_semaphore(%arg36 : memref<!tpu.dma_semaphore, #tpu.memory_space<semaphore_mem>>)
      %dma_wait3A_2505 = arith.constant 0 : i32
      %dma_wait3A_2506 = arith.constant 0 : i32
      %dma_wait3A_2507 = tpu.memref_slice %arg4[%dma_wait3A_2505, %dma_wait3A_2506] : memref<614400x64xf32, #tpu.memory_space<hbm>> -> memref<614400x64xf32, #tpu.memory_space<hbm>>
      tpu.wait_indirect_dma semaphore(%arg33 : memref<!tpu.dma_semaphore, #tpu.memory_space<semaphore_mem>>) src(%arg21 : memref<128x64xf32, #tpu.memory_space<vmem>>) dst(%dma_wait3A_2507 : memref<614400x64xf32, #tpu.memory_space<hbm>>)
      %add3A_2508 = arith.addi %mul3A_4, %add3A_2490 : i32
      %shift_right_logical3A_2509 = arith.constant 3 : i32
      %shift_right_logical3A_2510 = arith.shrui %add3A_2508, %shift_right_logical3A_2509 : i32
      %mul3A_2511 = arith.constant 328 : i32
      %mul3A_2512 = arith.muli %shift_right_logical3A_2510, %mul3A_2511 : i32
      %shift_right_logical3A_2513 = arith.constant 16 : i32
      %shift_right_logical3A_2514 = arith.shrui %mul3A_2512, %shift_right_logical3A_2513 : i32
      %mul3A_2515 = arith.constant 200 : i32
      %mul3A_2516 = arith.muli %mul3A_2515, %shift_right_logical3A_2514 : i32
      %sub3A_2517 = arith.subi %shift_right_logical3A_2510, %mul3A_2516 : i32
      %and3A_2518 = arith.constant 7 : i32
      %and3A_2519 = arith.andi %add3A_2508, %and3A_2518 : i32
      %shift_left3A_2520 = arith.constant 7 : i32
      %shift_left3A_2521 = arith.shli %and3A_2519, %shift_left3A_2520 : i32
      %mul3A_2522 = arith.constant 3072 : i32
      %mul3A_2523 = arith.muli %sub3A_2517, %mul3A_2522 : i32
      %mul3A_2524 = arith.constant 1024 : i32
      %mul3A_2525 = arith.muli %shift_right_logical3A_2514, %mul3A_2524 : i32
      %add3A_2526 = arith.addi %mul3A_2523, %mul3A_2525 : i32
      %and3A_2527 = arith.constant 511 : i32
      %and3A_2528 = arith.andi %shift_left3A_2521, %and3A_2527 : i32
      %shift_left3A_2529 = arith.constant 1 : i32
      %shift_left3A_2530 = arith.shli %and3A_2528, %shift_left3A_2529 : i32
      %add3A_2531 = arith.addi %add3A_2526, %shift_left3A_2530 : i32
      %shift_right_logical3A_2532 = arith.constant 9 : i32
      %shift_right_logical3A_2533 = arith.shrui %shift_left3A_2521, %shift_right_logical3A_2532 : i32
      %add3A_2534 = arith.addi %add3A_2531, %shift_right_logical3A_2533 : i32
      %iota3A_2535 = tpu.iota {dimensions = array<i32: 0>} : vector<16xi32>
      %add3A_2536 = arith.constant 0 : i32
      %add3A_2537 = vector.broadcast %add3A_2536 : i32 to vector<16xi32>
      %add3A_2538 = arith.addi %iota3A_2535, %add3A_2537 : vector<16xi32>
      %mul3A_2539 = arith.constant 2 : i32
      %mul3A_2540 = vector.broadcast %mul3A_2539 : i32 to vector<16xi32>
      %mul3A_2541 = arith.muli %add3A_2538, %mul3A_2540 : vector<16xi32>
      %add3A_2542 = vector.broadcast %add3A_2534 : i32 to vector<16xi32>
      %add3A_2543 = arith.addi %add3A_2542, %mul3A_2541 : vector<16xi32>
      %swap3A_2544 = arith.constant 0 : index
      %swap3A_2545 = tpu.vector_load %arg15[%swap3A_2544] {strides = array<i32>} : memref<128xi32, #tpu.memory_space<vmem>>, vector<16xi32>,
      %swap3A_2546 = vector.shape_cast %swap3A_2545 : vector<16xi32> to vector<16xi32>
      %swap3A_2547 = vector.shape_cast %add3A_2543 : vector<16xi32> to vector<16xi32>
      tpu.vector_store %arg15[%swap3A_2544], %swap3A_2547 {strides = array<i32>} : memref<128xi32, #tpu.memory_space<vmem>>, vector<16xi32>,
      %iota3A_2548 = tpu.iota {dimensions = array<i32: 0>} : vector<16xi32>
      %add3A_2549 = arith.constant 16 : i32
      %add3A_2550 = vector.broadcast %add3A_2549 : i32 to vector<16xi32>
      %add3A_2551 = arith.addi %iota3A_2548, %add3A_2550 : vector<16xi32>
      %mul3A_2552 = arith.constant 2 : i32
      %mul3A_2553 = vector.broadcast %mul3A_2552 : i32 to vector<16xi32>
      %mul3A_2554 = arith.muli %add3A_2551, %mul3A_2553 : vector<16xi32>
      %add3A_2555 = vector.broadcast %add3A_2534 : i32 to vector<16xi32>
      %add3A_2556 = arith.addi %add3A_2555, %mul3A_2554 : vector<16xi32>
      %swap3A_2557 = arith.constant 16 : index
      %swap3A_2558 = tpu.vector_load %arg15[%swap3A_2557] {strides = array<i32>} : memref<128xi32, #tpu.memory_space<vmem>>, vector<16xi32>,
      %swap3A_2559 = vector.shape_cast %swap3A_2558 : vector<16xi32> to vector<16xi32>
      %swap3A_2560 = vector.shape_cast %add3A_2556 : vector<16xi32> to vector<16xi32>
      tpu.vector_store %arg15[%swap3A_2557], %swap3A_2560 {strides = array<i32>} : memref<128xi32, #tpu.memory_space<vmem>>, vector<16xi32>,
      %iota3A_2561 = tpu.iota {dimensions = array<i32: 0>} : vector<16xi32>
      %add3A_2562 = arith.constant 32 : i32
      %add3A_2563 = vector.broadcast %add3A_2562 : i32 to vector<16xi32>
      %add3A_2564 = arith.addi %iota3A_2561, %add3A_2563 : vector<16xi32>
      %mul3A_2565 = arith.constant 2 : i32
      %mul3A_2566 = vector.broadcast %mul3A_2565 : i32 to vector<16xi32>
      %mul3A_2567 = arith.muli %add3A_2564, %mul3A_2566 : vector<16xi32>
      %add3A_2568 = vector.broadcast %add3A_2534 : i32 to vector<16xi32>
      %add3A_2569 = arith.addi %add3A_2568, %mul3A_2567 : vector<16xi32>
      %swap3A_2570 = arith.constant 32 : index
      %swap3A_2571 = tpu.vector_load %arg15[%swap3A_2570] {strides = array<i32>} : memref<128xi32, #tpu.memory_space<vmem>>, vector<16xi32>,
      %swap3A_2572 = vector.shape_cast %swap3A_2571 : vector<16xi32> to vector<16xi32>
      %swap3A_2573 = vector.shape_cast %add3A_2569 : vector<16xi32> to vector<16xi32>
      tpu.vector_store %arg15[%swap3A_2570], %swap3A_2573 {strides = array<i32>} : memref<128xi32, #tpu.memory_space<vmem>>, vector<16xi32>,
      %iota3A_2574 = tpu.iota {dimensions = array<i32: 0>} : vector<16xi32>
      %add3A_2575 = arith.constant 48 : i32
      %add3A_2576 = vector.broadcast %add3A_2575 : i32 to vector<16xi32>
      %add3A_2577 = arith.addi %iota3A_2574, %add3A_2576 : vector<16xi32>
      %mul3A_2578 = arith.constant 2 : i32
      %mul3A_2579 = vector.broadcast %mul3A_2578 : i32 to vector<16xi32>
      %mul3A_2580 = arith.muli %add3A_2577, %mul3A_2579 : vector<16xi32>
      %add3A_2581 = vector.broadcast %add3A_2534 : i32 to vector<16xi32>
      %add3A_2582 = arith.addi %add3A_2581, %mul3A_2580 : vector<16xi32>
      %swap3A_2583 = arith.constant 48 : index
      %swap3A_2584 = tpu.vector_load %arg15[%swap3A_2583] {strides = array<i32>} : memref<128xi32, #tpu.memory_space<vmem>>, vector<16xi32>,
      %swap3A_2585 = vector.shape_cast %swap3A_2584 : vector<16xi32> to vector<16xi32>
      %swap3A_2586 = vector.shape_cast %add3A_2582 : vector<16xi32> to vector<16xi32>
      tpu.vector_store %arg15[%swap3A_2583], %swap3A_2586 {strides = array<i32>} : memref<128xi32, #tpu.memory_space<vmem>>, vector<16xi32>,
      %iota3A_2587 = tpu.iota {dimensions = array<i32: 0>} : vector<16xi32>
      %add3A_2588 = arith.constant 64 : i32
      %add3A_2589 = vector.broadcast %add3A_2588 : i32 to vector<16xi32>
      %add3A_2590 = arith.addi %iota3A_2587, %add3A_2589 : vector<16xi32>
      %mul3A_2591 = arith.constant 2 : i32
      %mul3A_2592 = vector.broadcast %mul3A_2591 : i32 to vector<16xi32>
      %mul3A_2593 = arith.muli %add3A_2590, %mul3A_2592 : vector<16xi32>
      %add3A_2594 = vector.broadcast %add3A_2534 : i32 to vector<16xi32>
      %add3A_2595 = arith.addi %add3A_2594, %mul3A_2593 : vector<16xi32>
      %swap3A_2596 = arith.constant 64 : index
      %swap3A_2597 = tpu.vector_load %arg15[%swap3A_2596] {strides = array<i32>} : memref<128xi32, #tpu.memory_space<vmem>>, vector<16xi32>,
      %swap3A_2598 = vector.shape_cast %swap3A_2597 : vector<16xi32> to vector<16xi32>
      %swap3A_2599 = vector.shape_cast %add3A_2595 : vector<16xi32> to vector<16xi32>
      tpu.vector_store %arg15[%swap3A_2596], %swap3A_2599 {strides = array<i32>} : memref<128xi32, #tpu.memory_space<vmem>>, vector<16xi32>,
      %iota3A_2600 = tpu.iota {dimensions = array<i32: 0>} : vector<16xi32>
      %add3A_2601 = arith.constant 80 : i32
      %add3A_2602 = vector.broadcast %add3A_2601 : i32 to vector<16xi32>
      %add3A_2603 = arith.addi %iota3A_2600, %add3A_2602 : vector<16xi32>
      %mul3A_2604 = arith.constant 2 : i32
      %mul3A_2605 = vector.broadcast %mul3A_2604 : i32 to vector<16xi32>
      %mul3A_2606 = arith.muli %add3A_2603, %mul3A_2605 : vector<16xi32>
      %add3A_2607 = vector.broadcast %add3A_2534 : i32 to vector<16xi32>
      %add3A_2608 = arith.addi %add3A_2607, %mul3A_2606 : vector<16xi32>
      %swap3A_2609 = arith.constant 80 : index
      %swap3A_2610 = tpu.vector_load %arg15[%swap3A_2609] {strides = array<i32>} : memref<128xi32, #tpu.memory_space<vmem>>, vector<16xi32>,
      %swap3A_2611 = vector.shape_cast %swap3A_2610 : vector<16xi32> to vector<16xi32>
      %swap3A_2612 = vector.shape_cast %add3A_2608 : vector<16xi32> to vector<16xi32>
      tpu.vector_store %arg15[%swap3A_2609], %swap3A_2612 {strides = array<i32>} : memref<128xi32, #tpu.memory_space<vmem>>, vector<16xi32>,
      %iota3A_2613 = tpu.iota {dimensions = array<i32: 0>} : vector<16xi32>
      %add3A_2614 = arith.constant 96 : i32
      %add3A_2615 = vector.broadcast %add3A_2614 : i32 to vector<16xi32>
      %add3A_2616 = arith.addi %iota3A_2613, %add3A_2615 : vector<16xi32>
      %mul3A_2617 = arith.constant 2 : i32
      %mul3A_2618 = vector.broadcast %mul3A_2617 : i32 to vector<16xi32>
      %mul3A_2619 = arith.muli %add3A_2616, %mul3A_2618 : vector<16xi32>
      %add3A_2620 = vector.broadcast %add3A_2534 : i32 to vector<16xi32>
      %add3A_2621 = arith.addi %add3A_2620, %mul3A_2619 : vector<16xi32>
      %swap3A_2622 = arith.constant 96 : index
      %swap3A_2623 = tpu.vector_load %arg15[%swap3A_2622] {strides = array<i32>} : memref<128xi32, #tpu.memory_space<vmem>>, vector<16xi32>,
      %swap3A_2624 = vector.shape_cast %swap3A_2623 : vector<16xi32> to vector<16xi32>
      %swap3A_2625 = vector.shape_cast %add3A_2621 : vector<16xi32> to vector<16xi32>
      tpu.vector_store %arg15[%swap3A_2622], %swap3A_2625 {strides = array<i32>} : memref<128xi32, #tpu.memory_space<vmem>>, vector<16xi32>,
      %iota3A_2626 = tpu.iota {dimensions = array<i32: 0>} : vector<16xi32>
      %add3A_2627 = arith.constant 112 : i32
      %add3A_2628 = vector.broadcast %add3A_2627 : i32 to vector<16xi32>
      %add3A_2629 = arith.addi %iota3A_2626, %add3A_2628 : vector<16xi32>
      %mul3A_2630 = arith.constant 2 : i32
      %mul3A_2631 = vector.broadcast %mul3A_2630 : i32 to vector<16xi32>
      %mul3A_2632 = arith.muli %add3A_2629, %mul3A_2631 : vector<16xi32>
      %add3A_2633 = vector.broadcast %add3A_2534 : i32 to vector<16xi32>
      %add3A_2634 = arith.addi %add3A_2633, %mul3A_2632 : vector<16xi32>
      %swap3A_2635 = arith.constant 112 : index
      %swap3A_2636 = tpu.vector_load %arg15[%swap3A_2635] {strides = array<i32>} : memref<128xi32, #tpu.memory_space<vmem>>, vector<16xi32>,
      %swap3A_2637 = vector.shape_cast %swap3A_2636 : vector<16xi32> to vector<16xi32>
      %swap3A_2638 = vector.shape_cast %add3A_2634 : vector<16xi32> to vector<16xi32>
      tpu.vector_store %arg15[%swap3A_2635], %swap3A_2638 {strides = array<i32>} : memref<128xi32, #tpu.memory_space<vmem>>, vector<16xi32>,
      %dma_wait3A_2639 = arith.constant 0 : i32
      %dma_wait3A_2640 = tpu.memref_slice %arg2[%dma_wait3A_2639] : memref<614400xi32, #tpu.memory_space<hbm>> -> memref<128xi32, #tpu.memory_space<hbm>>
      %dma_wait3A_2641 = arith.constant 0 : i32
      %dma_wait3A_2642 = tpu.memref_slice %arg2[%dma_wait3A_2641] : memref<614400xi32, #tpu.memory_space<hbm>> -> memref<128xi32, #tpu.memory_space<hbm>>
      tpu.wait_dma2 semaphore(%arg39 : memref<!tpu.dma_semaphore, #tpu.memory_space<semaphore_mem>>) src(%dma_wait3A_2642 : memref<128xi32, #tpu.memory_space<hbm>>) dst(%arg9 : memref<128xi32, #tpu.memory_space<vmem>>)
      %dma_start3A_2643 = arith.constant 0 : i32
      %dma_start3A_2644 = arith.constant 0 : i32
      %dma_start3A_2645 = tpu.memref_slice %arg3[%dma_start3A_2643, %dma_start3A_2644] : memref<100001x64xf32, #tpu.memory_space<hbm>> -> memref<100001x64xf32, #tpu.memory_space<hbm>>
      tpu.enqueue_indirect_dma source(%dma_start3A_2645 : memref<100001x64xf32, #tpu.memory_space<hbm>>) target(%arg21 : memref<128x64xf32, #tpu.memory_space<vmem>>) offsets(%arg9 : memref<128xi32, #tpu.memory_space<vmem>>) semaphore(%arg27 : memref<!tpu.dma_semaphore, #tpu.memory_space<semaphore_mem>>)
      %mul3A_2646 = arith.constant 6 : i32
      %mul3A_2647 = arith.muli %add3A_1840, %mul3A_2646 : i32
      %add3A_2648 = arith.constant 6 : i32
      %add3A_2649 = arith.addi %add3A_2648, %mul3A_2647 : i32
      %add3A_2650 = arith.constant 5 : i32
      %add3A_2651 = arith.addi %add3A_2649, %add3A_2650 : i32
      %dma_wait3A_2652 = arith.constant 0 : i32
      %dma_wait3A_2653 = arith.constant 0 : i32
      %dma_wait3A_2654 = tpu.memref_slice %arg3[%dma_wait3A_2652, %dma_wait3A_2653] : memref<100001x64xf32, #tpu.memory_space<hbm>> -> memref<100001x64xf32, #tpu.memory_space<hbm>>
      tpu.wait_indirect_dma semaphore(%arg25 : memref<!tpu.dma_semaphore, #tpu.memory_space<semaphore_mem>>) src(%dma_wait3A_2654 : memref<100001x64xf32, #tpu.memory_space<hbm>>) dst(%arg19 : memref<128x64xf32, #tpu.memory_space<vmem>>)
      %dma_start3A_2655 = arith.constant 0 : i32
      %dma_start3A_2656 = arith.constant 0 : i32
      %dma_start3A_2657 = tpu.memref_slice %arg4[%dma_start3A_2655, %dma_start3A_2656] : memref<614400x64xf32, #tpu.memory_space<hbm>> -> memref<614400x64xf32, #tpu.memory_space<hbm>>
      tpu.enqueue_indirect_dma source(%arg19 : memref<128x64xf32, #tpu.memory_space<vmem>>) target(%dma_start3A_2657 : memref<614400x64xf32, #tpu.memory_space<hbm>>) offsets(%arg13 : memref<128xi32, #tpu.memory_space<vmem>>) semaphore(%arg31 : memref<!tpu.dma_semaphore, #tpu.memory_space<semaphore_mem>>)
      %add3A_2658 = arith.constant 3 : i32
      %add3A_2659 = arith.addi %add3A_2651, %add3A_2658 : i32
      %mul3A_2660 = arith.constant 128 : i32
      %mul3A_2661 = arith.muli %add3A_2659, %mul3A_2660 : i32
      %add3A_2662 = arith.addi %mul3A_2, %mul3A_2661 : i32
      %multiple_of3A_2663 = tpu.assume_multiple %add3A_2662, 128 : i32
      %dma_start3A_2664 = tpu.memref_slice %arg2[%multiple_of3A_2663] : memref<614400xi32, #tpu.memory_space<hbm>> -> memref<128xi32, #tpu.memory_space<hbm>>
      %dma_start3A_2665 = tpu.memref_slice %arg2[%multiple_of3A_2663] : memref<614400xi32, #tpu.memory_space<hbm>> -> memref<128xi32, #tpu.memory_space<hbm>>
      tpu.enqueue_dma source(%dma_start3A_2665 : memref<128xi32, #tpu.memory_space<hbm>>) target(%arg7 : memref<128xi32, #tpu.memory_space<vmem>>) target_semaphore(%arg37 : memref<!tpu.dma_semaphore, #tpu.memory_space<semaphore_mem>>)
      %dma_wait3A_2666 = arith.constant 0 : i32
      %dma_wait3A_2667 = arith.constant 0 : i32
      %dma_wait3A_2668 = tpu.memref_slice %arg4[%dma_wait3A_2666, %dma_wait3A_2667] : memref<614400x64xf32, #tpu.memory_space<hbm>> -> memref<614400x64xf32, #tpu.memory_space<hbm>>
      tpu.wait_indirect_dma semaphore(%arg34 : memref<!tpu.dma_semaphore, #tpu.memory_space<semaphore_mem>>) src(%arg22 : memref<128x64xf32, #tpu.memory_space<vmem>>) dst(%dma_wait3A_2668 : memref<614400x64xf32, #tpu.memory_space<hbm>>)
      %add3A_2669 = arith.addi %mul3A_4, %add3A_2651 : i32
      %shift_right_logical3A_2670 = arith.constant 3 : i32
      %shift_right_logical3A_2671 = arith.shrui %add3A_2669, %shift_right_logical3A_2670 : i32
      %mul3A_2672 = arith.constant 328 : i32
      %mul3A_2673 = arith.muli %shift_right_logical3A_2671, %mul3A_2672 : i32
      %shift_right_logical3A_2674 = arith.constant 16 : i32
      %shift_right_logical3A_2675 = arith.shrui %mul3A_2673, %shift_right_logical3A_2674 : i32
      %mul3A_2676 = arith.constant 200 : i32
      %mul3A_2677 = arith.muli %mul3A_2676, %shift_right_logical3A_2675 : i32
      %sub3A_2678 = arith.subi %shift_right_logical3A_2671, %mul3A_2677 : i32
      %and3A_2679 = arith.constant 7 : i32
      %and3A_2680 = arith.andi %add3A_2669, %and3A_2679 : i32
      %shift_left3A_2681 = arith.constant 7 : i32
      %shift_left3A_2682 = arith.shli %and3A_2680, %shift_left3A_2681 : i32
      %mul3A_2683 = arith.constant 3072 : i32
      %mul3A_2684 = arith.muli %sub3A_2678, %mul3A_2683 : i32
      %mul3A_2685 = arith.constant 1024 : i32
      %mul3A_2686 = arith.muli %shift_right_logical3A_2675, %mul3A_2685 : i32
      %add3A_2687 = arith.addi %mul3A_2684, %mul3A_2686 : i32
      %and3A_2688 = arith.constant 511 : i32
      %and3A_2689 = arith.andi %shift_left3A_2682, %and3A_2688 : i32
      %shift_left3A_2690 = arith.constant 1 : i32
      %shift_left3A_2691 = arith.shli %and3A_2689, %shift_left3A_2690 : i32
      %add3A_2692 = arith.addi %add3A_2687, %shift_left3A_2691 : i32
      %shift_right_logical3A_2693 = arith.constant 9 : i32
      %shift_right_logical3A_2694 = arith.shrui %shift_left3A_2682, %shift_right_logical3A_2693 : i32
      %add3A_2695 = arith.addi %add3A_2692, %shift_right_logical3A_2694 : i32
      %iota3A_2696 = tpu.iota {dimensions = array<i32: 0>} : vector<16xi32>
      %add3A_2697 = arith.constant 0 : i32
      %add3A_2698 = vector.broadcast %add3A_2697 : i32 to vector<16xi32>
      %add3A_2699 = arith.addi %iota3A_2696, %add3A_2698 : vector<16xi32>
      %mul3A_2700 = arith.constant 2 : i32
      %mul3A_2701 = vector.broadcast %mul3A_2700 : i32 to vector<16xi32>
      %mul3A_2702 = arith.muli %add3A_2699, %mul3A_2701 : vector<16xi32>
      %add3A_2703 = vector.broadcast %add3A_2695 : i32 to vector<16xi32>
      %add3A_2704 = arith.addi %add3A_2703, %mul3A_2702 : vector<16xi32>
      %swap3A_2705 = arith.constant 0 : index
      %swap3A_2706 = tpu.vector_load %arg16[%swap3A_2705] {strides = array<i32>} : memref<128xi32, #tpu.memory_space<vmem>>, vector<16xi32>,
      %swap3A_2707 = vector.shape_cast %swap3A_2706 : vector<16xi32> to vector<16xi32>
      %swap3A_2708 = vector.shape_cast %add3A_2704 : vector<16xi32> to vector<16xi32>
      tpu.vector_store %arg16[%swap3A_2705], %swap3A_2708 {strides = array<i32>} : memref<128xi32, #tpu.memory_space<vmem>>, vector<16xi32>,
      %iota3A_2709 = tpu.iota {dimensions = array<i32: 0>} : vector<16xi32>
      %add3A_2710 = arith.constant 16 : i32
      %add3A_2711 = vector.broadcast %add3A_2710 : i32 to vector<16xi32>
      %add3A_2712 = arith.addi %iota3A_2709, %add3A_2711 : vector<16xi32>
      %mul3A_2713 = arith.constant 2 : i32
      %mul3A_2714 = vector.broadcast %mul3A_2713 : i32 to vector<16xi32>
      %mul3A_2715 = arith.muli %add3A_2712, %mul3A_2714 : vector<16xi32>
      %add3A_2716 = vector.broadcast %add3A_2695 : i32 to vector<16xi32>
      %add3A_2717 = arith.addi %add3A_2716, %mul3A_2715 : vector<16xi32>
      %swap3A_2718 = arith.constant 16 : index
      %swap3A_2719 = tpu.vector_load %arg16[%swap3A_2718] {strides = array<i32>} : memref<128xi32, #tpu.memory_space<vmem>>, vector<16xi32>,
      %swap3A_2720 = vector.shape_cast %swap3A_2719 : vector<16xi32> to vector<16xi32>
      %swap3A_2721 = vector.shape_cast %add3A_2717 : vector<16xi32> to vector<16xi32>
      tpu.vector_store %arg16[%swap3A_2718], %swap3A_2721 {strides = array<i32>} : memref<128xi32, #tpu.memory_space<vmem>>, vector<16xi32>,
      %iota3A_2722 = tpu.iota {dimensions = array<i32: 0>} : vector<16xi32>
      %add3A_2723 = arith.constant 32 : i32
      %add3A_2724 = vector.broadcast %add3A_2723 : i32 to vector<16xi32>
      %add3A_2725 = arith.addi %iota3A_2722, %add3A_2724 : vector<16xi32>
      %mul3A_2726 = arith.constant 2 : i32
      %mul3A_2727 = vector.broadcast %mul3A_2726 : i32 to vector<16xi32>
      %mul3A_2728 = arith.muli %add3A_2725, %mul3A_2727 : vector<16xi32>
      %add3A_2729 = vector.broadcast %add3A_2695 : i32 to vector<16xi32>
      %add3A_2730 = arith.addi %add3A_2729, %mul3A_2728 : vector<16xi32>
      %swap3A_2731 = arith.constant 32 : index
      %swap3A_2732 = tpu.vector_load %arg16[%swap3A_2731] {strides = array<i32>} : memref<128xi32, #tpu.memory_space<vmem>>, vector<16xi32>,
      %swap3A_2733 = vector.shape_cast %swap3A_2732 : vector<16xi32> to vector<16xi32>
      %swap3A_2734 = vector.shape_cast %add3A_2730 : vector<16xi32> to vector<16xi32>
      tpu.vector_store %arg16[%swap3A_2731], %swap3A_2734 {strides = array<i32>} : memref<128xi32, #tpu.memory_space<vmem>>, vector<16xi32>,
      %iota3A_2735 = tpu.iota {dimensions = array<i32: 0>} : vector<16xi32>
      %add3A_2736 = arith.constant 48 : i32
      %add3A_2737 = vector.broadcast %add3A_2736 : i32 to vector<16xi32>
      %add3A_2738 = arith.addi %iota3A_2735, %add3A_2737 : vector<16xi32>
      %mul3A_2739 = arith.constant 2 : i32
      %mul3A_2740 = vector.broadcast %mul3A_2739 : i32 to vector<16xi32>
      %mul3A_2741 = arith.muli %add3A_2738, %mul3A_2740 : vector<16xi32>
      %add3A_2742 = vector.broadcast %add3A_2695 : i32 to vector<16xi32>
      %add3A_2743 = arith.addi %add3A_2742, %mul3A_2741 : vector<16xi32>
      %swap3A_2744 = arith.constant 48 : index
      %swap3A_2745 = tpu.vector_load %arg16[%swap3A_2744] {strides = array<i32>} : memref<128xi32, #tpu.memory_space<vmem>>, vector<16xi32>,
      %swap3A_2746 = vector.shape_cast %swap3A_2745 : vector<16xi32> to vector<16xi32>
      %swap3A_2747 = vector.shape_cast %add3A_2743 : vector<16xi32> to vector<16xi32>
      tpu.vector_store %arg16[%swap3A_2744], %swap3A_2747 {strides = array<i32>} : memref<128xi32, #tpu.memory_space<vmem>>, vector<16xi32>,
      %iota3A_2748 = tpu.iota {dimensions = array<i32: 0>} : vector<16xi32>
      %add3A_2749 = arith.constant 64 : i32
      %add3A_2750 = vector.broadcast %add3A_2749 : i32 to vector<16xi32>
      %add3A_2751 = arith.addi %iota3A_2748, %add3A_2750 : vector<16xi32>
      %mul3A_2752 = arith.constant 2 : i32
      %mul3A_2753 = vector.broadcast %mul3A_2752 : i32 to vector<16xi32>
      %mul3A_2754 = arith.muli %add3A_2751, %mul3A_2753 : vector<16xi32>
      %add3A_2755 = vector.broadcast %add3A_2695 : i32 to vector<16xi32>
      %add3A_2756 = arith.addi %add3A_2755, %mul3A_2754 : vector<16xi32>
      %swap3A_2757 = arith.constant 64 : index
      %swap3A_2758 = tpu.vector_load %arg16[%swap3A_2757] {strides = array<i32>} : memref<128xi32, #tpu.memory_space<vmem>>, vector<16xi32>,
      %swap3A_2759 = vector.shape_cast %swap3A_2758 : vector<16xi32> to vector<16xi32>
      %swap3A_2760 = vector.shape_cast %add3A_2756 : vector<16xi32> to vector<16xi32>
      tpu.vector_store %arg16[%swap3A_2757], %swap3A_2760 {strides = array<i32>} : memref<128xi32, #tpu.memory_space<vmem>>, vector<16xi32>,
      %iota3A_2761 = tpu.iota {dimensions = array<i32: 0>} : vector<16xi32>
      %add3A_2762 = arith.constant 80 : i32
      %add3A_2763 = vector.broadcast %add3A_2762 : i32 to vector<16xi32>
      %add3A_2764 = arith.addi %iota3A_2761, %add3A_2763 : vector<16xi32>
      %mul3A_2765 = arith.constant 2 : i32
      %mul3A_2766 = vector.broadcast %mul3A_2765 : i32 to vector<16xi32>
      %mul3A_2767 = arith.muli %add3A_2764, %mul3A_2766 : vector<16xi32>
      %add3A_2768 = vector.broadcast %add3A_2695 : i32 to vector<16xi32>
      %add3A_2769 = arith.addi %add3A_2768, %mul3A_2767 : vector<16xi32>
      %swap3A_2770 = arith.constant 80 : index
      %swap3A_2771 = tpu.vector_load %arg16[%swap3A_2770] {strides = array<i32>} : memref<128xi32, #tpu.memory_space<vmem>>, vector<16xi32>,
      %swap3A_2772 = vector.shape_cast %swap3A_2771 : vector<16xi32> to vector<16xi32>
      %swap3A_2773 = vector.shape_cast %add3A_2769 : vector<16xi32> to vector<16xi32>
      tpu.vector_store %arg16[%swap3A_2770], %swap3A_2773 {strides = array<i32>} : memref<128xi32, #tpu.memory_space<vmem>>, vector<16xi32>,
      %iota3A_2774 = tpu.iota {dimensions = array<i32: 0>} : vector<16xi32>
      %add3A_2775 = arith.constant 96 : i32
      %add3A_2776 = vector.broadcast %add3A_2775 : i32 to vector<16xi32>
      %add3A_2777 = arith.addi %iota3A_2774, %add3A_2776 : vector<16xi32>
      %mul3A_2778 = arith.constant 2 : i32
      %mul3A_2779 = vector.broadcast %mul3A_2778 : i32 to vector<16xi32>
      %mul3A_2780 = arith.muli %add3A_2777, %mul3A_2779 : vector<16xi32>
      %add3A_2781 = vector.broadcast %add3A_2695 : i32 to vector<16xi32>
      %add3A_2782 = arith.addi %add3A_2781, %mul3A_2780 : vector<16xi32>
      %swap3A_2783 = arith.constant 96 : index
      %swap3A_2784 = tpu.vector_load %arg16[%swap3A_2783] {strides = array<i32>} : memref<128xi32, #tpu.memory_space<vmem>>, vector<16xi32>,
      %swap3A_2785 = vector.shape_cast %swap3A_2784 : vector<16xi32> to vector<16xi32>
      %swap3A_2786 = vector.shape_cast %add3A_2782 : vector<16xi32> to vector<16xi32>
      tpu.vector_store %arg16[%swap3A_2783], %swap3A_2786 {strides = array<i32>} : memref<128xi32, #tpu.memory_space<vmem>>, vector<16xi32>,
      %iota3A_2787 = tpu.iota {dimensions = array<i32: 0>} : vector<16xi32>
      %add3A_2788 = arith.constant 112 : i32
      %add3A_2789 = vector.broadcast %add3A_2788 : i32 to vector<16xi32>
      %add3A_2790 = arith.addi %iota3A_2787, %add3A_2789 : vector<16xi32>
      %mul3A_2791 = arith.constant 2 : i32
      %mul3A_2792 = vector.broadcast %mul3A_2791 : i32 to vector<16xi32>
      %mul3A_2793 = arith.muli %add3A_2790, %mul3A_2792 : vector<16xi32>
      %add3A_2794 = vector.broadcast %add3A_2695 : i32 to vector<16xi32>
      %add3A_2795 = arith.addi %add3A_2794, %mul3A_2793 : vector<16xi32>
      %swap3A_2796 = arith.constant 112 : index
      %swap3A_2797 = tpu.vector_load %arg16[%swap3A_2796] {strides = array<i32>} : memref<128xi32, #tpu.memory_space<vmem>>, vector<16xi32>,
      %swap3A_2798 = vector.shape_cast %swap3A_2797 : vector<16xi32> to vector<16xi32>
      %swap3A_2799 = vector.shape_cast %add3A_2795 : vector<16xi32> to vector<16xi32>
      tpu.vector_store %arg16[%swap3A_2796], %swap3A_2799 {strides = array<i32>} : memref<128xi32, #tpu.memory_space<vmem>>, vector<16xi32>,
      %dma_wait3A_2800 = arith.constant 0 : i32
      %dma_wait3A_2801 = tpu.memref_slice %arg2[%dma_wait3A_2800] : memref<614400xi32, #tpu.memory_space<hbm>> -> memref<128xi32, #tpu.memory_space<hbm>>
      %dma_wait3A_2802 = arith.constant 0 : i32
      %dma_wait3A_2803 = tpu.memref_slice %arg2[%dma_wait3A_2802] : memref<614400xi32, #tpu.memory_space<hbm>> -> memref<128xi32, #tpu.memory_space<hbm>>
      tpu.wait_dma2 semaphore(%arg40 : memref<!tpu.dma_semaphore, #tpu.memory_space<semaphore_mem>>) src(%dma_wait3A_2803 : memref<128xi32, #tpu.memory_space<hbm>>) dst(%arg10 : memref<128xi32, #tpu.memory_space<vmem>>)
      %dma_start3A_2804 = arith.constant 0 : i32
      %dma_start3A_2805 = arith.constant 0 : i32
      %dma_start3A_2806 = tpu.memref_slice %arg3[%dma_start3A_2804, %dma_start3A_2805] : memref<100001x64xf32, #tpu.memory_space<hbm>> -> memref<100001x64xf32, #tpu.memory_space<hbm>>
      tpu.enqueue_indirect_dma source(%dma_start3A_2806 : memref<100001x64xf32, #tpu.memory_space<hbm>>) target(%arg22 : memref<128x64xf32, #tpu.memory_space<vmem>>) offsets(%arg10 : memref<128xi32, #tpu.memory_space<vmem>>) semaphore(%arg28 : memref<!tpu.dma_semaphore, #tpu.memory_space<semaphore_mem>>)
    }
    %scan3A_896 = arith.constant 23 : i32
    %dma_wait3A_897 = arith.constant 0 : i32
    %dma_wait3A_898 = arith.constant 0 : i32
    %dma_wait3A_899 = tpu.memref_slice %arg3[%dma_wait3A_897, %dma_wait3A_898] : memref<100001x64xf32, #tpu.memory_space<hbm>> -> memref<100001x64xf32, #tpu.memory_space<hbm>>
    tpu.wait_indirect_dma semaphore(%arg26 : memref<!tpu.dma_semaphore, #tpu.memory_space<semaphore_mem>>) src(%dma_wait3A_899 : memref<100001x64xf32, #tpu.memory_space<hbm>>) dst(%arg20 : memref<128x64xf32, #tpu.memory_space<vmem>>)
    %dma_start3A_900 = arith.constant 0 : i32
    %dma_start3A_901 = arith.constant 0 : i32
    %dma_start3A_902 = tpu.memref_slice %arg4[%dma_start3A_900, %dma_start3A_901] : memref<614400x64xf32, #tpu.memory_space<hbm>> -> memref<614400x64xf32, #tpu.memory_space<hbm>>
    tpu.enqueue_indirect_dma source(%arg20 : memref<128x64xf32, #tpu.memory_space<vmem>>) target(%dma_start3A_902 : memref<614400x64xf32, #tpu.memory_space<hbm>>) offsets(%arg14 : memref<128xi32, #tpu.memory_space<vmem>>) semaphore(%arg32 : memref<!tpu.dma_semaphore, #tpu.memory_space<semaphore_mem>>)
    %add3A_903 = arith.constant 18816 : i32
    %add3A_904 = arith.addi %mul3A_2, %add3A_903 : i32
    %multiple_of3A_905 = tpu.assume_multiple %add3A_904, 128 : i32
    %dma_start3A_906 = tpu.memref_slice %arg2[%multiple_of3A_905] : memref<614400xi32, #tpu.memory_space<hbm>> -> memref<128xi32, #tpu.memory_space<hbm>>
    %dma_start3A_907 = tpu.memref_slice %arg2[%multiple_of3A_905] : memref<614400xi32, #tpu.memory_space<hbm>> -> memref<128xi32, #tpu.memory_space<hbm>>
    tpu.enqueue_dma source(%dma_start3A_907 : memref<128xi32, #tpu.memory_space<hbm>>) target(%arg8 : memref<128xi32, #tpu.memory_space<vmem>>) target_semaphore(%arg38 : memref<!tpu.dma_semaphore, #tpu.memory_space<semaphore_mem>>)
    %dma_wait3A_908 = arith.constant 0 : i32
    %dma_wait3A_909 = arith.constant 0 : i32
    %dma_wait3A_910 = tpu.memref_slice %arg4[%dma_wait3A_908, %dma_wait3A_909] : memref<614400x64xf32, #tpu.memory_space<hbm>> -> memref<614400x64xf32, #tpu.memory_space<hbm>>
    tpu.wait_indirect_dma semaphore(%arg29 : memref<!tpu.dma_semaphore, #tpu.memory_space<semaphore_mem>>) src(%arg17 : memref<128x64xf32, #tpu.memory_space<vmem>>) dst(%dma_wait3A_910 : memref<614400x64xf32, #tpu.memory_space<hbm>>)
    %add3A_911 = arith.constant 144 : i32
    %add3A_912 = arith.addi %mul3A_4, %add3A_911 : i32
    %shift_right_logical3A_913 = arith.constant 3 : i32
    %shift_right_logical3A_914 = arith.shrui %add3A_912, %shift_right_logical3A_913 : i32
    %mul3A_915 = arith.constant 328 : i32
    %mul3A_916 = arith.muli %shift_right_logical3A_914, %mul3A_915 : i32
    %shift_right_logical3A_917 = arith.constant 16 : i32
    %shift_right_logical3A_918 = arith.shrui %mul3A_916, %shift_right_logical3A_917 : i32
    %mul3A_919 = arith.constant 200 : i32
    %mul3A_920 = arith.muli %mul3A_919, %shift_right_logical3A_918 : i32
    %sub3A_921 = arith.subi %shift_right_logical3A_914, %mul3A_920 : i32
    %and3A_922 = arith.constant 7 : i32
    %and3A_923 = arith.andi %add3A_912, %and3A_922 : i32
    %shift_left3A_924 = arith.constant 7 : i32
    %shift_left3A_925 = arith.shli %and3A_923, %shift_left3A_924 : i32
    %mul3A_926 = arith.constant 3072 : i32
    %mul3A_927 = arith.muli %sub3A_921, %mul3A_926 : i32
    %mul3A_928 = arith.constant 1024 : i32
    %mul3A_929 = arith.muli %shift_right_logical3A_918, %mul3A_928 : i32
    %add3A_930 = arith.addi %mul3A_927, %mul3A_929 : i32
    %and3A_931 = arith.constant 511 : i32
    %and3A_932 = arith.andi %shift_left3A_925, %and3A_931 : i32
    %shift_left3A_933 = arith.constant 1 : i32
    %shift_left3A_934 = arith.shli %and3A_932, %shift_left3A_933 : i32
    %add3A_935 = arith.addi %add3A_930, %shift_left3A_934 : i32
    %shift_right_logical3A_936 = arith.constant 9 : i32
    %shift_right_logical3A_937 = arith.shrui %shift_left3A_925, %shift_right_logical3A_936 : i32
    %add3A_938 = arith.addi %add3A_935, %shift_right_logical3A_937 : i32
    %iota3A_939 = tpu.iota {dimensions = array<i32: 0>} : vector<16xi32>
    %add3A_940 = arith.constant 0 : i32
    %add3A_941 = vector.broadcast %add3A_940 : i32 to vector<16xi32>
    %add3A_942 = arith.addi %iota3A_939, %add3A_941 : vector<16xi32>
    %mul3A_943 = arith.constant 2 : i32
    %mul3A_944 = vector.broadcast %mul3A_943 : i32 to vector<16xi32>
    %mul3A_945 = arith.muli %add3A_942, %mul3A_944 : vector<16xi32>
    %add3A_946 = vector.broadcast %add3A_938 : i32 to vector<16xi32>
    %add3A_947 = arith.addi %add3A_946, %mul3A_945 : vector<16xi32>
    %swap3A_948 = arith.constant 0 : index
    %swap3A_949 = tpu.vector_load %arg11[%swap3A_948] {strides = array<i32>} : memref<128xi32, #tpu.memory_space<vmem>>, vector<16xi32>,
    %swap3A_950 = vector.shape_cast %swap3A_949 : vector<16xi32> to vector<16xi32>
    %swap3A_951 = vector.shape_cast %add3A_947 : vector<16xi32> to vector<16xi32>
    tpu.vector_store %arg11[%swap3A_948], %swap3A_951 {strides = array<i32>} : memref<128xi32, #tpu.memory_space<vmem>>, vector<16xi32>,
    %iota3A_952 = tpu.iota {dimensions = array<i32: 0>} : vector<16xi32>
    %add3A_953 = arith.constant 16 : i32
    %add3A_954 = vector.broadcast %add3A_953 : i32 to vector<16xi32>
    %add3A_955 = arith.addi %iota3A_952, %add3A_954 : vector<16xi32>
    %mul3A_956 = arith.constant 2 : i32
    %mul3A_957 = vector.broadcast %mul3A_956 : i32 to vector<16xi32>
    %mul3A_958 = arith.muli %add3A_955, %mul3A_957 : vector<16xi32>
    %add3A_959 = vector.broadcast %add3A_938 : i32 to vector<16xi32>
    %add3A_960 = arith.addi %add3A_959, %mul3A_958 : vector<16xi32>
    %swap3A_961 = arith.constant 16 : index
    %swap3A_962 = tpu.vector_load %arg11[%swap3A_961] {strides = array<i32>} : memref<128xi32, #tpu.memory_space<vmem>>, vector<16xi32>,
    %swap3A_963 = vector.shape_cast %swap3A_962 : vector<16xi32> to vector<16xi32>
    %swap3A_964 = vector.shape_cast %add3A_960 : vector<16xi32> to vector<16xi32>
    tpu.vector_store %arg11[%swap3A_961], %swap3A_964 {strides = array<i32>} : memref<128xi32, #tpu.memory_space<vmem>>, vector<16xi32>,
    %iota3A_965 = tpu.iota {dimensions = array<i32: 0>} : vector<16xi32>
    %add3A_966 = arith.constant 32 : i32
    %add3A_967 = vector.broadcast %add3A_966 : i32 to vector<16xi32>
    %add3A_968 = arith.addi %iota3A_965, %add3A_967 : vector<16xi32>
    %mul3A_969 = arith.constant 2 : i32
    %mul3A_970 = vector.broadcast %mul3A_969 : i32 to vector<16xi32>
    %mul3A_971 = arith.muli %add3A_968, %mul3A_970 : vector<16xi32>
    %add3A_972 = vector.broadcast %add3A_938 : i32 to vector<16xi32>
    %add3A_973 = arith.addi %add3A_972, %mul3A_971 : vector<16xi32>
    %swap3A_974 = arith.constant 32 : index
    %swap3A_975 = tpu.vector_load %arg11[%swap3A_974] {strides = array<i32>} : memref<128xi32, #tpu.memory_space<vmem>>, vector<16xi32>,
    %swap3A_976 = vector.shape_cast %swap3A_975 : vector<16xi32> to vector<16xi32>
    %swap3A_977 = vector.shape_cast %add3A_973 : vector<16xi32> to vector<16xi32>
    tpu.vector_store %arg11[%swap3A_974], %swap3A_977 {strides = array<i32>} : memref<128xi32, #tpu.memory_space<vmem>>, vector<16xi32>,
    %iota3A_978 = tpu.iota {dimensions = array<i32: 0>} : vector<16xi32>
    %add3A_979 = arith.constant 48 : i32
    %add3A_980 = vector.broadcast %add3A_979 : i32 to vector<16xi32>
    %add3A_981 = arith.addi %iota3A_978, %add3A_980 : vector<16xi32>
    %mul3A_982 = arith.constant 2 : i32
    %mul3A_983 = vector.broadcast %mul3A_982 : i32 to vector<16xi32>
    %mul3A_984 = arith.muli %add3A_981, %mul3A_983 : vector<16xi32>
    %add3A_985 = vector.broadcast %add3A_938 : i32 to vector<16xi32>
    %add3A_986 = arith.addi %add3A_985, %mul3A_984 : vector<16xi32>
    %swap3A_987 = arith.constant 48 : index
    %swap3A_988 = tpu.vector_load %arg11[%swap3A_987] {strides = array<i32>} : memref<128xi32, #tpu.memory_space<vmem>>, vector<16xi32>,
    %swap3A_989 = vector.shape_cast %swap3A_988 : vector<16xi32> to vector<16xi32>
    %swap3A_990 = vector.shape_cast %add3A_986 : vector<16xi32> to vector<16xi32>
    tpu.vector_store %arg11[%swap3A_987], %swap3A_990 {strides = array<i32>} : memref<128xi32, #tpu.memory_space<vmem>>, vector<16xi32>,
    %iota3A_991 = tpu.iota {dimensions = array<i32: 0>} : vector<16xi32>
    %add3A_992 = arith.constant 64 : i32
    %add3A_993 = vector.broadcast %add3A_992 : i32 to vector<16xi32>
    %add3A_994 = arith.addi %iota3A_991, %add3A_993 : vector<16xi32>
    %mul3A_995 = arith.constant 2 : i32
    %mul3A_996 = vector.broadcast %mul3A_995 : i32 to vector<16xi32>
    %mul3A_997 = arith.muli %add3A_994, %mul3A_996 : vector<16xi32>
    %add3A_998 = vector.broadcast %add3A_938 : i32 to vector<16xi32>
    %add3A_999 = arith.addi %add3A_998, %mul3A_997 : vector<16xi32>
    %swap3A_1000 = arith.constant 64 : index
    %swap3A_1001 = tpu.vector_load %arg11[%swap3A_1000] {strides = array<i32>} : memref<128xi32, #tpu.memory_space<vmem>>, vector<16xi32>,
    %swap3A_1002 = vector.shape_cast %swap3A_1001 : vector<16xi32> to vector<16xi32>
    %swap3A_1003 = vector.shape_cast %add3A_999 : vector<16xi32> to vector<16xi32>
    tpu.vector_store %arg11[%swap3A_1000], %swap3A_1003 {strides = array<i32>} : memref<128xi32, #tpu.memory_space<vmem>>, vector<16xi32>,
    %iota3A_1004 = tpu.iota {dimensions = array<i32: 0>} : vector<16xi32>
    %add3A_1005 = arith.constant 80 : i32
    %add3A_1006 = vector.broadcast %add3A_1005 : i32 to vector<16xi32>
    %add3A_1007 = arith.addi %iota3A_1004, %add3A_1006 : vector<16xi32>
    %mul3A_1008 = arith.constant 2 : i32
    %mul3A_1009 = vector.broadcast %mul3A_1008 : i32 to vector<16xi32>
    %mul3A_1010 = arith.muli %add3A_1007, %mul3A_1009 : vector<16xi32>
    %add3A_1011 = vector.broadcast %add3A_938 : i32 to vector<16xi32>
    %add3A_1012 = arith.addi %add3A_1011, %mul3A_1010 : vector<16xi32>
    %swap3A_1013 = arith.constant 80 : index
    %swap3A_1014 = tpu.vector_load %arg11[%swap3A_1013] {strides = array<i32>} : memref<128xi32, #tpu.memory_space<vmem>>, vector<16xi32>,
    %swap3A_1015 = vector.shape_cast %swap3A_1014 : vector<16xi32> to vector<16xi32>
    %swap3A_1016 = vector.shape_cast %add3A_1012 : vector<16xi32> to vector<16xi32>
    tpu.vector_store %arg11[%swap3A_1013], %swap3A_1016 {strides = array<i32>} : memref<128xi32, #tpu.memory_space<vmem>>, vector<16xi32>,
    %iota3A_1017 = tpu.iota {dimensions = array<i32: 0>} : vector<16xi32>
    %add3A_1018 = arith.constant 96 : i32
    %add3A_1019 = vector.broadcast %add3A_1018 : i32 to vector<16xi32>
    %add3A_1020 = arith.addi %iota3A_1017, %add3A_1019 : vector<16xi32>
    %mul3A_1021 = arith.constant 2 : i32
    %mul3A_1022 = vector.broadcast %mul3A_1021 : i32 to vector<16xi32>
    %mul3A_1023 = arith.muli %add3A_1020, %mul3A_1022 : vector<16xi32>
    %add3A_1024 = vector.broadcast %add3A_938 : i32 to vector<16xi32>
    %add3A_1025 = arith.addi %add3A_1024, %mul3A_1023 : vector<16xi32>
    %swap3A_1026 = arith.constant 96 : index
    %swap3A_1027 = tpu.vector_load %arg11[%swap3A_1026] {strides = array<i32>} : memref<128xi32, #tpu.memory_space<vmem>>, vector<16xi32>,
    %swap3A_1028 = vector.shape_cast %swap3A_1027 : vector<16xi32> to vector<16xi32>
    %swap3A_1029 = vector.shape_cast %add3A_1025 : vector<16xi32> to vector<16xi32>
    tpu.vector_store %arg11[%swap3A_1026], %swap3A_1029 {strides = array<i32>} : memref<128xi32, #tpu.memory_space<vmem>>, vector<16xi32>,
    %iota3A_1030 = tpu.iota {dimensions = array<i32: 0>} : vector<16xi32>
    %add3A_1031 = arith.constant 112 : i32
    %add3A_1032 = vector.broadcast %add3A_1031 : i32 to vector<16xi32>
    %add3A_1033 = arith.addi %iota3A_1030, %add3A_1032 : vector<16xi32>
    %mul3A_1034 = arith.constant 2 : i32
    %mul3A_1035 = vector.broadcast %mul3A_1034 : i32 to vector<16xi32>
    %mul3A_1036 = arith.muli %add3A_1033, %mul3A_1035 : vector<16xi32>
    %add3A_1037 = vector.broadcast %add3A_938 : i32 to vector<16xi32>
    %add3A_1038 = arith.addi %add3A_1037, %mul3A_1036 : vector<16xi32>
    %swap3A_1039 = arith.constant 112 : index
    %swap3A_1040 = tpu.vector_load %arg11[%swap3A_1039] {strides = array<i32>} : memref<128xi32, #tpu.memory_space<vmem>>, vector<16xi32>,
    %swap3A_1041 = vector.shape_cast %swap3A_1040 : vector<16xi32> to vector<16xi32>
    %swap3A_1042 = vector.shape_cast %add3A_1038 : vector<16xi32> to vector<16xi32>
    tpu.vector_store %arg11[%swap3A_1039], %swap3A_1042 {strides = array<i32>} : memref<128xi32, #tpu.memory_space<vmem>>, vector<16xi32>,
    %dma_wait3A_1043 = arith.constant 0 : i32
    %dma_wait3A_1044 = tpu.memref_slice %arg2[%dma_wait3A_1043] : memref<614400xi32, #tpu.memory_space<hbm>> -> memref<128xi32, #tpu.memory_space<hbm>>
    %dma_wait3A_1045 = arith.constant 0 : i32
    %dma_wait3A_1046 = tpu.memref_slice %arg2[%dma_wait3A_1045] : memref<614400xi32, #tpu.memory_space<hbm>> -> memref<128xi32, #tpu.memory_space<hbm>>
    tpu.wait_dma2 semaphore(%arg35 : memref<!tpu.dma_semaphore, #tpu.memory_space<semaphore_mem>>) src(%dma_wait3A_1046 : memref<128xi32, #tpu.memory_space<hbm>>) dst(%arg5 : memref<128xi32, #tpu.memory_space<vmem>>)
    %dma_start3A_1047 = arith.constant 0 : i32
    %dma_start3A_1048 = arith.constant 0 : i32
    %dma_start3A_1049 = tpu.memref_slice %arg3[%dma_start3A_1047, %dma_start3A_1048] : memref<100001x64xf32, #tpu.memory_space<hbm>> -> memref<100001x64xf32, #tpu.memory_space<hbm>>
    tpu.enqueue_indirect_dma source(%dma_start3A_1049 : memref<100001x64xf32, #tpu.memory_space<hbm>>) target(%arg17 : memref<128x64xf32, #tpu.memory_space<vmem>>) offsets(%arg5 : memref<128xi32, #tpu.memory_space<vmem>>) semaphore(%arg23 : memref<!tpu.dma_semaphore, #tpu.memory_space<semaphore_mem>>)
    %dma_wait3A_1050 = arith.constant 0 : i32
    %dma_wait3A_1051 = arith.constant 0 : i32
    %dma_wait3A_1052 = tpu.memref_slice %arg3[%dma_wait3A_1050, %dma_wait3A_1051] : memref<100001x64xf32, #tpu.memory_space<hbm>> -> memref<100001x64xf32, #tpu.memory_space<hbm>>
    tpu.wait_indirect_dma semaphore(%arg27 : memref<!tpu.dma_semaphore, #tpu.memory_space<semaphore_mem>>) src(%dma_wait3A_1052 : memref<100001x64xf32, #tpu.memory_space<hbm>>) dst(%arg21 : memref<128x64xf32, #tpu.memory_space<vmem>>)
    %dma_start3A_1053 = arith.constant 0 : i32
    %dma_start3A_1054 = arith.constant 0 : i32
    %dma_start3A_1055 = tpu.memref_slice %arg4[%dma_start3A_1053, %dma_start3A_1054] : memref<614400x64xf32, #tpu.memory_space<hbm>> -> memref<614400x64xf32, #tpu.memory_space<hbm>>
    tpu.enqueue_indirect_dma source(%arg21 : memref<128x64xf32, #tpu.memory_space<vmem>>) target(%dma_start3A_1055 : memref<614400x64xf32, #tpu.memory_space<hbm>>) offsets(%arg15 : memref<128xi32, #tpu.memory_space<vmem>>) semaphore(%arg33 : memref<!tpu.dma_semaphore, #tpu.memory_space<semaphore_mem>>)
    %add3A_1056 = arith.constant 18944 : i32
    %add3A_1057 = arith.addi %mul3A_2, %add3A_1056 : i32
    %multiple_of3A_1058 = tpu.assume_multiple %add3A_1057, 128 : i32
    %dma_start3A_1059 = tpu.memref_slice %arg2[%multiple_of3A_1058] : memref<614400xi32, #tpu.memory_space<hbm>> -> memref<128xi32, #tpu.memory_space<hbm>>
    %dma_start3A_1060 = tpu.memref_slice %arg2[%multiple_of3A_1058] : memref<614400xi32, #tpu.memory_space<hbm>> -> memref<128xi32, #tpu.memory_space<hbm>>
    tpu.enqueue_dma source(%dma_start3A_1060 : memref<128xi32, #tpu.memory_space<hbm>>) target(%arg9 : memref<128xi32, #tpu.memory_space<vmem>>) target_semaphore(%arg39 : memref<!tpu.dma_semaphore, #tpu.memory_space<semaphore_mem>>)
    %dma_wait3A_1061 = arith.constant 0 : i32
    %dma_wait3A_1062 = arith.constant 0 : i32
    %dma_wait3A_1063 = tpu.memref_slice %arg4[%dma_wait3A_1061, %dma_wait3A_1062] : memref<614400x64xf32, #tpu.memory_space<hbm>> -> memref<614400x64xf32, #tpu.memory_space<hbm>>
    tpu.wait_indirect_dma semaphore(%arg30 : memref<!tpu.dma_semaphore, #tpu.memory_space<semaphore_mem>>) src(%arg18 : memref<128x64xf32, #tpu.memory_space<vmem>>) dst(%dma_wait3A_1063 : memref<614400x64xf32, #tpu.memory_space<hbm>>)
    %add3A_1064 = arith.constant 145 : i32
    %add3A_1065 = arith.addi %mul3A_4, %add3A_1064 : i32
    %shift_right_logical3A_1066 = arith.constant 3 : i32
    %shift_right_logical3A_1067 = arith.shrui %add3A_1065, %shift_right_logical3A_1066 : i32
    %mul3A_1068 = arith.constant 328 : i32
    %mul3A_1069 = arith.muli %shift_right_logical3A_1067, %mul3A_1068 : i32
    %shift_right_logical3A_1070 = arith.constant 16 : i32
    %shift_right_logical3A_1071 = arith.shrui %mul3A_1069, %shift_right_logical3A_1070 : i32
    %mul3A_1072 = arith.constant 200 : i32
    %mul3A_1073 = arith.muli %mul3A_1072, %shift_right_logical3A_1071 : i32
    %sub3A_1074 = arith.subi %shift_right_logical3A_1067, %mul3A_1073 : i32
    %and3A_1075 = arith.constant 7 : i32
    %and3A_1076 = arith.andi %add3A_1065, %and3A_1075 : i32
    %shift_left3A_1077 = arith.constant 7 : i32
    %shift_left3A_1078 = arith.shli %and3A_1076, %shift_left3A_1077 : i32
    %mul3A_1079 = arith.constant 3072 : i32
    %mul3A_1080 = arith.muli %sub3A_1074, %mul3A_1079 : i32
    %mul3A_1081 = arith.constant 1024 : i32
    %mul3A_1082 = arith.muli %shift_right_logical3A_1071, %mul3A_1081 : i32
    %add3A_1083 = arith.addi %mul3A_1080, %mul3A_1082 : i32
    %and3A_1084 = arith.constant 511 : i32
    %and3A_1085 = arith.andi %shift_left3A_1078, %and3A_1084 : i32
    %shift_left3A_1086 = arith.constant 1 : i32
    %shift_left3A_1087 = arith.shli %and3A_1085, %shift_left3A_1086 : i32
    %add3A_1088 = arith.addi %add3A_1083, %shift_left3A_1087 : i32
    %shift_right_logical3A_1089 = arith.constant 9 : i32
    %shift_right_logical3A_1090 = arith.shrui %shift_left3A_1078, %shift_right_logical3A_1089 : i32
    %add3A_1091 = arith.addi %add3A_1088, %shift_right_logical3A_1090 : i32
    %iota3A_1092 = tpu.iota {dimensions = array<i32: 0>} : vector<16xi32>
    %add3A_1093 = arith.constant 0 : i32
    %add3A_1094 = vector.broadcast %add3A_1093 : i32 to vector<16xi32>
    %add3A_1095 = arith.addi %iota3A_1092, %add3A_1094 : vector<16xi32>
    %mul3A_1096 = arith.constant 2 : i32
    %mul3A_1097 = vector.broadcast %mul3A_1096 : i32 to vector<16xi32>
    %mul3A_1098 = arith.muli %add3A_1095, %mul3A_1097 : vector<16xi32>
    %add3A_1099 = vector.broadcast %add3A_1091 : i32 to vector<16xi32>
    %add3A_1100 = arith.addi %add3A_1099, %mul3A_1098 : vector<16xi32>
    %swap3A_1101 = arith.constant 0 : index
    %swap3A_1102 = tpu.vector_load %arg12[%swap3A_1101] {strides = array<i32>} : memref<128xi32, #tpu.memory_space<vmem>>, vector<16xi32>,
    %swap3A_1103 = vector.shape_cast %swap3A_1102 : vector<16xi32> to vector<16xi32>
    %swap3A_1104 = vector.shape_cast %add3A_1100 : vector<16xi32> to vector<16xi32>
    tpu.vector_store %arg12[%swap3A_1101], %swap3A_1104 {strides = array<i32>} : memref<128xi32, #tpu.memory_space<vmem>>, vector<16xi32>,
    %iota3A_1105 = tpu.iota {dimensions = array<i32: 0>} : vector<16xi32>
    %add3A_1106 = arith.constant 16 : i32
    %add3A_1107 = vector.broadcast %add3A_1106 : i32 to vector<16xi32>
    %add3A_1108 = arith.addi %iota3A_1105, %add3A_1107 : vector<16xi32>
    %mul3A_1109 = arith.constant 2 : i32
    %mul3A_1110 = vector.broadcast %mul3A_1109 : i32 to vector<16xi32>
    %mul3A_1111 = arith.muli %add3A_1108, %mul3A_1110 : vector<16xi32>
    %add3A_1112 = vector.broadcast %add3A_1091 : i32 to vector<16xi32>
    %add3A_1113 = arith.addi %add3A_1112, %mul3A_1111 : vector<16xi32>
    %swap3A_1114 = arith.constant 16 : index
    %swap3A_1115 = tpu.vector_load %arg12[%swap3A_1114] {strides = array<i32>} : memref<128xi32, #tpu.memory_space<vmem>>, vector<16xi32>,
    %swap3A_1116 = vector.shape_cast %swap3A_1115 : vector<16xi32> to vector<16xi32>
    %swap3A_1117 = vector.shape_cast %add3A_1113 : vector<16xi32> to vector<16xi32>
    tpu.vector_store %arg12[%swap3A_1114], %swap3A_1117 {strides = array<i32>} : memref<128xi32, #tpu.memory_space<vmem>>, vector<16xi32>,
    %iota3A_1118 = tpu.iota {dimensions = array<i32: 0>} : vector<16xi32>
    %add3A_1119 = arith.constant 32 : i32
    %add3A_1120 = vector.broadcast %add3A_1119 : i32 to vector<16xi32>
    %add3A_1121 = arith.addi %iota3A_1118, %add3A_1120 : vector<16xi32>
    %mul3A_1122 = arith.constant 2 : i32
    %mul3A_1123 = vector.broadcast %mul3A_1122 : i32 to vector<16xi32>
    %mul3A_1124 = arith.muli %add3A_1121, %mul3A_1123 : vector<16xi32>
    %add3A_1125 = vector.broadcast %add3A_1091 : i32 to vector<16xi32>
    %add3A_1126 = arith.addi %add3A_1125, %mul3A_1124 : vector<16xi32>
    %swap3A_1127 = arith.constant 32 : index
    %swap3A_1128 = tpu.vector_load %arg12[%swap3A_1127] {strides = array<i32>} : memref<128xi32, #tpu.memory_space<vmem>>, vector<16xi32>,
    %swap3A_1129 = vector.shape_cast %swap3A_1128 : vector<16xi32> to vector<16xi32>
    %swap3A_1130 = vector.shape_cast %add3A_1126 : vector<16xi32> to vector<16xi32>
    tpu.vector_store %arg12[%swap3A_1127], %swap3A_1130 {strides = array<i32>} : memref<128xi32, #tpu.memory_space<vmem>>, vector<16xi32>,
    %iota3A_1131 = tpu.iota {dimensions = array<i32: 0>} : vector<16xi32>
    %add3A_1132 = arith.constant 48 : i32
    %add3A_1133 = vector.broadcast %add3A_1132 : i32 to vector<16xi32>
    %add3A_1134 = arith.addi %iota3A_1131, %add3A_1133 : vector<16xi32>
    %mul3A_1135 = arith.constant 2 : i32
    %mul3A_1136 = vector.broadcast %mul3A_1135 : i32 to vector<16xi32>
    %mul3A_1137 = arith.muli %add3A_1134, %mul3A_1136 : vector<16xi32>
    %add3A_1138 = vector.broadcast %add3A_1091 : i32 to vector<16xi32>
    %add3A_1139 = arith.addi %add3A_1138, %mul3A_1137 : vector<16xi32>
    %swap3A_1140 = arith.constant 48 : index
    %swap3A_1141 = tpu.vector_load %arg12[%swap3A_1140] {strides = array<i32>} : memref<128xi32, #tpu.memory_space<vmem>>, vector<16xi32>,
    %swap3A_1142 = vector.shape_cast %swap3A_1141 : vector<16xi32> to vector<16xi32>
    %swap3A_1143 = vector.shape_cast %add3A_1139 : vector<16xi32> to vector<16xi32>
    tpu.vector_store %arg12[%swap3A_1140], %swap3A_1143 {strides = array<i32>} : memref<128xi32, #tpu.memory_space<vmem>>, vector<16xi32>,
    %iota3A_1144 = tpu.iota {dimensions = array<i32: 0>} : vector<16xi32>
    %add3A_1145 = arith.constant 64 : i32
    %add3A_1146 = vector.broadcast %add3A_1145 : i32 to vector<16xi32>
    %add3A_1147 = arith.addi %iota3A_1144, %add3A_1146 : vector<16xi32>
    %mul3A_1148 = arith.constant 2 : i32
    %mul3A_1149 = vector.broadcast %mul3A_1148 : i32 to vector<16xi32>
    %mul3A_1150 = arith.muli %add3A_1147, %mul3A_1149 : vector<16xi32>
    %add3A_1151 = vector.broadcast %add3A_1091 : i32 to vector<16xi32>
    %add3A_1152 = arith.addi %add3A_1151, %mul3A_1150 : vector<16xi32>
    %swap3A_1153 = arith.constant 64 : index
    %swap3A_1154 = tpu.vector_load %arg12[%swap3A_1153] {strides = array<i32>} : memref<128xi32, #tpu.memory_space<vmem>>, vector<16xi32>,
    %swap3A_1155 = vector.shape_cast %swap3A_1154 : vector<16xi32> to vector<16xi32>
    %swap3A_1156 = vector.shape_cast %add3A_1152 : vector<16xi32> to vector<16xi32>
    tpu.vector_store %arg12[%swap3A_1153], %swap3A_1156 {strides = array<i32>} : memref<128xi32, #tpu.memory_space<vmem>>, vector<16xi32>,
    %iota3A_1157 = tpu.iota {dimensions = array<i32: 0>} : vector<16xi32>
    %add3A_1158 = arith.constant 80 : i32
    %add3A_1159 = vector.broadcast %add3A_1158 : i32 to vector<16xi32>
    %add3A_1160 = arith.addi %iota3A_1157, %add3A_1159 : vector<16xi32>
    %mul3A_1161 = arith.constant 2 : i32
    %mul3A_1162 = vector.broadcast %mul3A_1161 : i32 to vector<16xi32>
    %mul3A_1163 = arith.muli %add3A_1160, %mul3A_1162 : vector<16xi32>
    %add3A_1164 = vector.broadcast %add3A_1091 : i32 to vector<16xi32>
    %add3A_1165 = arith.addi %add3A_1164, %mul3A_1163 : vector<16xi32>
    %swap3A_1166 = arith.constant 80 : index
    %swap3A_1167 = tpu.vector_load %arg12[%swap3A_1166] {strides = array<i32>} : memref<128xi32, #tpu.memory_space<vmem>>, vector<16xi32>,
    %swap3A_1168 = vector.shape_cast %swap3A_1167 : vector<16xi32> to vector<16xi32>
    %swap3A_1169 = vector.shape_cast %add3A_1165 : vector<16xi32> to vector<16xi32>
    tpu.vector_store %arg12[%swap3A_1166], %swap3A_1169 {strides = array<i32>} : memref<128xi32, #tpu.memory_space<vmem>>, vector<16xi32>,
    %iota3A_1170 = tpu.iota {dimensions = array<i32: 0>} : vector<16xi32>
    %add3A_1171 = arith.constant 96 : i32
    %add3A_1172 = vector.broadcast %add3A_1171 : i32 to vector<16xi32>
    %add3A_1173 = arith.addi %iota3A_1170, %add3A_1172 : vector<16xi32>
    %mul3A_1174 = arith.constant 2 : i32
    %mul3A_1175 = vector.broadcast %mul3A_1174 : i32 to vector<16xi32>
    %mul3A_1176 = arith.muli %add3A_1173, %mul3A_1175 : vector<16xi32>
    %add3A_1177 = vector.broadcast %add3A_1091 : i32 to vector<16xi32>
    %add3A_1178 = arith.addi %add3A_1177, %mul3A_1176 : vector<16xi32>
    %swap3A_1179 = arith.constant 96 : index
    %swap3A_1180 = tpu.vector_load %arg12[%swap3A_1179] {strides = array<i32>} : memref<128xi32, #tpu.memory_space<vmem>>, vector<16xi32>,
    %swap3A_1181 = vector.shape_cast %swap3A_1180 : vector<16xi32> to vector<16xi32>
    %swap3A_1182 = vector.shape_cast %add3A_1178 : vector<16xi32> to vector<16xi32>
    tpu.vector_store %arg12[%swap3A_1179], %swap3A_1182 {strides = array<i32>} : memref<128xi32, #tpu.memory_space<vmem>>, vector<16xi32>,
    %iota3A_1183 = tpu.iota {dimensions = array<i32: 0>} : vector<16xi32>
    %add3A_1184 = arith.constant 112 : i32
    %add3A_1185 = vector.broadcast %add3A_1184 : i32 to vector<16xi32>
    %add3A_1186 = arith.addi %iota3A_1183, %add3A_1185 : vector<16xi32>
    %mul3A_1187 = arith.constant 2 : i32
    %mul3A_1188 = vector.broadcast %mul3A_1187 : i32 to vector<16xi32>
    %mul3A_1189 = arith.muli %add3A_1186, %mul3A_1188 : vector<16xi32>
    %add3A_1190 = vector.broadcast %add3A_1091 : i32 to vector<16xi32>
    %add3A_1191 = arith.addi %add3A_1190, %mul3A_1189 : vector<16xi32>
    %swap3A_1192 = arith.constant 112 : index
    %swap3A_1193 = tpu.vector_load %arg12[%swap3A_1192] {strides = array<i32>} : memref<128xi32, #tpu.memory_space<vmem>>, vector<16xi32>,
    %swap3A_1194 = vector.shape_cast %swap3A_1193 : vector<16xi32> to vector<16xi32>
    %swap3A_1195 = vector.shape_cast %add3A_1191 : vector<16xi32> to vector<16xi32>
    tpu.vector_store %arg12[%swap3A_1192], %swap3A_1195 {strides = array<i32>} : memref<128xi32, #tpu.memory_space<vmem>>, vector<16xi32>,
    %dma_wait3A_1196 = arith.constant 0 : i32
    %dma_wait3A_1197 = tpu.memref_slice %arg2[%dma_wait3A_1196] : memref<614400xi32, #tpu.memory_space<hbm>> -> memref<128xi32, #tpu.memory_space<hbm>>
    %dma_wait3A_1198 = arith.constant 0 : i32
    %dma_wait3A_1199 = tpu.memref_slice %arg2[%dma_wait3A_1198] : memref<614400xi32, #tpu.memory_space<hbm>> -> memref<128xi32, #tpu.memory_space<hbm>>
    tpu.wait_dma2 semaphore(%arg36 : memref<!tpu.dma_semaphore, #tpu.memory_space<semaphore_mem>>) src(%dma_wait3A_1199 : memref<128xi32, #tpu.memory_space<hbm>>) dst(%arg6 : memref<128xi32, #tpu.memory_space<vmem>>)
    %dma_start3A_1200 = arith.constant 0 : i32
    %dma_start3A_1201 = arith.constant 0 : i32
    %dma_start3A_1202 = tpu.memref_slice %arg3[%dma_start3A_1200, %dma_start3A_1201] : memref<100001x64xf32, #tpu.memory_space<hbm>> -> memref<100001x64xf32, #tpu.memory_space<hbm>>
    tpu.enqueue_indirect_dma source(%dma_start3A_1202 : memref<100001x64xf32, #tpu.memory_space<hbm>>) target(%arg18 : memref<128x64xf32, #tpu.memory_space<vmem>>) offsets(%arg6 : memref<128xi32, #tpu.memory_space<vmem>>) semaphore(%arg24 : memref<!tpu.dma_semaphore, #tpu.memory_space<semaphore_mem>>)
    %dma_wait3A_1203 = arith.constant 0 : i32
    %dma_wait3A_1204 = arith.constant 0 : i32
    %dma_wait3A_1205 = tpu.memref_slice %arg3[%dma_wait3A_1203, %dma_wait3A_1204] : memref<100001x64xf32, #tpu.memory_space<hbm>> -> memref<100001x64xf32, #tpu.memory_space<hbm>>
    tpu.wait_indirect_dma semaphore(%arg28 : memref<!tpu.dma_semaphore, #tpu.memory_space<semaphore_mem>>) src(%dma_wait3A_1205 : memref<100001x64xf32, #tpu.memory_space<hbm>>) dst(%arg22 : memref<128x64xf32, #tpu.memory_space<vmem>>)
    %dma_start3A_1206 = arith.constant 0 : i32
    %dma_start3A_1207 = arith.constant 0 : i32
    %dma_start3A_1208 = tpu.memref_slice %arg4[%dma_start3A_1206, %dma_start3A_1207] : memref<614400x64xf32, #tpu.memory_space<hbm>> -> memref<614400x64xf32, #tpu.memory_space<hbm>>
    tpu.enqueue_indirect_dma source(%arg22 : memref<128x64xf32, #tpu.memory_space<vmem>>) target(%dma_start3A_1208 : memref<614400x64xf32, #tpu.memory_space<hbm>>) offsets(%arg16 : memref<128xi32, #tpu.memory_space<vmem>>) semaphore(%arg34 : memref<!tpu.dma_semaphore, #tpu.memory_space<semaphore_mem>>)
    %add3A_1209 = arith.constant 19072 : i32
    %add3A_1210 = arith.addi %mul3A_2, %add3A_1209 : i32
    %multiple_of3A_1211 = tpu.assume_multiple %add3A_1210, 128 : i32
    %dma_start3A_1212 = tpu.memref_slice %arg2[%multiple_of3A_1211] : memref<614400xi32, #tpu.memory_space<hbm>> -> memref<128xi32, #tpu.memory_space<hbm>>
    %dma_start3A_1213 = tpu.memref_slice %arg2[%multiple_of3A_1211] : memref<614400xi32, #tpu.memory_space<hbm>> -> memref<128xi32, #tpu.memory_space<hbm>>
    tpu.enqueue_dma source(%dma_start3A_1213 : memref<128xi32, #tpu.memory_space<hbm>>) target(%arg10 : memref<128xi32, #tpu.memory_space<vmem>>) target_semaphore(%arg40 : memref<!tpu.dma_semaphore, #tpu.memory_space<semaphore_mem>>)
    %dma_wait3A_1214 = arith.constant 0 : i32
    %dma_wait3A_1215 = arith.constant 0 : i32
    %dma_wait3A_1216 = tpu.memref_slice %arg4[%dma_wait3A_1214, %dma_wait3A_1215] : memref<614400x64xf32, #tpu.memory_space<hbm>> -> memref<614400x64xf32, #tpu.memory_space<hbm>>
    tpu.wait_indirect_dma semaphore(%arg31 : memref<!tpu.dma_semaphore, #tpu.memory_space<semaphore_mem>>) src(%arg19 : memref<128x64xf32, #tpu.memory_space<vmem>>) dst(%dma_wait3A_1216 : memref<614400x64xf32, #tpu.memory_space<hbm>>)
    %add3A_1217 = arith.constant 146 : i32
    %add3A_1218 = arith.addi %mul3A_4, %add3A_1217 : i32
    %shift_right_logical3A_1219 = arith.constant 3 : i32
    %shift_right_logical3A_1220 = arith.shrui %add3A_1218, %shift_right_logical3A_1219 : i32
    %mul3A_1221 = arith.constant 328 : i32
    %mul3A_1222 = arith.muli %shift_right_logical3A_1220, %mul3A_1221 : i32
    %shift_right_logical3A_1223 = arith.constant 16 : i32
    %shift_right_logical3A_1224 = arith.shrui %mul3A_1222, %shift_right_logical3A_1223 : i32
    %mul3A_1225 = arith.constant 200 : i32
    %mul3A_1226 = arith.muli %mul3A_1225, %shift_right_logical3A_1224 : i32
    %sub3A_1227 = arith.subi %shift_right_logical3A_1220, %mul3A_1226 : i32
    %and3A_1228 = arith.constant 7 : i32
    %and3A_1229 = arith.andi %add3A_1218, %and3A_1228 : i32
    %shift_left3A_1230 = arith.constant 7 : i32
    %shift_left3A_1231 = arith.shli %and3A_1229, %shift_left3A_1230 : i32
    %mul3A_1232 = arith.constant 3072 : i32
    %mul3A_1233 = arith.muli %sub3A_1227, %mul3A_1232 : i32
    %mul3A_1234 = arith.constant 1024 : i32
    %mul3A_1235 = arith.muli %shift_right_logical3A_1224, %mul3A_1234 : i32
    %add3A_1236 = arith.addi %mul3A_1233, %mul3A_1235 : i32
    %and3A_1237 = arith.constant 511 : i32
    %and3A_1238 = arith.andi %shift_left3A_1231, %and3A_1237 : i32
    %shift_left3A_1239 = arith.constant 1 : i32
    %shift_left3A_1240 = arith.shli %and3A_1238, %shift_left3A_1239 : i32
    %add3A_1241 = arith.addi %add3A_1236, %shift_left3A_1240 : i32
    %shift_right_logical3A_1242 = arith.constant 9 : i32
    %shift_right_logical3A_1243 = arith.shrui %shift_left3A_1231, %shift_right_logical3A_1242 : i32
    %add3A_1244 = arith.addi %add3A_1241, %shift_right_logical3A_1243 : i32
    %iota3A_1245 = tpu.iota {dimensions = array<i32: 0>} : vector<16xi32>
    %add3A_1246 = arith.constant 0 : i32
    %add3A_1247 = vector.broadcast %add3A_1246 : i32 to vector<16xi32>
    %add3A_1248 = arith.addi %iota3A_1245, %add3A_1247 : vector<16xi32>
    %mul3A_1249 = arith.constant 2 : i32
    %mul3A_1250 = vector.broadcast %mul3A_1249 : i32 to vector<16xi32>
    %mul3A_1251 = arith.muli %add3A_1248, %mul3A_1250 : vector<16xi32>
    %add3A_1252 = vector.broadcast %add3A_1244 : i32 to vector<16xi32>
    %add3A_1253 = arith.addi %add3A_1252, %mul3A_1251 : vector<16xi32>
    %swap3A_1254 = arith.constant 0 : index
    %swap3A_1255 = tpu.vector_load %arg13[%swap3A_1254] {strides = array<i32>} : memref<128xi32, #tpu.memory_space<vmem>>, vector<16xi32>,
    %swap3A_1256 = vector.shape_cast %swap3A_1255 : vector<16xi32> to vector<16xi32>
    %swap3A_1257 = vector.shape_cast %add3A_1253 : vector<16xi32> to vector<16xi32>
    tpu.vector_store %arg13[%swap3A_1254], %swap3A_1257 {strides = array<i32>} : memref<128xi32, #tpu.memory_space<vmem>>, vector<16xi32>,
    %iota3A_1258 = tpu.iota {dimensions = array<i32: 0>} : vector<16xi32>
    %add3A_1259 = arith.constant 16 : i32
    %add3A_1260 = vector.broadcast %add3A_1259 : i32 to vector<16xi32>
    %add3A_1261 = arith.addi %iota3A_1258, %add3A_1260 : vector<16xi32>
    %mul3A_1262 = arith.constant 2 : i32
    %mul3A_1263 = vector.broadcast %mul3A_1262 : i32 to vector<16xi32>
    %mul3A_1264 = arith.muli %add3A_1261, %mul3A_1263 : vector<16xi32>
    %add3A_1265 = vector.broadcast %add3A_1244 : i32 to vector<16xi32>
    %add3A_1266 = arith.addi %add3A_1265, %mul3A_1264 : vector<16xi32>
    %swap3A_1267 = arith.constant 16 : index
    %swap3A_1268 = tpu.vector_load %arg13[%swap3A_1267] {strides = array<i32>} : memref<128xi32, #tpu.memory_space<vmem>>, vector<16xi32>,
    %swap3A_1269 = vector.shape_cast %swap3A_1268 : vector<16xi32> to vector<16xi32>
    %swap3A_1270 = vector.shape_cast %add3A_1266 : vector<16xi32> to vector<16xi32>
    tpu.vector_store %arg13[%swap3A_1267], %swap3A_1270 {strides = array<i32>} : memref<128xi32, #tpu.memory_space<vmem>>, vector<16xi32>,
    %iota3A_1271 = tpu.iota {dimensions = array<i32: 0>} : vector<16xi32>
    %add3A_1272 = arith.constant 32 : i32
    %add3A_1273 = vector.broadcast %add3A_1272 : i32 to vector<16xi32>
    %add3A_1274 = arith.addi %iota3A_1271, %add3A_1273 : vector<16xi32>
    %mul3A_1275 = arith.constant 2 : i32
    %mul3A_1276 = vector.broadcast %mul3A_1275 : i32 to vector<16xi32>
    %mul3A_1277 = arith.muli %add3A_1274, %mul3A_1276 : vector<16xi32>
    %add3A_1278 = vector.broadcast %add3A_1244 : i32 to vector<16xi32>
    %add3A_1279 = arith.addi %add3A_1278, %mul3A_1277 : vector<16xi32>
    %swap3A_1280 = arith.constant 32 : index
    %swap3A_1281 = tpu.vector_load %arg13[%swap3A_1280] {strides = array<i32>} : memref<128xi32, #tpu.memory_space<vmem>>, vector<16xi32>,
    %swap3A_1282 = vector.shape_cast %swap3A_1281 : vector<16xi32> to vector<16xi32>
    %swap3A_1283 = vector.shape_cast %add3A_1279 : vector<16xi32> to vector<16xi32>
    tpu.vector_store %arg13[%swap3A_1280], %swap3A_1283 {strides = array<i32>} : memref<128xi32, #tpu.memory_space<vmem>>, vector<16xi32>,
    %iota3A_1284 = tpu.iota {dimensions = array<i32: 0>} : vector<16xi32>
    %add3A_1285 = arith.constant 48 : i32
    %add3A_1286 = vector.broadcast %add3A_1285 : i32 to vector<16xi32>
    %add3A_1287 = arith.addi %iota3A_1284, %add3A_1286 : vector<16xi32>
    %mul3A_1288 = arith.constant 2 : i32
    %mul3A_1289 = vector.broadcast %mul3A_1288 : i32 to vector<16xi32>
    %mul3A_1290 = arith.muli %add3A_1287, %mul3A_1289 : vector<16xi32>
    %add3A_1291 = vector.broadcast %add3A_1244 : i32 to vector<16xi32>
    %add3A_1292 = arith.addi %add3A_1291, %mul3A_1290 : vector<16xi32>
    %swap3A_1293 = arith.constant 48 : index
    %swap3A_1294 = tpu.vector_load %arg13[%swap3A_1293] {strides = array<i32>} : memref<128xi32, #tpu.memory_space<vmem>>, vector<16xi32>,
    %swap3A_1295 = vector.shape_cast %swap3A_1294 : vector<16xi32> to vector<16xi32>
    %swap3A_1296 = vector.shape_cast %add3A_1292 : vector<16xi32> to vector<16xi32>
    tpu.vector_store %arg13[%swap3A_1293], %swap3A_1296 {strides = array<i32>} : memref<128xi32, #tpu.memory_space<vmem>>, vector<16xi32>,
    %iota3A_1297 = tpu.iota {dimensions = array<i32: 0>} : vector<16xi32>
    %add3A_1298 = arith.constant 64 : i32
    %add3A_1299 = vector.broadcast %add3A_1298 : i32 to vector<16xi32>
    %add3A_1300 = arith.addi %iota3A_1297, %add3A_1299 : vector<16xi32>
    %mul3A_1301 = arith.constant 2 : i32
    %mul3A_1302 = vector.broadcast %mul3A_1301 : i32 to vector<16xi32>
    %mul3A_1303 = arith.muli %add3A_1300, %mul3A_1302 : vector<16xi32>
    %add3A_1304 = vector.broadcast %add3A_1244 : i32 to vector<16xi32>
    %add3A_1305 = arith.addi %add3A_1304, %mul3A_1303 : vector<16xi32>
    %swap3A_1306 = arith.constant 64 : index
    %swap3A_1307 = tpu.vector_load %arg13[%swap3A_1306] {strides = array<i32>} : memref<128xi32, #tpu.memory_space<vmem>>, vector<16xi32>,
    %swap3A_1308 = vector.shape_cast %swap3A_1307 : vector<16xi32> to vector<16xi32>
    %swap3A_1309 = vector.shape_cast %add3A_1305 : vector<16xi32> to vector<16xi32>
    tpu.vector_store %arg13[%swap3A_1306], %swap3A_1309 {strides = array<i32>} : memref<128xi32, #tpu.memory_space<vmem>>, vector<16xi32>,
    %iota3A_1310 = tpu.iota {dimensions = array<i32: 0>} : vector<16xi32>
    %add3A_1311 = arith.constant 80 : i32
    %add3A_1312 = vector.broadcast %add3A_1311 : i32 to vector<16xi32>
    %add3A_1313 = arith.addi %iota3A_1310, %add3A_1312 : vector<16xi32>
    %mul3A_1314 = arith.constant 2 : i32
    %mul3A_1315 = vector.broadcast %mul3A_1314 : i32 to vector<16xi32>
    %mul3A_1316 = arith.muli %add3A_1313, %mul3A_1315 : vector<16xi32>
    %add3A_1317 = vector.broadcast %add3A_1244 : i32 to vector<16xi32>
    %add3A_1318 = arith.addi %add3A_1317, %mul3A_1316 : vector<16xi32>
    %swap3A_1319 = arith.constant 80 : index
    %swap3A_1320 = tpu.vector_load %arg13[%swap3A_1319] {strides = array<i32>} : memref<128xi32, #tpu.memory_space<vmem>>, vector<16xi32>,
    %swap3A_1321 = vector.shape_cast %swap3A_1320 : vector<16xi32> to vector<16xi32>
    %swap3A_1322 = vector.shape_cast %add3A_1318 : vector<16xi32> to vector<16xi32>
    tpu.vector_store %arg13[%swap3A_1319], %swap3A_1322 {strides = array<i32>} : memref<128xi32, #tpu.memory_space<vmem>>, vector<16xi32>,
    %iota3A_1323 = tpu.iota {dimensions = array<i32: 0>} : vector<16xi32>
    %add3A_1324 = arith.constant 96 : i32
    %add3A_1325 = vector.broadcast %add3A_1324 : i32 to vector<16xi32>
    %add3A_1326 = arith.addi %iota3A_1323, %add3A_1325 : vector<16xi32>
    %mul3A_1327 = arith.constant 2 : i32
    %mul3A_1328 = vector.broadcast %mul3A_1327 : i32 to vector<16xi32>
    %mul3A_1329 = arith.muli %add3A_1326, %mul3A_1328 : vector<16xi32>
    %add3A_1330 = vector.broadcast %add3A_1244 : i32 to vector<16xi32>
    %add3A_1331 = arith.addi %add3A_1330, %mul3A_1329 : vector<16xi32>
    %swap3A_1332 = arith.constant 96 : index
    %swap3A_1333 = tpu.vector_load %arg13[%swap3A_1332] {strides = array<i32>} : memref<128xi32, #tpu.memory_space<vmem>>, vector<16xi32>,
    %swap3A_1334 = vector.shape_cast %swap3A_1333 : vector<16xi32> to vector<16xi32>
    %swap3A_1335 = vector.shape_cast %add3A_1331 : vector<16xi32> to vector<16xi32>
    tpu.vector_store %arg13[%swap3A_1332], %swap3A_1335 {strides = array<i32>} : memref<128xi32, #tpu.memory_space<vmem>>, vector<16xi32>,
    %iota3A_1336 = tpu.iota {dimensions = array<i32: 0>} : vector<16xi32>
    %add3A_1337 = arith.constant 112 : i32
    %add3A_1338 = vector.broadcast %add3A_1337 : i32 to vector<16xi32>
    %add3A_1339 = arith.addi %iota3A_1336, %add3A_1338 : vector<16xi32>
    %mul3A_1340 = arith.constant 2 : i32
    %mul3A_1341 = vector.broadcast %mul3A_1340 : i32 to vector<16xi32>
    %mul3A_1342 = arith.muli %add3A_1339, %mul3A_1341 : vector<16xi32>
    %add3A_1343 = vector.broadcast %add3A_1244 : i32 to vector<16xi32>
    %add3A_1344 = arith.addi %add3A_1343, %mul3A_1342 : vector<16xi32>
    %swap3A_1345 = arith.constant 112 : index
    %swap3A_1346 = tpu.vector_load %arg13[%swap3A_1345] {strides = array<i32>} : memref<128xi32, #tpu.memory_space<vmem>>, vector<16xi32>,
    %swap3A_1347 = vector.shape_cast %swap3A_1346 : vector<16xi32> to vector<16xi32>
    %swap3A_1348 = vector.shape_cast %add3A_1344 : vector<16xi32> to vector<16xi32>
    tpu.vector_store %arg13[%swap3A_1345], %swap3A_1348 {strides = array<i32>} : memref<128xi32, #tpu.memory_space<vmem>>, vector<16xi32>,
    %dma_wait3A_1349 = arith.constant 0 : i32
    %dma_wait3A_1350 = tpu.memref_slice %arg2[%dma_wait3A_1349] : memref<614400xi32, #tpu.memory_space<hbm>> -> memref<128xi32, #tpu.memory_space<hbm>>
    %dma_wait3A_1351 = arith.constant 0 : i32
    %dma_wait3A_1352 = tpu.memref_slice %arg2[%dma_wait3A_1351] : memref<614400xi32, #tpu.memory_space<hbm>> -> memref<128xi32, #tpu.memory_space<hbm>>
    tpu.wait_dma2 semaphore(%arg37 : memref<!tpu.dma_semaphore, #tpu.memory_space<semaphore_mem>>) src(%dma_wait3A_1352 : memref<128xi32, #tpu.memory_space<hbm>>) dst(%arg7 : memref<128xi32, #tpu.memory_space<vmem>>)
    %dma_start3A_1353 = arith.constant 0 : i32
    %dma_start3A_1354 = arith.constant 0 : i32
    %dma_start3A_1355 = tpu.memref_slice %arg3[%dma_start3A_1353, %dma_start3A_1354] : memref<100001x64xf32, #tpu.memory_space<hbm>> -> memref<100001x64xf32, #tpu.memory_space<hbm>>
    tpu.enqueue_indirect_dma source(%dma_start3A_1355 : memref<100001x64xf32, #tpu.memory_space<hbm>>) target(%arg19 : memref<128x64xf32, #tpu.memory_space<vmem>>) offsets(%arg7 : memref<128xi32, #tpu.memory_space<vmem>>) semaphore(%arg25 : memref<!tpu.dma_semaphore, #tpu.memory_space<semaphore_mem>>)
    %dma_wait3A_1356 = arith.constant 0 : i32
    %dma_wait3A_1357 = arith.constant 0 : i32
    %dma_wait3A_1358 = tpu.memref_slice %arg3[%dma_wait3A_1356, %dma_wait3A_1357] : memref<100001x64xf32, #tpu.memory_space<hbm>> -> memref<100001x64xf32, #tpu.memory_space<hbm>>
    tpu.wait_indirect_dma semaphore(%arg23 : memref<!tpu.dma_semaphore, #tpu.memory_space<semaphore_mem>>) src(%dma_wait3A_1358 : memref<100001x64xf32, #tpu.memory_space<hbm>>) dst(%arg17 : memref<128x64xf32, #tpu.memory_space<vmem>>)
    %dma_start3A_1359 = arith.constant 0 : i32
    %dma_start3A_1360 = arith.constant 0 : i32
    %dma_start3A_1361 = tpu.memref_slice %arg4[%dma_start3A_1359, %dma_start3A_1360] : memref<614400x64xf32, #tpu.memory_space<hbm>> -> memref<614400x64xf32, #tpu.memory_space<hbm>>
    tpu.enqueue_indirect_dma source(%arg17 : memref<128x64xf32, #tpu.memory_space<vmem>>) target(%dma_start3A_1361 : memref<614400x64xf32, #tpu.memory_space<hbm>>) offsets(%arg11 : memref<128xi32, #tpu.memory_space<vmem>>) semaphore(%arg29 : memref<!tpu.dma_semaphore, #tpu.memory_space<semaphore_mem>>)
    %dma_wait3A_1362 = arith.constant 0 : i32
    %dma_wait3A_1363 = arith.constant 0 : i32
    %dma_wait3A_1364 = tpu.memref_slice %arg4[%dma_wait3A_1362, %dma_wait3A_1363] : memref<614400x64xf32, #tpu.memory_space<hbm>> -> memref<614400x64xf32, #tpu.memory_space<hbm>>
    tpu.wait_indirect_dma semaphore(%arg32 : memref<!tpu.dma_semaphore, #tpu.memory_space<semaphore_mem>>) src(%arg20 : memref<128x64xf32, #tpu.memory_space<vmem>>) dst(%dma_wait3A_1364 : memref<614400x64xf32, #tpu.memory_space<hbm>>)
    %add3A_1365 = arith.constant 147 : i32
    %add3A_1366 = arith.addi %mul3A_4, %add3A_1365 : i32
    %shift_right_logical3A_1367 = arith.constant 3 : i32
    %shift_right_logical3A_1368 = arith.shrui %add3A_1366, %shift_right_logical3A_1367 : i32
    %mul3A_1369 = arith.constant 328 : i32
    %mul3A_1370 = arith.muli %shift_right_logical3A_1368, %mul3A_1369 : i32
    %shift_right_logical3A_1371 = arith.constant 16 : i32
    %shift_right_logical3A_1372 = arith.shrui %mul3A_1370, %shift_right_logical3A_1371 : i32
    %mul3A_1373 = arith.constant 200 : i32
    %mul3A_1374 = arith.muli %mul3A_1373, %shift_right_logical3A_1372 : i32
    %sub3A_1375 = arith.subi %shift_right_logical3A_1368, %mul3A_1374 : i32
    %and3A_1376 = arith.constant 7 : i32
    %and3A_1377 = arith.andi %add3A_1366, %and3A_1376 : i32
    %shift_left3A_1378 = arith.constant 7 : i32
    %shift_left3A_1379 = arith.shli %and3A_1377, %shift_left3A_1378 : i32
    %mul3A_1380 = arith.constant 3072 : i32
    %mul3A_1381 = arith.muli %sub3A_1375, %mul3A_1380 : i32
    %mul3A_1382 = arith.constant 1024 : i32
    %mul3A_1383 = arith.muli %shift_right_logical3A_1372, %mul3A_1382 : i32
    %add3A_1384 = arith.addi %mul3A_1381, %mul3A_1383 : i32
    %and3A_1385 = arith.constant 511 : i32
    %and3A_1386 = arith.andi %shift_left3A_1379, %and3A_1385 : i32
    %shift_left3A_1387 = arith.constant 1 : i32
    %shift_left3A_1388 = arith.shli %and3A_1386, %shift_left3A_1387 : i32
    %add3A_1389 = arith.addi %add3A_1384, %shift_left3A_1388 : i32
    %shift_right_logical3A_1390 = arith.constant 9 : i32
    %shift_right_logical3A_1391 = arith.shrui %shift_left3A_1379, %shift_right_logical3A_1390 : i32
    %add3A_1392 = arith.addi %add3A_1389, %shift_right_logical3A_1391 : i32
    %iota3A_1393 = tpu.iota {dimensions = array<i32: 0>} : vector<16xi32>
    %add3A_1394 = arith.constant 0 : i32
    %add3A_1395 = vector.broadcast %add3A_1394 : i32 to vector<16xi32>
    %add3A_1396 = arith.addi %iota3A_1393, %add3A_1395 : vector<16xi32>
    %mul3A_1397 = arith.constant 2 : i32
    %mul3A_1398 = vector.broadcast %mul3A_1397 : i32 to vector<16xi32>
    %mul3A_1399 = arith.muli %add3A_1396, %mul3A_1398 : vector<16xi32>
    %add3A_1400 = vector.broadcast %add3A_1392 : i32 to vector<16xi32>
    %add3A_1401 = arith.addi %add3A_1400, %mul3A_1399 : vector<16xi32>
    %swap3A_1402 = arith.constant 0 : index
    %swap3A_1403 = tpu.vector_load %arg14[%swap3A_1402] {strides = array<i32>} : memref<128xi32, #tpu.memory_space<vmem>>, vector<16xi32>,
    %swap3A_1404 = vector.shape_cast %swap3A_1403 : vector<16xi32> to vector<16xi32>
    %swap3A_1405 = vector.shape_cast %add3A_1401 : vector<16xi32> to vector<16xi32>
    tpu.vector_store %arg14[%swap3A_1402], %swap3A_1405 {strides = array<i32>} : memref<128xi32, #tpu.memory_space<vmem>>, vector<16xi32>,
    %iota3A_1406 = tpu.iota {dimensions = array<i32: 0>} : vector<16xi32>
    %add3A_1407 = arith.constant 16 : i32
    %add3A_1408 = vector.broadcast %add3A_1407 : i32 to vector<16xi32>
    %add3A_1409 = arith.addi %iota3A_1406, %add3A_1408 : vector<16xi32>
    %mul3A_1410 = arith.constant 2 : i32
    %mul3A_1411 = vector.broadcast %mul3A_1410 : i32 to vector<16xi32>
    %mul3A_1412 = arith.muli %add3A_1409, %mul3A_1411 : vector<16xi32>
    %add3A_1413 = vector.broadcast %add3A_1392 : i32 to vector<16xi32>
    %add3A_1414 = arith.addi %add3A_1413, %mul3A_1412 : vector<16xi32>
    %swap3A_1415 = arith.constant 16 : index
    %swap3A_1416 = tpu.vector_load %arg14[%swap3A_1415] {strides = array<i32>} : memref<128xi32, #tpu.memory_space<vmem>>, vector<16xi32>,
    %swap3A_1417 = vector.shape_cast %swap3A_1416 : vector<16xi32> to vector<16xi32>
    %swap3A_1418 = vector.shape_cast %add3A_1414 : vector<16xi32> to vector<16xi32>
    tpu.vector_store %arg14[%swap3A_1415], %swap3A_1418 {strides = array<i32>} : memref<128xi32, #tpu.memory_space<vmem>>, vector<16xi32>,
    %iota3A_1419 = tpu.iota {dimensions = array<i32: 0>} : vector<16xi32>
    %add3A_1420 = arith.constant 32 : i32
    %add3A_1421 = vector.broadcast %add3A_1420 : i32 to vector<16xi32>
    %add3A_1422 = arith.addi %iota3A_1419, %add3A_1421 : vector<16xi32>
    %mul3A_1423 = arith.constant 2 : i32
    %mul3A_1424 = vector.broadcast %mul3A_1423 : i32 to vector<16xi32>
    %mul3A_1425 = arith.muli %add3A_1422, %mul3A_1424 : vector<16xi32>
    %add3A_1426 = vector.broadcast %add3A_1392 : i32 to vector<16xi32>
    %add3A_1427 = arith.addi %add3A_1426, %mul3A_1425 : vector<16xi32>
    %swap3A_1428 = arith.constant 32 : index
    %swap3A_1429 = tpu.vector_load %arg14[%swap3A_1428] {strides = array<i32>} : memref<128xi32, #tpu.memory_space<vmem>>, vector<16xi32>,
    %swap3A_1430 = vector.shape_cast %swap3A_1429 : vector<16xi32> to vector<16xi32>
    %swap3A_1431 = vector.shape_cast %add3A_1427 : vector<16xi32> to vector<16xi32>
    tpu.vector_store %arg14[%swap3A_1428], %swap3A_1431 {strides = array<i32>} : memref<128xi32, #tpu.memory_space<vmem>>, vector<16xi32>,
    %iota3A_1432 = tpu.iota {dimensions = array<i32: 0>} : vector<16xi32>
    %add3A_1433 = arith.constant 48 : i32
    %add3A_1434 = vector.broadcast %add3A_1433 : i32 to vector<16xi32>
    %add3A_1435 = arith.addi %iota3A_1432, %add3A_1434 : vector<16xi32>
    %mul3A_1436 = arith.constant 2 : i32
    %mul3A_1437 = vector.broadcast %mul3A_1436 : i32 to vector<16xi32>
    %mul3A_1438 = arith.muli %add3A_1435, %mul3A_1437 : vector<16xi32>
    %add3A_1439 = vector.broadcast %add3A_1392 : i32 to vector<16xi32>
    %add3A_1440 = arith.addi %add3A_1439, %mul3A_1438 : vector<16xi32>
    %swap3A_1441 = arith.constant 48 : index
    %swap3A_1442 = tpu.vector_load %arg14[%swap3A_1441] {strides = array<i32>} : memref<128xi32, #tpu.memory_space<vmem>>, vector<16xi32>,
    %swap3A_1443 = vector.shape_cast %swap3A_1442 : vector<16xi32> to vector<16xi32>
    %swap3A_1444 = vector.shape_cast %add3A_1440 : vector<16xi32> to vector<16xi32>
    tpu.vector_store %arg14[%swap3A_1441], %swap3A_1444 {strides = array<i32>} : memref<128xi32, #tpu.memory_space<vmem>>, vector<16xi32>,
    %iota3A_1445 = tpu.iota {dimensions = array<i32: 0>} : vector<16xi32>
    %add3A_1446 = arith.constant 64 : i32
    %add3A_1447 = vector.broadcast %add3A_1446 : i32 to vector<16xi32>
    %add3A_1448 = arith.addi %iota3A_1445, %add3A_1447 : vector<16xi32>
    %mul3A_1449 = arith.constant 2 : i32
    %mul3A_1450 = vector.broadcast %mul3A_1449 : i32 to vector<16xi32>
    %mul3A_1451 = arith.muli %add3A_1448, %mul3A_1450 : vector<16xi32>
    %add3A_1452 = vector.broadcast %add3A_1392 : i32 to vector<16xi32>
    %add3A_1453 = arith.addi %add3A_1452, %mul3A_1451 : vector<16xi32>
    %swap3A_1454 = arith.constant 64 : index
    %swap3A_1455 = tpu.vector_load %arg14[%swap3A_1454] {strides = array<i32>} : memref<128xi32, #tpu.memory_space<vmem>>, vector<16xi32>,
    %swap3A_1456 = vector.shape_cast %swap3A_1455 : vector<16xi32> to vector<16xi32>
    %swap3A_1457 = vector.shape_cast %add3A_1453 : vector<16xi32> to vector<16xi32>
    tpu.vector_store %arg14[%swap3A_1454], %swap3A_1457 {strides = array<i32>} : memref<128xi32, #tpu.memory_space<vmem>>, vector<16xi32>,
    %iota3A_1458 = tpu.iota {dimensions = array<i32: 0>} : vector<16xi32>
    %add3A_1459 = arith.constant 80 : i32
    %add3A_1460 = vector.broadcast %add3A_1459 : i32 to vector<16xi32>
    %add3A_1461 = arith.addi %iota3A_1458, %add3A_1460 : vector<16xi32>
    %mul3A_1462 = arith.constant 2 : i32
    %mul3A_1463 = vector.broadcast %mul3A_1462 : i32 to vector<16xi32>
    %mul3A_1464 = arith.muli %add3A_1461, %mul3A_1463 : vector<16xi32>
    %add3A_1465 = vector.broadcast %add3A_1392 : i32 to vector<16xi32>
    %add3A_1466 = arith.addi %add3A_1465, %mul3A_1464 : vector<16xi32>
    %swap3A_1467 = arith.constant 80 : index
    %swap3A_1468 = tpu.vector_load %arg14[%swap3A_1467] {strides = array<i32>} : memref<128xi32, #tpu.memory_space<vmem>>, vector<16xi32>,
    %swap3A_1469 = vector.shape_cast %swap3A_1468 : vector<16xi32> to vector<16xi32>
    %swap3A_1470 = vector.shape_cast %add3A_1466 : vector<16xi32> to vector<16xi32>
    tpu.vector_store %arg14[%swap3A_1467], %swap3A_1470 {strides = array<i32>} : memref<128xi32, #tpu.memory_space<vmem>>, vector<16xi32>,
    %iota3A_1471 = tpu.iota {dimensions = array<i32: 0>} : vector<16xi32>
    %add3A_1472 = arith.constant 96 : i32
    %add3A_1473 = vector.broadcast %add3A_1472 : i32 to vector<16xi32>
    %add3A_1474 = arith.addi %iota3A_1471, %add3A_1473 : vector<16xi32>
    %mul3A_1475 = arith.constant 2 : i32
    %mul3A_1476 = vector.broadcast %mul3A_1475 : i32 to vector<16xi32>
    %mul3A_1477 = arith.muli %add3A_1474, %mul3A_1476 : vector<16xi32>
    %add3A_1478 = vector.broadcast %add3A_1392 : i32 to vector<16xi32>
    %add3A_1479 = arith.addi %add3A_1478, %mul3A_1477 : vector<16xi32>
    %swap3A_1480 = arith.constant 96 : index
    %swap3A_1481 = tpu.vector_load %arg14[%swap3A_1480] {strides = array<i32>} : memref<128xi32, #tpu.memory_space<vmem>>, vector<16xi32>,
    %swap3A_1482 = vector.shape_cast %swap3A_1481 : vector<16xi32> to vector<16xi32>
    %swap3A_1483 = vector.shape_cast %add3A_1479 : vector<16xi32> to vector<16xi32>
    tpu.vector_store %arg14[%swap3A_1480], %swap3A_1483 {strides = array<i32>} : memref<128xi32, #tpu.memory_space<vmem>>, vector<16xi32>,
    %iota3A_1484 = tpu.iota {dimensions = array<i32: 0>} : vector<16xi32>
    %add3A_1485 = arith.constant 112 : i32
    %add3A_1486 = vector.broadcast %add3A_1485 : i32 to vector<16xi32>
    %add3A_1487 = arith.addi %iota3A_1484, %add3A_1486 : vector<16xi32>
    %mul3A_1488 = arith.constant 2 : i32
    %mul3A_1489 = vector.broadcast %mul3A_1488 : i32 to vector<16xi32>
    %mul3A_1490 = arith.muli %add3A_1487, %mul3A_1489 : vector<16xi32>
    %add3A_1491 = vector.broadcast %add3A_1392 : i32 to vector<16xi32>
    %add3A_1492 = arith.addi %add3A_1491, %mul3A_1490 : vector<16xi32>
    %swap3A_1493 = arith.constant 112 : index
    %swap3A_1494 = tpu.vector_load %arg14[%swap3A_1493] {strides = array<i32>} : memref<128xi32, #tpu.memory_space<vmem>>, vector<16xi32>,
    %swap3A_1495 = vector.shape_cast %swap3A_1494 : vector<16xi32> to vector<16xi32>
    %swap3A_1496 = vector.shape_cast %add3A_1492 : vector<16xi32> to vector<16xi32>
    tpu.vector_store %arg14[%swap3A_1493], %swap3A_1496 {strides = array<i32>} : memref<128xi32, #tpu.memory_space<vmem>>, vector<16xi32>,
    %dma_wait3A_1497 = arith.constant 0 : i32
    %dma_wait3A_1498 = tpu.memref_slice %arg2[%dma_wait3A_1497] : memref<614400xi32, #tpu.memory_space<hbm>> -> memref<128xi32, #tpu.memory_space<hbm>>
    %dma_wait3A_1499 = arith.constant 0 : i32
    %dma_wait3A_1500 = tpu.memref_slice %arg2[%dma_wait3A_1499] : memref<614400xi32, #tpu.memory_space<hbm>> -> memref<128xi32, #tpu.memory_space<hbm>>
    tpu.wait_dma2 semaphore(%arg38 : memref<!tpu.dma_semaphore, #tpu.memory_space<semaphore_mem>>) src(%dma_wait3A_1500 : memref<128xi32, #tpu.memory_space<hbm>>) dst(%arg8 : memref<128xi32, #tpu.memory_space<vmem>>)
    %dma_start3A_1501 = arith.constant 0 : i32
    %dma_start3A_1502 = arith.constant 0 : i32
    %dma_start3A_1503 = tpu.memref_slice %arg3[%dma_start3A_1501, %dma_start3A_1502] : memref<100001x64xf32, #tpu.memory_space<hbm>> -> memref<100001x64xf32, #tpu.memory_space<hbm>>
    tpu.enqueue_indirect_dma source(%dma_start3A_1503 : memref<100001x64xf32, #tpu.memory_space<hbm>>) target(%arg20 : memref<128x64xf32, #tpu.memory_space<vmem>>) offsets(%arg8 : memref<128xi32, #tpu.memory_space<vmem>>) semaphore(%arg26 : memref<!tpu.dma_semaphore, #tpu.memory_space<semaphore_mem>>)
    %dma_wait3A_1504 = arith.constant 0 : i32
    %dma_wait3A_1505 = arith.constant 0 : i32
    %dma_wait3A_1506 = tpu.memref_slice %arg3[%dma_wait3A_1504, %dma_wait3A_1505] : memref<100001x64xf32, #tpu.memory_space<hbm>> -> memref<100001x64xf32, #tpu.memory_space<hbm>>
    tpu.wait_indirect_dma semaphore(%arg24 : memref<!tpu.dma_semaphore, #tpu.memory_space<semaphore_mem>>) src(%dma_wait3A_1506 : memref<100001x64xf32, #tpu.memory_space<hbm>>) dst(%arg18 : memref<128x64xf32, #tpu.memory_space<vmem>>)
    %dma_start3A_1507 = arith.constant 0 : i32
    %dma_start3A_1508 = arith.constant 0 : i32
    %dma_start3A_1509 = tpu.memref_slice %arg4[%dma_start3A_1507, %dma_start3A_1508] : memref<614400x64xf32, #tpu.memory_space<hbm>> -> memref<614400x64xf32, #tpu.memory_space<hbm>>
    tpu.enqueue_indirect_dma source(%arg18 : memref<128x64xf32, #tpu.memory_space<vmem>>) target(%dma_start3A_1509 : memref<614400x64xf32, #tpu.memory_space<hbm>>) offsets(%arg12 : memref<128xi32, #tpu.memory_space<vmem>>) semaphore(%arg30 : memref<!tpu.dma_semaphore, #tpu.memory_space<semaphore_mem>>)
    %dma_wait3A_1510 = arith.constant 0 : i32
    %dma_wait3A_1511 = arith.constant 0 : i32
    %dma_wait3A_1512 = tpu.memref_slice %arg4[%dma_wait3A_1510, %dma_wait3A_1511] : memref<614400x64xf32, #tpu.memory_space<hbm>> -> memref<614400x64xf32, #tpu.memory_space<hbm>>
    tpu.wait_indirect_dma semaphore(%arg33 : memref<!tpu.dma_semaphore, #tpu.memory_space<semaphore_mem>>) src(%arg21 : memref<128x64xf32, #tpu.memory_space<vmem>>) dst(%dma_wait3A_1512 : memref<614400x64xf32, #tpu.memory_space<hbm>>)
    %add3A_1513 = arith.constant 148 : i32
    %add3A_1514 = arith.addi %mul3A_4, %add3A_1513 : i32
    %shift_right_logical3A_1515 = arith.constant 3 : i32
    %shift_right_logical3A_1516 = arith.shrui %add3A_1514, %shift_right_logical3A_1515 : i32
    %mul3A_1517 = arith.constant 328 : i32
    %mul3A_1518 = arith.muli %shift_right_logical3A_1516, %mul3A_1517 : i32
    %shift_right_logical3A_1519 = arith.constant 16 : i32
    %shift_right_logical3A_1520 = arith.shrui %mul3A_1518, %shift_right_logical3A_1519 : i32
    %mul3A_1521 = arith.constant 200 : i32
    %mul3A_1522 = arith.muli %mul3A_1521, %shift_right_logical3A_1520 : i32
    %sub3A_1523 = arith.subi %shift_right_logical3A_1516, %mul3A_1522 : i32
    %and3A_1524 = arith.constant 7 : i32
    %and3A_1525 = arith.andi %add3A_1514, %and3A_1524 : i32
    %shift_left3A_1526 = arith.constant 7 : i32
    %shift_left3A_1527 = arith.shli %and3A_1525, %shift_left3A_1526 : i32
    %mul3A_1528 = arith.constant 3072 : i32
    %mul3A_1529 = arith.muli %sub3A_1523, %mul3A_1528 : i32
    %mul3A_1530 = arith.constant 1024 : i32
    %mul3A_1531 = arith.muli %shift_right_logical3A_1520, %mul3A_1530 : i32
    %add3A_1532 = arith.addi %mul3A_1529, %mul3A_1531 : i32
    %and3A_1533 = arith.constant 511 : i32
    %and3A_1534 = arith.andi %shift_left3A_1527, %and3A_1533 : i32
    %shift_left3A_1535 = arith.constant 1 : i32
    %shift_left3A_1536 = arith.shli %and3A_1534, %shift_left3A_1535 : i32
    %add3A_1537 = arith.addi %add3A_1532, %shift_left3A_1536 : i32
    %shift_right_logical3A_1538 = arith.constant 9 : i32
    %shift_right_logical3A_1539 = arith.shrui %shift_left3A_1527, %shift_right_logical3A_1538 : i32
    %add3A_1540 = arith.addi %add3A_1537, %shift_right_logical3A_1539 : i32
    %iota3A_1541 = tpu.iota {dimensions = array<i32: 0>} : vector<16xi32>
    %add3A_1542 = arith.constant 0 : i32
    %add3A_1543 = vector.broadcast %add3A_1542 : i32 to vector<16xi32>
    %add3A_1544 = arith.addi %iota3A_1541, %add3A_1543 : vector<16xi32>
    %mul3A_1545 = arith.constant 2 : i32
    %mul3A_1546 = vector.broadcast %mul3A_1545 : i32 to vector<16xi32>
    %mul3A_1547 = arith.muli %add3A_1544, %mul3A_1546 : vector<16xi32>
    %add3A_1548 = vector.broadcast %add3A_1540 : i32 to vector<16xi32>
    %add3A_1549 = arith.addi %add3A_1548, %mul3A_1547 : vector<16xi32>
    %swap3A_1550 = arith.constant 0 : index
    %swap3A_1551 = tpu.vector_load %arg15[%swap3A_1550] {strides = array<i32>} : memref<128xi32, #tpu.memory_space<vmem>>, vector<16xi32>,
    %swap3A_1552 = vector.shape_cast %swap3A_1551 : vector<16xi32> to vector<16xi32>
    %swap3A_1553 = vector.shape_cast %add3A_1549 : vector<16xi32> to vector<16xi32>
    tpu.vector_store %arg15[%swap3A_1550], %swap3A_1553 {strides = array<i32>} : memref<128xi32, #tpu.memory_space<vmem>>, vector<16xi32>,
    %iota3A_1554 = tpu.iota {dimensions = array<i32: 0>} : vector<16xi32>
    %add3A_1555 = arith.constant 16 : i32
    %add3A_1556 = vector.broadcast %add3A_1555 : i32 to vector<16xi32>
    %add3A_1557 = arith.addi %iota3A_1554, %add3A_1556 : vector<16xi32>
    %mul3A_1558 = arith.constant 2 : i32
    %mul3A_1559 = vector.broadcast %mul3A_1558 : i32 to vector<16xi32>
    %mul3A_1560 = arith.muli %add3A_1557, %mul3A_1559 : vector<16xi32>
    %add3A_1561 = vector.broadcast %add3A_1540 : i32 to vector<16xi32>
    %add3A_1562 = arith.addi %add3A_1561, %mul3A_1560 : vector<16xi32>
    %swap3A_1563 = arith.constant 16 : index
    %swap3A_1564 = tpu.vector_load %arg15[%swap3A_1563] {strides = array<i32>} : memref<128xi32, #tpu.memory_space<vmem>>, vector<16xi32>,
    %swap3A_1565 = vector.shape_cast %swap3A_1564 : vector<16xi32> to vector<16xi32>
    %swap3A_1566 = vector.shape_cast %add3A_1562 : vector<16xi32> to vector<16xi32>
    tpu.vector_store %arg15[%swap3A_1563], %swap3A_1566 {strides = array<i32>} : memref<128xi32, #tpu.memory_space<vmem>>, vector<16xi32>,
    %iota3A_1567 = tpu.iota {dimensions = array<i32: 0>} : vector<16xi32>
    %add3A_1568 = arith.constant 32 : i32
    %add3A_1569 = vector.broadcast %add3A_1568 : i32 to vector<16xi32>
    %add3A_1570 = arith.addi %iota3A_1567, %add3A_1569 : vector<16xi32>
    %mul3A_1571 = arith.constant 2 : i32
    %mul3A_1572 = vector.broadcast %mul3A_1571 : i32 to vector<16xi32>
    %mul3A_1573 = arith.muli %add3A_1570, %mul3A_1572 : vector<16xi32>
    %add3A_1574 = vector.broadcast %add3A_1540 : i32 to vector<16xi32>
    %add3A_1575 = arith.addi %add3A_1574, %mul3A_1573 : vector<16xi32>
    %swap3A_1576 = arith.constant 32 : index
    %swap3A_1577 = tpu.vector_load %arg15[%swap3A_1576] {strides = array<i32>} : memref<128xi32, #tpu.memory_space<vmem>>, vector<16xi32>,
    %swap3A_1578 = vector.shape_cast %swap3A_1577 : vector<16xi32> to vector<16xi32>
    %swap3A_1579 = vector.shape_cast %add3A_1575 : vector<16xi32> to vector<16xi32>
    tpu.vector_store %arg15[%swap3A_1576], %swap3A_1579 {strides = array<i32>} : memref<128xi32, #tpu.memory_space<vmem>>, vector<16xi32>,
    %iota3A_1580 = tpu.iota {dimensions = array<i32: 0>} : vector<16xi32>
    %add3A_1581 = arith.constant 48 : i32
    %add3A_1582 = vector.broadcast %add3A_1581 : i32 to vector<16xi32>
    %add3A_1583 = arith.addi %iota3A_1580, %add3A_1582 : vector<16xi32>
    %mul3A_1584 = arith.constant 2 : i32
    %mul3A_1585 = vector.broadcast %mul3A_1584 : i32 to vector<16xi32>
    %mul3A_1586 = arith.muli %add3A_1583, %mul3A_1585 : vector<16xi32>
    %add3A_1587 = vector.broadcast %add3A_1540 : i32 to vector<16xi32>
    %add3A_1588 = arith.addi %add3A_1587, %mul3A_1586 : vector<16xi32>
    %swap3A_1589 = arith.constant 48 : index
    %swap3A_1590 = tpu.vector_load %arg15[%swap3A_1589] {strides = array<i32>} : memref<128xi32, #tpu.memory_space<vmem>>, vector<16xi32>,
    %swap3A_1591 = vector.shape_cast %swap3A_1590 : vector<16xi32> to vector<16xi32>
    %swap3A_1592 = vector.shape_cast %add3A_1588 : vector<16xi32> to vector<16xi32>
    tpu.vector_store %arg15[%swap3A_1589], %swap3A_1592 {strides = array<i32>} : memref<128xi32, #tpu.memory_space<vmem>>, vector<16xi32>,
    %iota3A_1593 = tpu.iota {dimensions = array<i32: 0>} : vector<16xi32>
    %add3A_1594 = arith.constant 64 : i32
    %add3A_1595 = vector.broadcast %add3A_1594 : i32 to vector<16xi32>
    %add3A_1596 = arith.addi %iota3A_1593, %add3A_1595 : vector<16xi32>
    %mul3A_1597 = arith.constant 2 : i32
    %mul3A_1598 = vector.broadcast %mul3A_1597 : i32 to vector<16xi32>
    %mul3A_1599 = arith.muli %add3A_1596, %mul3A_1598 : vector<16xi32>
    %add3A_1600 = vector.broadcast %add3A_1540 : i32 to vector<16xi32>
    %add3A_1601 = arith.addi %add3A_1600, %mul3A_1599 : vector<16xi32>
    %swap3A_1602 = arith.constant 64 : index
    %swap3A_1603 = tpu.vector_load %arg15[%swap3A_1602] {strides = array<i32>} : memref<128xi32, #tpu.memory_space<vmem>>, vector<16xi32>,
    %swap3A_1604 = vector.shape_cast %swap3A_1603 : vector<16xi32> to vector<16xi32>
    %swap3A_1605 = vector.shape_cast %add3A_1601 : vector<16xi32> to vector<16xi32>
    tpu.vector_store %arg15[%swap3A_1602], %swap3A_1605 {strides = array<i32>} : memref<128xi32, #tpu.memory_space<vmem>>, vector<16xi32>,
    %iota3A_1606 = tpu.iota {dimensions = array<i32: 0>} : vector<16xi32>
    %add3A_1607 = arith.constant 80 : i32
    %add3A_1608 = vector.broadcast %add3A_1607 : i32 to vector<16xi32>
    %add3A_1609 = arith.addi %iota3A_1606, %add3A_1608 : vector<16xi32>
    %mul3A_1610 = arith.constant 2 : i32
    %mul3A_1611 = vector.broadcast %mul3A_1610 : i32 to vector<16xi32>
    %mul3A_1612 = arith.muli %add3A_1609, %mul3A_1611 : vector<16xi32>
    %add3A_1613 = vector.broadcast %add3A_1540 : i32 to vector<16xi32>
    %add3A_1614 = arith.addi %add3A_1613, %mul3A_1612 : vector<16xi32>
    %swap3A_1615 = arith.constant 80 : index
    %swap3A_1616 = tpu.vector_load %arg15[%swap3A_1615] {strides = array<i32>} : memref<128xi32, #tpu.memory_space<vmem>>, vector<16xi32>,
    %swap3A_1617 = vector.shape_cast %swap3A_1616 : vector<16xi32> to vector<16xi32>
    %swap3A_1618 = vector.shape_cast %add3A_1614 : vector<16xi32> to vector<16xi32>
    tpu.vector_store %arg15[%swap3A_1615], %swap3A_1618 {strides = array<i32>} : memref<128xi32, #tpu.memory_space<vmem>>, vector<16xi32>,
    %iota3A_1619 = tpu.iota {dimensions = array<i32: 0>} : vector<16xi32>
    %add3A_1620 = arith.constant 96 : i32
    %add3A_1621 = vector.broadcast %add3A_1620 : i32 to vector<16xi32>
    %add3A_1622 = arith.addi %iota3A_1619, %add3A_1621 : vector<16xi32>
    %mul3A_1623 = arith.constant 2 : i32
    %mul3A_1624 = vector.broadcast %mul3A_1623 : i32 to vector<16xi32>
    %mul3A_1625 = arith.muli %add3A_1622, %mul3A_1624 : vector<16xi32>
    %add3A_1626 = vector.broadcast %add3A_1540 : i32 to vector<16xi32>
    %add3A_1627 = arith.addi %add3A_1626, %mul3A_1625 : vector<16xi32>
    %swap3A_1628 = arith.constant 96 : index
    %swap3A_1629 = tpu.vector_load %arg15[%swap3A_1628] {strides = array<i32>} : memref<128xi32, #tpu.memory_space<vmem>>, vector<16xi32>,
    %swap3A_1630 = vector.shape_cast %swap3A_1629 : vector<16xi32> to vector<16xi32>
    %swap3A_1631 = vector.shape_cast %add3A_1627 : vector<16xi32> to vector<16xi32>
    tpu.vector_store %arg15[%swap3A_1628], %swap3A_1631 {strides = array<i32>} : memref<128xi32, #tpu.memory_space<vmem>>, vector<16xi32>,
    %iota3A_1632 = tpu.iota {dimensions = array<i32: 0>} : vector<16xi32>
    %add3A_1633 = arith.constant 112 : i32
    %add3A_1634 = vector.broadcast %add3A_1633 : i32 to vector<16xi32>
    %add3A_1635 = arith.addi %iota3A_1632, %add3A_1634 : vector<16xi32>
    %mul3A_1636 = arith.constant 2 : i32
    %mul3A_1637 = vector.broadcast %mul3A_1636 : i32 to vector<16xi32>
    %mul3A_1638 = arith.muli %add3A_1635, %mul3A_1637 : vector<16xi32>
    %add3A_1639 = vector.broadcast %add3A_1540 : i32 to vector<16xi32>
    %add3A_1640 = arith.addi %add3A_1639, %mul3A_1638 : vector<16xi32>
    %swap3A_1641 = arith.constant 112 : index
    %swap3A_1642 = tpu.vector_load %arg15[%swap3A_1641] {strides = array<i32>} : memref<128xi32, #tpu.memory_space<vmem>>, vector<16xi32>,
    %swap3A_1643 = vector.shape_cast %swap3A_1642 : vector<16xi32> to vector<16xi32>
    %swap3A_1644 = vector.shape_cast %add3A_1640 : vector<16xi32> to vector<16xi32>
    tpu.vector_store %arg15[%swap3A_1641], %swap3A_1644 {strides = array<i32>} : memref<128xi32, #tpu.memory_space<vmem>>, vector<16xi32>,
    %dma_wait3A_1645 = arith.constant 0 : i32
    %dma_wait3A_1646 = tpu.memref_slice %arg2[%dma_wait3A_1645] : memref<614400xi32, #tpu.memory_space<hbm>> -> memref<128xi32, #tpu.memory_space<hbm>>
    %dma_wait3A_1647 = arith.constant 0 : i32
    %dma_wait3A_1648 = tpu.memref_slice %arg2[%dma_wait3A_1647] : memref<614400xi32, #tpu.memory_space<hbm>> -> memref<128xi32, #tpu.memory_space<hbm>>
    tpu.wait_dma2 semaphore(%arg39 : memref<!tpu.dma_semaphore, #tpu.memory_space<semaphore_mem>>) src(%dma_wait3A_1648 : memref<128xi32, #tpu.memory_space<hbm>>) dst(%arg9 : memref<128xi32, #tpu.memory_space<vmem>>)
    %dma_start3A_1649 = arith.constant 0 : i32
    %dma_start3A_1650 = arith.constant 0 : i32
    %dma_start3A_1651 = tpu.memref_slice %arg3[%dma_start3A_1649, %dma_start3A_1650] : memref<100001x64xf32, #tpu.memory_space<hbm>> -> memref<100001x64xf32, #tpu.memory_space<hbm>>
    tpu.enqueue_indirect_dma source(%dma_start3A_1651 : memref<100001x64xf32, #tpu.memory_space<hbm>>) target(%arg21 : memref<128x64xf32, #tpu.memory_space<vmem>>) offsets(%arg9 : memref<128xi32, #tpu.memory_space<vmem>>) semaphore(%arg27 : memref<!tpu.dma_semaphore, #tpu.memory_space<semaphore_mem>>)
    %dma_wait3A_1652 = arith.constant 0 : i32
    %dma_wait3A_1653 = arith.constant 0 : i32
    %dma_wait3A_1654 = tpu.memref_slice %arg3[%dma_wait3A_1652, %dma_wait3A_1653] : memref<100001x64xf32, #tpu.memory_space<hbm>> -> memref<100001x64xf32, #tpu.memory_space<hbm>>
    tpu.wait_indirect_dma semaphore(%arg25 : memref<!tpu.dma_semaphore, #tpu.memory_space<semaphore_mem>>) src(%dma_wait3A_1654 : memref<100001x64xf32, #tpu.memory_space<hbm>>) dst(%arg19 : memref<128x64xf32, #tpu.memory_space<vmem>>)
    %dma_start3A_1655 = arith.constant 0 : i32
    %dma_start3A_1656 = arith.constant 0 : i32
    %dma_start3A_1657 = tpu.memref_slice %arg4[%dma_start3A_1655, %dma_start3A_1656] : memref<614400x64xf32, #tpu.memory_space<hbm>> -> memref<614400x64xf32, #tpu.memory_space<hbm>>
    tpu.enqueue_indirect_dma source(%arg19 : memref<128x64xf32, #tpu.memory_space<vmem>>) target(%dma_start3A_1657 : memref<614400x64xf32, #tpu.memory_space<hbm>>) offsets(%arg13 : memref<128xi32, #tpu.memory_space<vmem>>) semaphore(%arg31 : memref<!tpu.dma_semaphore, #tpu.memory_space<semaphore_mem>>)
    %dma_wait3A_1658 = arith.constant 0 : i32
    %dma_wait3A_1659 = arith.constant 0 : i32
    %dma_wait3A_1660 = tpu.memref_slice %arg4[%dma_wait3A_1658, %dma_wait3A_1659] : memref<614400x64xf32, #tpu.memory_space<hbm>> -> memref<614400x64xf32, #tpu.memory_space<hbm>>
    tpu.wait_indirect_dma semaphore(%arg34 : memref<!tpu.dma_semaphore, #tpu.memory_space<semaphore_mem>>) src(%arg22 : memref<128x64xf32, #tpu.memory_space<vmem>>) dst(%dma_wait3A_1660 : memref<614400x64xf32, #tpu.memory_space<hbm>>)
    %add3A_1661 = arith.constant 149 : i32
    %add3A_1662 = arith.addi %mul3A_4, %add3A_1661 : i32
    %shift_right_logical3A_1663 = arith.constant 3 : i32
    %shift_right_logical3A_1664 = arith.shrui %add3A_1662, %shift_right_logical3A_1663 : i32
    %mul3A_1665 = arith.constant 328 : i32
    %mul3A_1666 = arith.muli %shift_right_logical3A_1664, %mul3A_1665 : i32
    %shift_right_logical3A_1667 = arith.constant 16 : i32
    %shift_right_logical3A_1668 = arith.shrui %mul3A_1666, %shift_right_logical3A_1667 : i32
    %mul3A_1669 = arith.constant 200 : i32
    %mul3A_1670 = arith.muli %mul3A_1669, %shift_right_logical3A_1668 : i32
    %sub3A_1671 = arith.subi %shift_right_logical3A_1664, %mul3A_1670 : i32
    %and3A_1672 = arith.constant 7 : i32
    %and3A_1673 = arith.andi %add3A_1662, %and3A_1672 : i32
    %shift_left3A_1674 = arith.constant 7 : i32
    %shift_left3A_1675 = arith.shli %and3A_1673, %shift_left3A_1674 : i32
    %mul3A_1676 = arith.constant 3072 : i32
    %mul3A_1677 = arith.muli %sub3A_1671, %mul3A_1676 : i32
    %mul3A_1678 = arith.constant 1024 : i32
    %mul3A_1679 = arith.muli %shift_right_logical3A_1668, %mul3A_1678 : i32
    %add3A_1680 = arith.addi %mul3A_1677, %mul3A_1679 : i32
    %and3A_1681 = arith.constant 511 : i32
    %and3A_1682 = arith.andi %shift_left3A_1675, %and3A_1681 : i32
    %shift_left3A_1683 = arith.constant 1 : i32
    %shift_left3A_1684 = arith.shli %and3A_1682, %shift_left3A_1683 : i32
    %add3A_1685 = arith.addi %add3A_1680, %shift_left3A_1684 : i32
    %shift_right_logical3A_1686 = arith.constant 9 : i32
    %shift_right_logical3A_1687 = arith.shrui %shift_left3A_1675, %shift_right_logical3A_1686 : i32
    %add3A_1688 = arith.addi %add3A_1685, %shift_right_logical3A_1687 : i32
    %iota3A_1689 = tpu.iota {dimensions = array<i32: 0>} : vector<16xi32>
    %add3A_1690 = arith.constant 0 : i32
    %add3A_1691 = vector.broadcast %add3A_1690 : i32 to vector<16xi32>
    %add3A_1692 = arith.addi %iota3A_1689, %add3A_1691 : vector<16xi32>
    %mul3A_1693 = arith.constant 2 : i32
    %mul3A_1694 = vector.broadcast %mul3A_1693 : i32 to vector<16xi32>
    %mul3A_1695 = arith.muli %add3A_1692, %mul3A_1694 : vector<16xi32>
    %add3A_1696 = vector.broadcast %add3A_1688 : i32 to vector<16xi32>
    %add3A_1697 = arith.addi %add3A_1696, %mul3A_1695 : vector<16xi32>
    %swap3A_1698 = arith.constant 0 : index
    %swap3A_1699 = tpu.vector_load %arg16[%swap3A_1698] {strides = array<i32>} : memref<128xi32, #tpu.memory_space<vmem>>, vector<16xi32>,
    %swap3A_1700 = vector.shape_cast %swap3A_1699 : vector<16xi32> to vector<16xi32>
    %swap3A_1701 = vector.shape_cast %add3A_1697 : vector<16xi32> to vector<16xi32>
    tpu.vector_store %arg16[%swap3A_1698], %swap3A_1701 {strides = array<i32>} : memref<128xi32, #tpu.memory_space<vmem>>, vector<16xi32>,
    %iota3A_1702 = tpu.iota {dimensions = array<i32: 0>} : vector<16xi32>
    %add3A_1703 = arith.constant 16 : i32
    %add3A_1704 = vector.broadcast %add3A_1703 : i32 to vector<16xi32>
    %add3A_1705 = arith.addi %iota3A_1702, %add3A_1704 : vector<16xi32>
    %mul3A_1706 = arith.constant 2 : i32
    %mul3A_1707 = vector.broadcast %mul3A_1706 : i32 to vector<16xi32>
    %mul3A_1708 = arith.muli %add3A_1705, %mul3A_1707 : vector<16xi32>
    %add3A_1709 = vector.broadcast %add3A_1688 : i32 to vector<16xi32>
    %add3A_1710 = arith.addi %add3A_1709, %mul3A_1708 : vector<16xi32>
    %swap3A_1711 = arith.constant 16 : index
    %swap3A_1712 = tpu.vector_load %arg16[%swap3A_1711] {strides = array<i32>} : memref<128xi32, #tpu.memory_space<vmem>>, vector<16xi32>,
    %swap3A_1713 = vector.shape_cast %swap3A_1712 : vector<16xi32> to vector<16xi32>
    %swap3A_1714 = vector.shape_cast %add3A_1710 : vector<16xi32> to vector<16xi32>
    tpu.vector_store %arg16[%swap3A_1711], %swap3A_1714 {strides = array<i32>} : memref<128xi32, #tpu.memory_space<vmem>>, vector<16xi32>,
    %iota3A_1715 = tpu.iota {dimensions = array<i32: 0>} : vector<16xi32>
    %add3A_1716 = arith.constant 32 : i32
    %add3A_1717 = vector.broadcast %add3A_1716 : i32 to vector<16xi32>
    %add3A_1718 = arith.addi %iota3A_1715, %add3A_1717 : vector<16xi32>
    %mul3A_1719 = arith.constant 2 : i32
    %mul3A_1720 = vector.broadcast %mul3A_1719 : i32 to vector<16xi32>
    %mul3A_1721 = arith.muli %add3A_1718, %mul3A_1720 : vector<16xi32>
    %add3A_1722 = vector.broadcast %add3A_1688 : i32 to vector<16xi32>
    %add3A_1723 = arith.addi %add3A_1722, %mul3A_1721 : vector<16xi32>
    %swap3A_1724 = arith.constant 32 : index
    %swap3A_1725 = tpu.vector_load %arg16[%swap3A_1724] {strides = array<i32>} : memref<128xi32, #tpu.memory_space<vmem>>, vector<16xi32>,
    %swap3A_1726 = vector.shape_cast %swap3A_1725 : vector<16xi32> to vector<16xi32>
    %swap3A_1727 = vector.shape_cast %add3A_1723 : vector<16xi32> to vector<16xi32>
    tpu.vector_store %arg16[%swap3A_1724], %swap3A_1727 {strides = array<i32>} : memref<128xi32, #tpu.memory_space<vmem>>, vector<16xi32>,
    %iota3A_1728 = tpu.iota {dimensions = array<i32: 0>} : vector<16xi32>
    %add3A_1729 = arith.constant 48 : i32
    %add3A_1730 = vector.broadcast %add3A_1729 : i32 to vector<16xi32>
    %add3A_1731 = arith.addi %iota3A_1728, %add3A_1730 : vector<16xi32>
    %mul3A_1732 = arith.constant 2 : i32
    %mul3A_1733 = vector.broadcast %mul3A_1732 : i32 to vector<16xi32>
    %mul3A_1734 = arith.muli %add3A_1731, %mul3A_1733 : vector<16xi32>
    %add3A_1735 = vector.broadcast %add3A_1688 : i32 to vector<16xi32>
    %add3A_1736 = arith.addi %add3A_1735, %mul3A_1734 : vector<16xi32>
    %swap3A_1737 = arith.constant 48 : index
    %swap3A_1738 = tpu.vector_load %arg16[%swap3A_1737] {strides = array<i32>} : memref<128xi32, #tpu.memory_space<vmem>>, vector<16xi32>,
    %swap3A_1739 = vector.shape_cast %swap3A_1738 : vector<16xi32> to vector<16xi32>
    %swap3A_1740 = vector.shape_cast %add3A_1736 : vector<16xi32> to vector<16xi32>
    tpu.vector_store %arg16[%swap3A_1737], %swap3A_1740 {strides = array<i32>} : memref<128xi32, #tpu.memory_space<vmem>>, vector<16xi32>,
    %iota3A_1741 = tpu.iota {dimensions = array<i32: 0>} : vector<16xi32>
    %add3A_1742 = arith.constant 64 : i32
    %add3A_1743 = vector.broadcast %add3A_1742 : i32 to vector<16xi32>
    %add3A_1744 = arith.addi %iota3A_1741, %add3A_1743 : vector<16xi32>
    %mul3A_1745 = arith.constant 2 : i32
    %mul3A_1746 = vector.broadcast %mul3A_1745 : i32 to vector<16xi32>
    %mul3A_1747 = arith.muli %add3A_1744, %mul3A_1746 : vector<16xi32>
    %add3A_1748 = vector.broadcast %add3A_1688 : i32 to vector<16xi32>
    %add3A_1749 = arith.addi %add3A_1748, %mul3A_1747 : vector<16xi32>
    %swap3A_1750 = arith.constant 64 : index
    %swap3A_1751 = tpu.vector_load %arg16[%swap3A_1750] {strides = array<i32>} : memref<128xi32, #tpu.memory_space<vmem>>, vector<16xi32>,
    %swap3A_1752 = vector.shape_cast %swap3A_1751 : vector<16xi32> to vector<16xi32>
    %swap3A_1753 = vector.shape_cast %add3A_1749 : vector<16xi32> to vector<16xi32>
    tpu.vector_store %arg16[%swap3A_1750], %swap3A_1753 {strides = array<i32>} : memref<128xi32, #tpu.memory_space<vmem>>, vector<16xi32>,
    %iota3A_1754 = tpu.iota {dimensions = array<i32: 0>} : vector<16xi32>
    %add3A_1755 = arith.constant 80 : i32
    %add3A_1756 = vector.broadcast %add3A_1755 : i32 to vector<16xi32>
    %add3A_1757 = arith.addi %iota3A_1754, %add3A_1756 : vector<16xi32>
    %mul3A_1758 = arith.constant 2 : i32
    %mul3A_1759 = vector.broadcast %mul3A_1758 : i32 to vector<16xi32>
    %mul3A_1760 = arith.muli %add3A_1757, %mul3A_1759 : vector<16xi32>
    %add3A_1761 = vector.broadcast %add3A_1688 : i32 to vector<16xi32>
    %add3A_1762 = arith.addi %add3A_1761, %mul3A_1760 : vector<16xi32>
    %swap3A_1763 = arith.constant 80 : index
    %swap3A_1764 = tpu.vector_load %arg16[%swap3A_1763] {strides = array<i32>} : memref<128xi32, #tpu.memory_space<vmem>>, vector<16xi32>,
    %swap3A_1765 = vector.shape_cast %swap3A_1764 : vector<16xi32> to vector<16xi32>
    %swap3A_1766 = vector.shape_cast %add3A_1762 : vector<16xi32> to vector<16xi32>
    tpu.vector_store %arg16[%swap3A_1763], %swap3A_1766 {strides = array<i32>} : memref<128xi32, #tpu.memory_space<vmem>>, vector<16xi32>,
    %iota3A_1767 = tpu.iota {dimensions = array<i32: 0>} : vector<16xi32>
    %add3A_1768 = arith.constant 96 : i32
    %add3A_1769 = vector.broadcast %add3A_1768 : i32 to vector<16xi32>
    %add3A_1770 = arith.addi %iota3A_1767, %add3A_1769 : vector<16xi32>
    %mul3A_1771 = arith.constant 2 : i32
    %mul3A_1772 = vector.broadcast %mul3A_1771 : i32 to vector<16xi32>
    %mul3A_1773 = arith.muli %add3A_1770, %mul3A_1772 : vector<16xi32>
    %add3A_1774 = vector.broadcast %add3A_1688 : i32 to vector<16xi32>
    %add3A_1775 = arith.addi %add3A_1774, %mul3A_1773 : vector<16xi32>
    %swap3A_1776 = arith.constant 96 : index
    %swap3A_1777 = tpu.vector_load %arg16[%swap3A_1776] {strides = array<i32>} : memref<128xi32, #tpu.memory_space<vmem>>, vector<16xi32>,
    %swap3A_1778 = vector.shape_cast %swap3A_1777 : vector<16xi32> to vector<16xi32>
    %swap3A_1779 = vector.shape_cast %add3A_1775 : vector<16xi32> to vector<16xi32>
    tpu.vector_store %arg16[%swap3A_1776], %swap3A_1779 {strides = array<i32>} : memref<128xi32, #tpu.memory_space<vmem>>, vector<16xi32>,
    %iota3A_1780 = tpu.iota {dimensions = array<i32: 0>} : vector<16xi32>
    %add3A_1781 = arith.constant 112 : i32
    %add3A_1782 = vector.broadcast %add3A_1781 : i32 to vector<16xi32>
    %add3A_1783 = arith.addi %iota3A_1780, %add3A_1782 : vector<16xi32>
    %mul3A_1784 = arith.constant 2 : i32
    %mul3A_1785 = vector.broadcast %mul3A_1784 : i32 to vector<16xi32>
    %mul3A_1786 = arith.muli %add3A_1783, %mul3A_1785 : vector<16xi32>
    %add3A_1787 = vector.broadcast %add3A_1688 : i32 to vector<16xi32>
    %add3A_1788 = arith.addi %add3A_1787, %mul3A_1786 : vector<16xi32>
    %swap3A_1789 = arith.constant 112 : index
    %swap3A_1790 = tpu.vector_load %arg16[%swap3A_1789] {strides = array<i32>} : memref<128xi32, #tpu.memory_space<vmem>>, vector<16xi32>,
    %swap3A_1791 = vector.shape_cast %swap3A_1790 : vector<16xi32> to vector<16xi32>
    %swap3A_1792 = vector.shape_cast %add3A_1788 : vector<16xi32> to vector<16xi32>
    tpu.vector_store %arg16[%swap3A_1789], %swap3A_1792 {strides = array<i32>} : memref<128xi32, #tpu.memory_space<vmem>>, vector<16xi32>,
    %dma_wait3A_1793 = arith.constant 0 : i32
    %dma_wait3A_1794 = tpu.memref_slice %arg2[%dma_wait3A_1793] : memref<614400xi32, #tpu.memory_space<hbm>> -> memref<128xi32, #tpu.memory_space<hbm>>
    %dma_wait3A_1795 = arith.constant 0 : i32
    %dma_wait3A_1796 = tpu.memref_slice %arg2[%dma_wait3A_1795] : memref<614400xi32, #tpu.memory_space<hbm>> -> memref<128xi32, #tpu.memory_space<hbm>>
    tpu.wait_dma2 semaphore(%arg40 : memref<!tpu.dma_semaphore, #tpu.memory_space<semaphore_mem>>) src(%dma_wait3A_1796 : memref<128xi32, #tpu.memory_space<hbm>>) dst(%arg10 : memref<128xi32, #tpu.memory_space<vmem>>)
    %dma_start3A_1797 = arith.constant 0 : i32
    %dma_start3A_1798 = arith.constant 0 : i32
    %dma_start3A_1799 = tpu.memref_slice %arg3[%dma_start3A_1797, %dma_start3A_1798] : memref<100001x64xf32, #tpu.memory_space<hbm>> -> memref<100001x64xf32, #tpu.memory_space<hbm>>
    tpu.enqueue_indirect_dma source(%dma_start3A_1799 : memref<100001x64xf32, #tpu.memory_space<hbm>>) target(%arg22 : memref<128x64xf32, #tpu.memory_space<vmem>>) offsets(%arg10 : memref<128xi32, #tpu.memory_space<vmem>>) semaphore(%arg28 : memref<!tpu.dma_semaphore, #tpu.memory_space<semaphore_mem>>)
    %dma_wait3A_1800 = arith.constant 0 : i32
    %dma_wait3A_1801 = arith.constant 0 : i32
    %dma_wait3A_1802 = tpu.memref_slice %arg3[%dma_wait3A_1800, %dma_wait3A_1801] : memref<100001x64xf32, #tpu.memory_space<hbm>> -> memref<100001x64xf32, #tpu.memory_space<hbm>>
    tpu.wait_indirect_dma semaphore(%arg26 : memref<!tpu.dma_semaphore, #tpu.memory_space<semaphore_mem>>) src(%dma_wait3A_1802 : memref<100001x64xf32, #tpu.memory_space<hbm>>) dst(%arg20 : memref<128x64xf32, #tpu.memory_space<vmem>>)
    %dma_start3A_1803 = arith.constant 0 : i32
    %dma_start3A_1804 = arith.constant 0 : i32
    %dma_start3A_1805 = tpu.memref_slice %arg4[%dma_start3A_1803, %dma_start3A_1804] : memref<614400x64xf32, #tpu.memory_space<hbm>> -> memref<614400x64xf32, #tpu.memory_space<hbm>>
    tpu.enqueue_indirect_dma source(%arg20 : memref<128x64xf32, #tpu.memory_space<vmem>>) target(%dma_start3A_1805 : memref<614400x64xf32, #tpu.memory_space<hbm>>) offsets(%arg14 : memref<128xi32, #tpu.memory_space<vmem>>) semaphore(%arg32 : memref<!tpu.dma_semaphore, #tpu.memory_space<semaphore_mem>>)
    %dma_wait3A_1806 = arith.constant 0 : i32
    %dma_wait3A_1807 = arith.constant 0 : i32
    %dma_wait3A_1808 = tpu.memref_slice %arg3[%dma_wait3A_1806, %dma_wait3A_1807] : memref<100001x64xf32, #tpu.memory_space<hbm>> -> memref<100001x64xf32, #tpu.memory_space<hbm>>
    tpu.wait_indirect_dma semaphore(%arg27 : memref<!tpu.dma_semaphore, #tpu.memory_space<semaphore_mem>>) src(%dma_wait3A_1808 : memref<100001x64xf32, #tpu.memory_space<hbm>>) dst(%arg21 : memref<128x64xf32, #tpu.memory_space<vmem>>)
    %dma_start3A_1809 = arith.constant 0 : i32
    %dma_start3A_1810 = arith.constant 0 : i32
    %dma_start3A_1811 = tpu.memref_slice %arg4[%dma_start3A_1809, %dma_start3A_1810] : memref<614400x64xf32, #tpu.memory_space<hbm>> -> memref<614400x64xf32, #tpu.memory_space<hbm>>
    tpu.enqueue_indirect_dma source(%arg21 : memref<128x64xf32, #tpu.memory_space<vmem>>) target(%dma_start3A_1811 : memref<614400x64xf32, #tpu.memory_space<hbm>>) offsets(%arg15 : memref<128xi32, #tpu.memory_space<vmem>>) semaphore(%arg33 : memref<!tpu.dma_semaphore, #tpu.memory_space<semaphore_mem>>)
    %dma_wait3A_1812 = arith.constant 0 : i32
    %dma_wait3A_1813 = arith.constant 0 : i32
    %dma_wait3A_1814 = tpu.memref_slice %arg3[%dma_wait3A_1812, %dma_wait3A_1813] : memref<100001x64xf32, #tpu.memory_space<hbm>> -> memref<100001x64xf32, #tpu.memory_space<hbm>>
    tpu.wait_indirect_dma semaphore(%arg28 : memref<!tpu.dma_semaphore, #tpu.memory_space<semaphore_mem>>) src(%dma_wait3A_1814 : memref<100001x64xf32, #tpu.memory_space<hbm>>) dst(%arg22 : memref<128x64xf32, #tpu.memory_space<vmem>>)
    %dma_start3A_1815 = arith.constant 0 : i32
    %dma_start3A_1816 = arith.constant 0 : i32
    %dma_start3A_1817 = tpu.memref_slice %arg4[%dma_start3A_1815, %dma_start3A_1816] : memref<614400x64xf32, #tpu.memory_space<hbm>> -> memref<614400x64xf32, #tpu.memory_space<hbm>>
    tpu.enqueue_indirect_dma source(%arg22 : memref<128x64xf32, #tpu.memory_space<vmem>>) target(%dma_start3A_1817 : memref<614400x64xf32, #tpu.memory_space<hbm>>) offsets(%arg16 : memref<128xi32, #tpu.memory_space<vmem>>) semaphore(%arg34 : memref<!tpu.dma_semaphore, #tpu.memory_space<semaphore_mem>>)
    %dma_wait3A_1818 = arith.constant 0 : i32
    %dma_wait3A_1819 = arith.constant 0 : i32
    %dma_wait3A_1820 = tpu.memref_slice %arg4[%dma_wait3A_1818, %dma_wait3A_1819] : memref<614400x64xf32, #tpu.memory_space<hbm>> -> memref<614400x64xf32, #tpu.memory_space<hbm>>
    tpu.wait_indirect_dma semaphore(%arg29 : memref<!tpu.dma_semaphore, #tpu.memory_space<semaphore_mem>>) src(%arg17 : memref<128x64xf32, #tpu.memory_space<vmem>>) dst(%dma_wait3A_1820 : memref<614400x64xf32, #tpu.memory_space<hbm>>)
    %dma_wait3A_1821 = arith.constant 0 : i32
    %dma_wait3A_1822 = arith.constant 0 : i32
    %dma_wait3A_1823 = tpu.memref_slice %arg4[%dma_wait3A_1821, %dma_wait3A_1822] : memref<614400x64xf32, #tpu.memory_space<hbm>> -> memref<614400x64xf32, #tpu.memory_space<hbm>>
    tpu.wait_indirect_dma semaphore(%arg30 : memref<!tpu.dma_semaphore, #tpu.memory_space<semaphore_mem>>) src(%arg18 : memref<128x64xf32, #tpu.memory_space<vmem>>) dst(%dma_wait3A_1823 : memref<614400x64xf32, #tpu.memory_space<hbm>>)
    %dma_wait3A_1824 = arith.constant 0 : i32
    %dma_wait3A_1825 = arith.constant 0 : i32
    %dma_wait3A_1826 = tpu.memref_slice %arg4[%dma_wait3A_1824, %dma_wait3A_1825] : memref<614400x64xf32, #tpu.memory_space<hbm>> -> memref<614400x64xf32, #tpu.memory_space<hbm>>
    tpu.wait_indirect_dma semaphore(%arg31 : memref<!tpu.dma_semaphore, #tpu.memory_space<semaphore_mem>>) src(%arg19 : memref<128x64xf32, #tpu.memory_space<vmem>>) dst(%dma_wait3A_1826 : memref<614400x64xf32, #tpu.memory_space<hbm>>)
    %dma_wait3A_1827 = arith.constant 0 : i32
    %dma_wait3A_1828 = arith.constant 0 : i32
    %dma_wait3A_1829 = tpu.memref_slice %arg4[%dma_wait3A_1827, %dma_wait3A_1828] : memref<614400x64xf32, #tpu.memory_space<hbm>> -> memref<614400x64xf32, #tpu.memory_space<hbm>>
    tpu.wait_indirect_dma semaphore(%arg32 : memref<!tpu.dma_semaphore, #tpu.memory_space<semaphore_mem>>) src(%arg20 : memref<128x64xf32, #tpu.memory_space<vmem>>) dst(%dma_wait3A_1829 : memref<614400x64xf32, #tpu.memory_space<hbm>>)
    %dma_wait3A_1830 = arith.constant 0 : i32
    %dma_wait3A_1831 = arith.constant 0 : i32
    %dma_wait3A_1832 = tpu.memref_slice %arg4[%dma_wait3A_1830, %dma_wait3A_1831] : memref<614400x64xf32, #tpu.memory_space<hbm>> -> memref<614400x64xf32, #tpu.memory_space<hbm>>
    tpu.wait_indirect_dma semaphore(%arg33 : memref<!tpu.dma_semaphore, #tpu.memory_space<semaphore_mem>>) src(%arg21 : memref<128x64xf32, #tpu.memory_space<vmem>>) dst(%dma_wait3A_1832 : memref<614400x64xf32, #tpu.memory_space<hbm>>)
    %dma_wait3A_1833 = arith.constant 0 : i32
    %dma_wait3A_1834 = arith.constant 0 : i32
    %dma_wait3A_1835 = tpu.memref_slice %arg4[%dma_wait3A_1833, %dma_wait3A_1834] : memref<614400x64xf32, #tpu.memory_space<hbm>> -> memref<614400x64xf32, #tpu.memory_space<hbm>>
    tpu.wait_indirect_dma semaphore(%arg34 : memref<!tpu.dma_semaphore, #tpu.memory_space<semaphore_mem>>) src(%arg22 : memref<128x64xf32, #tpu.memory_space<vmem>>) dst(%dma_wait3A_1835 : memref<614400x64xf32, #tpu.memory_space<hbm>>)
    return
  }
}

module attributes {stable_mosaic.version = 14 : i64} {
  func.func @_finish_body(%arg0: i32, %arg1: memref<8x1536x128xf32, #tpu.memory_space<vmem>>, %arg2: memref<8x192x1024xf32, #tpu.memory_space<vmem>>) attributes {dimension_semantics = [#tpu.dimension_semantics<arbitrary>], iteration_bounds = array<i64: 25>, scalar_prefetch = 0 : i64, scratch_operands = 0 : i64, tpu.core_type = #tpu.core_type<tc>, window_params = [{transform_indices = @transform_0, window_bounds = array<i64: 8, 1536, 128>}, {transform_indices = @transform_1, window_bounds = array<i64: 8, 192, 1024>}]} {
    %get3A = arith.constant 0 : index
    %get3A_0 = arith.constant 0 : index
    %get3A_1 = arith.constant 0 : index
    %get3A_2 = vector.load %arg1[%get3A, %get3A_0, %get3A_1] : memref<8x1536x128xf32, #tpu.memory_space<vmem>>, vector<1x512x128xf32>
    %get3A_3 = vector.shape_cast %get3A_2 : vector<1x512x128xf32> to vector<512x128xf32>
    %transpose3A = tpu.transpose %get3A_3, [1, 0] : vector<512x128xf32> -> vector<128x512xf32>
    %slice3A = vector.extract_strided_slice %transpose3A {offsets = [0, 0], sizes = [64, 512], strides = [1, 1]} : vector<128x512xf32> to vector<64x512xf32>
    %slice3A_4 = vector.extract_strided_slice %transpose3A {offsets = [64, 0], sizes = [64, 512], strides = [1, 1]} : vector<128x512xf32> to vector<64x512xf32>
    %concatenate3A = tpu.concatenate %slice3A, %slice3A_4 in 1 : vector<64x512xf32>, vector<64x512xf32> -> vector<64x1024xf32>
    %max3A = arith.constant 0.000000e+00 : f32
    %max3A_5 = vector.broadcast %max3A : f32 to vector<64x1024xf32>
    %max3A_6 = arith.maximumf %concatenate3A, %max3A_5 : vector<64x1024xf32>
    %swap3A = arith.constant 0 : index
    %swap3A_7 = arith.constant 0 : index
    %swap3A_8 = arith.constant 0 : index
    %swap3A_9 = vector.load %arg2[%swap3A, %swap3A_7, %swap3A_8] : memref<8x192x1024xf32, #tpu.memory_space<vmem>>, vector<1x64x1024xf32>
    %swap3A_10 = vector.shape_cast %swap3A_9 : vector<1x64x1024xf32> to vector<64x1024xf32>
    %swap3A_11 = vector.shape_cast %max3A_6 : vector<64x1024xf32> to vector<1x64x1024xf32>
    tpu.vector_store %arg2[%swap3A, %swap3A_7, %swap3A_8], %swap3A_11 {strides = array<i32>} : memref<8x192x1024xf32, #tpu.memory_space<vmem>>, vector<1x64x1024xf32>,
    %get3A_12 = arith.constant 0 : index
    %get3A_13 = arith.constant 512 : index
    %get3A_14 = arith.constant 0 : index
    %get3A_15 = vector.load %arg1[%get3A_12, %get3A_13, %get3A_14] : memref<8x1536x128xf32, #tpu.memory_space<vmem>>, vector<1x512x128xf32>
    %get3A_16 = vector.shape_cast %get3A_15 : vector<1x512x128xf32> to vector<512x128xf32>
    %transpose3A_17 = tpu.transpose %get3A_16, [1, 0] : vector<512x128xf32> -> vector<128x512xf32>
    %slice3A_18 = vector.extract_strided_slice %transpose3A_17 {offsets = [0, 0], sizes = [64, 512], strides = [1, 1]} : vector<128x512xf32> to vector<64x512xf32>
    %slice3A_19 = vector.extract_strided_slice %transpose3A_17 {offsets = [64, 0], sizes = [64, 512], strides = [1, 1]} : vector<128x512xf32> to vector<64x512xf32>
    %concatenate3A_20 = tpu.concatenate %slice3A_18, %slice3A_19 in 1 : vector<64x512xf32>, vector<64x512xf32> -> vector<64x1024xf32>
    %max3A_21 = arith.constant 0.000000e+00 : f32
    %max3A_22 = vector.broadcast %max3A_21 : f32 to vector<64x1024xf32>
    %max3A_23 = arith.maximumf %concatenate3A_20, %max3A_22 : vector<64x1024xf32>
    %swap3A_24 = arith.constant 0 : index
    %swap3A_25 = arith.constant 64 : index
    %swap3A_26 = arith.constant 0 : index
    %swap3A_27 = vector.load %arg2[%swap3A_24, %swap3A_25, %swap3A_26] : memref<8x192x1024xf32, #tpu.memory_space<vmem>>, vector<1x64x1024xf32>
    %swap3A_28 = vector.shape_cast %swap3A_27 : vector<1x64x1024xf32> to vector<64x1024xf32>
    %swap3A_29 = vector.shape_cast %max3A_23 : vector<64x1024xf32> to vector<1x64x1024xf32>
    tpu.vector_store %arg2[%swap3A_24, %swap3A_25, %swap3A_26], %swap3A_29 {strides = array<i32>} : memref<8x192x1024xf32, #tpu.memory_space<vmem>>, vector<1x64x1024xf32>,
    %get3A_30 = arith.constant 0 : index
    %get3A_31 = arith.constant 1024 : index
    %get3A_32 = arith.constant 0 : index
    %get3A_33 = vector.load %arg1[%get3A_30, %get3A_31, %get3A_32] : memref<8x1536x128xf32, #tpu.memory_space<vmem>>, vector<1x512x128xf32>
    %get3A_34 = vector.shape_cast %get3A_33 : vector<1x512x128xf32> to vector<512x128xf32>
    %transpose3A_35 = tpu.transpose %get3A_34, [1, 0] : vector<512x128xf32> -> vector<128x512xf32>
    %slice3A_36 = vector.extract_strided_slice %transpose3A_35 {offsets = [0, 0], sizes = [64, 512], strides = [1, 1]} : vector<128x512xf32> to vector<64x512xf32>
    %slice3A_37 = vector.extract_strided_slice %transpose3A_35 {offsets = [64, 0], sizes = [64, 512], strides = [1, 1]} : vector<128x512xf32> to vector<64x512xf32>
    %concatenate3A_38 = tpu.concatenate %slice3A_36, %slice3A_37 in 1 : vector<64x512xf32>, vector<64x512xf32> -> vector<64x1024xf32>
    %max3A_39 = arith.constant 0.000000e+00 : f32
    %max3A_40 = vector.broadcast %max3A_39 : f32 to vector<64x1024xf32>
    %max3A_41 = arith.maximumf %concatenate3A_38, %max3A_40 : vector<64x1024xf32>
    %swap3A_42 = arith.constant 0 : index
    %swap3A_43 = arith.constant 128 : index
    %swap3A_44 = arith.constant 0 : index
    %swap3A_45 = vector.load %arg2[%swap3A_42, %swap3A_43, %swap3A_44] : memref<8x192x1024xf32, #tpu.memory_space<vmem>>, vector<1x64x1024xf32>
    %swap3A_46 = vector.shape_cast %swap3A_45 : vector<1x64x1024xf32> to vector<64x1024xf32>
    %swap3A_47 = vector.shape_cast %max3A_41 : vector<64x1024xf32> to vector<1x64x1024xf32>
    tpu.vector_store %arg2[%swap3A_42, %swap3A_43, %swap3A_44], %swap3A_47 {strides = array<i32>} : memref<8x192x1024xf32, #tpu.memory_space<vmem>>, vector<1x64x1024xf32>,
    %get3A_48 = arith.constant 1 : index
    %get3A_49 = arith.constant 0 : index
    %get3A_50 = arith.constant 0 : index
    %get3A_51 = vector.load %arg1[%get3A_48, %get3A_49, %get3A_50] : memref<8x1536x128xf32, #tpu.memory_space<vmem>>, vector<1x512x128xf32>
    %get3A_52 = vector.shape_cast %get3A_51 : vector<1x512x128xf32> to vector<512x128xf32>
    %transpose3A_53 = tpu.transpose %get3A_52, [1, 0] : vector<512x128xf32> -> vector<128x512xf32>
    %slice3A_54 = vector.extract_strided_slice %transpose3A_53 {offsets = [0, 0], sizes = [64, 512], strides = [1, 1]} : vector<128x512xf32> to vector<64x512xf32>
    %slice3A_55 = vector.extract_strided_slice %transpose3A_53 {offsets = [64, 0], sizes = [64, 512], strides = [1, 1]} : vector<128x512xf32> to vector<64x512xf32>
    %concatenate3A_56 = tpu.concatenate %slice3A_54, %slice3A_55 in 1 : vector<64x512xf32>, vector<64x512xf32> -> vector<64x1024xf32>
    %max3A_57 = arith.constant 0.000000e+00 : f32
    %max3A_58 = vector.broadcast %max3A_57 : f32 to vector<64x1024xf32>
    %max3A_59 = arith.maximumf %concatenate3A_56, %max3A_58 : vector<64x1024xf32>
    %swap3A_60 = arith.constant 1 : index
    %swap3A_61 = arith.constant 0 : index
    %swap3A_62 = arith.constant 0 : index
    %swap3A_63 = vector.load %arg2[%swap3A_60, %swap3A_61, %swap3A_62] : memref<8x192x1024xf32, #tpu.memory_space<vmem>>, vector<1x64x1024xf32>
    %swap3A_64 = vector.shape_cast %swap3A_63 : vector<1x64x1024xf32> to vector<64x1024xf32>
    %swap3A_65 = vector.shape_cast %max3A_59 : vector<64x1024xf32> to vector<1x64x1024xf32>
    tpu.vector_store %arg2[%swap3A_60, %swap3A_61, %swap3A_62], %swap3A_65 {strides = array<i32>} : memref<8x192x1024xf32, #tpu.memory_space<vmem>>, vector<1x64x1024xf32>,
    %get3A_66 = arith.constant 1 : index
    %get3A_67 = arith.constant 512 : index
    %get3A_68 = arith.constant 0 : index
    %get3A_69 = vector.load %arg1[%get3A_66, %get3A_67, %get3A_68] : memref<8x1536x128xf32, #tpu.memory_space<vmem>>, vector<1x512x128xf32>
    %get3A_70 = vector.shape_cast %get3A_69 : vector<1x512x128xf32> to vector<512x128xf32>
    %transpose3A_71 = tpu.transpose %get3A_70, [1, 0] : vector<512x128xf32> -> vector<128x512xf32>
    %slice3A_72 = vector.extract_strided_slice %transpose3A_71 {offsets = [0, 0], sizes = [64, 512], strides = [1, 1]} : vector<128x512xf32> to vector<64x512xf32>
    %slice3A_73 = vector.extract_strided_slice %transpose3A_71 {offsets = [64, 0], sizes = [64, 512], strides = [1, 1]} : vector<128x512xf32> to vector<64x512xf32>
    %concatenate3A_74 = tpu.concatenate %slice3A_72, %slice3A_73 in 1 : vector<64x512xf32>, vector<64x512xf32> -> vector<64x1024xf32>
    %max3A_75 = arith.constant 0.000000e+00 : f32
    %max3A_76 = vector.broadcast %max3A_75 : f32 to vector<64x1024xf32>
    %max3A_77 = arith.maximumf %concatenate3A_74, %max3A_76 : vector<64x1024xf32>
    %swap3A_78 = arith.constant 1 : index
    %swap3A_79 = arith.constant 64 : index
    %swap3A_80 = arith.constant 0 : index
    %swap3A_81 = vector.load %arg2[%swap3A_78, %swap3A_79, %swap3A_80] : memref<8x192x1024xf32, #tpu.memory_space<vmem>>, vector<1x64x1024xf32>
    %swap3A_82 = vector.shape_cast %swap3A_81 : vector<1x64x1024xf32> to vector<64x1024xf32>
    %swap3A_83 = vector.shape_cast %max3A_77 : vector<64x1024xf32> to vector<1x64x1024xf32>
    tpu.vector_store %arg2[%swap3A_78, %swap3A_79, %swap3A_80], %swap3A_83 {strides = array<i32>} : memref<8x192x1024xf32, #tpu.memory_space<vmem>>, vector<1x64x1024xf32>,
    %get3A_84 = arith.constant 1 : index
    %get3A_85 = arith.constant 1024 : index
    %get3A_86 = arith.constant 0 : index
    %get3A_87 = vector.load %arg1[%get3A_84, %get3A_85, %get3A_86] : memref<8x1536x128xf32, #tpu.memory_space<vmem>>, vector<1x512x128xf32>
    %get3A_88 = vector.shape_cast %get3A_87 : vector<1x512x128xf32> to vector<512x128xf32>
    %transpose3A_89 = tpu.transpose %get3A_88, [1, 0] : vector<512x128xf32> -> vector<128x512xf32>
    %slice3A_90 = vector.extract_strided_slice %transpose3A_89 {offsets = [0, 0], sizes = [64, 512], strides = [1, 1]} : vector<128x512xf32> to vector<64x512xf32>
    %slice3A_91 = vector.extract_strided_slice %transpose3A_89 {offsets = [64, 0], sizes = [64, 512], strides = [1, 1]} : vector<128x512xf32> to vector<64x512xf32>
    %concatenate3A_92 = tpu.concatenate %slice3A_90, %slice3A_91 in 1 : vector<64x512xf32>, vector<64x512xf32> -> vector<64x1024xf32>
    %max3A_93 = arith.constant 0.000000e+00 : f32
    %max3A_94 = vector.broadcast %max3A_93 : f32 to vector<64x1024xf32>
    %max3A_95 = arith.maximumf %concatenate3A_92, %max3A_94 : vector<64x1024xf32>
    %swap3A_96 = arith.constant 1 : index
    %swap3A_97 = arith.constant 128 : index
    %swap3A_98 = arith.constant 0 : index
    %swap3A_99 = vector.load %arg2[%swap3A_96, %swap3A_97, %swap3A_98] : memref<8x192x1024xf32, #tpu.memory_space<vmem>>, vector<1x64x1024xf32>
    %swap3A_100 = vector.shape_cast %swap3A_99 : vector<1x64x1024xf32> to vector<64x1024xf32>
    %swap3A_101 = vector.shape_cast %max3A_95 : vector<64x1024xf32> to vector<1x64x1024xf32>
    tpu.vector_store %arg2[%swap3A_96, %swap3A_97, %swap3A_98], %swap3A_101 {strides = array<i32>} : memref<8x192x1024xf32, #tpu.memory_space<vmem>>, vector<1x64x1024xf32>,
    %get3A_102 = arith.constant 2 : index
    %get3A_103 = arith.constant 0 : index
    %get3A_104 = arith.constant 0 : index
    %get3A_105 = vector.load %arg1[%get3A_102, %get3A_103, %get3A_104] : memref<8x1536x128xf32, #tpu.memory_space<vmem>>, vector<1x512x128xf32>
    %get3A_106 = vector.shape_cast %get3A_105 : vector<1x512x128xf32> to vector<512x128xf32>
    %transpose3A_107 = tpu.transpose %get3A_106, [1, 0] : vector<512x128xf32> -> vector<128x512xf32>
    %slice3A_108 = vector.extract_strided_slice %transpose3A_107 {offsets = [0, 0], sizes = [64, 512], strides = [1, 1]} : vector<128x512xf32> to vector<64x512xf32>
    %slice3A_109 = vector.extract_strided_slice %transpose3A_107 {offsets = [64, 0], sizes = [64, 512], strides = [1, 1]} : vector<128x512xf32> to vector<64x512xf32>
    %concatenate3A_110 = tpu.concatenate %slice3A_108, %slice3A_109 in 1 : vector<64x512xf32>, vector<64x512xf32> -> vector<64x1024xf32>
    %max3A_111 = arith.constant 0.000000e+00 : f32
    %max3A_112 = vector.broadcast %max3A_111 : f32 to vector<64x1024xf32>
    %max3A_113 = arith.maximumf %concatenate3A_110, %max3A_112 : vector<64x1024xf32>
    %swap3A_114 = arith.constant 2 : index
    %swap3A_115 = arith.constant 0 : index
    %swap3A_116 = arith.constant 0 : index
    %swap3A_117 = vector.load %arg2[%swap3A_114, %swap3A_115, %swap3A_116] : memref<8x192x1024xf32, #tpu.memory_space<vmem>>, vector<1x64x1024xf32>
    %swap3A_118 = vector.shape_cast %swap3A_117 : vector<1x64x1024xf32> to vector<64x1024xf32>
    %swap3A_119 = vector.shape_cast %max3A_113 : vector<64x1024xf32> to vector<1x64x1024xf32>
    tpu.vector_store %arg2[%swap3A_114, %swap3A_115, %swap3A_116], %swap3A_119 {strides = array<i32>} : memref<8x192x1024xf32, #tpu.memory_space<vmem>>, vector<1x64x1024xf32>,
    %get3A_120 = arith.constant 2 : index
    %get3A_121 = arith.constant 512 : index
    %get3A_122 = arith.constant 0 : index
    %get3A_123 = vector.load %arg1[%get3A_120, %get3A_121, %get3A_122] : memref<8x1536x128xf32, #tpu.memory_space<vmem>>, vector<1x512x128xf32>
    %get3A_124 = vector.shape_cast %get3A_123 : vector<1x512x128xf32> to vector<512x128xf32>
    %transpose3A_125 = tpu.transpose %get3A_124, [1, 0] : vector<512x128xf32> -> vector<128x512xf32>
    %slice3A_126 = vector.extract_strided_slice %transpose3A_125 {offsets = [0, 0], sizes = [64, 512], strides = [1, 1]} : vector<128x512xf32> to vector<64x512xf32>
    %slice3A_127 = vector.extract_strided_slice %transpose3A_125 {offsets = [64, 0], sizes = [64, 512], strides = [1, 1]} : vector<128x512xf32> to vector<64x512xf32>
    %concatenate3A_128 = tpu.concatenate %slice3A_126, %slice3A_127 in 1 : vector<64x512xf32>, vector<64x512xf32> -> vector<64x1024xf32>
    %max3A_129 = arith.constant 0.000000e+00 : f32
    %max3A_130 = vector.broadcast %max3A_129 : f32 to vector<64x1024xf32>
    %max3A_131 = arith.maximumf %concatenate3A_128, %max3A_130 : vector<64x1024xf32>
    %swap3A_132 = arith.constant 2 : index
    %swap3A_133 = arith.constant 64 : index
    %swap3A_134 = arith.constant 0 : index
    %swap3A_135 = vector.load %arg2[%swap3A_132, %swap3A_133, %swap3A_134] : memref<8x192x1024xf32, #tpu.memory_space<vmem>>, vector<1x64x1024xf32>
    %swap3A_136 = vector.shape_cast %swap3A_135 : vector<1x64x1024xf32> to vector<64x1024xf32>
    %swap3A_137 = vector.shape_cast %max3A_131 : vector<64x1024xf32> to vector<1x64x1024xf32>
    tpu.vector_store %arg2[%swap3A_132, %swap3A_133, %swap3A_134], %swap3A_137 {strides = array<i32>} : memref<8x192x1024xf32, #tpu.memory_space<vmem>>, vector<1x64x1024xf32>,
    %get3A_138 = arith.constant 2 : index
    %get3A_139 = arith.constant 1024 : index
    %get3A_140 = arith.constant 0 : index
    %get3A_141 = vector.load %arg1[%get3A_138, %get3A_139, %get3A_140] : memref<8x1536x128xf32, #tpu.memory_space<vmem>>, vector<1x512x128xf32>
    %get3A_142 = vector.shape_cast %get3A_141 : vector<1x512x128xf32> to vector<512x128xf32>
    %transpose3A_143 = tpu.transpose %get3A_142, [1, 0] : vector<512x128xf32> -> vector<128x512xf32>
    %slice3A_144 = vector.extract_strided_slice %transpose3A_143 {offsets = [0, 0], sizes = [64, 512], strides = [1, 1]} : vector<128x512xf32> to vector<64x512xf32>
    %slice3A_145 = vector.extract_strided_slice %transpose3A_143 {offsets = [64, 0], sizes = [64, 512], strides = [1, 1]} : vector<128x512xf32> to vector<64x512xf32>
    %concatenate3A_146 = tpu.concatenate %slice3A_144, %slice3A_145 in 1 : vector<64x512xf32>, vector<64x512xf32> -> vector<64x1024xf32>
    %max3A_147 = arith.constant 0.000000e+00 : f32
    %max3A_148 = vector.broadcast %max3A_147 : f32 to vector<64x1024xf32>
    %max3A_149 = arith.maximumf %concatenate3A_146, %max3A_148 : vector<64x1024xf32>
    %swap3A_150 = arith.constant 2 : index
    %swap3A_151 = arith.constant 128 : index
    %swap3A_152 = arith.constant 0 : index
    %swap3A_153 = vector.load %arg2[%swap3A_150, %swap3A_151, %swap3A_152] : memref<8x192x1024xf32, #tpu.memory_space<vmem>>, vector<1x64x1024xf32>
    %swap3A_154 = vector.shape_cast %swap3A_153 : vector<1x64x1024xf32> to vector<64x1024xf32>
    %swap3A_155 = vector.shape_cast %max3A_149 : vector<64x1024xf32> to vector<1x64x1024xf32>
    tpu.vector_store %arg2[%swap3A_150, %swap3A_151, %swap3A_152], %swap3A_155 {strides = array<i32>} : memref<8x192x1024xf32, #tpu.memory_space<vmem>>, vector<1x64x1024xf32>,
    %get3A_156 = arith.constant 3 : index
    %get3A_157 = arith.constant 0 : index
    %get3A_158 = arith.constant 0 : index
    %get3A_159 = vector.load %arg1[%get3A_156, %get3A_157, %get3A_158] : memref<8x1536x128xf32, #tpu.memory_space<vmem>>, vector<1x512x128xf32>
    %get3A_160 = vector.shape_cast %get3A_159 : vector<1x512x128xf32> to vector<512x128xf32>
    %transpose3A_161 = tpu.transpose %get3A_160, [1, 0] : vector<512x128xf32> -> vector<128x512xf32>
    %slice3A_162 = vector.extract_strided_slice %transpose3A_161 {offsets = [0, 0], sizes = [64, 512], strides = [1, 1]} : vector<128x512xf32> to vector<64x512xf32>
    %slice3A_163 = vector.extract_strided_slice %transpose3A_161 {offsets = [64, 0], sizes = [64, 512], strides = [1, 1]} : vector<128x512xf32> to vector<64x512xf32>
    %concatenate3A_164 = tpu.concatenate %slice3A_162, %slice3A_163 in 1 : vector<64x512xf32>, vector<64x512xf32> -> vector<64x1024xf32>
    %max3A_165 = arith.constant 0.000000e+00 : f32
    %max3A_166 = vector.broadcast %max3A_165 : f32 to vector<64x1024xf32>
    %max3A_167 = arith.maximumf %concatenate3A_164, %max3A_166 : vector<64x1024xf32>
    %swap3A_168 = arith.constant 3 : index
    %swap3A_169 = arith.constant 0 : index
    %swap3A_170 = arith.constant 0 : index
    %swap3A_171 = vector.load %arg2[%swap3A_168, %swap3A_169, %swap3A_170] : memref<8x192x1024xf32, #tpu.memory_space<vmem>>, vector<1x64x1024xf32>
    %swap3A_172 = vector.shape_cast %swap3A_171 : vector<1x64x1024xf32> to vector<64x1024xf32>
    %swap3A_173 = vector.shape_cast %max3A_167 : vector<64x1024xf32> to vector<1x64x1024xf32>
    tpu.vector_store %arg2[%swap3A_168, %swap3A_169, %swap3A_170], %swap3A_173 {strides = array<i32>} : memref<8x192x1024xf32, #tpu.memory_space<vmem>>, vector<1x64x1024xf32>,
    %get3A_174 = arith.constant 3 : index
    %get3A_175 = arith.constant 512 : index
    %get3A_176 = arith.constant 0 : index
    %get3A_177 = vector.load %arg1[%get3A_174, %get3A_175, %get3A_176] : memref<8x1536x128xf32, #tpu.memory_space<vmem>>, vector<1x512x128xf32>
    %get3A_178 = vector.shape_cast %get3A_177 : vector<1x512x128xf32> to vector<512x128xf32>
    %transpose3A_179 = tpu.transpose %get3A_178, [1, 0] : vector<512x128xf32> -> vector<128x512xf32>
    %slice3A_180 = vector.extract_strided_slice %transpose3A_179 {offsets = [0, 0], sizes = [64, 512], strides = [1, 1]} : vector<128x512xf32> to vector<64x512xf32>
    %slice3A_181 = vector.extract_strided_slice %transpose3A_179 {offsets = [64, 0], sizes = [64, 512], strides = [1, 1]} : vector<128x512xf32> to vector<64x512xf32>
    %concatenate3A_182 = tpu.concatenate %slice3A_180, %slice3A_181 in 1 : vector<64x512xf32>, vector<64x512xf32> -> vector<64x1024xf32>
    %max3A_183 = arith.constant 0.000000e+00 : f32
    %max3A_184 = vector.broadcast %max3A_183 : f32 to vector<64x1024xf32>
    %max3A_185 = arith.maximumf %concatenate3A_182, %max3A_184 : vector<64x1024xf32>
    %swap3A_186 = arith.constant 3 : index
    %swap3A_187 = arith.constant 64 : index
    %swap3A_188 = arith.constant 0 : index
    %swap3A_189 = vector.load %arg2[%swap3A_186, %swap3A_187, %swap3A_188] : memref<8x192x1024xf32, #tpu.memory_space<vmem>>, vector<1x64x1024xf32>
    %swap3A_190 = vector.shape_cast %swap3A_189 : vector<1x64x1024xf32> to vector<64x1024xf32>
    %swap3A_191 = vector.shape_cast %max3A_185 : vector<64x1024xf32> to vector<1x64x1024xf32>
    tpu.vector_store %arg2[%swap3A_186, %swap3A_187, %swap3A_188], %swap3A_191 {strides = array<i32>} : memref<8x192x1024xf32, #tpu.memory_space<vmem>>, vector<1x64x1024xf32>,
    %get3A_192 = arith.constant 3 : index
    %get3A_193 = arith.constant 1024 : index
    %get3A_194 = arith.constant 0 : index
    %get3A_195 = vector.load %arg1[%get3A_192, %get3A_193, %get3A_194] : memref<8x1536x128xf32, #tpu.memory_space<vmem>>, vector<1x512x128xf32>
    %get3A_196 = vector.shape_cast %get3A_195 : vector<1x512x128xf32> to vector<512x128xf32>
    %transpose3A_197 = tpu.transpose %get3A_196, [1, 0] : vector<512x128xf32> -> vector<128x512xf32>
    %slice3A_198 = vector.extract_strided_slice %transpose3A_197 {offsets = [0, 0], sizes = [64, 512], strides = [1, 1]} : vector<128x512xf32> to vector<64x512xf32>
    %slice3A_199 = vector.extract_strided_slice %transpose3A_197 {offsets = [64, 0], sizes = [64, 512], strides = [1, 1]} : vector<128x512xf32> to vector<64x512xf32>
    %concatenate3A_200 = tpu.concatenate %slice3A_198, %slice3A_199 in 1 : vector<64x512xf32>, vector<64x512xf32> -> vector<64x1024xf32>
    %max3A_201 = arith.constant 0.000000e+00 : f32
    %max3A_202 = vector.broadcast %max3A_201 : f32 to vector<64x1024xf32>
    %max3A_203 = arith.maximumf %concatenate3A_200, %max3A_202 : vector<64x1024xf32>
    %swap3A_204 = arith.constant 3 : index
    %swap3A_205 = arith.constant 128 : index
    %swap3A_206 = arith.constant 0 : index
    %swap3A_207 = vector.load %arg2[%swap3A_204, %swap3A_205, %swap3A_206] : memref<8x192x1024xf32, #tpu.memory_space<vmem>>, vector<1x64x1024xf32>
    %swap3A_208 = vector.shape_cast %swap3A_207 : vector<1x64x1024xf32> to vector<64x1024xf32>
    %swap3A_209 = vector.shape_cast %max3A_203 : vector<64x1024xf32> to vector<1x64x1024xf32>
    tpu.vector_store %arg2[%swap3A_204, %swap3A_205, %swap3A_206], %swap3A_209 {strides = array<i32>} : memref<8x192x1024xf32, #tpu.memory_space<vmem>>, vector<1x64x1024xf32>,
    %get3A_210 = arith.constant 4 : index
    %get3A_211 = arith.constant 0 : index
    %get3A_212 = arith.constant 0 : index
    %get3A_213 = vector.load %arg1[%get3A_210, %get3A_211, %get3A_212] : memref<8x1536x128xf32, #tpu.memory_space<vmem>>, vector<1x512x128xf32>
    %get3A_214 = vector.shape_cast %get3A_213 : vector<1x512x128xf32> to vector<512x128xf32>
    %transpose3A_215 = tpu.transpose %get3A_214, [1, 0] : vector<512x128xf32> -> vector<128x512xf32>
    %slice3A_216 = vector.extract_strided_slice %transpose3A_215 {offsets = [0, 0], sizes = [64, 512], strides = [1, 1]} : vector<128x512xf32> to vector<64x512xf32>
    %slice3A_217 = vector.extract_strided_slice %transpose3A_215 {offsets = [64, 0], sizes = [64, 512], strides = [1, 1]} : vector<128x512xf32> to vector<64x512xf32>
    %concatenate3A_218 = tpu.concatenate %slice3A_216, %slice3A_217 in 1 : vector<64x512xf32>, vector<64x512xf32> -> vector<64x1024xf32>
    %max3A_219 = arith.constant 0.000000e+00 : f32
    %max3A_220 = vector.broadcast %max3A_219 : f32 to vector<64x1024xf32>
    %max3A_221 = arith.maximumf %concatenate3A_218, %max3A_220 : vector<64x1024xf32>
    %swap3A_222 = arith.constant 4 : index
    %swap3A_223 = arith.constant 0 : index
    %swap3A_224 = arith.constant 0 : index
    %swap3A_225 = vector.load %arg2[%swap3A_222, %swap3A_223, %swap3A_224] : memref<8x192x1024xf32, #tpu.memory_space<vmem>>, vector<1x64x1024xf32>
    %swap3A_226 = vector.shape_cast %swap3A_225 : vector<1x64x1024xf32> to vector<64x1024xf32>
    %swap3A_227 = vector.shape_cast %max3A_221 : vector<64x1024xf32> to vector<1x64x1024xf32>
    tpu.vector_store %arg2[%swap3A_222, %swap3A_223, %swap3A_224], %swap3A_227 {strides = array<i32>} : memref<8x192x1024xf32, #tpu.memory_space<vmem>>, vector<1x64x1024xf32>,
    %get3A_228 = arith.constant 4 : index
    %get3A_229 = arith.constant 512 : index
    %get3A_230 = arith.constant 0 : index
    %get3A_231 = vector.load %arg1[%get3A_228, %get3A_229, %get3A_230] : memref<8x1536x128xf32, #tpu.memory_space<vmem>>, vector<1x512x128xf32>
    %get3A_232 = vector.shape_cast %get3A_231 : vector<1x512x128xf32> to vector<512x128xf32>
    %transpose3A_233 = tpu.transpose %get3A_232, [1, 0] : vector<512x128xf32> -> vector<128x512xf32>
    %slice3A_234 = vector.extract_strided_slice %transpose3A_233 {offsets = [0, 0], sizes = [64, 512], strides = [1, 1]} : vector<128x512xf32> to vector<64x512xf32>
    %slice3A_235 = vector.extract_strided_slice %transpose3A_233 {offsets = [64, 0], sizes = [64, 512], strides = [1, 1]} : vector<128x512xf32> to vector<64x512xf32>
    %concatenate3A_236 = tpu.concatenate %slice3A_234, %slice3A_235 in 1 : vector<64x512xf32>, vector<64x512xf32> -> vector<64x1024xf32>
    %max3A_237 = arith.constant 0.000000e+00 : f32
    %max3A_238 = vector.broadcast %max3A_237 : f32 to vector<64x1024xf32>
    %max3A_239 = arith.maximumf %concatenate3A_236, %max3A_238 : vector<64x1024xf32>
    %swap3A_240 = arith.constant 4 : index
    %swap3A_241 = arith.constant 64 : index
    %swap3A_242 = arith.constant 0 : index
    %swap3A_243 = vector.load %arg2[%swap3A_240, %swap3A_241, %swap3A_242] : memref<8x192x1024xf32, #tpu.memory_space<vmem>>, vector<1x64x1024xf32>
    %swap3A_244 = vector.shape_cast %swap3A_243 : vector<1x64x1024xf32> to vector<64x1024xf32>
    %swap3A_245 = vector.shape_cast %max3A_239 : vector<64x1024xf32> to vector<1x64x1024xf32>
    tpu.vector_store %arg2[%swap3A_240, %swap3A_241, %swap3A_242], %swap3A_245 {strides = array<i32>} : memref<8x192x1024xf32, #tpu.memory_space<vmem>>, vector<1x64x1024xf32>,
    %get3A_246 = arith.constant 4 : index
    %get3A_247 = arith.constant 1024 : index
    %get3A_248 = arith.constant 0 : index
    %get3A_249 = vector.load %arg1[%get3A_246, %get3A_247, %get3A_248] : memref<8x1536x128xf32, #tpu.memory_space<vmem>>, vector<1x512x128xf32>
    %get3A_250 = vector.shape_cast %get3A_249 : vector<1x512x128xf32> to vector<512x128xf32>
    %transpose3A_251 = tpu.transpose %get3A_250, [1, 0] : vector<512x128xf32> -> vector<128x512xf32>
    %slice3A_252 = vector.extract_strided_slice %transpose3A_251 {offsets = [0, 0], sizes = [64, 512], strides = [1, 1]} : vector<128x512xf32> to vector<64x512xf32>
    %slice3A_253 = vector.extract_strided_slice %transpose3A_251 {offsets = [64, 0], sizes = [64, 512], strides = [1, 1]} : vector<128x512xf32> to vector<64x512xf32>
    %concatenate3A_254 = tpu.concatenate %slice3A_252, %slice3A_253 in 1 : vector<64x512xf32>, vector<64x512xf32> -> vector<64x1024xf32>
    %max3A_255 = arith.constant 0.000000e+00 : f32
    %max3A_256 = vector.broadcast %max3A_255 : f32 to vector<64x1024xf32>
    %max3A_257 = arith.maximumf %concatenate3A_254, %max3A_256 : vector<64x1024xf32>
    %swap3A_258 = arith.constant 4 : index
    %swap3A_259 = arith.constant 128 : index
    %swap3A_260 = arith.constant 0 : index
    %swap3A_261 = vector.load %arg2[%swap3A_258, %swap3A_259, %swap3A_260] : memref<8x192x1024xf32, #tpu.memory_space<vmem>>, vector<1x64x1024xf32>
    %swap3A_262 = vector.shape_cast %swap3A_261 : vector<1x64x1024xf32> to vector<64x1024xf32>
    %swap3A_263 = vector.shape_cast %max3A_257 : vector<64x1024xf32> to vector<1x64x1024xf32>
    tpu.vector_store %arg2[%swap3A_258, %swap3A_259, %swap3A_260], %swap3A_263 {strides = array<i32>} : memref<8x192x1024xf32, #tpu.memory_space<vmem>>, vector<1x64x1024xf32>,
    %get3A_264 = arith.constant 5 : index
    %get3A_265 = arith.constant 0 : index
    %get3A_266 = arith.constant 0 : index
    %get3A_267 = vector.load %arg1[%get3A_264, %get3A_265, %get3A_266] : memref<8x1536x128xf32, #tpu.memory_space<vmem>>, vector<1x512x128xf32>
    %get3A_268 = vector.shape_cast %get3A_267 : vector<1x512x128xf32> to vector<512x128xf32>
    %transpose3A_269 = tpu.transpose %get3A_268, [1, 0] : vector<512x128xf32> -> vector<128x512xf32>
    %slice3A_270 = vector.extract_strided_slice %transpose3A_269 {offsets = [0, 0], sizes = [64, 512], strides = [1, 1]} : vector<128x512xf32> to vector<64x512xf32>
    %slice3A_271 = vector.extract_strided_slice %transpose3A_269 {offsets = [64, 0], sizes = [64, 512], strides = [1, 1]} : vector<128x512xf32> to vector<64x512xf32>
    %concatenate3A_272 = tpu.concatenate %slice3A_270, %slice3A_271 in 1 : vector<64x512xf32>, vector<64x512xf32> -> vector<64x1024xf32>
    %max3A_273 = arith.constant 0.000000e+00 : f32
    %max3A_274 = vector.broadcast %max3A_273 : f32 to vector<64x1024xf32>
    %max3A_275 = arith.maximumf %concatenate3A_272, %max3A_274 : vector<64x1024xf32>
    %swap3A_276 = arith.constant 5 : index
    %swap3A_277 = arith.constant 0 : index
    %swap3A_278 = arith.constant 0 : index
    %swap3A_279 = vector.load %arg2[%swap3A_276, %swap3A_277, %swap3A_278] : memref<8x192x1024xf32, #tpu.memory_space<vmem>>, vector<1x64x1024xf32>
    %swap3A_280 = vector.shape_cast %swap3A_279 : vector<1x64x1024xf32> to vector<64x1024xf32>
    %swap3A_281 = vector.shape_cast %max3A_275 : vector<64x1024xf32> to vector<1x64x1024xf32>
    tpu.vector_store %arg2[%swap3A_276, %swap3A_277, %swap3A_278], %swap3A_281 {strides = array<i32>} : memref<8x192x1024xf32, #tpu.memory_space<vmem>>, vector<1x64x1024xf32>,
    %get3A_282 = arith.constant 5 : index
    %get3A_283 = arith.constant 512 : index
    %get3A_284 = arith.constant 0 : index
    %get3A_285 = vector.load %arg1[%get3A_282, %get3A_283, %get3A_284] : memref<8x1536x128xf32, #tpu.memory_space<vmem>>, vector<1x512x128xf32>
    %get3A_286 = vector.shape_cast %get3A_285 : vector<1x512x128xf32> to vector<512x128xf32>
    %transpose3A_287 = tpu.transpose %get3A_286, [1, 0] : vector<512x128xf32> -> vector<128x512xf32>
    %slice3A_288 = vector.extract_strided_slice %transpose3A_287 {offsets = [0, 0], sizes = [64, 512], strides = [1, 1]} : vector<128x512xf32> to vector<64x512xf32>
    %slice3A_289 = vector.extract_strided_slice %transpose3A_287 {offsets = [64, 0], sizes = [64, 512], strides = [1, 1]} : vector<128x512xf32> to vector<64x512xf32>
    %concatenate3A_290 = tpu.concatenate %slice3A_288, %slice3A_289 in 1 : vector<64x512xf32>, vector<64x512xf32> -> vector<64x1024xf32>
    %max3A_291 = arith.constant 0.000000e+00 : f32
    %max3A_292 = vector.broadcast %max3A_291 : f32 to vector<64x1024xf32>
    %max3A_293 = arith.maximumf %concatenate3A_290, %max3A_292 : vector<64x1024xf32>
    %swap3A_294 = arith.constant 5 : index
    %swap3A_295 = arith.constant 64 : index
    %swap3A_296 = arith.constant 0 : index
    %swap3A_297 = vector.load %arg2[%swap3A_294, %swap3A_295, %swap3A_296] : memref<8x192x1024xf32, #tpu.memory_space<vmem>>, vector<1x64x1024xf32>
    %swap3A_298 = vector.shape_cast %swap3A_297 : vector<1x64x1024xf32> to vector<64x1024xf32>
    %swap3A_299 = vector.shape_cast %max3A_293 : vector<64x1024xf32> to vector<1x64x1024xf32>
    tpu.vector_store %arg2[%swap3A_294, %swap3A_295, %swap3A_296], %swap3A_299 {strides = array<i32>} : memref<8x192x1024xf32, #tpu.memory_space<vmem>>, vector<1x64x1024xf32>,
    %get3A_300 = arith.constant 5 : index
    %get3A_301 = arith.constant 1024 : index
    %get3A_302 = arith.constant 0 : index
    %get3A_303 = vector.load %arg1[%get3A_300, %get3A_301, %get3A_302] : memref<8x1536x128xf32, #tpu.memory_space<vmem>>, vector<1x512x128xf32>
    %get3A_304 = vector.shape_cast %get3A_303 : vector<1x512x128xf32> to vector<512x128xf32>
    %transpose3A_305 = tpu.transpose %get3A_304, [1, 0] : vector<512x128xf32> -> vector<128x512xf32>
    %slice3A_306 = vector.extract_strided_slice %transpose3A_305 {offsets = [0, 0], sizes = [64, 512], strides = [1, 1]} : vector<128x512xf32> to vector<64x512xf32>
    %slice3A_307 = vector.extract_strided_slice %transpose3A_305 {offsets = [64, 0], sizes = [64, 512], strides = [1, 1]} : vector<128x512xf32> to vector<64x512xf32>
    %concatenate3A_308 = tpu.concatenate %slice3A_306, %slice3A_307 in 1 : vector<64x512xf32>, vector<64x512xf32> -> vector<64x1024xf32>
    %max3A_309 = arith.constant 0.000000e+00 : f32
    %max3A_310 = vector.broadcast %max3A_309 : f32 to vector<64x1024xf32>
    %max3A_311 = arith.maximumf %concatenate3A_308, %max3A_310 : vector<64x1024xf32>
    %swap3A_312 = arith.constant 5 : index
    %swap3A_313 = arith.constant 128 : index
    %swap3A_314 = arith.constant 0 : index
    %swap3A_315 = vector.load %arg2[%swap3A_312, %swap3A_313, %swap3A_314] : memref<8x192x1024xf32, #tpu.memory_space<vmem>>, vector<1x64x1024xf32>
    %swap3A_316 = vector.shape_cast %swap3A_315 : vector<1x64x1024xf32> to vector<64x1024xf32>
    %swap3A_317 = vector.shape_cast %max3A_311 : vector<64x1024xf32> to vector<1x64x1024xf32>
    tpu.vector_store %arg2[%swap3A_312, %swap3A_313, %swap3A_314], %swap3A_317 {strides = array<i32>} : memref<8x192x1024xf32, #tpu.memory_space<vmem>>, vector<1x64x1024xf32>,
    %get3A_318 = arith.constant 6 : index
    %get3A_319 = arith.constant 0 : index
    %get3A_320 = arith.constant 0 : index
    %get3A_321 = vector.load %arg1[%get3A_318, %get3A_319, %get3A_320] : memref<8x1536x128xf32, #tpu.memory_space<vmem>>, vector<1x512x128xf32>
    %get3A_322 = vector.shape_cast %get3A_321 : vector<1x512x128xf32> to vector<512x128xf32>
    %transpose3A_323 = tpu.transpose %get3A_322, [1, 0] : vector<512x128xf32> -> vector<128x512xf32>
    %slice3A_324 = vector.extract_strided_slice %transpose3A_323 {offsets = [0, 0], sizes = [64, 512], strides = [1, 1]} : vector<128x512xf32> to vector<64x512xf32>
    %slice3A_325 = vector.extract_strided_slice %transpose3A_323 {offsets = [64, 0], sizes = [64, 512], strides = [1, 1]} : vector<128x512xf32> to vector<64x512xf32>
    %concatenate3A_326 = tpu.concatenate %slice3A_324, %slice3A_325 in 1 : vector<64x512xf32>, vector<64x512xf32> -> vector<64x1024xf32>
    %max3A_327 = arith.constant 0.000000e+00 : f32
    %max3A_328 = vector.broadcast %max3A_327 : f32 to vector<64x1024xf32>
    %max3A_329 = arith.maximumf %concatenate3A_326, %max3A_328 : vector<64x1024xf32>
    %swap3A_330 = arith.constant 6 : index
    %swap3A_331 = arith.constant 0 : index
    %swap3A_332 = arith.constant 0 : index
    %swap3A_333 = vector.load %arg2[%swap3A_330, %swap3A_331, %swap3A_332] : memref<8x192x1024xf32, #tpu.memory_space<vmem>>, vector<1x64x1024xf32>
    %swap3A_334 = vector.shape_cast %swap3A_333 : vector<1x64x1024xf32> to vector<64x1024xf32>
    %swap3A_335 = vector.shape_cast %max3A_329 : vector<64x1024xf32> to vector<1x64x1024xf32>
    tpu.vector_store %arg2[%swap3A_330, %swap3A_331, %swap3A_332], %swap3A_335 {strides = array<i32>} : memref<8x192x1024xf32, #tpu.memory_space<vmem>>, vector<1x64x1024xf32>,
    %get3A_336 = arith.constant 6 : index
    %get3A_337 = arith.constant 512 : index
    %get3A_338 = arith.constant 0 : index
    %get3A_339 = vector.load %arg1[%get3A_336, %get3A_337, %get3A_338] : memref<8x1536x128xf32, #tpu.memory_space<vmem>>, vector<1x512x128xf32>
    %get3A_340 = vector.shape_cast %get3A_339 : vector<1x512x128xf32> to vector<512x128xf32>
    %transpose3A_341 = tpu.transpose %get3A_340, [1, 0] : vector<512x128xf32> -> vector<128x512xf32>
    %slice3A_342 = vector.extract_strided_slice %transpose3A_341 {offsets = [0, 0], sizes = [64, 512], strides = [1, 1]} : vector<128x512xf32> to vector<64x512xf32>
    %slice3A_343 = vector.extract_strided_slice %transpose3A_341 {offsets = [64, 0], sizes = [64, 512], strides = [1, 1]} : vector<128x512xf32> to vector<64x512xf32>
    %concatenate3A_344 = tpu.concatenate %slice3A_342, %slice3A_343 in 1 : vector<64x512xf32>, vector<64x512xf32> -> vector<64x1024xf32>
    %max3A_345 = arith.constant 0.000000e+00 : f32
    %max3A_346 = vector.broadcast %max3A_345 : f32 to vector<64x1024xf32>
    %max3A_347 = arith.maximumf %concatenate3A_344, %max3A_346 : vector<64x1024xf32>
    %swap3A_348 = arith.constant 6 : index
    %swap3A_349 = arith.constant 64 : index
    %swap3A_350 = arith.constant 0 : index
    %swap3A_351 = vector.load %arg2[%swap3A_348, %swap3A_349, %swap3A_350] : memref<8x192x1024xf32, #tpu.memory_space<vmem>>, vector<1x64x1024xf32>
    %swap3A_352 = vector.shape_cast %swap3A_351 : vector<1x64x1024xf32> to vector<64x1024xf32>
    %swap3A_353 = vector.shape_cast %max3A_347 : vector<64x1024xf32> to vector<1x64x1024xf32>
    tpu.vector_store %arg2[%swap3A_348, %swap3A_349, %swap3A_350], %swap3A_353 {strides = array<i32>} : memref<8x192x1024xf32, #tpu.memory_space<vmem>>, vector<1x64x1024xf32>,
    %get3A_354 = arith.constant 6 : index
    %get3A_355 = arith.constant 1024 : index
    %get3A_356 = arith.constant 0 : index
    %get3A_357 = vector.load %arg1[%get3A_354, %get3A_355, %get3A_356] : memref<8x1536x128xf32, #tpu.memory_space<vmem>>, vector<1x512x128xf32>
    %get3A_358 = vector.shape_cast %get3A_357 : vector<1x512x128xf32> to vector<512x128xf32>
    %transpose3A_359 = tpu.transpose %get3A_358, [1, 0] : vector<512x128xf32> -> vector<128x512xf32>
    %slice3A_360 = vector.extract_strided_slice %transpose3A_359 {offsets = [0, 0], sizes = [64, 512], strides = [1, 1]} : vector<128x512xf32> to vector<64x512xf32>
    %slice3A_361 = vector.extract_strided_slice %transpose3A_359 {offsets = [64, 0], sizes = [64, 512], strides = [1, 1]} : vector<128x512xf32> to vector<64x512xf32>
    %concatenate3A_362 = tpu.concatenate %slice3A_360, %slice3A_361 in 1 : vector<64x512xf32>, vector<64x512xf32> -> vector<64x1024xf32>
    %max3A_363 = arith.constant 0.000000e+00 : f32
    %max3A_364 = vector.broadcast %max3A_363 : f32 to vector<64x1024xf32>
    %max3A_365 = arith.maximumf %concatenate3A_362, %max3A_364 : vector<64x1024xf32>
    %swap3A_366 = arith.constant 6 : index
    %swap3A_367 = arith.constant 128 : index
    %swap3A_368 = arith.constant 0 : index
    %swap3A_369 = vector.load %arg2[%swap3A_366, %swap3A_367, %swap3A_368] : memref<8x192x1024xf32, #tpu.memory_space<vmem>>, vector<1x64x1024xf32>
    %swap3A_370 = vector.shape_cast %swap3A_369 : vector<1x64x1024xf32> to vector<64x1024xf32>
    %swap3A_371 = vector.shape_cast %max3A_365 : vector<64x1024xf32> to vector<1x64x1024xf32>
    tpu.vector_store %arg2[%swap3A_366, %swap3A_367, %swap3A_368], %swap3A_371 {strides = array<i32>} : memref<8x192x1024xf32, #tpu.memory_space<vmem>>, vector<1x64x1024xf32>,
    %get3A_372 = arith.constant 7 : index
    %get3A_373 = arith.constant 0 : index
    %get3A_374 = arith.constant 0 : index
    %get3A_375 = vector.load %arg1[%get3A_372, %get3A_373, %get3A_374] : memref<8x1536x128xf32, #tpu.memory_space<vmem>>, vector<1x512x128xf32>
    %get3A_376 = vector.shape_cast %get3A_375 : vector<1x512x128xf32> to vector<512x128xf32>
    %transpose3A_377 = tpu.transpose %get3A_376, [1, 0] : vector<512x128xf32> -> vector<128x512xf32>
    %slice3A_378 = vector.extract_strided_slice %transpose3A_377 {offsets = [0, 0], sizes = [64, 512], strides = [1, 1]} : vector<128x512xf32> to vector<64x512xf32>
    %slice3A_379 = vector.extract_strided_slice %transpose3A_377 {offsets = [64, 0], sizes = [64, 512], strides = [1, 1]} : vector<128x512xf32> to vector<64x512xf32>
    %concatenate3A_380 = tpu.concatenate %slice3A_378, %slice3A_379 in 1 : vector<64x512xf32>, vector<64x512xf32> -> vector<64x1024xf32>
    %max3A_381 = arith.constant 0.000000e+00 : f32
    %max3A_382 = vector.broadcast %max3A_381 : f32 to vector<64x1024xf32>
    %max3A_383 = arith.maximumf %concatenate3A_380, %max3A_382 : vector<64x1024xf32>
    %swap3A_384 = arith.constant 7 : index
    %swap3A_385 = arith.constant 0 : index
    %swap3A_386 = arith.constant 0 : index
    %swap3A_387 = vector.load %arg2[%swap3A_384, %swap3A_385, %swap3A_386] : memref<8x192x1024xf32, #tpu.memory_space<vmem>>, vector<1x64x1024xf32>
    %swap3A_388 = vector.shape_cast %swap3A_387 : vector<1x64x1024xf32> to vector<64x1024xf32>
    %swap3A_389 = vector.shape_cast %max3A_383 : vector<64x1024xf32> to vector<1x64x1024xf32>
    tpu.vector_store %arg2[%swap3A_384, %swap3A_385, %swap3A_386], %swap3A_389 {strides = array<i32>} : memref<8x192x1024xf32, #tpu.memory_space<vmem>>, vector<1x64x1024xf32>,
    %get3A_390 = arith.constant 7 : index
    %get3A_391 = arith.constant 512 : index
    %get3A_392 = arith.constant 0 : index
    %get3A_393 = vector.load %arg1[%get3A_390, %get3A_391, %get3A_392] : memref<8x1536x128xf32, #tpu.memory_space<vmem>>, vector<1x512x128xf32>
    %get3A_394 = vector.shape_cast %get3A_393 : vector<1x512x128xf32> to vector<512x128xf32>
    %transpose3A_395 = tpu.transpose %get3A_394, [1, 0] : vector<512x128xf32> -> vector<128x512xf32>
    %slice3A_396 = vector.extract_strided_slice %transpose3A_395 {offsets = [0, 0], sizes = [64, 512], strides = [1, 1]} : vector<128x512xf32> to vector<64x512xf32>
    %slice3A_397 = vector.extract_strided_slice %transpose3A_395 {offsets = [64, 0], sizes = [64, 512], strides = [1, 1]} : vector<128x512xf32> to vector<64x512xf32>
    %concatenate3A_398 = tpu.concatenate %slice3A_396, %slice3A_397 in 1 : vector<64x512xf32>, vector<64x512xf32> -> vector<64x1024xf32>
    %max3A_399 = arith.constant 0.000000e+00 : f32
    %max3A_400 = vector.broadcast %max3A_399 : f32 to vector<64x1024xf32>
    %max3A_401 = arith.maximumf %concatenate3A_398, %max3A_400 : vector<64x1024xf32>
    %swap3A_402 = arith.constant 7 : index
    %swap3A_403 = arith.constant 64 : index
    %swap3A_404 = arith.constant 0 : index
    %swap3A_405 = vector.load %arg2[%swap3A_402, %swap3A_403, %swap3A_404] : memref<8x192x1024xf32, #tpu.memory_space<vmem>>, vector<1x64x1024xf32>
    %swap3A_406 = vector.shape_cast %swap3A_405 : vector<1x64x1024xf32> to vector<64x1024xf32>
    %swap3A_407 = vector.shape_cast %max3A_401 : vector<64x1024xf32> to vector<1x64x1024xf32>
    tpu.vector_store %arg2[%swap3A_402, %swap3A_403, %swap3A_404], %swap3A_407 {strides = array<i32>} : memref<8x192x1024xf32, #tpu.memory_space<vmem>>, vector<1x64x1024xf32>,
    %get3A_408 = arith.constant 7 : index
    %get3A_409 = arith.constant 1024 : index
    %get3A_410 = arith.constant 0 : index
    %get3A_411 = vector.load %arg1[%get3A_408, %get3A_409, %get3A_410] : memref<8x1536x128xf32, #tpu.memory_space<vmem>>, vector<1x512x128xf32>
    %get3A_412 = vector.shape_cast %get3A_411 : vector<1x512x128xf32> to vector<512x128xf32>
    %transpose3A_413 = tpu.transpose %get3A_412, [1, 0] : vector<512x128xf32> -> vector<128x512xf32>
    %slice3A_414 = vector.extract_strided_slice %transpose3A_413 {offsets = [0, 0], sizes = [64, 512], strides = [1, 1]} : vector<128x512xf32> to vector<64x512xf32>
    %slice3A_415 = vector.extract_strided_slice %transpose3A_413 {offsets = [64, 0], sizes = [64, 512], strides = [1, 1]} : vector<128x512xf32> to vector<64x512xf32>
    %concatenate3A_416 = tpu.concatenate %slice3A_414, %slice3A_415 in 1 : vector<64x512xf32>, vector<64x512xf32> -> vector<64x1024xf32>
    %max3A_417 = arith.constant 0.000000e+00 : f32
    %max3A_418 = vector.broadcast %max3A_417 : f32 to vector<64x1024xf32>
    %max3A_419 = arith.maximumf %concatenate3A_416, %max3A_418 : vector<64x1024xf32>
    %swap3A_420 = arith.constant 7 : index
    %swap3A_421 = arith.constant 128 : index
    %swap3A_422 = arith.constant 0 : index
    %swap3A_423 = vector.load %arg2[%swap3A_420, %swap3A_421, %swap3A_422] : memref<8x192x1024xf32, #tpu.memory_space<vmem>>, vector<1x64x1024xf32>
    %swap3A_424 = vector.shape_cast %swap3A_423 : vector<1x64x1024xf32> to vector<64x1024xf32>
    %swap3A_425 = vector.shape_cast %max3A_419 : vector<64x1024xf32> to vector<1x64x1024xf32>
    tpu.vector_store %arg2[%swap3A_420, %swap3A_421, %swap3A_422], %swap3A_425 {strides = array<i32>} : memref<8x192x1024xf32, #tpu.memory_space<vmem>>, vector<1x64x1024xf32>,
    return
  }
  func.func @transform_0(%arg0: i32) -> (i32, i32, i32) {
    %c0_i32 = arith.constant 0 : i32
    %c0_i32_0 = arith.constant 0 : i32
    %c0_i32_1 = arith.constant 0 : i32
    return %arg0, %c0_i32, %c0_i32_0 : i32, i32, i32
  }
  func.func @transform_1(%arg0: i32) -> (i32, i32, i32) {
    %c0_i32 = arith.constant 0 : i32
    %c0_i32_0 = arith.constant 0 : i32
    %c0_i32_1 = arith.constant 0 : i32
    return %arg0, %c0_i32, %c0_i32_0 : i32, i32, i32
  }
}

</mosaic_0001>

<sc_bundles>
// kernel: kernel.4.cloned.1.call-start
scs
__scs_entry_jumppad:
0x0: {  	(pc) =	sbr.rel $0x88, $3  }
0x1: {  	(tag) =	ssettag $0x0;
	lr =	simm.s32 $0x1  }
0x2: {  	[smem:$0x3F9F] =	sst lr;
	_ =	strace $0xD0000000  }
0x3: {  	_ = 	snop  }
0x4: {  	_ = 	snop  }
0x5: {  	_ = 	snop  }
0x6: {  	_ = 	snop  }
0x7: {  	_ = 	snop  }
__scs_overlays_trampoline_lowered:
0x8: {  	[smem:$0x3FAE] =	sst s0  }
0x9: {  	[smem:$0x3FAF] =	sst s1  }
0xa: {  	[smem:$0x3FB0] =	sst s2  }
0xb: {  	[smem:$0x3FB1] =	sst s3  }
0xc: {  	[smem:$0x3FB2] =	sst s4  }
0xd: {  	[smem:$0x3FB3] =	sst s5  }
0xe: {  	[smem:$0x3FB4] =	sst s6  }
0xf: {  	[smem:$0x3FB5] =	sst s7  }
0x10: {  	[smem:$0x3FB6] =	sst s8  }
0x11: {  	[smem:$0x3FB7] =	sst s9;
	s0 =	simm.s32 @!p0 $0x0  }
0x12: {  	s1 =	sld [smem:$0x3F9D];
	s0 =	simm.s32 @p0 $0x1  }
0x13: {  	[smem:$0x3FB8] =	sst s0;
	s0 =	simm.s32 @!p1 $0x0  }
0x14: {  	s2 =	sld [smem:$0x3F9C];
	s0 =	simm.s32 @p1 $0x1  }
0x15: {  	[smem:$0x3FB9] =	sst s0;
	s0 =	simm.s32 @!p2 $0x0  }
0x16: {  	s3 =	sld [smem:$0x3FDB];
	s0 =	simm.s32 @p2 $0x1  }
0x17: {  	s4 =	simm.s32 $0x1BF5;
	[smem:$0x3FBB] =	sst s0  }
0x18: {  	s0 =	sld [smem:$0x3F9E];
	_ =	swait.ge [sflag:s4], $0x0  }
0x19: {  	s7 =	sld [smem:$0x3F9F]  }
0x1a: {  	s8 =	sadd.s32 $0xFFFFE003, lr  }
0x1b: {  	s9 =	sadd.s32 $0xFFFFFEF7, lr;
	s5 =	simm.s32 $0xFFFFFFFF;
	p2 =	slt.u32 s8, $0xFFFFF086  }
0x1c: {  	p1 =	slt.u32 s9, $0xF7A;
	s5 =	simm.s32 @!p2 $0x0  }
0x1d: {  	s5 =	simm.s32 @p1 $0x1;
	p0 =	seq.s32 s7, s2  }
0x1e: {  	s7 =	smul.u32 @!p0 $0xF7A, s2;
	p2 =	seq.s32 @!p0 s5, $0x0  }
0x1f: {  	s9 =	smul.u32 $0xF7A, s1;
	s8 =	simm.s32 @!p0 $0x1BF5;
	p2 =	por !p2, p0  }
0x20: {  	[sflag:s8] =	ssyncset.s32 @!p0 $0xFFFFF086;
	s6 =	sadd.s32 @!p0 s3, s7;
	s7 =	simm.s32 @!p0 $0x108  }
0x21: {  	s3 =	sadd.s32 s3, s9;
	s6 =	sadd.s32 @!p0 $0x88, s6;
	s7 =	simm.s32 @p2 $0x1082  }
0x22: {  	[simem:s7], [sflag:s8] =	dma.local @!p0 [hbm:s6], $0xF7A  }
0x23: {  	s9 =	sor.u32 $0xD0000000, s2;
	s6 =	simm.s32 $0x108;
	_ =	swait.ge @!p0 [sflag:s8], $0x0  }
0x24: {  	s3 =	sadd.s32 $0x88, s3;
	s6 =	simm.s32 @!p1 $0x1082;
	[sflag:s4] =	ssyncset.s32 $0xFFFFF086  }
0x25: {  	[simem:s6], [sflag:s4] =	dma.local [hbm:s3], $0xF7A  }
0x26: {  	[smem:$0x3F9F] =	sst s1;
	(tag) =	ssettag s2;
	_ =	strace s9  }
0x27: {  	s1 =	sld [smem:$0x3FAF]  }
0x28: {  	s2 =	sld [smem:$0x3FB0]  }
0x29: {  	s4 =	sld [smem:$0x3FB2]  }
0x2a: {  	p0 =	seq.s32 s5, $0x0;
	s5 =	sld [smem:$0x3FB3]  }
0x2b: {  	s6 =	sld [smem:$0x3FB4]  }
0x2c: {  	s7 =	sld [smem:$0x3FB5]  }
0x2d: {  	s3 =	simm.s32 $0x108;
	s8 =	sld [smem:$0x3FB6]  }
0x2e: {  	s3 =	simm.s32 @!p0 $0x1082;
	s9 =	sld [smem:$0x3FB7]  }
0x2f: {  	lr =	sadd.s32 s0, s3;
	s0 =	sld [smem:$0x3FAE]  }
0x30: {  	s3 =	sld [smem:$0x3FB1]  }
0x31: {  	[smem:$0x3FBA] =	sst s10  }
0x32: {  	s10 =	sld [smem:$0x3FB8];
	_ =	sdelay $0x3  }
0x33: {  	p0 =	seq.s32 s10, $0x1;
	s10 =	sld [smem:$0x3FBA];
	_ =	sdelay $0x3  }
0x34: {  	[smem:$0x3FBA] =	sst s10  }
0x35: {  	s10 =	sld [smem:$0x3FB9];
	_ =	sdelay $0x3  }
0x36: {  	p1 =	seq.s32 s10, $0x1;
	s10 =	sld [smem:$0x3FBA];
	_ =	sdelay $0x3  }
0x37: {  	[smem:$0x3FBA] =	sst s10  }
0x38: {  	s10 =	sld [smem:$0x3FBB]  }
0x39: {  	_ = 	snop;
	(pc) =	sbr.ind lr, $3  }
0x3a: {  	_ = 	snop  }
0x3b: {  	_ = 	snop  }
0x3c: {  	p2 =	seq.s32 s10, $0x1;
	s10 =	sld [smem:$0x3FBA]  }
0x3d: {  	_ =	shalt  }
0x3e: {  	_ =	shalt  }
0x3f: {  	_ =	shalt  }
0x40: {  	_ =	shalt  }
0x41: {  	_ =	shalt  }
0x42: {  	_ =	shalt  }
0x43: {  	_ =	shalt  }
0x44: {  	_ =	shalt  }
0x45: {  	_ =	shalt  }
0x46: {  	_ =	shalt  }
0x47: {  	_ =	shalt  }
0x48: {  	_ =	shalt  }
0x49: {  	_ =	shalt  }
0x4a: {  	_ =	shalt  }
0x4b: {  	_ =	shalt  }
0x4c: {  	_ =	shalt  }
0x4d: {  	_ =	shalt  }
0x4e: {  	_ =	shalt  }
0x4f: {  	_ =	shalt  }
0x50: {  	_ =	shalt  }
0x51: {  	_ =	shalt  }
0x52: {  	_ =	shalt  }
0x53: {  	_ =	shalt  }
0x54: {  	_ =	shalt  }
0x55: {  	_ =	shalt  }
0x56: {  	_ =	shalt  }
0x57: {  	_ =	shalt  }
0x58: {  	_ =	shalt  }
0x59: {  	_ =	shalt  }
0x5a: {  	_ =	shalt  }
0x5b: {  	_ =	shalt  }
0x5c: {  	_ =	shalt  }
0x5d: {  	_ =	shalt  }
0x5e: {  	_ =	shalt  }
0x5f: {  	_ =	shalt  }
0x60: {  	_ =	shalt  }
0x61: {  	_ =	shalt  }
0x62: {  	_ =	shalt  }
0x63: {  	_ =	shalt  }
0x64: {  	_ =	shalt  }
0x65: {  	_ =	shalt  }
0x66: {  	_ =	shalt  }
0x67: {  	_ =	shalt  }
0x68: {  	_ =	shalt  }
0x69: {  	_ =	shalt  }
0x6a: {  	_ =	shalt  }
0x6b: {  	_ =	shalt  }
0x6c: {  	_ =	shalt  }
0x6d: {  	_ =	shalt  }
0x6e: {  	_ =	shalt  }
0x6f: {  	_ =	shalt  }
0x70: {  	_ =	shalt  }
0x71: {  	_ =	shalt  }
0x72: {  	_ =	shalt  }
0x73: {  	_ =	shalt  }
0x74: {  	_ =	shalt  }
0x75: {  	_ =	shalt  }
0x76: {  	_ =	shalt  }
0x77: {  	_ =	shalt  }
0x78: {  	_ =	shalt  }
0x79: {  	_ =	shalt  }
0x7a: {  	_ =	shalt  }
0x7b: {  	_ =	shalt  }
0x7c: {  	_ =	shalt  }
0x7d: {  	_ =	shalt  }
0x7e: {  	_ =	shalt  }
0x7f: {  	_ =	shalt  }
0x80: {  	_ =	shalt  }
0x81: {  	_ =	shalt  }
0x82: {  	_ =	shalt  }
0x83: {  	_ =	shalt  }
0x84: {  	_ =	shalt  }
0x85: {  	_ =	shalt  }
0x86: {  	_ =	shalt  }
0x87: {  	_ =	shalt  }
.Lfunc_end0:
.L_simem_size_0:
called_computation_lowered:
.L_overlay_start_0:
0x88: {  	s2 =	sld [smem:$0x3FD9]  }
0x89: {  	s3 =	sld [smem:$0x3FFE];
	_ =	sdelay $0x1  }
0x8a: {  	s1 =	srdreg.scid  }
0x8b: {  	s0 =	sand.u32 $0x1, s1  }
0x8c: {  	s16 =	sshll.u32 s0, $0xA;
	s2 =	sadd.s32 s3, s2  }
0x8d: {  	s2 =	sadd.s32 s2, s16  }
0x8e: {  	[smem:$0x3FC6] =	sst s2  }
0x8f: {  	_ = 	snop  }
0x90: {  	(tm) =	ssettm $0x1  }
0x91: {  	s17 =	sld [smem:$0x3FFB];
	_ =	sdelay $0x3  }
0x92: {  	_ =	strace s17  }
0x93: {  	s2 =	sld [smem:$0x3FFC];
	_ =	sdelay $0x3  }
0x94: {  	_ =	strace s2  }
0x95: {  	s2 =	sld [smem:$0x3FFD];
	_ =	sdelay $0x3  }
0x96: {  	_ =	strace s2  }
0x97: {  	_ =	strace $0x8FFFFFFF  }
0x98: {  	s18 =	sld [smem:$0x3FDB];
	_ =	sdelay $0x1  }
0x99: {  	s19 =	simm.s32 $_scs_section_size  }
0x9a: {  	s4 =	simm.s32 $_size__tile_overlayer_lowered;
	s5 =	simm.s32 $_tile_overlayer_lowered  }
0x9b: {  	s22 =	simm.s32 $0x1BFF;
	s21 =	sshll.u32 s5, $0x1;
	s2 =	sadd.s32 s19, s18  }
0x9c: {  	s6 =	simm.s32 $0x0;
	s20 =	sshll.u32 s4, $0x1;
	s4 =	sadd.s32 s21, s2  }
0x9d: {  	[timem:s6], [sflag:s22] =	dma.local [hbm:s4], s20  }
0x9e: {  	_ =	swait.ge [sflag:s22], s20  }
0x9f: {  	s3 =	ssub.s32 $0x0, s20;
	[sflag:s22] =	ssyncset.done $0x0  }
0xa0: {  	[sflag:s22] =	ssyncadd.s32 s3;
	_ =	sdelay $0x1  }
0xa1: {  	s23 =	simm.s32 $0x1B8B  }
0xa2: {  	_ =	swait.ge [sflag:s23], $0x1  }
0xa3: {  	[sflag:s23] =	ssyncset.done $0x0  }
0xa4: {  	s25 =	simm.s32 $0x1B8E;
	s24 =	sld [smem:$0x3FFE];
	[sflag:s23] =	ssyncadd.s32 $0xFFFFFFFF  }
0xa5: {  	s26 =	simm.s32 $execute0_lowered;
	[smem:$0x3FD2] =	sst s25  }
0xa6: {  	s4 =	sshll.u32 s26, $0x1;
	_ =	strace $0x80000046;
	[dreg:$0x1] =	wrdreg $0xFFFFFFFF  }
0xa7: {  	s28 =	simm.s32 $_size_execute0_lowered;
	s2 =	sadd.s32 s2, s4;
	[dreg:$0x0] =	wrdreg $0x0  }
0xa8: {  	s4 =	sshll.u32 s28, $0x1;
	[dreg:$0x2] =	wrdreg s2  }
0xa9: {  	[dreg:$0x3] =	wrdreg s4  }
0xaa: {  	[dreg:$0x4] =	wrdreg $0xC0  }
0xab: {  	_ =	task [dreg:s6], $0x5FFFF  }
0xac: {  	[dreg:$0x1] =	wrdreg $0xFFFFFFFF  }
0xad: {  	[dreg:$0x0] =	wrdreg $0x60  }
0xae: {  	[dreg:$0x2] =	wrdreg s24  }
0xaf: {  	[dreg:$0x3] =	wrdreg $0x9  }
0xb0: {  	_ =	task.clear_ibuf [dreg:s6], $0x4FFFF;
	_ =	strace $0x90000046  }
0xb1: {  	s29 =	simm.s32 $0x9;
	_ =	strace $0x80000048  }
0xb2: {  	_ =	swait.ge [sflag:s29], $0x1  }
0xb3: {  	[sflag:s29] =	ssyncadd.s32 $0xFFFFFFFF  }
0xb4: {  	_ =	strace $0x90000048  }
0xb5: {  	_ =	sfence  }
0xb6: {  	s30 =	sld [smem:$0x0];
	_ =	sdelay $0x2  }
0xb7: {  	s31 =	sshll.u32 s1, $0xD;
	s1 =	sshrl.u32 s1, $0x2  }
0xb8: {  	s3 =	sand.u32 $0x4000, s31;
	s1 =	sadd.s32 s1, s30  }
0xb9: {  	s0 =	sor.u32 s3, s0;
	s1 =	sshll.u32 s1, $0x11  }
0xba: {  	s0 =	sor.u32 s1, s0  }
0xbb: {  	s0 =	sadd.s32 $0x8F2B, s0  }
0xbc: {  	[sflag:s0] =	ssyncadd.remote.s32 $0x1  }
0xbd: {  	_ =	sfence.sel $0xFFFF  }
0xbe: {  	[dreg:$0x0] =	wrdreg $0xFFFFFFFF;
	(pc) =	sbr.abs _section_cstart, $3  }
0xbf: {  	[dreg:$0x1] =	wrdreg $0xFFFFFFFF  }
0xc0: {  	_ =	task.clear_ibuf [dreg:s6], $0x2FFFF;
	_ =	strace $0x9FFFFFFF  }
0xc1: {  	(tm) =	ssettm $0x7FFFFFFF  }
tec
execute0_lowered:
.L_overlay_start_1:
0x0: {  	(tag) =	ssettag $0x1  }
0x1: {  	s0 =	srdreg.scid;
	s25 =	stileid.u32  }
0x2: {  	s1 =	sand.u32 $0x1, s0;
	s22 =	sshll.u32 s25, $0x1  }
0x3: {  	s5 =	sor.u32 s1, s22  }
0x4: {  	s4 =	rddreg [dreg:$0x0];
	s2 =	simm.s32 $0x0;
	s3 =	smul.u32 $0x96, s5  }
0x5: {  	s10 =	ssub.s32 $0x2, s1;
	s9 =	sshll.u32 s1, $0x9;
	s11 =	smul.u32 $0x300, s5  }
0x6: {  	s12 =	sshrl.u32 s10, $0x1;
	s6 =	sshrl.u32 s3, $0x3;
	s14 =	sadd.s32 $0x2, s3  }
0x7: {  	s24 =	sshrl.u32 s11, $0x9;
	s29 =	sand.u32 $0x200, s11;
	s18 =	sadd.s32 $0x3, s3  }
0x8: {  	s11 =	sshll.u32 s11, $0x1;
	s8 =	smul.u32 $0x148, s6;
	s16 =	sshrl.u32 s14, $0x3  }
0x9: {  	s19 =	sshrl.u32 s18, $0x3;
	s11 =	sand.u32 $0x200, s11;
	s17 =	smul.u32 $0x148, s16  }
0xa: {  	s20 =	sshrl.u32 s29, $0x9;
	s21 =	smul.u32 $0x148, s19;
	s23 =	sshrl.u32 s8, $0x10  }
0xb: {  	s0 =	ssub.s32 s10, s12;
	s11 =	sor.u32 s11, s20;
	s7 =	smul.u32 $0xFFFFFF38, s23  }
0xc: {  	s8 =	sadd.s32 $0x1710, s8;
	s15 =	sshll.u32 s23, $0xA;
	s17 =	sshrl.u32 s17, $0x10  }
0xd: {  	s22 =	sshrl.u32 s21, $0x10;
	s31 =	smul.u32 $0xFFFFFF38, s17;
	s7 =	sadd.s32 s6, s7  }
0xe: {  	s8 =	sshrl.u32 s8, $0x10;
	s23 =	sshll.u32 s17, $0xA;
	s13 =	smul.u32 $0xC00, s7  }
0xf: {  	s7 =	sand.u32 $0x1, s24;
	s16 =	sadd.s32 s16, s31;
	s24 =	smul.u32 $0xFFFFFF38, s22  }
0x10: {  	s17 =	sadd.s32 $0x4, s3;
	s28 =	sor.u32 s9, s7;
	s20 =	smul.u32 $0xC00, s16  }
0x11: {  	s26 =	sadd.s32 s15, s13;
	s16 =	sadd.s32 s19, s24;
	s19 =	sadd.s32 $0x5, s3  }
0x12: {  	s24 =	sshll.u32 s18, $0x8;
	s18 =	sshrl.u32 s18, $0x2;
	s13 =	sor.u32 s26, s28  }
0x13: {  	s15 =	sor.u32 s26, s11;
	s10 =	sadd.s32 s23, s20;
	s26 =	sshll.u32 s14, $0x8  }
0x14: {  	s20 =	sshrl.u32 s17, $0x3;
	s29 =	smul.u32 $0xC00, s16;
	s11 =	sshll.u32 s22, $0xA  }
0x15: {  	s23 =	sshrl.u32 s19, $0x3;
	s18 =	sand.u32 $0x1, s18;
	s28 =	smul.u32 $0x148, s20  }
0x16: {  	s12 =	sand.u32 $0x200, s26;
	s26 =	sand.u32 $0x300, s24;
	s24 =	sshrl.u32 s17, $0x2  }
0x17: {  	s17 =	sadd.s32 $0x91, s3;
	s31 =	sshrl.u32 s28, $0x10;
	s28 =	smul.u32 $0x148, s23  }
0x18: {  	s10 =	sor.u32 s12, s10;
	s12 =	sshrl.u32 s14, $0x2;
	s22 =	smul.u32 $0xFFFFFF38, s31  }
0x19: {  	s11 =	sadd.s32 s11, s29;
	s12 =	sand.u32 $0x1, s12;
	s21 =	sshrl.u32 s28, $0x10  }
0x1a: {  	s16 =	sshll.u32 s31, $0xA;
	s29 =	sadd.s32 s20, s22;
	s31 =	smul.u32 $0xFFFFFF38, s21  }
0x1b: {  	s11 =	sor.u32 s26, s11;
	s20 =	smul.u32 $0xC00, s29;
	s29 =	sshrl.u32 s17, $0x3  }
0x1c: {  	s14 =	sor.u32 s12, s10;
	s26 =	sadd.s32 s23, s31;
	s31 =	smul.u32 $0x148, s29  }
0x1d: {  	s10 =	sor.u32 s18, s11;
	s12 =	sand.u32 $0x1, s24;
	s23 =	smul.u32 $0xFFFFFF38, s8  }
0x1e: {  	s21 =	sshll.u32 s21, $0xA;
	s20 =	sadd.s32 s16, s20;
	s28 =	smul.u32 $0xC00, s26  }
0x1f: {  	s16 =	sor.u32 s12, s20;
	s24 =	sshrl.u32 s31, $0x10;
	s6 =	sadd.s32 s23, s6  }
0x20: {  	s18 =	sadd.s32 s21, s28;
	s21 =	sshll.u32 s19, $0x8;
	s22 =	smul.u32 $0xFFFFFF38, s24  }
0x21: {  	s19 =	sshrl.u32 s19, $0x2;
	s6 =	smul.u32 $0xC00, s6;
	s12 =	sand.u32 $0x300, s21  }
0x22: {  	s26 =	sand.u32 $0x1, s19;
	s19 =	sadd.s32 $0x92, s3;
	s28 =	sadd.s32 s29, s22  }
0x23: {  	s11 =	sor.u32 s12, s18;
	s20 =	sshrl.u32 s19, $0x3;
	s18 =	smul.u32 $0xC00, s28  }
0x24: {  	[smem:$0x7FF] =	sst s2;
	s8 =	sshll.u32 s8, $0xA;
	s31 =	smul.u32 $0x148, s20  }
0x25: {  	s21 =	sadd.s32 $0x93, s3;
	s6 =	sadd.s32 s8, s6;
	s29 =	sshll.u32 s24, $0xA  }
0x26: {  	s22 =	sshll.u32 s17, $0x8;
	s8 =	sadd.s32 s29, s18;
	s18 =	sshrl.u32 s31, $0x10  }
0x27: {  	s24 =	sshrl.u32 s21, $0x3;
	s11 =	sor.u32 s26, s11;
	s26 =	smul.u32 $0xFFFFFF38, s18  }
0x28: {  	s17 =	sshrl.u32 s17, $0x2;
	s6 =	sor.u32 s9, s6;
	s29 =	smul.u32 $0x148, s24  }
0x29: {  	s23 =	sand.u32 $0x300, s22;
	s22 =	smul.u32 $0x4B00, s5;
	s31 =	sadd.s32 s20, s26  }
0x2a: {  	v0 =	vlaneseq.u32;
	s17 =	sand.u32 $0x1, s17;
	s20 =	sshrl.u32 s29, $0x10;
	s5 =	smul.u32 $0xC00, s31  }
0x2b: {  	v0 =	vmul.u32 $0x2, v0;
	s28 =	sor.u32 s23, s8;
	s18 =	sshll.u32 s18, $0xA;
	s23 =	smul.u32 $0xFFFFFF38, s20  }
0x2c: {  	s12 =	sor.u32 s7, s6;
	s5 =	sadd.s32 s18, s5;
	s18 =	sadd.s32 $0x94, s3  }
0x2d: {  	v1 =	vor.u32 $0x20, v0;
	v2 =	vor.u32 s13, v0;
	s7 =	sor.u32 s17, s28;
	s28 =	sadd.s32 s24, s23;
	s23 =	sshrl.u32 s18, $0x3  }
0x2e: {  	s30 =	simm.s32 $0x480;
	_ =	strace $0x80000047;
	v4 =	vor.u32 $0x40, v0;
	[tilespmem:$0x1FD60] =	vst v2;
	v2 =	vor.u32 s13, v1;
	s31 =	smul.u32 $0x148, s23  }
0x2f: {  	v6 =	vor.u32 $0x60, v0;
	s0 =	smax.u32 s0, $0x1;
	[tilespmem:$0x1FD70] =	vst v2;
	v2 =	vor.u32 s13, v4;
	s26 =	sshll.u32 s19, $0x8;
	s19 =	sshrl.u32 s19, $0x2  }
0x30: {  	v7 =	vor.u32 $0x80, v0;
	[tilespmem:$0x1FD80] =	vst v2;
	v2 =	vor.u32 s13, v6;
	s6 =	sand.u32 $0x200, s26;
	s29 =	sand.u32 $0x1, s19;
	s19 =	sshrl.u32 s31, $0x10  }
0x31: {  	v10 =	vor.u32 $0xA0, v0;
	[tilespmem:$0x1FD90] =	vst v2;
	v2 =	vor.u32 s13, v7;
	s26 =	sshll.u32 s21, $0x8;
	s5 =	sor.u32 s6, s5;
	s31 =	smul.u32 $0xFFFFFF38, s19  }
0x32: {  	v12 =	vor.u32 $0xC0, v0;
	[tilespmem:$0x1FDA0] =	vst v2;
	v2 =	vor.u32 s13, v10;
	s17 =	smul.u32 $0xC00, s28;
	s6 =	sor.u32 s29, s5;
	s29 =	sshrl.u32 s21, $0x2  }
0x33: {  	v13 =	vor.u32 $0xE0, v0;
	[tilespmem:$0x1FDB0] =	vst v2;
	v2 =	vor.u32 s13, v12;
	s28 =	sand.u32 $0x300, s26;
	s26 =	sand.u32 $0x1, s29;
	s29 =	sadd.s32 s23, s31  }
0x34: {  	[tilespmem:$0x1FDC0] =	vst v2;
	v2 =	vor.u32 s13, v13;
	s24 =	sshll.u32 s20, $0xA;
	s20 =	smul.u32 $0xC00, s29;
	s29 =	sor.u32 $0x100, s15  }
0x35: {  	[dreg:$0x15] =	wrdreg s0;
	[tilespmem:$0x1FDD0] =	vst v2;
	s22 =	sshrl.u32 s22, $0x3;
	s8 =	sadd.s32 $0x400, s4;
	v2 =	vor.u32 s29, v0  }
0x36: {  	s0 =	simm.s32 $0x8;
	s22 =	sadd.s32 s8, s22;
	s5 =	sadd.s32 s24, s17;
	[tilespmem:$0x1FDE0] =	vst v2;
	v2 =	vor.u32 s29, v1  }
0x37: {  	[dreg:$0x8] =	wrdreg s22;
	s24 =	sadd.s32 $0x95, s3;
	s17 =	sor.u32 s28, s5;
	[tilespmem:$0x1FDF0] =	vst v2;
	v2 =	vor.u32 s29, v4  }
0x38: {  	s18 =	sshrl.u32 s18, $0x2;
	s28 =	sshrl.u32 s24, $0x3;
	s5 =	sor.u32 s26, s17;
	[tilespmem:$0x1FE00] =	vst v2;
	v2 =	vor.u32 s29, v6  }
0x39: {  	s18 =	sand.u32 $0x1, s18;
	s3 =	sadd.s32 $0x13000, s4;
	v24 =	vor.u32 s5, v0;
	v25 =	vor.u32 s5, v1;
	s31 =	smul.u32 $0x148, s28;
	[tilespmem:$0x1FE10] =	vst v2;
	v2 =	vor.u32 s29, v7  }
0x3a: {  	s4 =	sadd.s32 $0xD6600, s4;
	s19 =	sshll.u32 s19, $0xA;
	s26 =	sadd.s32 $0x10, s22;
	v26 =	vor.u32 s5, v4;
	v27 =	vor.u32 s5, v6;
	[tilespmem:$0x1FE20] =	vst v2;
	v2 =	vor.u32 s29, v10  }
0x3b: {  	[dreg:$0x9] =	wrdreg s26;
	v28 =	vor.u32 s5, v7;
	v29 =	vor.u32 s5, v10;
	s21 =	sshrl.u32 s31, $0x10;
	s31 =	smul.u32 $0x4B00, s1;
	[tilespmem:$0x1FE30] =	vst v2;
	v2 =	vor.u32 s29, v12  }
0x3c: {  	s26 =	sshll.u32 s24, $0x8;
	v30 =	vor.u32 s5, v12;
	v31 =	vor.u32 s5, v13;
	s5 =	simm.s32 $0xA;
	s23 =	smul.u32 $0xFFFFFF38, s21;
	[tilespmem:$0x1FE40] =	vst v2;
	v2 =	vor.u32 s29, v13  }
0x3d: {  	s15 =	sor.u32 s9, s16;
	s19 =	sadd.s32 s19, s20;
	s20 =	smul.u32 $0x12C, s25;
	[tilespmem:$0x1FE50] =	vst v2;
	v2 =	vor.u32 s14, v0  }
0x3e: {  	s18 =	sor.u32 s18, s19;
	s19 =	sadd.s32 $0x30, s22;
	s17 =	sadd.s32 s28, s23;
	[tilespmem:$0x1FE60] =	vst v2;
	v2 =	vor.u32 s14, v1  }
0x3f: {  	s28 =	smul.u32 $0x9600, s25;
	s9 =	sor.u32 s9, s18;
	s18 =	sadd.s32 $0x20, s22;
	[tilespmem:$0x1FE70] =	vst v2;
	v2 =	vor.u32 s14, v4  }
0x40: {  	[dreg:$0xb] =	wrdreg s19;
	s23 =	sshll.u32 s21, $0xA;
	s17 =	smul.u32 $0xC00, s17;
	[tilespmem:$0x1FE80] =	vst v2;
	v2 =	vor.u32 s14, v6  }
0x41: {  	v50 =	vor.u32 s11, v4;
	s25 =	smul.u32 $0x12C00, s25;
	[dreg:$0xa] =	wrdreg s18;
	s13 =	sadd.s32 s31, s28;
	[tilespmem:$0x1FE90] =	vst v2;
	v2 =	vor.u32 s14, v7  }
0x42: {  	v51 =	vor.u32 s11, v6;
	v52 =	vor.u32 s11, v7;
	s16 =	sadd.s32 s23, s17;
	s28 =	sadd.s32 $0x700, s13;
	s17 =	sand.u32 $0x300, s26;
	[tilespmem:$0x1FEA0] =	vst v2;
	v2 =	vor.u32 s14, v10  }
0x43: {  	v53 =	vor.u32 s11, v10;
	v54 =	vor.u32 s11, v12;
	s19 =	sadd.s32 $0x600, s13;
	s23 =	smul.u32 $0x96, s1;
	s26 =	sadd.s32 $0x40, s22;
	[tilespmem:$0x1FEB0] =	vst v2;
	v2 =	vor.u32 s14, v12  }
0x44: {  	v32 =	vor.u32 s9, v0;
	v33 =	vor.u32 s9, v1;
	s1 =	smul.u32 $0x9600, s1;
	s29 =	sshrl.u32 s24, $0x2;
	s18 =	sshrl.u32 s28, $0x3;
	[tilespmem:$0x1FEC0] =	vst v2;
	v2 =	vor.u32 s14, v13  }
0x45: {  	v34 =	vor.u32 s9, v4;
	v35 =	vor.u32 s9, v6;
	s16 =	sor.u32 s17, s16;
	[dreg:$0xc] =	wrdreg s26;
	s28 =	sadd.s32 $0x50, s22;
	[tilespmem:$0x1FED0] =	vst v2;
	v2 =	vor.u32 s10, v0  }
0x46: {  	v36 =	vor.u32 s9, v7;
	v37 =	vor.u32 s9, v10;
	s17 =	sadd.s32 $0x70, s22;
	s31 =	sand.u32 $0x1, s29;
	[dreg:$0xd] =	wrdreg s28;
	[tilespmem:$0x1FEE0] =	vst v2;
	v2 =	vor.u32 s10, v1  }
0x47: {  	v38 =	vor.u32 s9, v12;
	v39 =	vor.u32 s9, v13;
	s21 =	sor.u32 s31, s16;
	s16 =	sshrl.u32 s19, $0x3;
	s19 =	sadd.s32 $0xD800, s12;
	[tilespmem:$0x1FEF0] =	vst v2;
	v2 =	vor.u32 s10, v4  }
0x48: {  	s9 =	simm.s32 $0x6;
	s18 =	sadd.s32 s18, s8;
	[dreg:$0x10] =	wrdreg s17;
	v56 =	vor.u32 s19, v0;
	v57 =	vor.u32 s19, v1;
	[tilespmem:$0x1FF00] =	vst v2;
	v2 =	vor.u32 s10, v6  }
0x49: {  	s29 =	sadd.s32 $0x580, s13;
	s1 =	sadd.s32 s1, s25;
	[dreg:$0x2] =	wrdreg s18;
	v58 =	vor.u32 s19, v4;
	v59 =	vor.u32 s19, v6;
	[tilespmem:$0x1FF10] =	vst v2;
	v2 =	vor.u32 s10, v7  }
0x4a: {  	s25 =	sadd.s32 $0x930, s22;
	s28 =	sadd.s32 $0x940, s22;
	[dreg:$0xf] =	wrdreg s1;
	v60 =	vor.u32 s19, v7;
	v61 =	vor.u32 s19, v10;
	[tilespmem:$0x1FF20] =	vst v2;
	v2 =	vor.u32 s10, v10  }
0x4b: {  	s17 =	simm.s32 $0x9;
	s18 =	sadd.s32 $0x680, s13;
	[dreg:$0x12] =	wrdreg s25;
	v62 =	vor.u32 s19, v12;
	v63 =	vor.u32 s19, v13;
	[tilespmem:$0x1FF30] =	vst v2;
	v2 =	vor.u32 s10, v12  }
0x4c: {  	s31 =	sadd.s32 $0x60, s22;
	[dreg:$0x13] =	wrdreg s28;
	s25 =	simm.s32 $0x4;
	v40 =	vor.u32 s21, v0;
	v41 =	vor.u32 s21, v1;
	[tilespmem:$0x1FF40] =	vst v2;
	v2 =	vor.u32 s10, v13  }
0x4d: {  	s12 =	simm.s32 $0xB;
	s24 =	sadd.s32 s16, s8;
	[dreg:$0xe] =	wrdreg s31;
	v42 =	vor.u32 s21, v4;
	v43 =	vor.u32 s21, v6;
	[tilespmem:$0x1FF50] =	vst v2;
	v2 =	vor.u32 s15, v0  }
0x4e: {  	s16 =	sshrl.u32 s29, $0x3;
	s29 =	sadd.s32 $0x950, s22;
	s19 =	simm.s32 $0x5;
	v44 =	vor.u32 s21, v7;
	v45 =	vor.u32 s21, v10;
	[tilespmem:$0x1FF60] =	vst v2;
	v2 =	vor.u32 s15, v1  }
0x4f: {  	v46 =	vor.u32 s21, v12;
	v47 =	vor.u32 s21, v13;
	s21 =	simm.s32 $0xC;
	[dreg:$0x4] =	wrdreg s24;
	s1 =	sadd.s32 s16, s8;
	[tilespmem:$0x1FF70] =	vst v2;
	v2 =	vor.u32 s15, v4  }
0x50: {  	v55 =	vor.u32 s11, v13;
	v3 =	vor.u32 s7, v1;
	s24 =	sadd.s32 $0x480, s13;
	[dreg:$0x14] =	wrdreg s29;
	s14 =	sshrl.u32 s18, $0x3;
	[tilespmem:$0x1FF80] =	vst v2;
	v2 =	vor.u32 s15, v6  }
0x51: {  	v5 =	vor.u32 s7, v4;
	v8 =	vor.u32 s7, v6;
	s16 =	simm.s32 $0xA600;
	[dreg:$0x5] =	wrdreg s1;
	s14 =	sadd.s32 s14, s8;
	[tilespmem:$0x1FF90] =	vst v2;
	v2 =	vor.u32 s15, v7  }
0x52: {  	v9 =	vor.u32 s7, v7;
	v11 =	vor.u32 s7, v10;
	s26 =	sshrl.u32 s24, $0x3;
	s18 =	sadd.s32 $0x500, s13;
	[dreg:$0x3] =	wrdreg s14;
	[tilespmem:$0x1FFA0] =	vst v2;
	v2 =	vor.u32 s15, v10  }
0x53: {  	v14 =	vor.u32 s7, v12;
	v15 =	vor.u32 s7, v13;
	s10 =	sadd.s32 s23, s20;
	s20 =	sshrl.u32 s18, $0x3;
	s23 =	sadd.s32 $0x80, s22;
	[tilespmem:$0x1FFB0] =	vst v2;
	v2 =	vor.u32 s15, v12  }
0x54: {  	v16 =	vor.u32 s6, v0;
	v17 =	vor.u32 s6, v1;
	s13 =	simm.s32 $0x6600;
	[dreg:$0x11] =	wrdreg s23;
	s1 =	sadd.s32 s20, s8;
	[tilespmem:$0x1FFC0] =	vst v2;
	v2 =	vor.u32 s15, v13  }
0x55: {  	v18 =	vor.u32 s6, v4;
	v19 =	vor.u32 s6, v6;
	s14 =	simm.s32 $0x8600;
	s31 =	sadd.s32 $0x6, s10;
	[dreg:$0x6] =	wrdreg s1;
	[tilespmem:$0x1FFD0] =	vst v2;
	v2 =	vor.u32 s11, v0  }
0x56: {  	v20 =	vor.u32 s6, v7;
	v21 =	vor.u32 s6, v10;
	s18 =	simm.s32 $0x7;
	s1 =	sadd.s32 s26, s8;
	[dreg:$0x16] =	wrdreg s31;
	[tilespmem:$0x1FFE0] =	vst v2;
	v2 =	vor.u32 s11, v1  }
0x57: {  	v22 =	vor.u32 s6, v12;
	v23 =	vor.u32 s6, v13;
	s20 =	simm.s32 $0x80;
	[dreg:$0x7] =	wrdreg s1;
	s1 =	simm.s32 $0x0;
	[tilespmem:$0x1FFF0] =	vst v2;
	v2 =	vor.u32 s7, v0  }
.LBB2_1:
0x58: {  	[dreg:$0x17] =	wrdreg s1  }
0x59: {  	s7 =	rddreg [dreg:$0x8]  }
0x5a: {  	[tilespmem:s2], [sflag:$0xD] =	stream.linear.gather [hbm4b:s7+s2], $0x80, $0x38;
	[tilespmem:$0xC600] =	vst v63  }
0x5b: {  	s1 =	rddreg [dreg:$0x9]  }
0x5c: {  	[tilespmem:s20], [sflag:$0xE] =	stream.linear.gather [hbm4b:s1+s2], $0x80, $0x38;
	[tilespmem:$0xC600] =	vst v63  }
0x5d: {  	s6 =	rddreg [dreg:$0xa];
	s11 =	simm.s32 $0x100  }
0x5e: {  	[tilespmem:s11], [sflag:$0xF] =	stream.linear.gather [hbm4b:s6+s2], $0x80, $0x38;
	[tilespmem:$0xC600] =	vst v63  }
0x5f: {  	s8 =	rddreg [dreg:$0xb];
	s15 =	simm.s32 $0x180  }
0x60: {  	v48 =	vld [tilespmem:$0x1FD60];
	[tilespmem:s15], [sflag:$0x10] =	stream.linear.gather [hbm4b:s8+s2], $0x80, $0x38  }
0x61: {  	s10 =	rddreg [dreg:$0xc];
	s22 =	simm.s32 $0x200  }
0x62: {  	[tilespmem:s22], [sflag:$0x11] =	stream.linear.gather [hbm4b:s10+s2], $0x80, $0x38;
	[tilespmem:$0xC600] =	vst v63  }
0x63: {  	s23 =	rddreg [dreg:$0xd];
	s1 =	simm.s32 $0x280  }
0x64: {  	[tilespmem:s1], [sflag:$0x12] =	stream.linear.gather [hbm4b:s23+s2], $0x80, $0x38;
	[tilespmem:$0xC600] =	vst v63  }
0x65: {  	[tilespmem:$0x300] =	vst v48;
	v48 =	vld [tilespmem:$0x1FD70];
	_ =	sdelay $0x4  }
0x66: {  	[tilespmem:$0x310] =	vst v48;
	v48 =	vld [tilespmem:$0x1FD80];
	_ =	sdelay $0x4  }
0x67: {  	[tilespmem:$0x320] =	vst v48;
	v48 =	vld [tilespmem:$0x1FD90];
	_ =	sdelay $0x4  }
0x68: {  	[tilespmem:$0x330] =	vst v48;
	v48 =	vld [tilespmem:$0x1FDA0];
	_ =	sdelay $0x4  }
0x69: {  	[tilespmem:$0x340] =	vst v48;
	v48 =	vld [tilespmem:$0x1FDB0];
	_ =	sdelay $0x4  }
0x6a: {  	[tilespmem:$0x350] =	vst v48;
	v48 =	vld [tilespmem:$0x1FDC0];
	_ =	sdelay $0x4  }
0x6b: {  	[tilespmem:$0x360] =	vst v48;
	v48 =	vld [tilespmem:$0x1FDD0];
	_ =	sdelay $0x4  }
0x6c: {  	s24 =	simm.s32 $0xD;
	[tilespmem:$0x370] =	vst v48  }
0x6d: {  	_ =	swait.ge [sflag:s24], $0x80  }
0x6e: {  	v48 =	vld [tilespmem:$0x1FDE0];
	_ =	sdelay $0x1  }
0x6f: {  	[sflag:s24] =	ssyncset.done $0x0  }
0x70: {  	s6 =	simm.s32 $0x600;
	[sflag:s24] =	ssyncadd.s32 $0xFFFFFF80  }
0x71: {  	[tilespmem:s6], [sflag:$0x1] =	stream.indirect.gather [hbm4b:s3+s20], $0x40, s2, s20, $0xb8;
	[tilespmem:$0xC600] =	vst v63  }
0x72: {  	[tilespmem:$0x380] =	vst v48;
	v48 =	vld [tilespmem:$0x1FDF0];
	_ =	sdelay $0x4  }
0x73: {  	[tilespmem:$0x390] =	vst v48;
	v48 =	vld [tilespmem:$0x1FE00];
	_ =	sdelay $0x4  }
0x74: {  	[tilespmem:$0x3A0] =	vst v48;
	v48 =	vld [tilespmem:$0x1FE10];
	_ =	sdelay $0x4  }
0x75: {  	[tilespmem:$0x3B0] =	vst v48;
	v48 =	vld [tilespmem:$0x1FE20];
	_ =	sdelay $0x4  }
0x76: {  	[tilespmem:$0x3C0] =	vst v48;
	v48 =	vld [tilespmem:$0x1FE30];
	_ =	sdelay $0x4  }
0x77: {  	[tilespmem:$0x3D0] =	vst v48;
	v48 =	vld [tilespmem:$0x1FE40];
	_ =	sdelay $0x4  }
0x78: {  	[tilespmem:$0x3E0] =	vst v48;
	v48 =	vld [tilespmem:$0x1FE50];
	_ =	sdelay $0x4  }
0x79: {  	s26 =	simm.s32 $0xE;
	[tilespmem:$0x3F0] =	vst v48  }
0x7a: {  	_ =	swait.ge [sflag:s26], $0x80  }
0x7b: {  	v48 =	vld [tilespmem:$0x1FE60];
	_ =	sdelay $0x1  }
0x7c: {  	[sflag:s26] =	ssyncset.done $0x0  }
0x7d: {  	s8 =	simm.s32 $0x2600;
	[sflag:s26] =	ssyncadd.s32 $0xFFFFFF80  }
0x7e: {  	[tilespmem:s8], [sflag:$0x2] =	stream.indirect.gather [hbm4b:s3+s20], $0x40, s20, s20, $0xb8;
	[tilespmem:$0xC600] =	vst v63  }
0x7f: {  	[tilespmem:$0x400] =	vst v48;
	v48 =	vld [tilespmem:$0x1FE70];
	_ =	sdelay $0x4  }
0x80: {  	[tilespmem:$0x410] =	vst v48;
	v48 =	vld [tilespmem:$0x1FE80];
	_ =	sdelay $0x4  }
0x81: {  	[tilespmem:$0x420] =	vst v48;
	v48 =	vld [tilespmem:$0x1FE90];
	_ =	sdelay $0x4  }
0x82: {  	[tilespmem:$0x430] =	vst v48;
	v48 =	vld [tilespmem:$0x1FEA0];
	_ =	sdelay $0x4  }
0x83: {  	[tilespmem:$0x440] =	vst v48;
	v48 =	vld [tilespmem:$0x1FEB0];
	_ =	sdelay $0x4  }
0x84: {  	[tilespmem:$0x450] =	vst v48;
	v48 =	vld [tilespmem:$0x1FEC0];
	_ =	sdelay $0x4  }
0x85: {  	[tilespmem:$0x460] =	vst v48;
	v48 =	vld [tilespmem:$0x1FED0];
	_ =	sdelay $0x4  }
0x86: {  	s28 =	simm.s32 $0xF;
	[tilespmem:$0x470] =	vst v48  }
0x87: {  	_ =	swait.ge [sflag:s28], $0x80  }
0x88: {  	[sflag:s28] =	ssyncset.done $0x0  }
0x89: {  	s29 =	simm.s32 $0x1;
	s10 =	simm.s32 $0x4600;
	[sflag:s28] =	ssyncadd.s32 $0xFFFFFF80  }
0x8a: {  	[tilespmem:s10], [sflag:$0x3] =	stream.indirect.gather [hbm4b:s3+s20], $0x40, s11, s20, $0xb8;
	[tilespmem:$0xC600] =	vst v63  }
0x8b: {  	_ =	swait.ge [sflag:s29], $0x2000  }
0x8c: {  	[sflag:s29] =	ssyncset.done $0x0;
	v48 =	vld [tilespmem:$0x1FEE0]  }
0x8d: {  	s31 =	simm.s32 $0x300;
	[sflag:s29] =	ssyncadd.s32 $0xFFFFE000  }
0x8e: {  	[hbm4b:s4+s20] =	stream.indirect.scatter [tilespmem:s6], [sflag:$0x7], $0x40, s31, s20, $0xb8;
	[tilespmem:$0xC600] =	vst v63  }
0x8f: {  	s6 =	rddreg [dreg:$0xe]  }
0x90: {  	[tilespmem:s2], [sflag:$0xD] =	stream.linear.gather [hbm4b:s6+s2], $0x80, $0x38;
	[tilespmem:$0xC600] =	vst v63  }
0x91: {  	[tilespmem:$0x480] =	vst v48;
	v48 =	vld [tilespmem:$0x1FEF0];
	_ =	sdelay $0x4  }
0x92: {  	[tilespmem:$0x490] =	vst v48;
	v48 =	vld [tilespmem:$0x1FF00];
	_ =	sdelay $0x4  }
0x93: {  	[tilespmem:$0x4A0] =	vst v48;
	v48 =	vld [tilespmem:$0x1FF10];
	_ =	sdelay $0x4  }
0x94: {  	[tilespmem:$0x4B0] =	vst v48;
	v48 =	vld [tilespmem:$0x1FF20];
	_ =	sdelay $0x4  }
0x95: {  	[tilespmem:$0x4C0] =	vst v48;
	v48 =	vld [tilespmem:$0x1FF30];
	_ =	sdelay $0x4  }
0x96: {  	[tilespmem:$0x4D0] =	vst v48;
	v48 =	vld [tilespmem:$0x1FF40];
	_ =	sdelay $0x4  }
0x97: {  	[tilespmem:$0x4E0] =	vst v48;
	v48 =	vld [tilespmem:$0x1FF50];
	_ =	sdelay $0x4  }
0x98: {  	s7 =	simm.s32 $0x10;
	[tilespmem:$0x4F0] =	vst v48  }
0x99: {  	_ =	swait.ge [sflag:s7], $0x80  }
0x9a: {  	[sflag:s7] =	ssyncset.done $0x0  }
0x9b: {  	[sflag:s7] =	ssyncadd.s32 $0xFFFFFF80  }
0x9c: {  	[tilespmem:s13], [sflag:$0x4] =	stream.indirect.gather [hbm4b:s3+s20], $0x40, s15, s20, $0xb8;
	[tilespmem:$0xC600] =	vst v63  }
0x9d: {  	s13 =	simm.s32 $0x2  }
0x9e: {  	_ =	swait.ge [sflag:s13], $0x2000  }
0x9f: {  	[sflag:s13] =	ssyncset.done $0x0;
	v48 =	vld [tilespmem:$0x1FF60]  }
0xa0: {  	s15 =	simm.s32 $0x380;
	[sflag:s13] =	ssyncadd.s32 $0xFFFFE000  }
0xa1: {  	[hbm4b:s4+s20] =	stream.indirect.scatter [tilespmem:s8], [sflag:$0x8], $0x40, s15, s20, $0xb8;
	[tilespmem:$0xC600] =	vst v63  }
0xa2: {  	s23 =	rddreg [dreg:$0x10]  }
0xa3: {  	[tilespmem:s20], [sflag:$0xE] =	stream.linear.gather [hbm4b:s23+s2], $0x80, $0x38;
	[tilespmem:$0xC600] =	vst v63  }
0xa4: {  	[tilespmem:$0x500] =	vst v48;
	v48 =	vld [tilespmem:$0x1FF70];
	_ =	sdelay $0x4  }
0xa5: {  	[tilespmem:$0x510] =	vst v48;
	v48 =	vld [tilespmem:$0x1FF80];
	_ =	sdelay $0x4  }
0xa6: {  	[tilespmem:$0x520] =	vst v48;
	v48 =	vld [tilespmem:$0x1FF90];
	_ =	sdelay $0x4  }
0xa7: {  	[tilespmem:$0x530] =	vst v48;
	v48 =	vld [tilespmem:$0x1FFA0];
	_ =	sdelay $0x4  }
0xa8: {  	[tilespmem:$0x540] =	vst v48;
	v48 =	vld [tilespmem:$0x1FFB0];
	_ =	sdelay $0x4  }
0xa9: {  	[tilespmem:$0x550] =	vst v48;
	v48 =	vld [tilespmem:$0x1FFC0];
	_ =	sdelay $0x4  }
0xaa: {  	[tilespmem:$0x560] =	vst v48;
	v48 =	vld [tilespmem:$0x1FFD0];
	_ =	sdelay $0x4  }
0xab: {  	s24 =	simm.s32 $0x11;
	[tilespmem:$0x570] =	vst v48  }
0xac: {  	_ =	swait.ge [sflag:s24], $0x80  }
0xad: {  	[sflag:s24] =	ssyncset.done $0x0  }
0xae: {  	s26 =	simm.s32 $0x3;
	[sflag:s24] =	ssyncadd.s32 $0xFFFFFF80  }
0xaf: {  	[tilespmem:s14], [sflag:$0x5] =	stream.indirect.gather [hbm4b:s3+s20], $0x40, s22, s20, $0xb8;
	[tilespmem:$0xC600] =	vst v63  }
0xb0: {  	_ =	swait.ge [sflag:s26], $0x2000  }
0xb1: {  	[sflag:s26] =	ssyncset.done $0x0;
	v48 =	vld [tilespmem:$0x1FFE0]  }
0xb2: {  	s28 =	simm.s32 $0x400;
	[sflag:s26] =	ssyncadd.s32 $0xFFFFE000  }
0xb3: {  	[hbm4b:s4+s20] =	stream.indirect.scatter [tilespmem:s10], [sflag:$0x9], $0x40, s28, s20, $0xb8;
	[tilespmem:$0xC600] =	vst v63  }
0xb4: {  	s29 =	rddreg [dreg:$0x11]  }
0xb5: {  	[tilespmem:s11], [sflag:$0xF] =	stream.linear.gather [hbm4b:s29+s2], $0x80, $0x38;
	[tilespmem:$0xC600] =	vst v63  }
0xb6: {  	[tilespmem:$0x580] =	vst v48  }
0xb7: {  	[tilespmem:$0x5A0] =	vst v50  }
0xb8: {  	v48 =	vld [tilespmem:$0x1FFF0];
	[tilespmem:$0x5B0] =	vst v51  }
0xb9: {  	[tilespmem:$0x5C0] =	vst v52  }
0xba: {  	[tilespmem:$0x5D0] =	vst v53  }
0xbb: {  	[tilespmem:$0x5E0] =	vst v54  }
0xbc: {  	[tilespmem:$0x5F0] =	vst v55  }
0xbd: {  	s31 =	simm.s32 $0x12;
	[tilespmem:$0x590] =	vst v48  }
0xbe: {  	_ =	swait.ge [sflag:s31], $0x80  }
0xbf: {  	[sflag:s31] =	ssyncset.done $0x0;
	s24 =	rddreg [dreg:$0xf]  }
0xc0: {  	s23 =	simm.s32 $0x0;
	s22 =	rddreg [dreg:$0x16];
	[sflag:s31] =	ssyncadd.s32 $0xFFFFFF80  }
0xc1: {  	[tilespmem:s16], [sflag:$0x6] =	stream.indirect.gather [hbm4b:s3+s20], $0x40, s1, s20, $0xb8;
	[tilespmem:$0xC600] =	vst v63  }
.LBB2_2:
0xc2: {  	_ =	swait.ge [sflag:s25], $0x2000  }
0xc3: {  	s26 =	sshrl.u32 s22, $0x3;
	[sflag:s25] =	ssyncset.done $0x0  }
0xc4: {  	s13 =	simm.s32 $0x6600;
	s31 =	smul.u32 $0x148, s26;
	[sflag:s25] =	ssyncadd.s32 $0xFFFFE000  }
0xc5: {  	[hbm4b:s4+s20] =	stream.indirect.scatter [tilespmem:s13], [sflag:$0xA], $0x40, s30, s20, $0xb8;
	[tilespmem:$0xC600] =	vst v63  }
0xc6: {  	s29 =	rddreg [dreg:$0x7];
	s31 =	sshrl.u32 s31, $0x10  }
0xc7: {  	s28 =	simm.s32 $0x180;
	s29 =	sadd.s32 s23, s29;
	s7 =	smul.u32 $0xFFFFFF38, s31  }
0xc8: {  	[tilespmem:s28], [sflag:$0x10] =	stream.linear.gather [hbm4b:s29+s2], $0x80, $0x38;
	[tilespmem:$0xC600] =	vst v63  }
0xc9: {  	s7 =	sadd.s32 s26, s7  }
0xca: {  	s7 =	smul.u32 $0xC00, s7  }
0xcb: {  	s31 =	sshll.u32 s31, $0xA;
	s26 =	sadd.s32 $0x600, s24  }
0xcc: {  	s6 =	sshrl.u32 s22, $0x2;
	s1 =	sand.u32 $0x200, s26;
	s7 =	sadd.s32 s31, s7  }
0xcd: {  	s8 =	sand.u32 $0x1, s6;
	_ =	swait.ge [sflag:s18], $0x2000;
	s7 =	sor.u32 s1, s7  }
0xce: {  	[sflag:s18] =	ssyncset.done $0x0;
	s7 =	sor.u32 s8, s7  }
0xcf: {  	[sflag:s18] =	ssyncadd.s32 $0xFFFFE000;
	v48 =	vor.u32 s7, v0  }
0xd0: {  	[tilespmem:$0x300] =	vst v48;
	v48 =	vor.u32 s7, v1  }
0xd1: {  	[tilespmem:$0x310] =	vst v48;
	v48 =	vor.u32 s7, v4  }
0xd2: {  	[tilespmem:$0x320] =	vst v48;
	v48 =	vor.u32 s7, v6  }
0xd3: {  	[tilespmem:$0x330] =	vst v48;
	v48 =	vor.u32 s7, v7  }
0xd4: {  	[tilespmem:$0x340] =	vst v48;
	v48 =	vor.u32 s7, v10  }
0xd5: {  	[tilespmem:$0x350] =	vst v48;
	v48 =	vor.u32 s7, v12  }
0xd6: {  	[tilespmem:$0x360] =	vst v48;
	v48 =	vor.u32 s7, v13;
	s7 =	sadd.s32 $0x1, s22  }
0xd7: {  	s1 =	simm.s32 $0xD;
	[tilespmem:$0x370] =	vst v48;
	s10 =	sshrl.u32 s7, $0x3  }
0xd8: {  	_ =	swait.ge [sflag:s1], $0x80;
	s11 =	smul.u32 $0x148, s10  }
0xd9: {  	s14 =	simm.s32 $0x8600;
	[sflag:s1] =	ssyncset.done $0x0  }
0xda: {  	s6 =	simm.s32 $0x600;
	[sflag:s1] =	ssyncadd.s32 $0xFFFFFF80;
	s11 =	sshrl.u32 s11, $0x10  }
0xdb: {  	[tilespmem:s6], [sflag:$0x1] =	stream.indirect.gather [hbm4b:s3+s20], $0x40, s2, s20, $0xb8;
	[tilespmem:$0xC600] =	vst v63  }
0xdc: {  	s25 =	simm.s32 $0x500;
	s30 =	simm.s32 $0x200;
	s15 =	smul.u32 $0xFFFFFF38, s11  }
0xdd: {  	s8 =	sadd.s32 $0x700, s24;
	s7 =	sshrl.u32 s7, $0x2;
	_ =	swait.ge [sflag:s19], $0x2000  }
0xde: {  	s11 =	sshll.u32 s11, $0xA;
	[sflag:s19] =	ssyncset.done $0x0;
	s15 =	sadd.s32 s10, s15  }
0xdf: {  	s16 =	rddreg [dreg:$0x6];
	[sflag:s19] =	ssyncadd.s32 $0xFFFFE000;
	s15 =	smul.u32 $0xC00, s15  }
0xe0: {  	[hbm4b:s4+s20] =	stream.indirect.scatter [tilespmem:s14], [sflag:$0xB], $0x40, s25, s20, $0xb8;
	[tilespmem:$0xC600] =	vst v63  }
0xe1: {  	s10 =	sand.u32 $0x300, s8;
	s31 =	sadd.s32 s23, s16;
	s11 =	sadd.s32 s11, s15  }
0xe2: {  	[tilespmem:s30], [sflag:$0x11] =	stream.linear.gather [hbm4b:s31+s2], $0x80, $0x38;
	[tilespmem:$0xC600] =	vst v63  }
0xe3: {  	s7 =	sand.u32 $0x1, s7;
	s11 =	sor.u32 s10, s11;
	_ =	swait.ge [sflag:s0], $0x2000  }
0xe4: {  	s7 =	sor.u32 s7, s11;
	[sflag:s0] =	ssyncset.done $0x0  }
0xe5: {  	v48 =	vor.u32 s7, v0;
	[sflag:s0] =	ssyncadd.s32 $0xFFFFE000  }
0xe6: {  	[tilespmem:$0x380] =	vst v48;
	v48 =	vor.u32 s7, v1  }
0xe7: {  	[tilespmem:$0x390] =	vst v48;
	v48 =	vor.u32 s7, v4  }
0xe8: {  	[tilespmem:$0x3A0] =	vst v48;
	v48 =	vor.u32 s7, v6  }
0xe9: {  	[tilespmem:$0x3B0] =	vst v48;
	v48 =	vor.u32 s7, v7  }
0xea: {  	[tilespmem:$0x3C0] =	vst v48;
	v48 =	vor.u32 s7, v10  }
0xeb: {  	[tilespmem:$0x3D0] =	vst v48;
	v48 =	vor.u32 s7, v12  }
0xec: {  	[tilespmem:$0x3E0] =	vst v48;
	v48 =	vor.u32 s7, v13  }
0xed: {  	s16 =	simm.s32 $0xE;
	[tilespmem:$0x3F0] =	vst v48  }
0xee: {  	s7 =	sadd.s32 $0x2, s22;
	_ =	swait.ge [sflag:s16], $0x80  }
0xef: {  	s11 =	sshrl.u32 s7, $0x3;
	[sflag:s16] =	ssyncset.done $0x0  }
0xf0: {  	s8 =	simm.s32 $0x2600;
	s31 =	smul.u32 $0x148, s11;
	[sflag:s16] =	ssyncadd.s32 $0xFFFFFF80  }
0xf1: {  	[tilespmem:s8], [sflag:$0x2] =	stream.indirect.gather [hbm4b:s3+s20], $0x40, s20, s20, $0xb8;
	[tilespmem:$0xC600] =	vst v63  }
0xf2: {  	s10 =	simm.s32 $0x580;
	s16 =	simm.s32 $0xA600;
	_ =	swait.ge [sflag:s9], $0x2000  }
0xf3: {  	s29 =	sshrl.u32 s31, $0x10;
	[sflag:s9] =	ssyncset.done $0x0;
	s25 =	rddreg [dreg:$0x5]  }
0xf4: {  	[sflag:s9] =	ssyncadd.s32 $0xFFFFE000;
	s15 =	sadd.s32 s23, s25;
	s25 =	smul.u32 $0xFFFFFF38, s29  }
0xf5: {  	[hbm4b:s4+s20] =	stream.indirect.scatter [tilespmem:s16], [sflag:$0xC], $0x40, s10, s20, $0xb8;
	[tilespmem:$0xC600] =	vst v63  }
0xf6: {  	s1 =	simm.s32 $0x280;
	s11 =	sadd.s32 s11, s25  }
0xf7: {  	s31 =	sshll.u32 s29, $0xA;
	s10 =	sadd.s32 $0x800, s24;
	s11 =	smul.u32 $0xC00, s11  }
0xf8: {  	[tilespmem:s1], [sflag:$0x12] =	stream.linear.gather [hbm4b:s15+s2], $0x80, $0x38;
	[tilespmem:$0xC600] =	vst v63  }
0xf9: {  	s7 =	sshrl.u32 s7, $0x2;
	s25 =	sand.u32 $0x200, s10;
	s11 =	sadd.s32 s31, s11  }
0xfa: {  	s7 =	sand.u32 $0x1, s7;
	_ =	swait.ge [sflag:s17], $0x2000;
	s11 =	sor.u32 s25, s11  }
0xfb: {  	[sflag:s17] =	ssyncset.done $0x0;
	s7 =	sor.u32 s7, s11  }
0xfc: {  	[sflag:s17] =	ssyncadd.s32 $0xFFFFE000;
	v48 =	vor.u32 s7, v0  }
0xfd: {  	[tilespmem:$0x400] =	vst v48;
	v48 =	vor.u32 s7, v1  }
0xfe: {  	[tilespmem:$0x410] =	vst v48;
	v48 =	vor.u32 s7, v4  }
0xff: {  	[tilespmem:$0x420] =	vst v48;
	v48 =	vor.u32 s7, v6  }
0x100: {  	[tilespmem:$0x430] =	vst v48;
	v48 =	vor.u32 s7, v7  }
0x101: {  	[tilespmem:$0x440] =	vst v48;
	v48 =	vor.u32 s7, v10  }
0x102: {  	[tilespmem:$0x450] =	vst v48;
	v48 =	vor.u32 s7, v12  }
0x103: {  	[tilespmem:$0x460] =	vst v48;
	v48 =	vor.u32 s7, v13  }
0x104: {  	s29 =	simm.s32 $0xF;
	[tilespmem:$0x470] =	vst v48  }
0x105: {  	s10 =	simm.s32 $0x4600;
	s7 =	sadd.s32 $0x3, s22;
	_ =	swait.ge [sflag:s29], $0x80  }
0x106: {  	s31 =	simm.s32 $0x1;
	s11 =	sshrl.u32 s7, $0x3;
	[sflag:s29] =	ssyncset.done $0x0  }
0x107: {  	s25 =	simm.s32 $0x100;
	[sflag:s29] =	ssyncadd.s32 $0xFFFFFF80;
	s29 =	smul.u32 $0x148, s11  }
0x108: {  	[tilespmem:s10], [sflag:$0x3] =	stream.indirect.gather [hbm4b:s3+s20], $0x40, s25, s20, $0xb8;
	[tilespmem:$0xC600] =	vst v63  }
0x109: {  	_ =	swait.ge [sflag:s31], $0x2000  }
0x10a: {  	s29 =	sshrl.u32 s29, $0x10;
	[sflag:s31] =	ssyncset.done $0x0  }
0x10b: {  	s15 =	rddreg [dreg:$0x4];
	[sflag:s31] =	ssyncadd.s32 $0xFFFFE000;
	s31 =	simm.s32 $0x300  }
0x10c: {  	[hbm4b:s4+s20] =	stream.indirect.scatter [tilespmem:s6], [sflag:$0x7], $0x40, s31, s20, $0xb8;
	[tilespmem:$0xC600] =	vst v63  }
0x10d: {  	s15 =	sadd.s32 s23, s15;
	s6 =	smul.u32 $0xFFFFFF38, s29  }
0x10e: {  	[tilespmem:s2], [sflag:$0xD] =	stream.linear.gather [hbm4b:s15+s2], $0x80, $0x38;
	[tilespmem:$0xC600] =	vst v63  }
0x10f: {  	s11 =	sadd.s32 s11, s6  }
0x110: {  	s11 =	smul.u32 $0xC00, s11  }
0x111: {  	s31 =	sadd.s32 $0x900, s24;
	s6 =	sshll.u32 s29, $0xA  }
0x112: {  	s7 =	sshrl.u32 s7, $0x2;
	s11 =	sadd.s32 s6, s11;
	s6 =	sand.u32 $0x300, s31  }
0x113: {  	s7 =	sand.u32 $0x1, s7;
	_ =	swait.ge [sflag:s5], $0x2000;
	s11 =	sor.u32 s6, s11  }
0x114: {  	[sflag:s5] =	ssyncset.done $0x0;
	s7 =	sor.u32 s7, s11  }
0x115: {  	[sflag:s5] =	ssyncadd.s32 $0xFFFFE000;
	v48 =	vor.u32 s7, v0  }
0x116: {  	[tilespmem:$0x480] =	vst v48;
	v48 =	vor.u32 s7, v1  }
0x117: {  	[tilespmem:$0x490] =	vst v48;
	v48 =	vor.u32 s7, v4  }
0x118: {  	[tilespmem:$0x4A0] =	vst v48;
	v48 =	vor.u32 s7, v6  }
0x119: {  	[tilespmem:$0x4B0] =	vst v48;
	v48 =	vor.u32 s7, v7  }
0x11a: {  	[tilespmem:$0x4C0] =	vst v48;
	v48 =	vor.u32 s7, v10  }
0x11b: {  	[tilespmem:$0x4D0] =	vst v48;
	v48 =	vor.u32 s7, v12  }
0x11c: {  	[tilespmem:$0x4E0] =	vst v48;
	v48 =	vor.u32 s7, v13  }
0x11d: {  	s29 =	simm.s32 $0x10;
	[tilespmem:$0x4F0] =	vst v48  }
0x11e: {  	_ =	swait.ge [sflag:s29], $0x80  }
0x11f: {  	s7 =	sadd.s32 $0x4, s22;
	[sflag:s29] =	ssyncset.done $0x0  }
0x120: {  	s31 =	simm.s32 $0x2;
	s11 =	sshrl.u32 s7, $0x3;
	[sflag:s29] =	ssyncadd.s32 $0xFFFFFF80  }
0x121: {  	[tilespmem:s13], [sflag:$0x4] =	stream.indirect.gather [hbm4b:s3+s20], $0x40, s28, s20, $0xb8;
	[tilespmem:$0xC600] =	vst v63  }
0x122: {  	s13 =	smul.u32 $0x148, s11;
	_ =	swait.ge [sflag:s31], $0x2000  }
0x123: {  	[sflag:s31] =	ssyncset.done $0x0  }
0x124: {  	s29 =	sshrl.u32 s13, $0x10;
	[sflag:s31] =	ssyncadd.s32 $0xFFFFE000;
	s31 =	simm.s32 $0x380  }
0x125: {  	[hbm4b:s4+s20] =	stream.indirect.scatter [tilespmem:s8], [sflag:$0x8], $0x40, s31, s20, $0xb8;
	[tilespmem:$0xC600] =	vst v63  }
0x126: {  	s8 =	smul.u32 $0xFFFFFF38, s29  }
0x127: {  	s15 =	rddreg [dreg:$0x3]  }
0x128: {  	s15 =	sadd.s32 s23, s15;
	s11 =	sadd.s32 s11, s8  }
0x129: {  	s13 =	sshll.u32 s29, $0xA;
	s31 =	sadd.s32 $0xA00, s24;
	s11 =	smul.u32 $0xC00, s11  }
0x12a: {  	[tilespmem:s20], [sflag:$0xE] =	stream.linear.gather [hbm4b:s15+s2], $0x80, $0x38;
	[tilespmem:$0xC600] =	vst v63  }
0x12b: {  	s7 =	sshrl.u32 s7, $0x2;
	s6 =	sand.u32 $0x200, s31;
	s11 =	sadd.s32 s13, s11  }
0x12c: {  	s7 =	sand.u32 $0x1, s7;
	_ =	swait.ge [sflag:s12], $0x2000;
	s11 =	sor.u32 s6, s11  }
0x12d: {  	[sflag:s12] =	ssyncset.done $0x0;
	s7 =	sor.u32 s7, s11  }
0x12e: {  	[sflag:s12] =	ssyncadd.s32 $0xFFFFE000;
	v48 =	vor.u32 s7, v0  }
0x12f: {  	[tilespmem:$0x500] =	vst v48;
	v48 =	vor.u32 s7, v1  }
0x130: {  	[tilespmem:$0x510] =	vst v48;
	v48 =	vor.u32 s7, v4  }
0x131: {  	[tilespmem:$0x520] =	vst v48;
	v48 =	vor.u32 s7, v6  }
0x132: {  	[tilespmem:$0x530] =	vst v48;
	v48 =	vor.u32 s7, v7  }
0x133: {  	[tilespmem:$0x540] =	vst v48;
	v48 =	vor.u32 s7, v10  }
0x134: {  	[tilespmem:$0x550] =	vst v48;
	v48 =	vor.u32 s7, v12  }
0x135: {  	[tilespmem:$0x560] =	vst v48;
	v48 =	vor.u32 s7, v13  }
0x136: {  	s8 =	simm.s32 $0x11;
	[tilespmem:$0x570] =	vst v48  }
0x137: {  	_ =	swait.ge [sflag:s8], $0x80  }
0x138: {  	s7 =	sadd.s32 $0x5, s22;
	[sflag:s8] =	ssyncset.done $0x0  }
0x139: {  	s11 =	simm.s32 $0x3;
	s13 =	sshrl.u32 s7, $0x3;
	[sflag:s8] =	ssyncadd.s32 $0xFFFFFF80  }
0x13a: {  	[tilespmem:s14], [sflag:$0x5] =	stream.indirect.gather [hbm4b:s3+s20], $0x40, s30, s20, $0xb8;
	[tilespmem:$0xC600] =	vst v63  }
0x13b: {  	s31 =	smul.u32 $0x148, s13;
	_ =	swait.ge [sflag:s11], $0x2000  }
0x13c: {  	s8 =	simm.s32 $0x400;
	[sflag:s11] =	ssyncset.done $0x0  }
0x13d: {  	s29 =	sshrl.u32 s31, $0x10;
	s14 =	rddreg [dreg:$0x2];
	[sflag:s11] =	ssyncadd.s32 $0xFFFFE000  }
0x13e: {  	[hbm4b:s4+s20] =	stream.indirect.scatter [tilespmem:s10], [sflag:$0x9], $0x40, s8, s20, $0xb8;
	[tilespmem:$0xC600] =	vst v63  }
0x13f: {  	s15 =	sadd.s32 s23, s14;
	s10 =	smul.u32 $0xFFFFFF38, s29  }
0x140: {  	[tilespmem:s25], [sflag:$0xF] =	stream.linear.gather [hbm4b:s15+s2], $0x80, $0x38;
	[tilespmem:$0xC600] =	vst v63  }
0x141: {  	s11 =	sadd.s32 s13, s10  }
0x142: {  	s11 =	smul.u32 $0xC00, s11  }
0x143: {  	s14 =	sadd.s32 $0xB00, s24;
	s13 =	sshll.u32 s29, $0xA  }
0x144: {  	s7 =	sshrl.u32 s7, $0x2;
	s29 =	sand.u32 $0x300, s14;
	s11 =	sadd.s32 s13, s11  }
0x145: {  	s7 =	sand.u32 $0x1, s7;
	_ =	swait.ge [sflag:s21], $0x2000;
	s11 =	sor.u32 s29, s11  }
0x146: {  	[sflag:s21] =	ssyncset.done $0x0;
	s7 =	sor.u32 s7, s11  }
0x147: {  	[sflag:s21] =	ssyncadd.s32 $0xFFFFE000;
	v48 =	vor.u32 s7, v0  }
0x148: {  	v49 =	vor.u32 s7, v13;
	[tilespmem:$0x580] =	vst v48  }
0x149: {  	v48 =	vor.u32 s7, v1;
	[tilespmem:$0x5F0] =	vst v49  }
0x14a: {  	[tilespmem:$0x590] =	vst v48;
	v48 =	vor.u32 s7, v4  }
0x14b: {  	[tilespmem:$0x5A0] =	vst v48;
	v48 =	vor.u32 s7, v6  }
0x14c: {  	[tilespmem:$0x5B0] =	vst v48;
	v48 =	vor.u32 s7, v7  }
0x14d: {  	[tilespmem:$0x5C0] =	vst v48;
	v48 =	vor.u32 s7, v10  }
0x14e: {  	p0 =	sne.s32 s23, $0x840;
	[tilespmem:$0x5D0] =	vst v48;
	v48 =	vor.u32 s7, v12  }
.Ltmp0:
0x14f: {  	s31 =	simm.s32 $0x12;
	[tilespmem:$0x5E0] =	vst v48;
	(pc) =	sbr.rel @p0 .LBB2_2-.Ltmp0, $4  }
0x150: {  	s28 =	simm.s32 $0x100;
	s22 =	sadd.s32 $0x6, s22;
	_ =	swait.ge [sflag:s31], $0x80  }
0x151: {  	s30 =	simm.s32 $0x480;
	s23 =	sadd.s32 $0x60, s23;
	[sflag:s31] =	ssyncset.done $0x0  }
0x152: {  	s24 =	smov.u32 s26;
	s25 =	simm.s32 $0x4;
	[sflag:s31] =	ssyncadd.s32 $0xFFFFFF80  }
0x153: {  	[tilespmem:s16], [sflag:$0x6] =	stream.indirect.gather [hbm4b:s3+s20], $0x40, s1, s20, $0xb8;
	[tilespmem:$0xC600] =	vst v63  }
0x154: {  	_ =	swait.ge [sflag:s25], $0x2000  }
0x155: {  	[sflag:s25] =	ssyncset.done $0x0  }
0x156: {  	s22 =	simm.s32 $0x6600;
	[sflag:s25] =	ssyncadd.s32 $0xFFFFE000  }
0x157: {  	[hbm4b:s4+s20] =	stream.indirect.scatter [tilespmem:s22], [sflag:$0xA], $0x40, s30, s20, $0xb8;
	[tilespmem:$0xC600] =	vst v63  }
0x158: {  	s11 =	simm.s32 $0x180;
	s7 =	rddreg [dreg:$0x12]  }
0x159: {  	[tilespmem:s11], [sflag:$0x10] =	stream.linear.gather [hbm4b:s7+s2], $0x80, $0x38;
	[tilespmem:$0xC600] =	vst v63  }
0x15a: {  	_ =	swait.ge [sflag:s18], $0x2000  }
0x15b: {  	[sflag:s18] =	ssyncset.done $0x0  }
0x15c: {  	[sflag:s18] =	ssyncadd.s32 $0xFFFFE000  }
0x15d: {  	[tilespmem:$0x300] =	vst v56  }
0x15e: {  	[tilespmem:$0x310] =	vst v57  }
0x15f: {  	[tilespmem:$0x320] =	vst v58  }
0x160: {  	[tilespmem:$0x330] =	vst v59  }
0x161: {  	[tilespmem:$0x340] =	vst v60  }
0x162: {  	[tilespmem:$0x350] =	vst v61  }
0x163: {  	[tilespmem:$0x360] =	vst v62  }
0x164: {  	s1 =	simm.s32 $0xD;
	[tilespmem:$0x370] =	vst v63  }
0x165: {  	_ =	swait.ge [sflag:s1], $0x80  }
0x166: {  	[sflag:s1] =	ssyncset.done $0x0  }
0x167: {  	s6 =	simm.s32 $0x600;
	[sflag:s1] =	ssyncadd.s32 $0xFFFFFF80  }
0x168: {  	[tilespmem:s6], [sflag:$0x1] =	stream.indirect.gather [hbm4b:s3+s20], $0x40, s2, s20, $0xb8;
	[tilespmem:$0xC600] =	vst v63  }
0x169: {  	_ =	swait.ge [sflag:s19], $0x2000  }
0x16a: {  	[sflag:s19] =	ssyncset.done $0x0  }
0x16b: {  	s23 =	simm.s32 $0x8600;
	s16 =	simm.s32 $0x500;
	[sflag:s19] =	ssyncadd.s32 $0xFFFFE000  }
0x16c: {  	[hbm4b:s4+s20] =	stream.indirect.scatter [tilespmem:s23], [sflag:$0xB], $0x40, s16, s20, $0xb8;
	[tilespmem:$0xC600] =	vst v63  }
0x16d: {  	s15 =	simm.s32 $0x200;
	s8 =	rddreg [dreg:$0x13]  }
0x16e: {  	[tilespmem:s15], [sflag:$0x11] =	stream.linear.gather [hbm4b:s8+s2], $0x80, $0x38;
	[tilespmem:$0xC600] =	vst v63  }
0x16f: {  	_ =	swait.ge [sflag:s0], $0x2000  }
0x170: {  	[sflag:s0] =	ssyncset.done $0x0  }
0x171: {  	[sflag:s0] =	ssyncadd.s32 $0xFFFFE000  }
0x172: {  	[tilespmem:$0x380] =	vst v2  }
0x173: {  	[tilespmem:$0x390] =	vst v3  }
0x174: {  	[tilespmem:$0x3A0] =	vst v5  }
0x175: {  	[tilespmem:$0x3B0] =	vst v8  }
0x176: {  	[tilespmem:$0x3C0] =	vst v9  }
0x177: {  	[tilespmem:$0x3D0] =	vst v11  }
0x178: {  	[tilespmem:$0x3E0] =	vst v14  }
0x179: {  	s10 =	simm.s32 $0xE;
	[tilespmem:$0x3F0] =	vst v15  }
0x17a: {  	_ =	swait.ge [sflag:s10], $0x80  }
0x17b: {  	[sflag:s10] =	ssyncset.done $0x0  }
0x17c: {  	s8 =	simm.s32 $0x2600;
	[sflag:s10] =	ssyncadd.s32 $0xFFFFFF80  }
0x17d: {  	[tilespmem:s8], [sflag:$0x2] =	stream.indirect.gather [hbm4b:s3+s20], $0x40, s20, s20, $0xb8;
	[tilespmem:$0xC600] =	vst v63  }
0x17e: {  	_ =	swait.ge [sflag:s9], $0x2000  }
0x17f: {  	[sflag:s9] =	ssyncset.done $0x0  }
0x180: {  	s24 =	simm.s32 $0xA600;
	s26 =	simm.s32 $0x580;
	[sflag:s9] =	ssyncadd.s32 $0xFFFFE000  }
0x181: {  	[hbm4b:s4+s20] =	stream.indirect.scatter [tilespmem:s24], [sflag:$0xC], $0x40, s26, s20, $0xb8;
	[tilespmem:$0xC600] =	vst v63  }
0x182: {  	s1 =	simm.s32 $0x280;
	s13 =	rddreg [dreg:$0x14]  }
0x183: {  	[tilespmem:s1], [sflag:$0x12] =	stream.linear.gather [hbm4b:s13+s2], $0x80, $0x38;
	[tilespmem:$0xC600] =	vst v63  }
0x184: {  	_ =	swait.ge [sflag:s17], $0x2000  }
0x185: {  	[sflag:s17] =	ssyncset.done $0x0  }
0x186: {  	[sflag:s17] =	ssyncadd.s32 $0xFFFFE000  }
0x187: {  	[tilespmem:$0x400] =	vst v16  }
0x188: {  	[tilespmem:$0x410] =	vst v17  }
0x189: {  	[tilespmem:$0x420] =	vst v18  }
0x18a: {  	[tilespmem:$0x430] =	vst v19  }
0x18b: {  	[tilespmem:$0x440] =	vst v20  }
0x18c: {  	[tilespmem:$0x450] =	vst v21  }
0x18d: {  	[tilespmem:$0x460] =	vst v22  }
0x18e: {  	s14 =	simm.s32 $0xF;
	[tilespmem:$0x470] =	vst v23  }
0x18f: {  	_ =	swait.ge [sflag:s14], $0x80  }
0x190: {  	[sflag:s14] =	ssyncset.done $0x0  }
0x191: {  	s7 =	simm.s32 $0x4600;
	s10 =	simm.s32 $0x1;
	[sflag:s14] =	ssyncadd.s32 $0xFFFFFF80  }
0x192: {  	[tilespmem:s7], [sflag:$0x3] =	stream.indirect.gather [hbm4b:s3+s20], $0x40, s28, s20, $0xb8;
	[tilespmem:$0xC600] =	vst v63  }
0x193: {  	_ =	swait.ge [sflag:s10], $0x2000  }
0x194: {  	[sflag:s10] =	ssyncset.done $0x0  }
0x195: {  	s29 =	simm.s32 $0x300;
	[sflag:s10] =	ssyncadd.s32 $0xFFFFE000  }
0x196: {  	[hbm4b:s4+s20] =	stream.indirect.scatter [tilespmem:s6], [sflag:$0x7], $0x40, s29, s20, $0xb8;
	[tilespmem:$0xC600] =	vst v63  }
0x197: {  	_ =	swait.ge [sflag:s5], $0x2000  }
0x198: {  	[sflag:s5] =	ssyncset.done $0x0  }
0x199: {  	[sflag:s5] =	ssyncadd.s32 $0xFFFFE000  }
0x19a: {  	[tilespmem:$0x480] =	vst v24  }
0x19b: {  	[tilespmem:$0x490] =	vst v25  }
0x19c: {  	[tilespmem:$0x4A0] =	vst v26  }
0x19d: {  	[tilespmem:$0x4B0] =	vst v27  }
0x19e: {  	[tilespmem:$0x4C0] =	vst v28  }
0x19f: {  	[tilespmem:$0x4D0] =	vst v29  }
0x1a0: {  	[tilespmem:$0x4E0] =	vst v30  }
0x1a1: {  	s31 =	simm.s32 $0x10;
	[tilespmem:$0x4F0] =	vst v31  }
0x1a2: {  	_ =	swait.ge [sflag:s31], $0x80  }
0x1a3: {  	[sflag:s31] =	ssyncset.done $0x0  }
0x1a4: {  	s10 =	simm.s32 $0x2;
	[sflag:s31] =	ssyncadd.s32 $0xFFFFFF80  }
0x1a5: {  	[tilespmem:s22], [sflag:$0x4] =	stream.indirect.gather [hbm4b:s3+s20], $0x40, s11, s20, $0xb8;
	[tilespmem:$0xC600] =	vst v63  }
0x1a6: {  	_ =	swait.ge [sflag:s10], $0x2000  }
0x1a7: {  	[sflag:s10] =	ssyncset.done $0x0  }
0x1a8: {  	s11 =	simm.s32 $0x380;
	[sflag:s10] =	ssyncadd.s32 $0xFFFFE000  }
0x1a9: {  	[hbm4b:s4+s20] =	stream.indirect.scatter [tilespmem:s8], [sflag:$0x8], $0x40, s11, s20, $0xb8;
	[tilespmem:$0xC600] =	vst v63  }
0x1aa: {  	_ =	swait.ge [sflag:s12], $0x2000  }
0x1ab: {  	[sflag:s12] =	ssyncset.done $0x0  }
0x1ac: {  	[sflag:s12] =	ssyncadd.s32 $0xFFFFE000  }
0x1ad: {  	[tilespmem:$0x500] =	vst v32  }
0x1ae: {  	[tilespmem:$0x510] =	vst v33  }
0x1af: {  	[tilespmem:$0x520] =	vst v34  }
0x1b0: {  	[tilespmem:$0x530] =	vst v35  }
0x1b1: {  	[tilespmem:$0x540] =	vst v36  }
0x1b2: {  	[tilespmem:$0x550] =	vst v37  }
0x1b3: {  	[tilespmem:$0x560] =	vst v38  }
0x1b4: {  	s13 =	simm.s32 $0x11;
	[tilespmem:$0x570] =	vst v39  }
0x1b5: {  	_ =	swait.ge [sflag:s13], $0x80  }
0x1b6: {  	[sflag:s13] =	ssyncset.done $0x0  }
0x1b7: {  	s14 =	simm.s32 $0x3;
	[sflag:s13] =	ssyncadd.s32 $0xFFFFFF80  }
0x1b8: {  	[tilespmem:s23], [sflag:$0x5] =	stream.indirect.gather [hbm4b:s3+s20], $0x40, s15, s20, $0xb8;
	[tilespmem:$0xC600] =	vst v63  }
0x1b9: {  	_ =	swait.ge [sflag:s14], $0x2000  }
0x1ba: {  	[sflag:s14] =	ssyncset.done $0x0  }
0x1bb: {  	s15 =	simm.s32 $0x400;
	[sflag:s14] =	ssyncadd.s32 $0xFFFFE000  }
0x1bc: {  	[hbm4b:s4+s20] =	stream.indirect.scatter [tilespmem:s7], [sflag:$0x9], $0x40, s15, s20, $0xb8;
	[tilespmem:$0xC600] =	vst v63  }
0x1bd: {  	_ =	swait.ge [sflag:s21], $0x2000  }
0x1be: {  	[sflag:s21] =	ssyncset.done $0x0  }
0x1bf: {  	[sflag:s21] =	ssyncadd.s32 $0xFFFFE000  }
0x1c0: {  	[tilespmem:$0x580] =	vst v40  }
0x1c1: {  	[tilespmem:$0x590] =	vst v41  }
0x1c2: {  	[tilespmem:$0x5A0] =	vst v42  }
0x1c3: {  	[tilespmem:$0x5B0] =	vst v43  }
0x1c4: {  	[tilespmem:$0x5C0] =	vst v44  }
0x1c5: {  	[tilespmem:$0x5D0] =	vst v45  }
0x1c6: {  	[tilespmem:$0x5E0] =	vst v46  }
0x1c7: {  	s28 =	simm.s32 $0x12;
	[tilespmem:$0x5F0] =	vst v47  }
0x1c8: {  	_ =	swait.ge [sflag:s28], $0x80  }
0x1c9: {  	[sflag:s28] =	ssyncset.done $0x0  }
0x1ca: {  	[sflag:s28] =	ssyncadd.s32 $0xFFFFFF80  }
0x1cb: {  	[tilespmem:s24], [sflag:$0x6] =	stream.indirect.gather [hbm4b:s3+s20], $0x40, s1, s20, $0xb8;
	[tilespmem:$0xC600] =	vst v63  }
0x1cc: {  	_ =	swait.ge [sflag:s25], $0x2000  }
0x1cd: {  	[sflag:s25] =	ssyncset.done $0x0  }
0x1ce: {  	[sflag:s25] =	ssyncadd.s32 $0xFFFFE000  }
0x1cf: {  	[hbm4b:s4+s20] =	stream.indirect.scatter [tilespmem:s22], [sflag:$0xA], $0x40, s30, s20, $0xb8;
	[tilespmem:$0xC600] =	vst v63  }
0x1d0: {  	_ =	swait.ge [sflag:s19], $0x2000  }
0x1d1: {  	[sflag:s19] =	ssyncset.done $0x0  }
0x1d2: {  	[sflag:s19] =	ssyncadd.s32 $0xFFFFE000  }
0x1d3: {  	[hbm4b:s4+s20] =	stream.indirect.scatter [tilespmem:s23], [sflag:$0xB], $0x40, s16, s20, $0xb8;
	[tilespmem:$0xC600] =	vst v63  }
0x1d4: {  	_ =	swait.ge [sflag:s9], $0x2000  }
0x1d5: {  	[sflag:s9] =	ssyncset.done $0x0  }
0x1d6: {  	[sflag:s9] =	ssyncadd.s32 $0xFFFFE000  }
0x1d7: {  	[hbm4b:s4+s20] =	stream.indirect.scatter [tilespmem:s24], [sflag:$0xC], $0x40, s26, s20, $0xb8;
	[tilespmem:$0xC600] =	vst v63  }
0x1d8: {  	_ =	swait.ge [sflag:s18], $0x2000  }
0x1d9: {  	[sflag:s18] =	ssyncset.done $0x0  }
0x1da: {  	[sflag:s18] =	ssyncadd.s32 $0xFFFFE000  }
0x1db: {  	_ =	swait.ge [sflag:s0], $0x2000  }
0x1dc: {  	[sflag:s0] =	ssyncset.done $0x0  }
0x1dd: {  	[sflag:s0] =	ssyncadd.s32 $0xFFFFE000  }
0x1de: {  	_ =	swait.ge [sflag:s17], $0x2000  }
0x1df: {  	[sflag:s17] =	ssyncset.done $0x0  }
0x1e0: {  	[sflag:s17] =	ssyncadd.s32 $0xFFFFE000  }
0x1e1: {  	_ =	swait.ge [sflag:s5], $0x2000  }
0x1e2: {  	[sflag:s5] =	ssyncset.done $0x0  }
0x1e3: {  	[sflag:s5] =	ssyncadd.s32 $0xFFFFE000  }
0x1e4: {  	_ =	swait.ge [sflag:s12], $0x2000  }
0x1e5: {  	[sflag:s12] =	ssyncset.done $0x0  }
0x1e6: {  	[sflag:s12] =	ssyncadd.s32 $0xFFFFE000  }
0x1e7: {  	_ =	swait.ge [sflag:s21], $0x2000  }
0x1e8: {  	s29 =	rddreg [dreg:$0x17]  }
0x1e9: {  	s31 =	rddreg [dreg:$0x15];
	s1 =	sadd.s32 $0x1, s29  }
0x1ea: {  	p0 =	sne.s32 s1, s31  }
.Ltmp1:
0x1eb: {  	_ = 	snop;
	(pc) =	sbr.rel @p0 .LBB2_1-.Ltmp1, $3  }
0x1ec: {  	_ =	sdelay $0x1  }
0x1ed: {  	s13 =	simm.s32 $0x6600;
	[sflag:s21] =	ssyncset.done $0x0  }
0x1ee: {  	s14 =	simm.s32 $0x8600;
	s16 =	simm.s32 $0xA600;
	[sflag:s21] =	ssyncadd.s32 $0xFFFFE000  }
0x1ef: {  	_ =	sfence.sel $0x180000  }
0x1f0: {  	[bflag:$0x0] =	sbarrier.arrive $0xFFFF  }
0x1f1: {  	_ =	strace $0x90000047  }
0x1f2: {  	s0 =	stileid.u32;
	[bflag:$0x2] =	sbarrier.arrive $0xFFFF  }
0x1f3: {  	p0 =	sne.s32 s0, $0x0;
	s0 =	rddreg [dreg:$0x1]  }
0x1f4: {  	s0 =	sadd.s32 @!p0 $0x100000, s0  }
0x1f5: {  	[sflag:s0] =	ssyncadd.tile.s32 @!p0 $0x1;
	_ =	shalt  }
.Lfunc_end2:
_tile_overlayer_lowered:
.L_overlay_start_2:
0x1f6: {  	(tag) =	ssettag $0x2  }
0x1f7: {  	s0 =	rddreg [dreg:$0x0];
	s2 =	stileid.u32  }
0x1f8: {  	s1 =	rddreg [dreg:$0x1];
	p0 =	sne.s32 s2, $0x0  }
0x1f9: {  	s3 =	rddreg [dreg:$0x2];
	[bflag:$0x3] =	sbarrier.arrive $0xFFFF;
	s2 =	simm.s32 @!p0 $0x1C13  }
0x1fa: {  	[timem:s3], [sflag:s2] =	dma.local @!p0 [hbm:s0], s1  }
0x1fb: {  	s0 =	simm.s32 @!p0 $0x13  }
0x1fc: {  	_ =	swait.ge @!p0 [sflag:s0], s1  }
0x1fd: {  	s1 =	ssub.s32 @!p0 $0x0, s1;
	[sflag:s0] =	ssyncset.done @!p0 $0x0  }
0x1fe: {  	[sflag:s0] =	ssyncadd.s32 @!p0 s1  }
0x1ff: {  	[bflag:$0x3] =	sbarrier.arrive $0xFFFF  }
0x200: {  	_ =	shalt  }

</sc_bundles>
